<compile_context>
chip_gen: v7x
topology: tpu7x:2x2x1
jax: 0.10.2.dev20260603
libtpu: 0.0.44.dev20260713+nightly
codegen_flags: <defaults>
</compile_context>

<pallas_src>
import functools

import jax
import jax.numpy as jnp
import numpy as np
from jax import lax
from jax.experimental import pallas as pl
from jax.experimental.pallas import tpu as pltpu
from jax.experimental.pallas import tpu_sc as plsc

NC, NS, L = 2, 16, 16
NW = NC * NS
PH, PW = 7, 7
CELLS = PH * PW
IDXW = 104

HS = (256, 128, 64, 32)
BASES = (0, 65536, 81920, 86016)
ROWS = 87040
ODD_BASE = ROWS // 2 + 1

FRAC = tuple(float(np.float32(k) / np.float32(6.0)) for k in range(PH))


@functools.lru_cache(maxsize=None)
def _build_sc_call(n, n_pad, c):
    r_per_w = n_pad // NW
    g_per_w = r_per_w // L
    cj = c // L

    mesh = plsc.VectorSubcoreMesh(core_axis_name="c", subcore_axis_name="s",
                                  num_cores=NC, num_subcores=NS)

    def body(table, rois_t, pads, out, out_dummy, roi_v, pads_v, idx_buf,
             wy_buf, wx_buf, ab0, ab1, out_buf, sem0, sem1, osem):
        cid = lax.axis_index("c")
        sid = lax.axis_index("s")
        wid = sid * NC + cid
        base_roi = wid * r_per_w

        for i in range(4):
            pltpu.sync_copy(rois_t.at[pl.ds(i * n_pad + base_roi, r_per_w)],
                            roi_v.at[pl.ds(i * r_per_w, r_per_w)])
        pltpu.sync_copy(pads, pads_v)
        pads_vec = pads_v[...]
        area = pads_vec[0] * pads_vec[1]
        t3 = 224.0 * 224.0 * 0.125
        t4 = 224.0 * 224.0 * 0.5
        t5 = 224.0 * 224.0 * 2.0

        zero16 = jnp.zeros((L,), jnp.int32)
        for r in range(L):
            for off in (0, 16, 32, 48, 64, 80, 88):
                idx_buf[r, pl.ds(off, L)] = zero16

        lanes = lax.iota(jnp.int32, L)
        one = jnp.ones((L,), jnp.int32)
        sets = ((ab0, sem0), (ab1, sem1))

        def fire(rr, s):
            gbuf, sem = sets[s]
            pltpu.async_copy(table.at[idx_buf.at[rr]], gbuf, sem)

        def wait(s):
            gbuf, sem = sets[s]
            pltpu.make_async_copy(table.at[idx_buf.at[0]], gbuf, sem).wait()

        def wait_out():
            pltpu.make_async_copy(out_buf, out.at[0], osem).wait()

        def combine(rr, s, goff):
            gbuf, _ = sets[s]
            rs = jnp.full((L,), rr, jnp.int32)
            roi_g = base_roi + goff + rr

            @pl.when(goff + rr > 0)
            def _():
                wait_out()

            def cell_body(cc, carry3):
                pyv = cc // PW
                pxv = cc - pyv * PW
                wys = plsc.load_gather(
                    wy_buf, [jnp.full((L,), pyv, jnp.int32), rs])
                wxs = plsc.load_gather(
                    wx_buf, [jnp.full((L,), pxv, jnp.int32), rs])
                wd = wys * wxs
                wc = wys - wd
                wb = wxs - wd
                wa = (1.0 - wxs) - wc
                for j in range(cj):
                    sl = pl.ds(j * L, L)
                    sr = pl.ds(c + j * L, L)
                    av = gbuf[cc, sl]
                    bv = gbuf[cc, sr]
                    cv = gbuf[CELLS + cc, sl]
                    dv = gbuf[CELLS + cc, sr]
                    out_buf[cc, sl] = (av * wa + bv * wb + cv * wc + dv * wd)
                return carry3

            lax.fori_loop(0, CELLS, cell_body, 0)

            @pl.when(roi_g < n)
            def _():
                pltpu.async_copy(out_buf, out.at[roi_g], osem)

            @pl.when(roi_g >= n)
            def _():
                pltpu.async_copy(out_buf, out_dummy, osem)

        def group_body(g, carry):
            goff = g * L
            y1v = roi_v[pl.ds(goff, L)]
            x1v = roi_v[pl.ds(r_per_w + goff, L)]
            y2v = roi_v[pl.ds(2 * r_per_w + goff, L)]
            x2v = roi_v[pl.ds(3 * r_per_w + goff, L)]
            hv = y2v - y1v
            wv = x2v - x1v
            sv = hv * wv * area
            li = (jnp.where(sv >= t3, one, 0) + jnp.where(sv >= t4, one, 0)
                  + jnp.where(sv >= t5, one, 0))
            hm1f = jnp.where(li == 0, float(HS[0] - 1),
                             jnp.where(li == 1, float(HS[1] - 1),
                                       jnp.where(li == 2, float(HS[2] - 1),
                                                 float(HS[3] - 1))))
            hm1i = jnp.where(li == 0, HS[0] - 1,
                             jnp.where(li == 1, HS[1] - 1,
                                       jnp.where(li == 2, HS[2] - 1,
                                                 HS[3] - 1)))
            wint = hm1i + 1
            basev = jnp.where(li == 0, BASES[0],
                              jnp.where(li == 1, BASES[1],
                                        jnp.where(li == 2, BASES[2],
                                                  BASES[3])))
            hh = hv * hm1f
            ww = wv * hm1f
            y1s = y1v * hm1f
            x1s = x1v * hm1f

            ya = []
            yb = []
            x0 = []
            for k in range(PH):
                ys = y1s + FRAC[k] * hh
                y0i = ys.astype(jnp.int32)
                wy_buf[k] = ys - y0i.astype(jnp.float32)
                y1i = jnp.minimum(y0i + 1, hm1i)
                ya.append(basev + y0i * wint)
                yb.append(basev + y1i * wint)
                xs = x1s + FRAC[k] * ww
                x0i = xs.astype(jnp.int32)
                wx_buf[k] = xs - x0i.astype(jnp.float32)
                x0.append(x0i)

            for py in range(PH):
                for px in range(PW):
                    cc = py * PW + px
                    p_ab = ya[py] + x0[px]
                    p_cd = yb[py] + x0[px]
                    i_ab = (jnp.right_shift(p_ab, 1)
                            + jnp.bitwise_and(p_ab, one) * ODD_BASE)
                    i_cd = (jnp.right_shift(p_cd, 1)
                            + jnp.bitwise_and(p_cd, one) * ODD_BASE)
                    plsc.store_scatter(
                        idx_buf, [lanes, jnp.full((L,), cc, jnp.int32)], i_ab)
                    plsc.store_scatter(
                        idx_buf,
                        [lanes, jnp.full((L,), CELLS + cc, jnp.int32)], i_cd)

            fire(0, 0)

            def roi_pair(rh, carry2):
                r0 = rh * 2
                wait(0)
                fire(r0 + 1, 1)
                combine(r0, 0, goff)
                wait(1)

                @pl.when(r0 < L - 2)
                def _():
                    fire(r0 + 2, 0)

                combine(r0 + 1, 1, goff)
                return carry2

            lax.fori_loop(0, L // 2, roi_pair, 0)
            return carry

        lax.fori_loop(0, g_per_w, group_body, 0)
        wait_out()

    return pl.kernel(
        body,
        out_type=(jax.ShapeDtypeStruct((n, CELLS, c), jnp.float32),
                  jax.ShapeDtypeStruct((CELLS, c), jnp.float32)),
        mesh=mesh,
        scratch_types=[
            pltpu.VMEM((4 * r_per_w,), jnp.float32),
            pltpu.VMEM((L,), jnp.float32),
            pltpu.VMEM((L, IDXW), jnp.int32),
            pltpu.VMEM((PH, L), jnp.float32),
            pltpu.VMEM((PW, L), jnp.float32),
            pltpu.VMEM((IDXW, 2 * c), jnp.float32),
            pltpu.VMEM((IDXW, 2 * c), jnp.float32),
            pltpu.VMEM((CELLS, c), jnp.float32),
            pltpu.SemaphoreType.DMA,
            pltpu.SemaphoreType.DMA,
            pltpu.SemaphoreType.DMA,
        ],
        compiler_params=pltpu.CompilerParams(needs_layout_passes=False),
    )


def kernel(rois, feat_p2, feat_p3, feat_p4, feat_p5, img_metas):
    n = rois.shape[0]
    c = feat_p2.shape[-1]
    n_pad = ((n + NW * L - 1) // (NW * L)) * (NW * L)

    flat = jnp.concatenate(
        [f.reshape(-1, c) for f in (feat_p2, feat_p3, feat_p4, feat_p5)]
        + [jnp.zeros((2, c), feat_p2.dtype)], axis=0)
    table = jnp.concatenate(
        [flat.reshape(-1, 2 * c), flat[1:-1].reshape(-1, 2 * c)], axis=0)
    rois_t = jnp.zeros((4, n_pad), jnp.float32).at[:, :n].set(
        rois.astype(jnp.float32).T).reshape(-1)
    pads = jnp.zeros((L,), jnp.float32).at[0].set(
        img_metas[0, 7]).at[1].set(img_metas[0, 8])

    out, _ = _build_sc_call(n, n_pad, c)(table, rois_t, pads)
    return out.reshape(n, PH, PW, c)

# --- scband reference (transcript-rebuilt; emitter-appended) ---
"""Pipeline reference for scband-pyramid-roialign-1202590842975 (READ-ONLY COPY).

The authoritative reference and input builder live on the scoring server;
editing this copy changes nothing except your own understanding.
"""

import jax, jax.numpy as jnp
import numpy as np

POOL = (7, 7)

def crop_and_resize(image, boxes, crop_size):
    # image: [1, H, W, C]; boxes: [N, 4] normalized (y1, x1, y2, x2)
    # Mirrors tf.image.crop_and_resize with bilinear sampling (batch size 1).
    H = image.shape[1]
    W = image.shape[2]
    ph, pw = crop_size
    y1 = boxes[:, 0]; x1 = boxes[:, 1]; y2 = boxes[:, 2]; x2 = boxes[:, 3]
    fy = jnp.arange(ph, dtype=jnp.float32) / float(ph - 1)
    fx = jnp.arange(pw, dtype=jnp.float32) / float(pw - 1)
    ys = y1[:, None] * (H - 1) + fy[None, :] * ((y2 - y1) * (H - 1))[:, None]  # [N, ph]
    xs = x1[:, None] * (W - 1) + fx[None, :] * ((x2 - x1) * (W - 1))[:, None]  # [N, pw]
    y0f = jnp.floor(ys); x0f = jnp.floor(xs)
    y0 = jnp.clip(y0f.astype(jnp.int32), 0, H - 1)
    y1i = jnp.clip(y0 + 1, 0, H - 1)
    x0 = jnp.clip(x0f.astype(jnp.int32), 0, W - 1)
    x1i = jnp.clip(x0 + 1, 0, W - 1)
    wy = (ys - y0f)[:, :, None, None]
    wx = (xs - x0f)[:, None, :, None]
    img = image[0]
    Ia = img[y0[:, :, None], x0[:, None, :], :]
    Ib = img[y0[:, :, None], x1i[:, None, :], :]
    Ic = img[y1i[:, :, None], x0[:, None, :], :]
    Id = img[y1i[:, :, None], x1i[:, None, :], :]
    top = Ia * (1.0 - wx) + Ib * wx
    bot = Ic * (1.0 - wx) + Id * wx
    return top * (1.0 - wy) + bot * wy

def setup_inputs(seed: int = 0):
    key = jax.random.key(seed)
    k1, k2, k3, k4, k5, k6 = jax.random.split(key, 6)
    N = 5000
    C = 256
    tl = jax.random.uniform(k1, (N, 2), minval=0.0, maxval=0.7)
    sz = jax.random.uniform(k2, (N, 2), minval=0.02, maxval=0.3)
    br = jnp.minimum(tl + sz, 1.0)
    rois = jnp.concatenate([tl[:, 0:1], tl[:, 1:2], br[:, 0:1], br[:, 1:2]], axis=1)
    feat_p2 = jax.random.normal(k3, (1, 256, 256, C), dtype=jnp.float32)
    feat_p3 = jax.random.normal(k4, (1, 128, 128, C), dtype=jnp.float32)
    feat_p4 = jax.random.normal(k5, (1, 64, 64, C), dtype=jnp.float32)
    feat_p5 = jax.random.normal(k6, (1, 32, 32, C), dtype=jnp.float32)
    img_metas = jnp.zeros((1, 11), dtype=jnp.float32).at[:, 7].set(1024.0).at[:, 8].set(1024.0)
    return {"rois": rois, "feat_p2": feat_p2, "feat_p3": feat_p3,
            "feat_p4": feat_p4, "feat_p5": feat_p5, "img_metas": img_metas}

def reference(rois, feat_p2, feat_p3, feat_p4, feat_p5, img_metas):
    # calc_pad_shapes: pad (h, w) stored at img_metas[:, 7:9]
    pad_h = img_metas[:, 7]
    pad_w = img_metas[:, 8]
    pad_area = pad_h[0] * pad_w[0]  # batch size 1
    r = jax.lax.stop_gradient(rois)  # level_rois passed through tf.stop_gradient
    y1 = r[:, 0]; x1 = r[:, 1]; y2 = r[:, 2]; x2 = r[:, 3]
    h = y2 - y1
    w = x2 - x1
    roi_level = jnp.log(jnp.sqrt(h * w) / (224.0 / jnp.sqrt(pad_area))) / jnp.log(2.0)
    roi_level = jnp.minimum(5, jnp.maximum(2, 4 + jnp.round(roi_level).astype(jnp.int32)))
    feats = [feat_p2, feat_p3, feat_p4, feat_p5]
    N = r.shape[0]
    C = feat_p2.shape[-1]
    out = jnp.zeros((N, POOL[0], POOL[1], C), dtype=feat_p2.dtype)
    # Static-shape equivalent of per-level gather_nd + crop_and_resize + re-sort:
    # each ROI takes its pooled value from its assigned level, in original ROI order.
    for i, level in enumerate(range(2, 6)):
        mask = (roi_level == level).astype(feats[i].dtype)[:, None, None, None]
        out = out + mask * crop_and_resize(feats[i], r, POOL)
    return out

if __name__ == "__main__":
    import jax
    _d = setup_inputs()
    print(jax.jit(kernel)(*tuple(_d.values())))

</pallas_src>

<mosaic_0001>
#map = affine_map<(d0, d1) -> (0, 0)>
#map1 = affine_map<(d0, d1) -> (0)>
#map2 = affine_map<(d0, d1) -> (0, 0, 0)>
module attributes {stable_mosaic.version = 14 : i64} {
  func.func @body(%arg0: i32, %arg1: i32, %arg2: memref<87041x512xf32, #tpu.memory_space<hbm>>, %arg3: memref<20480xf32, #tpu.memory_space<hbm>>, %arg4: memref<16xf32, #tpu.memory_space<hbm>>, %arg5: memref<5000x49x256xf32, #tpu.memory_space<hbm>>, %arg6: memref<49x256xf32, #tpu.memory_space<hbm>>, %arg7: memref<640xf32, #tpu.memory_space<vmem>>, %arg8: memref<16xf32, #tpu.memory_space<vmem>>, %arg9: memref<16x104xi32, #tpu.memory_space<vmem>>, %arg10: memref<7x16xf32, #tpu.memory_space<vmem>>, %arg11: memref<7x16xf32, #tpu.memory_space<vmem>>, %arg12: memref<104x512xf32, #tpu.memory_space<vmem>>, %arg13: memref<104x512xf32, #tpu.memory_space<vmem>>, %arg14: memref<49x256xf32, #tpu.memory_space<vmem>>, %arg15: memref<!tpu.dma_semaphore, #tpu.memory_space<semaphore_mem>>, %arg16: memref<!tpu.dma_semaphore, #tpu.memory_space<semaphore_mem>>, %arg17: memref<!tpu.dma_semaphore, #tpu.memory_space<semaphore_mem>>) attributes {dimension_semantics = [#tpu.dimension_semantics<core_parallel>, #tpu.dimension_semantics<subcore_parallel>], iteration_bounds = array<i64: 2, 16>, scalar_prefetch = 0 : i64, scratch_operands = 11 : i64, tpu.core_type = #tpu.core_type<sc_vector_subcore>, window_params = [{transform_indices = #map}, {transform_indices = #map1}, {transform_indices = #map1}, {transform_indices = #map2}, {transform_indices = #map}]} {
    %mul3A = arith.constant 2 : i32
    %mul3A_0 = arith.muli %arg1, %mul3A : i32
    %add3A = arith.addi %mul3A_0, %arg0 : i32
    %mul3A_1 = arith.constant 160 : i32
    %mul3A_2 = arith.muli %add3A, %mul3A_1 : i32
    %add3A_3 = arith.constant 0 : i32
    %add3A_4 = arith.addi %add3A_3, %mul3A_2 : i32
    "tpu.region"() ({
      %run_scoped3A = tpu.sem_alloc : memref<!tpu.dma_semaphore, #tpu.memory_space<semaphore_mem>>
      %dma_start3A = arith.constant 0 : i32
      %dma_start3A_478 = tpu.memref_slice %arg7[%dma_start3A] : memref<640xf32, #tpu.memory_space<vmem>> -> memref<160xf32, #tpu.memory_space<vmem>>
      %dma_start3A_479 = tpu.memref_slice %arg3[%add3A_4] : memref<20480xf32, #tpu.memory_space<hbm>> -> memref<160xf32, #tpu.memory_space<hbm>>
      %dma_start3A_480 = arith.constant 0 : i32
      %dma_start3A_481 = tpu.memref_slice %arg7[%dma_start3A_480] : memref<640xf32, #tpu.memory_space<vmem>> -> memref<160xf32, #tpu.memory_space<vmem>>
      %dma_start3A_482 = tpu.memref_slice %arg3[%add3A_4] : memref<20480xf32, #tpu.memory_space<hbm>> -> memref<160xf32, #tpu.memory_space<hbm>>
      tpu.enqueue_dma source(%dma_start3A_482 : memref<160xf32, #tpu.memory_space<hbm>>) target(%dma_start3A_481 : memref<160xf32, #tpu.memory_space<vmem>>) target_semaphore(%run_scoped3A : memref<!tpu.dma_semaphore, #tpu.memory_space<semaphore_mem>>)
      %dma_wait3A_483 = arith.constant 0 : i32
      %dma_wait3A_484 = tpu.memref_slice %arg7[%dma_wait3A_483] : memref<640xf32, #tpu.memory_space<vmem>> -> memref<160xf32, #tpu.memory_space<vmem>>
      %dma_wait3A_485 = tpu.memref_slice %arg3[%add3A_4] : memref<20480xf32, #tpu.memory_space<hbm>> -> memref<160xf32, #tpu.memory_space<hbm>>
      %dma_wait3A_486 = arith.constant 0 : i32
      %dma_wait3A_487 = tpu.memref_slice %arg7[%dma_wait3A_486] : memref<640xf32, #tpu.memory_space<vmem>> -> memref<160xf32, #tpu.memory_space<vmem>>
      %dma_wait3A_488 = tpu.memref_slice %arg3[%add3A_4] : memref<20480xf32, #tpu.memory_space<hbm>> -> memref<160xf32, #tpu.memory_space<hbm>>
      tpu.wait_dma2 semaphore(%run_scoped3A : memref<!tpu.dma_semaphore, #tpu.memory_space<semaphore_mem>>) src(%dma_wait3A_488 : memref<160xf32, #tpu.memory_space<hbm>>) dst(%dma_wait3A_487 : memref<160xf32, #tpu.memory_space<vmem>>)
      tpu.yield
    }) : () -> ()
    %add3A_5 = arith.constant 5120 : i32
    %add3A_6 = arith.addi %add3A_5, %mul3A_2 : i32
    "tpu.region"() ({
      %run_scoped3A = tpu.sem_alloc : memref<!tpu.dma_semaphore, #tpu.memory_space<semaphore_mem>>
      %dma_start3A = arith.constant 160 : i32
      %dma_start3A_478 = tpu.memref_slice %arg7[%dma_start3A] : memref<640xf32, #tpu.memory_space<vmem>> -> memref<160xf32, #tpu.memory_space<vmem>>
      %dma_start3A_479 = tpu.memref_slice %arg3[%add3A_6] : memref<20480xf32, #tpu.memory_space<hbm>> -> memref<160xf32, #tpu.memory_space<hbm>>
      %dma_start3A_480 = arith.constant 160 : i32
      %dma_start3A_481 = tpu.memref_slice %arg7[%dma_start3A_480] : memref<640xf32, #tpu.memory_space<vmem>> -> memref<160xf32, #tpu.memory_space<vmem>>
      %dma_start3A_482 = tpu.memref_slice %arg3[%add3A_6] : memref<20480xf32, #tpu.memory_space<hbm>> -> memref<160xf32, #tpu.memory_space<hbm>>
      tpu.enqueue_dma source(%dma_start3A_482 : memref<160xf32, #tpu.memory_space<hbm>>) target(%dma_start3A_481 : memref<160xf32, #tpu.memory_space<vmem>>) target_semaphore(%run_scoped3A : memref<!tpu.dma_semaphore, #tpu.memory_space<semaphore_mem>>)
      %dma_wait3A_483 = arith.constant 160 : i32
      %dma_wait3A_484 = tpu.memref_slice %arg7[%dma_wait3A_483] : memref<640xf32, #tpu.memory_space<vmem>> -> memref<160xf32, #tpu.memory_space<vmem>>
      %dma_wait3A_485 = tpu.memref_slice %arg3[%add3A_6] : memref<20480xf32, #tpu.memory_space<hbm>> -> memref<160xf32, #tpu.memory_space<hbm>>
      %dma_wait3A_486 = arith.constant 160 : i32
      %dma_wait3A_487 = tpu.memref_slice %arg7[%dma_wait3A_486] : memref<640xf32, #tpu.memory_space<vmem>> -> memref<160xf32, #tpu.memory_space<vmem>>
      %dma_wait3A_488 = tpu.memref_slice %arg3[%add3A_6] : memref<20480xf32, #tpu.memory_space<hbm>> -> memref<160xf32, #tpu.memory_space<hbm>>
      tpu.wait_dma2 semaphore(%run_scoped3A : memref<!tpu.dma_semaphore, #tpu.memory_space<semaphore_mem>>) src(%dma_wait3A_488 : memref<160xf32, #tpu.memory_space<hbm>>) dst(%dma_wait3A_487 : memref<160xf32, #tpu.memory_space<vmem>>)
      tpu.yield
    }) : () -> ()
    %add3A_7 = arith.constant 10240 : i32
    %add3A_8 = arith.addi %add3A_7, %mul3A_2 : i32
    "tpu.region"() ({
      %run_scoped3A = tpu.sem_alloc : memref<!tpu.dma_semaphore, #tpu.memory_space<semaphore_mem>>
      %dma_start3A = arith.constant 320 : i32
      %dma_start3A_478 = tpu.memref_slice %arg7[%dma_start3A] : memref<640xf32, #tpu.memory_space<vmem>> -> memref<160xf32, #tpu.memory_space<vmem>>
      %dma_start3A_479 = tpu.memref_slice %arg3[%add3A_8] : memref<20480xf32, #tpu.memory_space<hbm>> -> memref<160xf32, #tpu.memory_space<hbm>>
      %dma_start3A_480 = arith.constant 320 : i32
      %dma_start3A_481 = tpu.memref_slice %arg7[%dma_start3A_480] : memref<640xf32, #tpu.memory_space<vmem>> -> memref<160xf32, #tpu.memory_space<vmem>>
      %dma_start3A_482 = tpu.memref_slice %arg3[%add3A_8] : memref<20480xf32, #tpu.memory_space<hbm>> -> memref<160xf32, #tpu.memory_space<hbm>>
      tpu.enqueue_dma source(%dma_start3A_482 : memref<160xf32, #tpu.memory_space<hbm>>) target(%dma_start3A_481 : memref<160xf32, #tpu.memory_space<vmem>>) target_semaphore(%run_scoped3A : memref<!tpu.dma_semaphore, #tpu.memory_space<semaphore_mem>>)
      %dma_wait3A_483 = arith.constant 320 : i32
      %dma_wait3A_484 = tpu.memref_slice %arg7[%dma_wait3A_483] : memref<640xf32, #tpu.memory_space<vmem>> -> memref<160xf32, #tpu.memory_space<vmem>>
      %dma_wait3A_485 = tpu.memref_slice %arg3[%add3A_8] : memref<20480xf32, #tpu.memory_space<hbm>> -> memref<160xf32, #tpu.memory_space<hbm>>
      %dma_wait3A_486 = arith.constant 320 : i32
      %dma_wait3A_487 = tpu.memref_slice %arg7[%dma_wait3A_486] : memref<640xf32, #tpu.memory_space<vmem>> -> memref<160xf32, #tpu.memory_space<vmem>>
      %dma_wait3A_488 = tpu.memref_slice %arg3[%add3A_8] : memref<20480xf32, #tpu.memory_space<hbm>> -> memref<160xf32, #tpu.memory_space<hbm>>
      tpu.wait_dma2 semaphore(%run_scoped3A : memref<!tpu.dma_semaphore, #tpu.memory_space<semaphore_mem>>) src(%dma_wait3A_488 : memref<160xf32, #tpu.memory_space<hbm>>) dst(%dma_wait3A_487 : memref<160xf32, #tpu.memory_space<vmem>>)
      tpu.yield
    }) : () -> ()
    %add3A_9 = arith.constant 15360 : i32
    %add3A_10 = arith.addi %add3A_9, %mul3A_2 : i32
    "tpu.region"() ({
      %run_scoped3A = tpu.sem_alloc : memref<!tpu.dma_semaphore, #tpu.memory_space<semaphore_mem>>
      %dma_start3A = arith.constant 480 : i32
      %dma_start3A_478 = tpu.memref_slice %arg7[%dma_start3A] : memref<640xf32, #tpu.memory_space<vmem>> -> memref<160xf32, #tpu.memory_space<vmem>>
      %dma_start3A_479 = tpu.memref_slice %arg3[%add3A_10] : memref<20480xf32, #tpu.memory_space<hbm>> -> memref<160xf32, #tpu.memory_space<hbm>>
      %dma_start3A_480 = arith.constant 480 : i32
      %dma_start3A_481 = tpu.memref_slice %arg7[%dma_start3A_480] : memref<640xf32, #tpu.memory_space<vmem>> -> memref<160xf32, #tpu.memory_space<vmem>>
      %dma_start3A_482 = tpu.memref_slice %arg3[%add3A_10] : memref<20480xf32, #tpu.memory_space<hbm>> -> memref<160xf32, #tpu.memory_space<hbm>>
      tpu.enqueue_dma source(%dma_start3A_482 : memref<160xf32, #tpu.memory_space<hbm>>) target(%dma_start3A_481 : memref<160xf32, #tpu.memory_space<vmem>>) target_semaphore(%run_scoped3A : memref<!tpu.dma_semaphore, #tpu.memory_space<semaphore_mem>>)
      %dma_wait3A_483 = arith.constant 480 : i32
      %dma_wait3A_484 = tpu.memref_slice %arg7[%dma_wait3A_483] : memref<640xf32, #tpu.memory_space<vmem>> -> memref<160xf32, #tpu.memory_space<vmem>>
      %dma_wait3A_485 = tpu.memref_slice %arg3[%add3A_10] : memref<20480xf32, #tpu.memory_space<hbm>> -> memref<160xf32, #tpu.memory_space<hbm>>
      %dma_wait3A_486 = arith.constant 480 : i32
      %dma_wait3A_487 = tpu.memref_slice %arg7[%dma_wait3A_486] : memref<640xf32, #tpu.memory_space<vmem>> -> memref<160xf32, #tpu.memory_space<vmem>>
      %dma_wait3A_488 = tpu.memref_slice %arg3[%add3A_10] : memref<20480xf32, #tpu.memory_space<hbm>> -> memref<160xf32, #tpu.memory_space<hbm>>
      tpu.wait_dma2 semaphore(%run_scoped3A : memref<!tpu.dma_semaphore, #tpu.memory_space<semaphore_mem>>) src(%dma_wait3A_488 : memref<160xf32, #tpu.memory_space<hbm>>) dst(%dma_wait3A_487 : memref<160xf32, #tpu.memory_space<vmem>>)
      tpu.yield
    }) : () -> ()
    "tpu.region"() ({
      %run_scoped3A = tpu.sem_alloc : memref<!tpu.dma_semaphore, #tpu.memory_space<semaphore_mem>>
      tpu.enqueue_dma source(%arg4 : memref<16xf32, #tpu.memory_space<hbm>>) target(%arg8 : memref<16xf32, #tpu.memory_space<vmem>>) target_semaphore(%run_scoped3A : memref<!tpu.dma_semaphore, #tpu.memory_space<semaphore_mem>>)
      tpu.wait_dma2 semaphore(%run_scoped3A : memref<!tpu.dma_semaphore, #tpu.memory_space<semaphore_mem>>) src(%arg4 : memref<16xf32, #tpu.memory_space<hbm>>) dst(%arg8 : memref<16xf32, #tpu.memory_space<vmem>>)
      tpu.yield
    }) : () -> ()
    %get3A = arith.constant 0 : index
    %get3A_11 = tpu.vector_load %arg8[%get3A] {strides = array<i32>} : memref<16xf32, #tpu.memory_space<vmem>>, vector<16xf32>,
    %slice3A = vector.extract_strided_slice %get3A_11 {offsets = [0], sizes = [1], strides = [1]} : vector<16xf32> to vector<1xf32>
    %squeeze3A = vector.extract %slice3A[0] : f32 from vector<1xf32>
    %slice3A_12 = vector.extract_strided_slice %get3A_11 {offsets = [1], sizes = [1], strides = [1]} : vector<16xf32> to vector<1xf32>
    %squeeze3A_13 = vector.extract %slice3A_12[0] : f32 from vector<1xf32>
    %mul3A_14 = arith.mulf %squeeze3A, %squeeze3A_13 : f32
    %broadcast_in_dim3A = arith.constant 0 : i32
    %broadcast_in_dim3A_15 = vector.broadcast %broadcast_in_dim3A : i32 to vector<16xi32>
    %swap3A = arith.constant 0 : i32
    %swap3A_16 = arith.index_cast %swap3A : i32 to index
    %swap3A_17 = arith.constant 0 : index
    %swap3A_18 = tpu.vector_load %arg9[%swap3A_16, %swap3A_17] {strides = array<i32>} : memref<16x104xi32, #tpu.memory_space<vmem>>, vector<16xi32>,
    tpu.vector_store %arg9[%swap3A_16, %swap3A_17], %broadcast_in_dim3A_15 {strides = array<i32>} : memref<16x104xi32, #tpu.memory_space<vmem>>, vector<16xi32>,
    %swap3A_19 = arith.constant 0 : i32
    %swap3A_20 = arith.index_cast %swap3A_19 : i32 to index
    %swap3A_21 = arith.constant 16 : index
    %swap3A_22 = tpu.vector_load %arg9[%swap3A_20, %swap3A_21] {strides = array<i32>} : memref<16x104xi32, #tpu.memory_space<vmem>>, vector<16xi32>,
    tpu.vector_store %arg9[%swap3A_20, %swap3A_21], %broadcast_in_dim3A_15 {strides = array<i32>} : memref<16x104xi32, #tpu.memory_space<vmem>>, vector<16xi32>,
    %swap3A_23 = arith.constant 0 : i32
    %swap3A_24 = arith.index_cast %swap3A_23 : i32 to index
    %swap3A_25 = arith.constant 32 : index
    %swap3A_26 = tpu.vector_load %arg9[%swap3A_24, %swap3A_25] {strides = array<i32>} : memref<16x104xi32, #tpu.memory_space<vmem>>, vector<16xi32>,
    tpu.vector_store %arg9[%swap3A_24, %swap3A_25], %broadcast_in_dim3A_15 {strides = array<i32>} : memref<16x104xi32, #tpu.memory_space<vmem>>, vector<16xi32>,
    %swap3A_27 = arith.constant 0 : i32
    %swap3A_28 = arith.index_cast %swap3A_27 : i32 to index
    %swap3A_29 = arith.constant 48 : index
    %swap3A_30 = tpu.vector_load %arg9[%swap3A_28, %swap3A_29] {strides = array<i32>} : memref<16x104xi32, #tpu.memory_space<vmem>>, vector<16xi32>,
    tpu.vector_store %arg9[%swap3A_28, %swap3A_29], %broadcast_in_dim3A_15 {strides = array<i32>} : memref<16x104xi32, #tpu.memory_space<vmem>>, vector<16xi32>,
    %swap3A_31 = arith.constant 0 : i32
    %swap3A_32 = arith.index_cast %swap3A_31 : i32 to index
    %swap3A_33 = arith.constant 64 : index
    %swap3A_34 = tpu.vector_load %arg9[%swap3A_32, %swap3A_33] {strides = array<i32>} : memref<16x104xi32, #tpu.memory_space<vmem>>, vector<16xi32>,
    tpu.vector_store %arg9[%swap3A_32, %swap3A_33], %broadcast_in_dim3A_15 {strides = array<i32>} : memref<16x104xi32, #tpu.memory_space<vmem>>, vector<16xi32>,
    %swap3A_35 = arith.constant 0 : i32
    %swap3A_36 = arith.index_cast %swap3A_35 : i32 to index
    %swap3A_37 = arith.constant 80 : index
    %swap3A_38 = tpu.vector_load %arg9[%swap3A_36, %swap3A_37] {strides = array<i32>} : memref<16x104xi32, #tpu.memory_space<vmem>>, vector<16xi32>,
    tpu.vector_store %arg9[%swap3A_36, %swap3A_37], %broadcast_in_dim3A_15 {strides = array<i32>} : memref<16x104xi32, #tpu.memory_space<vmem>>, vector<16xi32>,
    %swap3A_39 = arith.constant 0 : i32
    %swap3A_40 = arith.index_cast %swap3A_39 : i32 to index
    %swap3A_41 = arith.constant 88 : index
    %swap3A_42 = tpu.vector_load %arg9[%swap3A_40, %swap3A_41] {strides = array<i32>} : memref<16x104xi32, #tpu.memory_space<vmem>>, vector<16xi32>,
    tpu.vector_store %arg9[%swap3A_40, %swap3A_41], %broadcast_in_dim3A_15 {strides = array<i32>} : memref<16x104xi32, #tpu.memory_space<vmem>>, vector<16xi32>,
    %swap3A_43 = arith.constant 1 : i32
    %swap3A_44 = arith.index_cast %swap3A_43 : i32 to index
    %swap3A_45 = arith.constant 0 : index
    %swap3A_46 = tpu.vector_load %arg9[%swap3A_44, %swap3A_45] {strides = array<i32>} : memref<16x104xi32, #tpu.memory_space<vmem>>, vector<16xi32>,
    tpu.vector_store %arg9[%swap3A_44, %swap3A_45], %broadcast_in_dim3A_15 {strides = array<i32>} : memref<16x104xi32, #tpu.memory_space<vmem>>, vector<16xi32>,
    %swap3A_47 = arith.constant 1 : i32
    %swap3A_48 = arith.index_cast %swap3A_47 : i32 to index
    %swap3A_49 = arith.constant 16 : index
    %swap3A_50 = tpu.vector_load %arg9[%swap3A_48, %swap3A_49] {strides = array<i32>} : memref<16x104xi32, #tpu.memory_space<vmem>>, vector<16xi32>,
    tpu.vector_store %arg9[%swap3A_48, %swap3A_49], %broadcast_in_dim3A_15 {strides = array<i32>} : memref<16x104xi32, #tpu.memory_space<vmem>>, vector<16xi32>,
    %swap3A_51 = arith.constant 1 : i32
    %swap3A_52 = arith.index_cast %swap3A_51 : i32 to index
    %swap3A_53 = arith.constant 32 : index
    %swap3A_54 = tpu.vector_load %arg9[%swap3A_52, %swap3A_53] {strides = array<i32>} : memref<16x104xi32, #tpu.memory_space<vmem>>, vector<16xi32>,
    tpu.vector_store %arg9[%swap3A_52, %swap3A_53], %broadcast_in_dim3A_15 {strides = array<i32>} : memref<16x104xi32, #tpu.memory_space<vmem>>, vector<16xi32>,
    %swap3A_55 = arith.constant 1 : i32
    %swap3A_56 = arith.index_cast %swap3A_55 : i32 to index
    %swap3A_57 = arith.constant 48 : index
    %swap3A_58 = tpu.vector_load %arg9[%swap3A_56, %swap3A_57] {strides = array<i32>} : memref<16x104xi32, #tpu.memory_space<vmem>>, vector<16xi32>,
    tpu.vector_store %arg9[%swap3A_56, %swap3A_57], %broadcast_in_dim3A_15 {strides = array<i32>} : memref<16x104xi32, #tpu.memory_space<vmem>>, vector<16xi32>,
    %swap3A_59 = arith.constant 1 : i32
    %swap3A_60 = arith.index_cast %swap3A_59 : i32 to index
    %swap3A_61 = arith.constant 64 : index
    %swap3A_62 = tpu.vector_load %arg9[%swap3A_60, %swap3A_61] {strides = array<i32>} : memref<16x104xi32, #tpu.memory_space<vmem>>, vector<16xi32>,
    tpu.vector_store %arg9[%swap3A_60, %swap3A_61], %broadcast_in_dim3A_15 {strides = array<i32>} : memref<16x104xi32, #tpu.memory_space<vmem>>, vector<16xi32>,
    %swap3A_63 = arith.constant 1 : i32
    %swap3A_64 = arith.index_cast %swap3A_63 : i32 to index
    %swap3A_65 = arith.constant 80 : index
    %swap3A_66 = tpu.vector_load %arg9[%swap3A_64, %swap3A_65] {strides = array<i32>} : memref<16x104xi32, #tpu.memory_space<vmem>>, vector<16xi32>,
    tpu.vector_store %arg9[%swap3A_64, %swap3A_65], %broadcast_in_dim3A_15 {strides = array<i32>} : memref<16x104xi32, #tpu.memory_space<vmem>>, vector<16xi32>,
    %swap3A_67 = arith.constant 1 : i32
    %swap3A_68 = arith.index_cast %swap3A_67 : i32 to index
    %swap3A_69 = arith.constant 88 : index
    %swap3A_70 = tpu.vector_load %arg9[%swap3A_68, %swap3A_69] {strides = array<i32>} : memref<16x104xi32, #tpu.memory_space<vmem>>, vector<16xi32>,
    tpu.vector_store %arg9[%swap3A_68, %swap3A_69], %broadcast_in_dim3A_15 {strides = array<i32>} : memref<16x104xi32, #tpu.memory_space<vmem>>, vector<16xi32>,
    %swap3A_71 = arith.constant 2 : i32
    %swap3A_72 = arith.index_cast %swap3A_71 : i32 to index
    %swap3A_73 = arith.constant 0 : index
    %swap3A_74 = tpu.vector_load %arg9[%swap3A_72, %swap3A_73] {strides = array<i32>} : memref<16x104xi32, #tpu.memory_space<vmem>>, vector<16xi32>,
    tpu.vector_store %arg9[%swap3A_72, %swap3A_73], %broadcast_in_dim3A_15 {strides = array<i32>} : memref<16x104xi32, #tpu.memory_space<vmem>>, vector<16xi32>,
    %swap3A_75 = arith.constant 2 : i32
    %swap3A_76 = arith.index_cast %swap3A_75 : i32 to index
    %swap3A_77 = arith.constant 16 : index
    %swap3A_78 = tpu.vector_load %arg9[%swap3A_76, %swap3A_77] {strides = array<i32>} : memref<16x104xi32, #tpu.memory_space<vmem>>, vector<16xi32>,
    tpu.vector_store %arg9[%swap3A_76, %swap3A_77], %broadcast_in_dim3A_15 {strides = array<i32>} : memref<16x104xi32, #tpu.memory_space<vmem>>, vector<16xi32>,
    %swap3A_79 = arith.constant 2 : i32
    %swap3A_80 = arith.index_cast %swap3A_79 : i32 to index
    %swap3A_81 = arith.constant 32 : index
    %swap3A_82 = tpu.vector_load %arg9[%swap3A_80, %swap3A_81] {strides = array<i32>} : memref<16x104xi32, #tpu.memory_space<vmem>>, vector<16xi32>,
    tpu.vector_store %arg9[%swap3A_80, %swap3A_81], %broadcast_in_dim3A_15 {strides = array<i32>} : memref<16x104xi32, #tpu.memory_space<vmem>>, vector<16xi32>,
    %swap3A_83 = arith.constant 2 : i32
    %swap3A_84 = arith.index_cast %swap3A_83 : i32 to index
    %swap3A_85 = arith.constant 48 : index
    %swap3A_86 = tpu.vector_load %arg9[%swap3A_84, %swap3A_85] {strides = array<i32>} : memref<16x104xi32, #tpu.memory_space<vmem>>, vector<16xi32>,
    tpu.vector_store %arg9[%swap3A_84, %swap3A_85], %broadcast_in_dim3A_15 {strides = array<i32>} : memref<16x104xi32, #tpu.memory_space<vmem>>, vector<16xi32>,
    %swap3A_87 = arith.constant 2 : i32
    %swap3A_88 = arith.index_cast %swap3A_87 : i32 to index
    %swap3A_89 = arith.constant 64 : index
    %swap3A_90 = tpu.vector_load %arg9[%swap3A_88, %swap3A_89] {strides = array<i32>} : memref<16x104xi32, #tpu.memory_space<vmem>>, vector<16xi32>,
    tpu.vector_store %arg9[%swap3A_88, %swap3A_89], %broadcast_in_dim3A_15 {strides = array<i32>} : memref<16x104xi32, #tpu.memory_space<vmem>>, vector<16xi32>,
    %swap3A_91 = arith.constant 2 : i32
    %swap3A_92 = arith.index_cast %swap3A_91 : i32 to index
    %swap3A_93 = arith.constant 80 : index
    %swap3A_94 = tpu.vector_load %arg9[%swap3A_92, %swap3A_93] {strides = array<i32>} : memref<16x104xi32, #tpu.memory_space<vmem>>, vector<16xi32>,
    tpu.vector_store %arg9[%swap3A_92, %swap3A_93], %broadcast_in_dim3A_15 {strides = array<i32>} : memref<16x104xi32, #tpu.memory_space<vmem>>, vector<16xi32>,
    %swap3A_95 = arith.constant 2 : i32
    %swap3A_96 = arith.index_cast %swap3A_95 : i32 to index
    %swap3A_97 = arith.constant 88 : index
    %swap3A_98 = tpu.vector_load %arg9[%swap3A_96, %swap3A_97] {strides = array<i32>} : memref<16x104xi32, #tpu.memory_space<vmem>>, vector<16xi32>,
    tpu.vector_store %arg9[%swap3A_96, %swap3A_97], %broadcast_in_dim3A_15 {strides = array<i32>} : memref<16x104xi32, #tpu.memory_space<vmem>>, vector<16xi32>,
    %swap3A_99 = arith.constant 3 : i32
    %swap3A_100 = arith.index_cast %swap3A_99 : i32 to index
    %swap3A_101 = arith.constant 0 : index
    %swap3A_102 = tpu.vector_load %arg9[%swap3A_100, %swap3A_101] {strides = array<i32>} : memref<16x104xi32, #tpu.memory_space<vmem>>, vector<16xi32>,
    tpu.vector_store %arg9[%swap3A_100, %swap3A_101], %broadcast_in_dim3A_15 {strides = array<i32>} : memref<16x104xi32, #tpu.memory_space<vmem>>, vector<16xi32>,
    %swap3A_103 = arith.constant 3 : i32
    %swap3A_104 = arith.index_cast %swap3A_103 : i32 to index
    %swap3A_105 = arith.constant 16 : index
    %swap3A_106 = tpu.vector_load %arg9[%swap3A_104, %swap3A_105] {strides = array<i32>} : memref<16x104xi32, #tpu.memory_space<vmem>>, vector<16xi32>,
    tpu.vector_store %arg9[%swap3A_104, %swap3A_105], %broadcast_in_dim3A_15 {strides = array<i32>} : memref<16x104xi32, #tpu.memory_space<vmem>>, vector<16xi32>,
    %swap3A_107 = arith.constant 3 : i32
    %swap3A_108 = arith.index_cast %swap3A_107 : i32 to index
    %swap3A_109 = arith.constant 32 : index
    %swap3A_110 = tpu.vector_load %arg9[%swap3A_108, %swap3A_109] {strides = array<i32>} : memref<16x104xi32, #tpu.memory_space<vmem>>, vector<16xi32>,
    tpu.vector_store %arg9[%swap3A_108, %swap3A_109], %broadcast_in_dim3A_15 {strides = array<i32>} : memref<16x104xi32, #tpu.memory_space<vmem>>, vector<16xi32>,
    %swap3A_111 = arith.constant 3 : i32
    %swap3A_112 = arith.index_cast %swap3A_111 : i32 to index
    %swap3A_113 = arith.constant 48 : index
    %swap3A_114 = tpu.vector_load %arg9[%swap3A_112, %swap3A_113] {strides = array<i32>} : memref<16x104xi32, #tpu.memory_space<vmem>>, vector<16xi32>,
    tpu.vector_store %arg9[%swap3A_112, %swap3A_113], %broadcast_in_dim3A_15 {strides = array<i32>} : memref<16x104xi32, #tpu.memory_space<vmem>>, vector<16xi32>,
    %swap3A_115 = arith.constant 3 : i32
    %swap3A_116 = arith.index_cast %swap3A_115 : i32 to index
    %swap3A_117 = arith.constant 64 : index
    %swap3A_118 = tpu.vector_load %arg9[%swap3A_116, %swap3A_117] {strides = array<i32>} : memref<16x104xi32, #tpu.memory_space<vmem>>, vector<16xi32>,
    tpu.vector_store %arg9[%swap3A_116, %swap3A_117], %broadcast_in_dim3A_15 {strides = array<i32>} : memref<16x104xi32, #tpu.memory_space<vmem>>, vector<16xi32>,
    %swap3A_119 = arith.constant 3 : i32
    %swap3A_120 = arith.index_cast %swap3A_119 : i32 to index
    %swap3A_121 = arith.constant 80 : index
    %swap3A_122 = tpu.vector_load %arg9[%swap3A_120, %swap3A_121] {strides = array<i32>} : memref<16x104xi32, #tpu.memory_space<vmem>>, vector<16xi32>,
    tpu.vector_store %arg9[%swap3A_120, %swap3A_121], %broadcast_in_dim3A_15 {strides = array<i32>} : memref<16x104xi32, #tpu.memory_space<vmem>>, vector<16xi32>,
    %swap3A_123 = arith.constant 3 : i32
    %swap3A_124 = arith.index_cast %swap3A_123 : i32 to index
    %swap3A_125 = arith.constant 88 : index
    %swap3A_126 = tpu.vector_load %arg9[%swap3A_124, %swap3A_125] {strides = array<i32>} : memref<16x104xi32, #tpu.memory_space<vmem>>, vector<16xi32>,
    tpu.vector_store %arg9[%swap3A_124, %swap3A_125], %broadcast_in_dim3A_15 {strides = array<i32>} : memref<16x104xi32, #tpu.memory_space<vmem>>, vector<16xi32>,
    %swap3A_127 = arith.constant 4 : i32
    %swap3A_128 = arith.index_cast %swap3A_127 : i32 to index
    %swap3A_129 = arith.constant 0 : index
    %swap3A_130 = tpu.vector_load %arg9[%swap3A_128, %swap3A_129] {strides = array<i32>} : memref<16x104xi32, #tpu.memory_space<vmem>>, vector<16xi32>,
    tpu.vector_store %arg9[%swap3A_128, %swap3A_129], %broadcast_in_dim3A_15 {strides = array<i32>} : memref<16x104xi32, #tpu.memory_space<vmem>>, vector<16xi32>,
    %swap3A_131 = arith.constant 4 : i32
    %swap3A_132 = arith.index_cast %swap3A_131 : i32 to index
    %swap3A_133 = arith.constant 16 : index
    %swap3A_134 = tpu.vector_load %arg9[%swap3A_132, %swap3A_133] {strides = array<i32>} : memref<16x104xi32, #tpu.memory_space<vmem>>, vector<16xi32>,
    tpu.vector_store %arg9[%swap3A_132, %swap3A_133], %broadcast_in_dim3A_15 {strides = array<i32>} : memref<16x104xi32, #tpu.memory_space<vmem>>, vector<16xi32>,
    %swap3A_135 = arith.constant 4 : i32
    %swap3A_136 = arith.index_cast %swap3A_135 : i32 to index
    %swap3A_137 = arith.constant 32 : index
    %swap3A_138 = tpu.vector_load %arg9[%swap3A_136, %swap3A_137] {strides = array<i32>} : memref<16x104xi32, #tpu.memory_space<vmem>>, vector<16xi32>,
    tpu.vector_store %arg9[%swap3A_136, %swap3A_137], %broadcast_in_dim3A_15 {strides = array<i32>} : memref<16x104xi32, #tpu.memory_space<vmem>>, vector<16xi32>,
    %swap3A_139 = arith.constant 4 : i32
    %swap3A_140 = arith.index_cast %swap3A_139 : i32 to index
    %swap3A_141 = arith.constant 48 : index
    %swap3A_142 = tpu.vector_load %arg9[%swap3A_140, %swap3A_141] {strides = array<i32>} : memref<16x104xi32, #tpu.memory_space<vmem>>, vector<16xi32>,
    tpu.vector_store %arg9[%swap3A_140, %swap3A_141], %broadcast_in_dim3A_15 {strides = array<i32>} : memref<16x104xi32, #tpu.memory_space<vmem>>, vector<16xi32>,
    %swap3A_143 = arith.constant 4 : i32
    %swap3A_144 = arith.index_cast %swap3A_143 : i32 to index
    %swap3A_145 = arith.constant 64 : index
    %swap3A_146 = tpu.vector_load %arg9[%swap3A_144, %swap3A_145] {strides = array<i32>} : memref<16x104xi32, #tpu.memory_space<vmem>>, vector<16xi32>,
    tpu.vector_store %arg9[%swap3A_144, %swap3A_145], %broadcast_in_dim3A_15 {strides = array<i32>} : memref<16x104xi32, #tpu.memory_space<vmem>>, vector<16xi32>,
    %swap3A_147 = arith.constant 4 : i32
    %swap3A_148 = arith.index_cast %swap3A_147 : i32 to index
    %swap3A_149 = arith.constant 80 : index
    %swap3A_150 = tpu.vector_load %arg9[%swap3A_148, %swap3A_149] {strides = array<i32>} : memref<16x104xi32, #tpu.memory_space<vmem>>, vector<16xi32>,
    tpu.vector_store %arg9[%swap3A_148, %swap3A_149], %broadcast_in_dim3A_15 {strides = array<i32>} : memref<16x104xi32, #tpu.memory_space<vmem>>, vector<16xi32>,
    %swap3A_151 = arith.constant 4 : i32
    %swap3A_152 = arith.index_cast %swap3A_151 : i32 to index
    %swap3A_153 = arith.constant 88 : index
    %swap3A_154 = tpu.vector_load %arg9[%swap3A_152, %swap3A_153] {strides = array<i32>} : memref<16x104xi32, #tpu.memory_space<vmem>>, vector<16xi32>,
    tpu.vector_store %arg9[%swap3A_152, %swap3A_153], %broadcast_in_dim3A_15 {strides = array<i32>} : memref<16x104xi32, #tpu.memory_space<vmem>>, vector<16xi32>,
    %swap3A_155 = arith.constant 5 : i32
    %swap3A_156 = arith.index_cast %swap3A_155 : i32 to index
    %swap3A_157 = arith.constant 0 : index
    %swap3A_158 = tpu.vector_load %arg9[%swap3A_156, %swap3A_157] {strides = array<i32>} : memref<16x104xi32, #tpu.memory_space<vmem>>, vector<16xi32>,
    tpu.vector_store %arg9[%swap3A_156, %swap3A_157], %broadcast_in_dim3A_15 {strides = array<i32>} : memref<16x104xi32, #tpu.memory_space<vmem>>, vector<16xi32>,
    %swap3A_159 = arith.constant 5 : i32
    %swap3A_160 = arith.index_cast %swap3A_159 : i32 to index
    %swap3A_161 = arith.constant 16 : index
    %swap3A_162 = tpu.vector_load %arg9[%swap3A_160, %swap3A_161] {strides = array<i32>} : memref<16x104xi32, #tpu.memory_space<vmem>>, vector<16xi32>,
    tpu.vector_store %arg9[%swap3A_160, %swap3A_161], %broadcast_in_dim3A_15 {strides = array<i32>} : memref<16x104xi32, #tpu.memory_space<vmem>>, vector<16xi32>,
    %swap3A_163 = arith.constant 5 : i32
    %swap3A_164 = arith.index_cast %swap3A_163 : i32 to index
    %swap3A_165 = arith.constant 32 : index
    %swap3A_166 = tpu.vector_load %arg9[%swap3A_164, %swap3A_165] {strides = array<i32>} : memref<16x104xi32, #tpu.memory_space<vmem>>, vector<16xi32>,
    tpu.vector_store %arg9[%swap3A_164, %swap3A_165], %broadcast_in_dim3A_15 {strides = array<i32>} : memref<16x104xi32, #tpu.memory_space<vmem>>, vector<16xi32>,
    %swap3A_167 = arith.constant 5 : i32
    %swap3A_168 = arith.index_cast %swap3A_167 : i32 to index
    %swap3A_169 = arith.constant 48 : index
    %swap3A_170 = tpu.vector_load %arg9[%swap3A_168, %swap3A_169] {strides = array<i32>} : memref<16x104xi32, #tpu.memory_space<vmem>>, vector<16xi32>,
    tpu.vector_store %arg9[%swap3A_168, %swap3A_169], %broadcast_in_dim3A_15 {strides = array<i32>} : memref<16x104xi32, #tpu.memory_space<vmem>>, vector<16xi32>,
    %swap3A_171 = arith.constant 5 : i32
    %swap3A_172 = arith.index_cast %swap3A_171 : i32 to index
    %swap3A_173 = arith.constant 64 : index
    %swap3A_174 = tpu.vector_load %arg9[%swap3A_172, %swap3A_173] {strides = array<i32>} : memref<16x104xi32, #tpu.memory_space<vmem>>, vector<16xi32>,
    tpu.vector_store %arg9[%swap3A_172, %swap3A_173], %broadcast_in_dim3A_15 {strides = array<i32>} : memref<16x104xi32, #tpu.memory_space<vmem>>, vector<16xi32>,
    %swap3A_175 = arith.constant 5 : i32
    %swap3A_176 = arith.index_cast %swap3A_175 : i32 to index
    %swap3A_177 = arith.constant 80 : index
    %swap3A_178 = tpu.vector_load %arg9[%swap3A_176, %swap3A_177] {strides = array<i32>} : memref<16x104xi32, #tpu.memory_space<vmem>>, vector<16xi32>,
    tpu.vector_store %arg9[%swap3A_176, %swap3A_177], %broadcast_in_dim3A_15 {strides = array<i32>} : memref<16x104xi32, #tpu.memory_space<vmem>>, vector<16xi32>,
    %swap3A_179 = arith.constant 5 : i32
    %swap3A_180 = arith.index_cast %swap3A_179 : i32 to index
    %swap3A_181 = arith.constant 88 : index
    %swap3A_182 = tpu.vector_load %arg9[%swap3A_180, %swap3A_181] {strides = array<i32>} : memref<16x104xi32, #tpu.memory_space<vmem>>, vector<16xi32>,
    tpu.vector_store %arg9[%swap3A_180, %swap3A_181], %broadcast_in_dim3A_15 {strides = array<i32>} : memref<16x104xi32, #tpu.memory_space<vmem>>, vector<16xi32>,
    %swap3A_183 = arith.constant 6 : i32
    %swap3A_184 = arith.index_cast %swap3A_183 : i32 to index
    %swap3A_185 = arith.constant 0 : index
    %swap3A_186 = tpu.vector_load %arg9[%swap3A_184, %swap3A_185] {strides = array<i32>} : memref<16x104xi32, #tpu.memory_space<vmem>>, vector<16xi32>,
    tpu.vector_store %arg9[%swap3A_184, %swap3A_185], %broadcast_in_dim3A_15 {strides = array<i32>} : memref<16x104xi32, #tpu.memory_space<vmem>>, vector<16xi32>,
    %swap3A_187 = arith.constant 6 : i32
    %swap3A_188 = arith.index_cast %swap3A_187 : i32 to index
    %swap3A_189 = arith.constant 16 : index
    %swap3A_190 = tpu.vector_load %arg9[%swap3A_188, %swap3A_189] {strides = array<i32>} : memref<16x104xi32, #tpu.memory_space<vmem>>, vector<16xi32>,
    tpu.vector_store %arg9[%swap3A_188, %swap3A_189], %broadcast_in_dim3A_15 {strides = array<i32>} : memref<16x104xi32, #tpu.memory_space<vmem>>, vector<16xi32>,
    %swap3A_191 = arith.constant 6 : i32
    %swap3A_192 = arith.index_cast %swap3A_191 : i32 to index
    %swap3A_193 = arith.constant 32 : index
    %swap3A_194 = tpu.vector_load %arg9[%swap3A_192, %swap3A_193] {strides = array<i32>} : memref<16x104xi32, #tpu.memory_space<vmem>>, vector<16xi32>,
    tpu.vector_store %arg9[%swap3A_192, %swap3A_193], %broadcast_in_dim3A_15 {strides = array<i32>} : memref<16x104xi32, #tpu.memory_space<vmem>>, vector<16xi32>,
    %swap3A_195 = arith.constant 6 : i32
    %swap3A_196 = arith.index_cast %swap3A_195 : i32 to index
    %swap3A_197 = arith.constant 48 : index
    %swap3A_198 = tpu.vector_load %arg9[%swap3A_196, %swap3A_197] {strides = array<i32>} : memref<16x104xi32, #tpu.memory_space<vmem>>, vector<16xi32>,
    tpu.vector_store %arg9[%swap3A_196, %swap3A_197], %broadcast_in_dim3A_15 {strides = array<i32>} : memref<16x104xi32, #tpu.memory_space<vmem>>, vector<16xi32>,
    %swap3A_199 = arith.constant 6 : i32
    %swap3A_200 = arith.index_cast %swap3A_199 : i32 to index
    %swap3A_201 = arith.constant 64 : index
    %swap3A_202 = tpu.vector_load %arg9[%swap3A_200, %swap3A_201] {strides = array<i32>} : memref<16x104xi32, #tpu.memory_space<vmem>>, vector<16xi32>,
    tpu.vector_store %arg9[%swap3A_200, %swap3A_201], %broadcast_in_dim3A_15 {strides = array<i32>} : memref<16x104xi32, #tpu.memory_space<vmem>>, vector<16xi32>,
    %swap3A_203 = arith.constant 6 : i32
    %swap3A_204 = arith.index_cast %swap3A_203 : i32 to index
    %swap3A_205 = arith.constant 80 : index
    %swap3A_206 = tpu.vector_load %arg9[%swap3A_204, %swap3A_205] {strides = array<i32>} : memref<16x104xi32, #tpu.memory_space<vmem>>, vector<16xi32>,
    tpu.vector_store %arg9[%swap3A_204, %swap3A_205], %broadcast_in_dim3A_15 {strides = array<i32>} : memref<16x104xi32, #tpu.memory_space<vmem>>, vector<16xi32>,
    %swap3A_207 = arith.constant 6 : i32
    %swap3A_208 = arith.index_cast %swap3A_207 : i32 to index
    %swap3A_209 = arith.constant 88 : index
    %swap3A_210 = tpu.vector_load %arg9[%swap3A_208, %swap3A_209] {strides = array<i32>} : memref<16x104xi32, #tpu.memory_space<vmem>>, vector<16xi32>,
    tpu.vector_store %arg9[%swap3A_208, %swap3A_209], %broadcast_in_dim3A_15 {strides = array<i32>} : memref<16x104xi32, #tpu.memory_space<vmem>>, vector<16xi32>,
    %swap3A_211 = arith.constant 7 : i32
    %swap3A_212 = arith.index_cast %swap3A_211 : i32 to index
    %swap3A_213 = arith.constant 0 : index
    %swap3A_214 = tpu.vector_load %arg9[%swap3A_212, %swap3A_213] {strides = array<i32>} : memref<16x104xi32, #tpu.memory_space<vmem>>, vector<16xi32>,
    tpu.vector_store %arg9[%swap3A_212, %swap3A_213], %broadcast_in_dim3A_15 {strides = array<i32>} : memref<16x104xi32, #tpu.memory_space<vmem>>, vector<16xi32>,
    %swap3A_215 = arith.constant 7 : i32
    %swap3A_216 = arith.index_cast %swap3A_215 : i32 to index
    %swap3A_217 = arith.constant 16 : index
    %swap3A_218 = tpu.vector_load %arg9[%swap3A_216, %swap3A_217] {strides = array<i32>} : memref<16x104xi32, #tpu.memory_space<vmem>>, vector<16xi32>,
    tpu.vector_store %arg9[%swap3A_216, %swap3A_217], %broadcast_in_dim3A_15 {strides = array<i32>} : memref<16x104xi32, #tpu.memory_space<vmem>>, vector<16xi32>,
    %swap3A_219 = arith.constant 7 : i32
    %swap3A_220 = arith.index_cast %swap3A_219 : i32 to index
    %swap3A_221 = arith.constant 32 : index
    %swap3A_222 = tpu.vector_load %arg9[%swap3A_220, %swap3A_221] {strides = array<i32>} : memref<16x104xi32, #tpu.memory_space<vmem>>, vector<16xi32>,
    tpu.vector_store %arg9[%swap3A_220, %swap3A_221], %broadcast_in_dim3A_15 {strides = array<i32>} : memref<16x104xi32, #tpu.memory_space<vmem>>, vector<16xi32>,
    %swap3A_223 = arith.constant 7 : i32
    %swap3A_224 = arith.index_cast %swap3A_223 : i32 to index
    %swap3A_225 = arith.constant 48 : index
    %swap3A_226 = tpu.vector_load %arg9[%swap3A_224, %swap3A_225] {strides = array<i32>} : memref<16x104xi32, #tpu.memory_space<vmem>>, vector<16xi32>,
    tpu.vector_store %arg9[%swap3A_224, %swap3A_225], %broadcast_in_dim3A_15 {strides = array<i32>} : memref<16x104xi32, #tpu.memory_space<vmem>>, vector<16xi32>,
    %swap3A_227 = arith.constant 7 : i32
    %swap3A_228 = arith.index_cast %swap3A_227 : i32 to index
    %swap3A_229 = arith.constant 64 : index
    %swap3A_230 = tpu.vector_load %arg9[%swap3A_228, %swap3A_229] {strides = array<i32>} : memref<16x104xi32, #tpu.memory_space<vmem>>, vector<16xi32>,
    tpu.vector_store %arg9[%swap3A_228, %swap3A_229], %broadcast_in_dim3A_15 {strides = array<i32>} : memref<16x104xi32, #tpu.memory_space<vmem>>, vector<16xi32>,
    %swap3A_231 = arith.constant 7 : i32
    %swap3A_232 = arith.index_cast %swap3A_231 : i32 to index
    %swap3A_233 = arith.constant 80 : index
    %swap3A_234 = tpu.vector_load %arg9[%swap3A_232, %swap3A_233] {strides = array<i32>} : memref<16x104xi32, #tpu.memory_space<vmem>>, vector<16xi32>,
    tpu.vector_store %arg9[%swap3A_232, %swap3A_233], %broadcast_in_dim3A_15 {strides = array<i32>} : memref<16x104xi32, #tpu.memory_space<vmem>>, vector<16xi32>,
    %swap3A_235 = arith.constant 7 : i32
    %swap3A_236 = arith.index_cast %swap3A_235 : i32 to index
    %swap3A_237 = arith.constant 88 : index
    %swap3A_238 = tpu.vector_load %arg9[%swap3A_236, %swap3A_237] {strides = array<i32>} : memref<16x104xi32, #tpu.memory_space<vmem>>, vector<16xi32>,
    tpu.vector_store %arg9[%swap3A_236, %swap3A_237], %broadcast_in_dim3A_15 {strides = array<i32>} : memref<16x104xi32, #tpu.memory_space<vmem>>, vector<16xi32>,
    %swap3A_239 = arith.constant 8 : i32
    %swap3A_240 = arith.index_cast %swap3A_239 : i32 to index
    %swap3A_241 = arith.constant 0 : index
    %swap3A_242 = tpu.vector_load %arg9[%swap3A_240, %swap3A_241] {strides = array<i32>} : memref<16x104xi32, #tpu.memory_space<vmem>>, vector<16xi32>,
    tpu.vector_store %arg9[%swap3A_240, %swap3A_241], %broadcast_in_dim3A_15 {strides = array<i32>} : memref<16x104xi32, #tpu.memory_space<vmem>>, vector<16xi32>,
    %swap3A_243 = arith.constant 8 : i32
    %swap3A_244 = arith.index_cast %swap3A_243 : i32 to index
    %swap3A_245 = arith.constant 16 : index
    %swap3A_246 = tpu.vector_load %arg9[%swap3A_244, %swap3A_245] {strides = array<i32>} : memref<16x104xi32, #tpu.memory_space<vmem>>, vector<16xi32>,
    tpu.vector_store %arg9[%swap3A_244, %swap3A_245], %broadcast_in_dim3A_15 {strides = array<i32>} : memref<16x104xi32, #tpu.memory_space<vmem>>, vector<16xi32>,
    %swap3A_247 = arith.constant 8 : i32
    %swap3A_248 = arith.index_cast %swap3A_247 : i32 to index
    %swap3A_249 = arith.constant 32 : index
    %swap3A_250 = tpu.vector_load %arg9[%swap3A_248, %swap3A_249] {strides = array<i32>} : memref<16x104xi32, #tpu.memory_space<vmem>>, vector<16xi32>,
    tpu.vector_store %arg9[%swap3A_248, %swap3A_249], %broadcast_in_dim3A_15 {strides = array<i32>} : memref<16x104xi32, #tpu.memory_space<vmem>>, vector<16xi32>,
    %swap3A_251 = arith.constant 8 : i32
    %swap3A_252 = arith.index_cast %swap3A_251 : i32 to index
    %swap3A_253 = arith.constant 48 : index
    %swap3A_254 = tpu.vector_load %arg9[%swap3A_252, %swap3A_253] {strides = array<i32>} : memref<16x104xi32, #tpu.memory_space<vmem>>, vector<16xi32>,
    tpu.vector_store %arg9[%swap3A_252, %swap3A_253], %broadcast_in_dim3A_15 {strides = array<i32>} : memref<16x104xi32, #tpu.memory_space<vmem>>, vector<16xi32>,
    %swap3A_255 = arith.constant 8 : i32
    %swap3A_256 = arith.index_cast %swap3A_255 : i32 to index
    %swap3A_257 = arith.constant 64 : index
    %swap3A_258 = tpu.vector_load %arg9[%swap3A_256, %swap3A_257] {strides = array<i32>} : memref<16x104xi32, #tpu.memory_space<vmem>>, vector<16xi32>,
    tpu.vector_store %arg9[%swap3A_256, %swap3A_257], %broadcast_in_dim3A_15 {strides = array<i32>} : memref<16x104xi32, #tpu.memory_space<vmem>>, vector<16xi32>,
    %swap3A_259 = arith.constant 8 : i32
    %swap3A_260 = arith.index_cast %swap3A_259 : i32 to index
    %swap3A_261 = arith.constant 80 : index
    %swap3A_262 = tpu.vector_load %arg9[%swap3A_260, %swap3A_261] {strides = array<i32>} : memref<16x104xi32, #tpu.memory_space<vmem>>, vector<16xi32>,
    tpu.vector_store %arg9[%swap3A_260, %swap3A_261], %broadcast_in_dim3A_15 {strides = array<i32>} : memref<16x104xi32, #tpu.memory_space<vmem>>, vector<16xi32>,
    %swap3A_263 = arith.constant 8 : i32
    %swap3A_264 = arith.index_cast %swap3A_263 : i32 to index
    %swap3A_265 = arith.constant 88 : index
    %swap3A_266 = tpu.vector_load %arg9[%swap3A_264, %swap3A_265] {strides = array<i32>} : memref<16x104xi32, #tpu.memory_space<vmem>>, vector<16xi32>,
    tpu.vector_store %arg9[%swap3A_264, %swap3A_265], %broadcast_in_dim3A_15 {strides = array<i32>} : memref<16x104xi32, #tpu.memory_space<vmem>>, vector<16xi32>,
    %swap3A_267 = arith.constant 9 : i32
    %swap3A_268 = arith.index_cast %swap3A_267 : i32 to index
    %swap3A_269 = arith.constant 0 : index
    %swap3A_270 = tpu.vector_load %arg9[%swap3A_268, %swap3A_269] {strides = array<i32>} : memref<16x104xi32, #tpu.memory_space<vmem>>, vector<16xi32>,
    tpu.vector_store %arg9[%swap3A_268, %swap3A_269], %broadcast_in_dim3A_15 {strides = array<i32>} : memref<16x104xi32, #tpu.memory_space<vmem>>, vector<16xi32>,
    %swap3A_271 = arith.constant 9 : i32
    %swap3A_272 = arith.index_cast %swap3A_271 : i32 to index
    %swap3A_273 = arith.constant 16 : index
    %swap3A_274 = tpu.vector_load %arg9[%swap3A_272, %swap3A_273] {strides = array<i32>} : memref<16x104xi32, #tpu.memory_space<vmem>>, vector<16xi32>,
    tpu.vector_store %arg9[%swap3A_272, %swap3A_273], %broadcast_in_dim3A_15 {strides = array<i32>} : memref<16x104xi32, #tpu.memory_space<vmem>>, vector<16xi32>,
    %swap3A_275 = arith.constant 9 : i32
    %swap3A_276 = arith.index_cast %swap3A_275 : i32 to index
    %swap3A_277 = arith.constant 32 : index
    %swap3A_278 = tpu.vector_load %arg9[%swap3A_276, %swap3A_277] {strides = array<i32>} : memref<16x104xi32, #tpu.memory_space<vmem>>, vector<16xi32>,
    tpu.vector_store %arg9[%swap3A_276, %swap3A_277], %broadcast_in_dim3A_15 {strides = array<i32>} : memref<16x104xi32, #tpu.memory_space<vmem>>, vector<16xi32>,
    %swap3A_279 = arith.constant 9 : i32
    %swap3A_280 = arith.index_cast %swap3A_279 : i32 to index
    %swap3A_281 = arith.constant 48 : index
    %swap3A_282 = tpu.vector_load %arg9[%swap3A_280, %swap3A_281] {strides = array<i32>} : memref<16x104xi32, #tpu.memory_space<vmem>>, vector<16xi32>,
    tpu.vector_store %arg9[%swap3A_280, %swap3A_281], %broadcast_in_dim3A_15 {strides = array<i32>} : memref<16x104xi32, #tpu.memory_space<vmem>>, vector<16xi32>,
    %swap3A_283 = arith.constant 9 : i32
    %swap3A_284 = arith.index_cast %swap3A_283 : i32 to index
    %swap3A_285 = arith.constant 64 : index
    %swap3A_286 = tpu.vector_load %arg9[%swap3A_284, %swap3A_285] {strides = array<i32>} : memref<16x104xi32, #tpu.memory_space<vmem>>, vector<16xi32>,
    tpu.vector_store %arg9[%swap3A_284, %swap3A_285], %broadcast_in_dim3A_15 {strides = array<i32>} : memref<16x104xi32, #tpu.memory_space<vmem>>, vector<16xi32>,
    %swap3A_287 = arith.constant 9 : i32
    %swap3A_288 = arith.index_cast %swap3A_287 : i32 to index
    %swap3A_289 = arith.constant 80 : index
    %swap3A_290 = tpu.vector_load %arg9[%swap3A_288, %swap3A_289] {strides = array<i32>} : memref<16x104xi32, #tpu.memory_space<vmem>>, vector<16xi32>,
    tpu.vector_store %arg9[%swap3A_288, %swap3A_289], %broadcast_in_dim3A_15 {strides = array<i32>} : memref<16x104xi32, #tpu.memory_space<vmem>>, vector<16xi32>,
    %swap3A_291 = arith.constant 9 : i32
    %swap3A_292 = arith.index_cast %swap3A_291 : i32 to index
    %swap3A_293 = arith.constant 88 : index
    %swap3A_294 = tpu.vector_load %arg9[%swap3A_292, %swap3A_293] {strides = array<i32>} : memref<16x104xi32, #tpu.memory_space<vmem>>, vector<16xi32>,
    tpu.vector_store %arg9[%swap3A_292, %swap3A_293], %broadcast_in_dim3A_15 {strides = array<i32>} : memref<16x104xi32, #tpu.memory_space<vmem>>, vector<16xi32>,
    %swap3A_295 = arith.constant 10 : i32
    %swap3A_296 = arith.index_cast %swap3A_295 : i32 to index
    %swap3A_297 = arith.constant 0 : index
    %swap3A_298 = tpu.vector_load %arg9[%swap3A_296, %swap3A_297] {strides = array<i32>} : memref<16x104xi32, #tpu.memory_space<vmem>>, vector<16xi32>,
    tpu.vector_store %arg9[%swap3A_296, %swap3A_297], %broadcast_in_dim3A_15 {strides = array<i32>} : memref<16x104xi32, #tpu.memory_space<vmem>>, vector<16xi32>,
    %swap3A_299 = arith.constant 10 : i32
    %swap3A_300 = arith.index_cast %swap3A_299 : i32 to index
    %swap3A_301 = arith.constant 16 : index
    %swap3A_302 = tpu.vector_load %arg9[%swap3A_300, %swap3A_301] {strides = array<i32>} : memref<16x104xi32, #tpu.memory_space<vmem>>, vector<16xi32>,
    tpu.vector_store %arg9[%swap3A_300, %swap3A_301], %broadcast_in_dim3A_15 {strides = array<i32>} : memref<16x104xi32, #tpu.memory_space<vmem>>, vector<16xi32>,
    %swap3A_303 = arith.constant 10 : i32
    %swap3A_304 = arith.index_cast %swap3A_303 : i32 to index
    %swap3A_305 = arith.constant 32 : index
    %swap3A_306 = tpu.vector_load %arg9[%swap3A_304, %swap3A_305] {strides = array<i32>} : memref<16x104xi32, #tpu.memory_space<vmem>>, vector<16xi32>,
    tpu.vector_store %arg9[%swap3A_304, %swap3A_305], %broadcast_in_dim3A_15 {strides = array<i32>} : memref<16x104xi32, #tpu.memory_space<vmem>>, vector<16xi32>,
    %swap3A_307 = arith.constant 10 : i32
    %swap3A_308 = arith.index_cast %swap3A_307 : i32 to index
    %swap3A_309 = arith.constant 48 : index
    %swap3A_310 = tpu.vector_load %arg9[%swap3A_308, %swap3A_309] {strides = array<i32>} : memref<16x104xi32, #tpu.memory_space<vmem>>, vector<16xi32>,
    tpu.vector_store %arg9[%swap3A_308, %swap3A_309], %broadcast_in_dim3A_15 {strides = array<i32>} : memref<16x104xi32, #tpu.memory_space<vmem>>, vector<16xi32>,
    %swap3A_311 = arith.constant 10 : i32
    %swap3A_312 = arith.index_cast %swap3A_311 : i32 to index
    %swap3A_313 = arith.constant 64 : index
    %swap3A_314 = tpu.vector_load %arg9[%swap3A_312, %swap3A_313] {strides = array<i32>} : memref<16x104xi32, #tpu.memory_space<vmem>>, vector<16xi32>,
    tpu.vector_store %arg9[%swap3A_312, %swap3A_313], %broadcast_in_dim3A_15 {strides = array<i32>} : memref<16x104xi32, #tpu.memory_space<vmem>>, vector<16xi32>,
    %swap3A_315 = arith.constant 10 : i32
    %swap3A_316 = arith.index_cast %swap3A_315 : i32 to index
    %swap3A_317 = arith.constant 80 : index
    %swap3A_318 = tpu.vector_load %arg9[%swap3A_316, %swap3A_317] {strides = array<i32>} : memref<16x104xi32, #tpu.memory_space<vmem>>, vector<16xi32>,
    tpu.vector_store %arg9[%swap3A_316, %swap3A_317], %broadcast_in_dim3A_15 {strides = array<i32>} : memref<16x104xi32, #tpu.memory_space<vmem>>, vector<16xi32>,
    %swap3A_319 = arith.constant 10 : i32
    %swap3A_320 = arith.index_cast %swap3A_319 : i32 to index
    %swap3A_321 = arith.constant 88 : index
    %swap3A_322 = tpu.vector_load %arg9[%swap3A_320, %swap3A_321] {strides = array<i32>} : memref<16x104xi32, #tpu.memory_space<vmem>>, vector<16xi32>,
    tpu.vector_store %arg9[%swap3A_320, %swap3A_321], %broadcast_in_dim3A_15 {strides = array<i32>} : memref<16x104xi32, #tpu.memory_space<vmem>>, vector<16xi32>,
    %swap3A_323 = arith.constant 11 : i32
    %swap3A_324 = arith.index_cast %swap3A_323 : i32 to index
    %swap3A_325 = arith.constant 0 : index
    %swap3A_326 = tpu.vector_load %arg9[%swap3A_324, %swap3A_325] {strides = array<i32>} : memref<16x104xi32, #tpu.memory_space<vmem>>, vector<16xi32>,
    tpu.vector_store %arg9[%swap3A_324, %swap3A_325], %broadcast_in_dim3A_15 {strides = array<i32>} : memref<16x104xi32, #tpu.memory_space<vmem>>, vector<16xi32>,
    %swap3A_327 = arith.constant 11 : i32
    %swap3A_328 = arith.index_cast %swap3A_327 : i32 to index
    %swap3A_329 = arith.constant 16 : index
    %swap3A_330 = tpu.vector_load %arg9[%swap3A_328, %swap3A_329] {strides = array<i32>} : memref<16x104xi32, #tpu.memory_space<vmem>>, vector<16xi32>,
    tpu.vector_store %arg9[%swap3A_328, %swap3A_329], %broadcast_in_dim3A_15 {strides = array<i32>} : memref<16x104xi32, #tpu.memory_space<vmem>>, vector<16xi32>,
    %swap3A_331 = arith.constant 11 : i32
    %swap3A_332 = arith.index_cast %swap3A_331 : i32 to index
    %swap3A_333 = arith.constant 32 : index
    %swap3A_334 = tpu.vector_load %arg9[%swap3A_332, %swap3A_333] {strides = array<i32>} : memref<16x104xi32, #tpu.memory_space<vmem>>, vector<16xi32>,
    tpu.vector_store %arg9[%swap3A_332, %swap3A_333], %broadcast_in_dim3A_15 {strides = array<i32>} : memref<16x104xi32, #tpu.memory_space<vmem>>, vector<16xi32>,
    %swap3A_335 = arith.constant 11 : i32
    %swap3A_336 = arith.index_cast %swap3A_335 : i32 to index
    %swap3A_337 = arith.constant 48 : index
    %swap3A_338 = tpu.vector_load %arg9[%swap3A_336, %swap3A_337] {strides = array<i32>} : memref<16x104xi32, #tpu.memory_space<vmem>>, vector<16xi32>,
    tpu.vector_store %arg9[%swap3A_336, %swap3A_337], %broadcast_in_dim3A_15 {strides = array<i32>} : memref<16x104xi32, #tpu.memory_space<vmem>>, vector<16xi32>,
    %swap3A_339 = arith.constant 11 : i32
    %swap3A_340 = arith.index_cast %swap3A_339 : i32 to index
    %swap3A_341 = arith.constant 64 : index
    %swap3A_342 = tpu.vector_load %arg9[%swap3A_340, %swap3A_341] {strides = array<i32>} : memref<16x104xi32, #tpu.memory_space<vmem>>, vector<16xi32>,
    tpu.vector_store %arg9[%swap3A_340, %swap3A_341], %broadcast_in_dim3A_15 {strides = array<i32>} : memref<16x104xi32, #tpu.memory_space<vmem>>, vector<16xi32>,
    %swap3A_343 = arith.constant 11 : i32
    %swap3A_344 = arith.index_cast %swap3A_343 : i32 to index
    %swap3A_345 = arith.constant 80 : index
    %swap3A_346 = tpu.vector_load %arg9[%swap3A_344, %swap3A_345] {strides = array<i32>} : memref<16x104xi32, #tpu.memory_space<vmem>>, vector<16xi32>,
    tpu.vector_store %arg9[%swap3A_344, %swap3A_345], %broadcast_in_dim3A_15 {strides = array<i32>} : memref<16x104xi32, #tpu.memory_space<vmem>>, vector<16xi32>,
    %swap3A_347 = arith.constant 11 : i32
    %swap3A_348 = arith.index_cast %swap3A_347 : i32 to index
    %swap3A_349 = arith.constant 88 : index
    %swap3A_350 = tpu.vector_load %arg9[%swap3A_348, %swap3A_349] {strides = array<i32>} : memref<16x104xi32, #tpu.memory_space<vmem>>, vector<16xi32>,
    tpu.vector_store %arg9[%swap3A_348, %swap3A_349], %broadcast_in_dim3A_15 {strides = array<i32>} : memref<16x104xi32, #tpu.memory_space<vmem>>, vector<16xi32>,
    %swap3A_351 = arith.constant 12 : i32
    %swap3A_352 = arith.index_cast %swap3A_351 : i32 to index
    %swap3A_353 = arith.constant 0 : index
    %swap3A_354 = tpu.vector_load %arg9[%swap3A_352, %swap3A_353] {strides = array<i32>} : memref<16x104xi32, #tpu.memory_space<vmem>>, vector<16xi32>,
    tpu.vector_store %arg9[%swap3A_352, %swap3A_353], %broadcast_in_dim3A_15 {strides = array<i32>} : memref<16x104xi32, #tpu.memory_space<vmem>>, vector<16xi32>,
    %swap3A_355 = arith.constant 12 : i32
    %swap3A_356 = arith.index_cast %swap3A_355 : i32 to index
    %swap3A_357 = arith.constant 16 : index
    %swap3A_358 = tpu.vector_load %arg9[%swap3A_356, %swap3A_357] {strides = array<i32>} : memref<16x104xi32, #tpu.memory_space<vmem>>, vector<16xi32>,
    tpu.vector_store %arg9[%swap3A_356, %swap3A_357], %broadcast_in_dim3A_15 {strides = array<i32>} : memref<16x104xi32, #tpu.memory_space<vmem>>, vector<16xi32>,
    %swap3A_359 = arith.constant 12 : i32
    %swap3A_360 = arith.index_cast %swap3A_359 : i32 to index
    %swap3A_361 = arith.constant 32 : index
    %swap3A_362 = tpu.vector_load %arg9[%swap3A_360, %swap3A_361] {strides = array<i32>} : memref<16x104xi32, #tpu.memory_space<vmem>>, vector<16xi32>,
    tpu.vector_store %arg9[%swap3A_360, %swap3A_361], %broadcast_in_dim3A_15 {strides = array<i32>} : memref<16x104xi32, #tpu.memory_space<vmem>>, vector<16xi32>,
    %swap3A_363 = arith.constant 12 : i32
    %swap3A_364 = arith.index_cast %swap3A_363 : i32 to index
    %swap3A_365 = arith.constant 48 : index
    %swap3A_366 = tpu.vector_load %arg9[%swap3A_364, %swap3A_365] {strides = array<i32>} : memref<16x104xi32, #tpu.memory_space<vmem>>, vector<16xi32>,
    tpu.vector_store %arg9[%swap3A_364, %swap3A_365], %broadcast_in_dim3A_15 {strides = array<i32>} : memref<16x104xi32, #tpu.memory_space<vmem>>, vector<16xi32>,
    %swap3A_367 = arith.constant 12 : i32
    %swap3A_368 = arith.index_cast %swap3A_367 : i32 to index
    %swap3A_369 = arith.constant 64 : index
    %swap3A_370 = tpu.vector_load %arg9[%swap3A_368, %swap3A_369] {strides = array<i32>} : memref<16x104xi32, #tpu.memory_space<vmem>>, vector<16xi32>,
    tpu.vector_store %arg9[%swap3A_368, %swap3A_369], %broadcast_in_dim3A_15 {strides = array<i32>} : memref<16x104xi32, #tpu.memory_space<vmem>>, vector<16xi32>,
    %swap3A_371 = arith.constant 12 : i32
    %swap3A_372 = arith.index_cast %swap3A_371 : i32 to index
    %swap3A_373 = arith.constant 80 : index
    %swap3A_374 = tpu.vector_load %arg9[%swap3A_372, %swap3A_373] {strides = array<i32>} : memref<16x104xi32, #tpu.memory_space<vmem>>, vector<16xi32>,
    tpu.vector_store %arg9[%swap3A_372, %swap3A_373], %broadcast_in_dim3A_15 {strides = array<i32>} : memref<16x104xi32, #tpu.memory_space<vmem>>, vector<16xi32>,
    %swap3A_375 = arith.constant 12 : i32
    %swap3A_376 = arith.index_cast %swap3A_375 : i32 to index
    %swap3A_377 = arith.constant 88 : index
    %swap3A_378 = tpu.vector_load %arg9[%swap3A_376, %swap3A_377] {strides = array<i32>} : memref<16x104xi32, #tpu.memory_space<vmem>>, vector<16xi32>,
    tpu.vector_store %arg9[%swap3A_376, %swap3A_377], %broadcast_in_dim3A_15 {strides = array<i32>} : memref<16x104xi32, #tpu.memory_space<vmem>>, vector<16xi32>,
    %swap3A_379 = arith.constant 13 : i32
    %swap3A_380 = arith.index_cast %swap3A_379 : i32 to index
    %swap3A_381 = arith.constant 0 : index
    %swap3A_382 = tpu.vector_load %arg9[%swap3A_380, %swap3A_381] {strides = array<i32>} : memref<16x104xi32, #tpu.memory_space<vmem>>, vector<16xi32>,
    tpu.vector_store %arg9[%swap3A_380, %swap3A_381], %broadcast_in_dim3A_15 {strides = array<i32>} : memref<16x104xi32, #tpu.memory_space<vmem>>, vector<16xi32>,
    %swap3A_383 = arith.constant 13 : i32
    %swap3A_384 = arith.index_cast %swap3A_383 : i32 to index
    %swap3A_385 = arith.constant 16 : index
    %swap3A_386 = tpu.vector_load %arg9[%swap3A_384, %swap3A_385] {strides = array<i32>} : memref<16x104xi32, #tpu.memory_space<vmem>>, vector<16xi32>,
    tpu.vector_store %arg9[%swap3A_384, %swap3A_385], %broadcast_in_dim3A_15 {strides = array<i32>} : memref<16x104xi32, #tpu.memory_space<vmem>>, vector<16xi32>,
    %swap3A_387 = arith.constant 13 : i32
    %swap3A_388 = arith.index_cast %swap3A_387 : i32 to index
    %swap3A_389 = arith.constant 32 : index
    %swap3A_390 = tpu.vector_load %arg9[%swap3A_388, %swap3A_389] {strides = array<i32>} : memref<16x104xi32, #tpu.memory_space<vmem>>, vector<16xi32>,
    tpu.vector_store %arg9[%swap3A_388, %swap3A_389], %broadcast_in_dim3A_15 {strides = array<i32>} : memref<16x104xi32, #tpu.memory_space<vmem>>, vector<16xi32>,
    %swap3A_391 = arith.constant 13 : i32
    %swap3A_392 = arith.index_cast %swap3A_391 : i32 to index
    %swap3A_393 = arith.constant 48 : index
    %swap3A_394 = tpu.vector_load %arg9[%swap3A_392, %swap3A_393] {strides = array<i32>} : memref<16x104xi32, #tpu.memory_space<vmem>>, vector<16xi32>,
    tpu.vector_store %arg9[%swap3A_392, %swap3A_393], %broadcast_in_dim3A_15 {strides = array<i32>} : memref<16x104xi32, #tpu.memory_space<vmem>>, vector<16xi32>,
    %swap3A_395 = arith.constant 13 : i32
    %swap3A_396 = arith.index_cast %swap3A_395 : i32 to index
    %swap3A_397 = arith.constant 64 : index
    %swap3A_398 = tpu.vector_load %arg9[%swap3A_396, %swap3A_397] {strides = array<i32>} : memref<16x104xi32, #tpu.memory_space<vmem>>, vector<16xi32>,
    tpu.vector_store %arg9[%swap3A_396, %swap3A_397], %broadcast_in_dim3A_15 {strides = array<i32>} : memref<16x104xi32, #tpu.memory_space<vmem>>, vector<16xi32>,
    %swap3A_399 = arith.constant 13 : i32
    %swap3A_400 = arith.index_cast %swap3A_399 : i32 to index
    %swap3A_401 = arith.constant 80 : index
    %swap3A_402 = tpu.vector_load %arg9[%swap3A_400, %swap3A_401] {strides = array<i32>} : memref<16x104xi32, #tpu.memory_space<vmem>>, vector<16xi32>,
    tpu.vector_store %arg9[%swap3A_400, %swap3A_401], %broadcast_in_dim3A_15 {strides = array<i32>} : memref<16x104xi32, #tpu.memory_space<vmem>>, vector<16xi32>,
    %swap3A_403 = arith.constant 13 : i32
    %swap3A_404 = arith.index_cast %swap3A_403 : i32 to index
    %swap3A_405 = arith.constant 88 : index
    %swap3A_406 = tpu.vector_load %arg9[%swap3A_404, %swap3A_405] {strides = array<i32>} : memref<16x104xi32, #tpu.memory_space<vmem>>, vector<16xi32>,
    tpu.vector_store %arg9[%swap3A_404, %swap3A_405], %broadcast_in_dim3A_15 {strides = array<i32>} : memref<16x104xi32, #tpu.memory_space<vmem>>, vector<16xi32>,
    %swap3A_407 = arith.constant 14 : i32
    %swap3A_408 = arith.index_cast %swap3A_407 : i32 to index
    %swap3A_409 = arith.constant 0 : index
    %swap3A_410 = tpu.vector_load %arg9[%swap3A_408, %swap3A_409] {strides = array<i32>} : memref<16x104xi32, #tpu.memory_space<vmem>>, vector<16xi32>,
    tpu.vector_store %arg9[%swap3A_408, %swap3A_409], %broadcast_in_dim3A_15 {strides = array<i32>} : memref<16x104xi32, #tpu.memory_space<vmem>>, vector<16xi32>,
    %swap3A_411 = arith.constant 14 : i32
    %swap3A_412 = arith.index_cast %swap3A_411 : i32 to index
    %swap3A_413 = arith.constant 16 : index
    %swap3A_414 = tpu.vector_load %arg9[%swap3A_412, %swap3A_413] {strides = array<i32>} : memref<16x104xi32, #tpu.memory_space<vmem>>, vector<16xi32>,
    tpu.vector_store %arg9[%swap3A_412, %swap3A_413], %broadcast_in_dim3A_15 {strides = array<i32>} : memref<16x104xi32, #tpu.memory_space<vmem>>, vector<16xi32>,
    %swap3A_415 = arith.constant 14 : i32
    %swap3A_416 = arith.index_cast %swap3A_415 : i32 to index
    %swap3A_417 = arith.constant 32 : index
    %swap3A_418 = tpu.vector_load %arg9[%swap3A_416, %swap3A_417] {strides = array<i32>} : memref<16x104xi32, #tpu.memory_space<vmem>>, vector<16xi32>,
    tpu.vector_store %arg9[%swap3A_416, %swap3A_417], %broadcast_in_dim3A_15 {strides = array<i32>} : memref<16x104xi32, #tpu.memory_space<vmem>>, vector<16xi32>,
    %swap3A_419 = arith.constant 14 : i32
    %swap3A_420 = arith.index_cast %swap3A_419 : i32 to index
    %swap3A_421 = arith.constant 48 : index
    %swap3A_422 = tpu.vector_load %arg9[%swap3A_420, %swap3A_421] {strides = array<i32>} : memref<16x104xi32, #tpu.memory_space<vmem>>, vector<16xi32>,
    tpu.vector_store %arg9[%swap3A_420, %swap3A_421], %broadcast_in_dim3A_15 {strides = array<i32>} : memref<16x104xi32, #tpu.memory_space<vmem>>, vector<16xi32>,
    %swap3A_423 = arith.constant 14 : i32
    %swap3A_424 = arith.index_cast %swap3A_423 : i32 to index
    %swap3A_425 = arith.constant 64 : index
    %swap3A_426 = tpu.vector_load %arg9[%swap3A_424, %swap3A_425] {strides = array<i32>} : memref<16x104xi32, #tpu.memory_space<vmem>>, vector<16xi32>,
    tpu.vector_store %arg9[%swap3A_424, %swap3A_425], %broadcast_in_dim3A_15 {strides = array<i32>} : memref<16x104xi32, #tpu.memory_space<vmem>>, vector<16xi32>,
    %swap3A_427 = arith.constant 14 : i32
    %swap3A_428 = arith.index_cast %swap3A_427 : i32 to index
    %swap3A_429 = arith.constant 80 : index
    %swap3A_430 = tpu.vector_load %arg9[%swap3A_428, %swap3A_429] {strides = array<i32>} : memref<16x104xi32, #tpu.memory_space<vmem>>, vector<16xi32>,
    tpu.vector_store %arg9[%swap3A_428, %swap3A_429], %broadcast_in_dim3A_15 {strides = array<i32>} : memref<16x104xi32, #tpu.memory_space<vmem>>, vector<16xi32>,
    %swap3A_431 = arith.constant 14 : i32
    %swap3A_432 = arith.index_cast %swap3A_431 : i32 to index
    %swap3A_433 = arith.constant 88 : index
    %swap3A_434 = tpu.vector_load %arg9[%swap3A_432, %swap3A_433] {strides = array<i32>} : memref<16x104xi32, #tpu.memory_space<vmem>>, vector<16xi32>,
    tpu.vector_store %arg9[%swap3A_432, %swap3A_433], %broadcast_in_dim3A_15 {strides = array<i32>} : memref<16x104xi32, #tpu.memory_space<vmem>>, vector<16xi32>,
    %swap3A_435 = arith.constant 15 : i32
    %swap3A_436 = arith.index_cast %swap3A_435 : i32 to index
    %swap3A_437 = arith.constant 0 : index
    %swap3A_438 = tpu.vector_load %arg9[%swap3A_436, %swap3A_437] {strides = array<i32>} : memref<16x104xi32, #tpu.memory_space<vmem>>, vector<16xi32>,
    tpu.vector_store %arg9[%swap3A_436, %swap3A_437], %broadcast_in_dim3A_15 {strides = array<i32>} : memref<16x104xi32, #tpu.memory_space<vmem>>, vector<16xi32>,
    %swap3A_439 = arith.constant 15 : i32
    %swap3A_440 = arith.index_cast %swap3A_439 : i32 to index
    %swap3A_441 = arith.constant 16 : index
    %swap3A_442 = tpu.vector_load %arg9[%swap3A_440, %swap3A_441] {strides = array<i32>} : memref<16x104xi32, #tpu.memory_space<vmem>>, vector<16xi32>,
    tpu.vector_store %arg9[%swap3A_440, %swap3A_441], %broadcast_in_dim3A_15 {strides = array<i32>} : memref<16x104xi32, #tpu.memory_space<vmem>>, vector<16xi32>,
    %swap3A_443 = arith.constant 15 : i32
    %swap3A_444 = arith.index_cast %swap3A_443 : i32 to index
    %swap3A_445 = arith.constant 32 : index
    %swap3A_446 = tpu.vector_load %arg9[%swap3A_444, %swap3A_445] {strides = array<i32>} : memref<16x104xi32, #tpu.memory_space<vmem>>, vector<16xi32>,
    tpu.vector_store %arg9[%swap3A_444, %swap3A_445], %broadcast_in_dim3A_15 {strides = array<i32>} : memref<16x104xi32, #tpu.memory_space<vmem>>, vector<16xi32>,
    %swap3A_447 = arith.constant 15 : i32
    %swap3A_448 = arith.index_cast %swap3A_447 : i32 to index
    %swap3A_449 = arith.constant 48 : index
    %swap3A_450 = tpu.vector_load %arg9[%swap3A_448, %swap3A_449] {strides = array<i32>} : memref<16x104xi32, #tpu.memory_space<vmem>>, vector<16xi32>,
    tpu.vector_store %arg9[%swap3A_448, %swap3A_449], %broadcast_in_dim3A_15 {strides = array<i32>} : memref<16x104xi32, #tpu.memory_space<vmem>>, vector<16xi32>,
    %swap3A_451 = arith.constant 15 : i32
    %swap3A_452 = arith.index_cast %swap3A_451 : i32 to index
    %swap3A_453 = arith.constant 64 : index
    %swap3A_454 = tpu.vector_load %arg9[%swap3A_452, %swap3A_453] {strides = array<i32>} : memref<16x104xi32, #tpu.memory_space<vmem>>, vector<16xi32>,
    tpu.vector_store %arg9[%swap3A_452, %swap3A_453], %broadcast_in_dim3A_15 {strides = array<i32>} : memref<16x104xi32, #tpu.memory_space<vmem>>, vector<16xi32>,
    %swap3A_455 = arith.constant 15 : i32
    %swap3A_456 = arith.index_cast %swap3A_455 : i32 to index
    %swap3A_457 = arith.constant 80 : index
    %swap3A_458 = tpu.vector_load %arg9[%swap3A_456, %swap3A_457] {strides = array<i32>} : memref<16x104xi32, #tpu.memory_space<vmem>>, vector<16xi32>,
    tpu.vector_store %arg9[%swap3A_456, %swap3A_457], %broadcast_in_dim3A_15 {strides = array<i32>} : memref<16x104xi32, #tpu.memory_space<vmem>>, vector<16xi32>,
    %swap3A_459 = arith.constant 15 : i32
    %swap3A_460 = arith.index_cast %swap3A_459 : i32 to index
    %swap3A_461 = arith.constant 88 : index
    %swap3A_462 = tpu.vector_load %arg9[%swap3A_460, %swap3A_461] {strides = array<i32>} : memref<16x104xi32, #tpu.memory_space<vmem>>, vector<16xi32>,
    tpu.vector_store %arg9[%swap3A_460, %swap3A_461], %broadcast_in_dim3A_15 {strides = array<i32>} : memref<16x104xi32, #tpu.memory_space<vmem>>, vector<16xi32>,
    %iota3A = tpu.iota {dimensions = array<i32: 0>} : vector<16xi32>
    %broadcast_in_dim3A_463 = arith.constant 1 : i32
    %broadcast_in_dim3A_464 = vector.broadcast %broadcast_in_dim3A_463 : i32 to vector<16xi32>
    %scan3A = arith.constant 0 : i32
    %scan3A_465 = arith.constant 0 : i32
    %scan3A_466 = arith.constant 10 : i32
    %scan3A_467 = arith.addi %scan3A_465, %scan3A_466 : i32
    %scan3A_468 = arith.constant 1 : i32
    scf.for %scan3A_478 = %scan3A_465 to %scan3A_467 step %scan3A_468  : i32 {
      %mul3A_479 = arith.constant 16 : i32
      %mul3A_480 = arith.muli %scan3A_478, %mul3A_479 : i32
      %get3A_481 = arith.index_cast %mul3A_480 : i32 to index
      %get3A_482 = tpu.vector_load %arg7[%get3A_481] {strides = array<i32>} : memref<640xf32, #tpu.memory_space<vmem>>, vector<16xf32>,
      %add3A_483 = arith.constant 160 : i32
      %add3A_484 = arith.addi %add3A_483, %mul3A_480 : i32
      %get3A_485 = arith.index_cast %add3A_484 : i32 to index
      %get3A_486 = tpu.vector_load %arg7[%get3A_485] {strides = array<i32>} : memref<640xf32, #tpu.memory_space<vmem>>, vector<16xf32>,
      %add3A_487 = arith.constant 320 : i32
      %add3A_488 = arith.addi %add3A_487, %mul3A_480 : i32
      %get3A_489 = arith.index_cast %add3A_488 : i32 to index
      %get3A_490 = tpu.vector_load %arg7[%get3A_489] {strides = array<i32>} : memref<640xf32, #tpu.memory_space<vmem>>, vector<16xf32>,
      %add3A_491 = arith.constant 480 : i32
      %add3A_492 = arith.addi %add3A_491, %mul3A_480 : i32
      %get3A_493 = arith.index_cast %add3A_492 : i32 to index
      %get3A_494 = tpu.vector_load %arg7[%get3A_493] {strides = array<i32>} : memref<640xf32, #tpu.memory_space<vmem>>, vector<16xf32>,
      %sub3A = arith.subf %get3A_490, %get3A_482 : vector<16xf32>
      %sub3A_495 = arith.subf %get3A_494, %get3A_486 : vector<16xf32>
      %mul3A_496 = arith.mulf %sub3A, %sub3A_495 : vector<16xf32>
      %mul3A_497 = vector.broadcast %mul3A_14 : f32 to vector<16xf32>
      %mul3A_498 = arith.mulf %mul3A_496, %mul3A_497 : vector<16xf32>
      %ge3A = arith.constant 6.272000e+03 : f32
      %ge3A_499 = vector.broadcast %ge3A : f32 to vector<16xf32>
      %ge3A_500 = arith.cmpf oge, %mul3A_498, %ge3A_499 : vector<16xf32>
      %jit3A = arith.constant 0 : i32
      %broadcast_in_dim3A_501 = vector.broadcast %jit3A : i32 to vector<16xi32>
      %select_n3A = arith.select %ge3A_500, %broadcast_in_dim3A_464, %broadcast_in_dim3A_501 : vector<16xi1>, vector<16xi32>
      %ge3A_502 = arith.constant 2.508800e+04 : f32
      %ge3A_503 = vector.broadcast %ge3A_502 : f32 to vector<16xf32>
      %ge3A_504 = arith.cmpf oge, %mul3A_498, %ge3A_503 : vector<16xf32>
      %jit3A_505 = arith.constant 0 : i32
      %broadcast_in_dim3A_506 = vector.broadcast %jit3A_505 : i32 to vector<16xi32>
      %select_n3A_507 = arith.select %ge3A_504, %broadcast_in_dim3A_464, %broadcast_in_dim3A_506 : vector<16xi1>, vector<16xi32>
      %add3A_508 = arith.addi %select_n3A, %select_n3A_507 : vector<16xi32>
      %ge3A_509 = arith.constant 1.003520e+05 : f32
      %ge3A_510 = vector.broadcast %ge3A_509 : f32 to vector<16xf32>
      %ge3A_511 = arith.cmpf oge, %mul3A_498, %ge3A_510 : vector<16xf32>
      %jit3A_512 = arith.constant 0 : i32
      %broadcast_in_dim3A_513 = vector.broadcast %jit3A_512 : i32 to vector<16xi32>
      %select_n3A_514 = arith.select %ge3A_511, %broadcast_in_dim3A_464, %broadcast_in_dim3A_513 : vector<16xi1>, vector<16xi32>
      %add3A_515 = arith.addi %add3A_508, %select_n3A_514 : vector<16xi32>
      %eq3A = arith.constant 0 : i32
      %eq3A_516 = vector.broadcast %eq3A : i32 to vector<16xi32>
      %eq3A_517 = arith.cmpi eq, %add3A_515, %eq3A_516 : vector<16xi32>
      %eq3A_518 = arith.constant 1 : i32
      %eq3A_519 = vector.broadcast %eq3A_518 : i32 to vector<16xi32>
      %eq3A_520 = arith.cmpi eq, %add3A_515, %eq3A_519 : vector<16xi32>
      %eq3A_521 = arith.constant 2 : i32
      %eq3A_522 = vector.broadcast %eq3A_521 : i32 to vector<16xi32>
      %eq3A_523 = arith.cmpi eq, %add3A_515, %eq3A_522 : vector<16xi32>
      %jit3A_524 = arith.constant 6.300000e+01 : f32
      %jit3A_525 = arith.constant 3.100000e+01 : f32
      %broadcast_in_dim3A_526 = vector.broadcast %jit3A_524 : f32 to vector<16xf32>
      %broadcast_in_dim3A_527 = vector.broadcast %jit3A_525 : f32 to vector<16xf32>
      %select_n3A_528 = arith.select %eq3A_523, %broadcast_in_dim3A_526, %broadcast_in_dim3A_527 : vector<16xi1>, vector<16xf32>
      %jit3A_529 = arith.constant 1.270000e+02 : f32
      %broadcast_in_dim3A_530 = vector.broadcast %jit3A_529 : f32 to vector<16xf32>
      %select_n3A_531 = arith.select %eq3A_520, %broadcast_in_dim3A_530, %select_n3A_528 : vector<16xi1>, vector<16xf32>
      %jit3A_532 = arith.constant 2.550000e+02 : f32
      %broadcast_in_dim3A_533 = vector.broadcast %jit3A_532 : f32 to vector<16xf32>
      %select_n3A_534 = arith.select %eq3A_517, %broadcast_in_dim3A_533, %select_n3A_531 : vector<16xi1>, vector<16xf32>
      %eq3A_535 = arith.constant 0 : i32
      %eq3A_536 = vector.broadcast %eq3A_535 : i32 to vector<16xi32>
      %eq3A_537 = arith.cmpi eq, %add3A_515, %eq3A_536 : vector<16xi32>
      %eq3A_538 = arith.constant 1 : i32
      %eq3A_539 = vector.broadcast %eq3A_538 : i32 to vector<16xi32>
      %eq3A_540 = arith.cmpi eq, %add3A_515, %eq3A_539 : vector<16xi32>
      %eq3A_541 = arith.constant 2 : i32
      %eq3A_542 = vector.broadcast %eq3A_541 : i32 to vector<16xi32>
      %eq3A_543 = arith.cmpi eq, %add3A_515, %eq3A_542 : vector<16xi32>
      %jit3A_544 = arith.constant 63 : i32
      %jit3A_545 = arith.constant 31 : i32
      %broadcast_in_dim3A_546 = vector.broadcast %jit3A_544 : i32 to vector<16xi32>
      %broadcast_in_dim3A_547 = vector.broadcast %jit3A_545 : i32 to vector<16xi32>
      %select_n3A_548 = arith.select %eq3A_543, %broadcast_in_dim3A_546, %broadcast_in_dim3A_547 : vector<16xi1>, vector<16xi32>
      %jit3A_549 = arith.constant 127 : i32
      %broadcast_in_dim3A_550 = vector.broadcast %jit3A_549 : i32 to vector<16xi32>
      %select_n3A_551 = arith.select %eq3A_540, %broadcast_in_dim3A_550, %select_n3A_548 : vector<16xi1>, vector<16xi32>
      %jit3A_552 = arith.constant 255 : i32
      %broadcast_in_dim3A_553 = vector.broadcast %jit3A_552 : i32 to vector<16xi32>
      %select_n3A_554 = arith.select %eq3A_537, %broadcast_in_dim3A_553, %select_n3A_551 : vector<16xi1>, vector<16xi32>
      %add3A_555 = arith.constant 1 : i32
      %add3A_556 = vector.broadcast %add3A_555 : i32 to vector<16xi32>
      %add3A_557 = arith.addi %select_n3A_554, %add3A_556 : vector<16xi32>
      %eq3A_558 = arith.constant 0 : i32
      %eq3A_559 = vector.broadcast %eq3A_558 : i32 to vector<16xi32>
      %eq3A_560 = arith.cmpi eq, %add3A_515, %eq3A_559 : vector<16xi32>
      %eq3A_561 = arith.constant 1 : i32
      %eq3A_562 = vector.broadcast %eq3A_561 : i32 to vector<16xi32>
      %eq3A_563 = arith.cmpi eq, %add3A_515, %eq3A_562 : vector<16xi32>
      %eq3A_564 = arith.constant 2 : i32
      %eq3A_565 = vector.broadcast %eq3A_564 : i32 to vector<16xi32>
      %eq3A_566 = arith.cmpi eq, %add3A_515, %eq3A_565 : vector<16xi32>
      %jit3A_567 = arith.constant 81920 : i32
      %jit3A_568 = arith.constant 86016 : i32
      %broadcast_in_dim3A_569 = vector.broadcast %jit3A_567 : i32 to vector<16xi32>
      %broadcast_in_dim3A_570 = vector.broadcast %jit3A_568 : i32 to vector<16xi32>
      %select_n3A_571 = arith.select %eq3A_566, %broadcast_in_dim3A_569, %broadcast_in_dim3A_570 : vector<16xi1>, vector<16xi32>
      %jit3A_572 = arith.constant 65536 : i32
      %broadcast_in_dim3A_573 = vector.broadcast %jit3A_572 : i32 to vector<16xi32>
      %select_n3A_574 = arith.select %eq3A_563, %broadcast_in_dim3A_573, %select_n3A_571 : vector<16xi1>, vector<16xi32>
      %jit3A_575 = arith.constant 0 : i32
      %broadcast_in_dim3A_576 = vector.broadcast %jit3A_575 : i32 to vector<16xi32>
      %select_n3A_577 = arith.select %eq3A_560, %broadcast_in_dim3A_576, %select_n3A_574 : vector<16xi1>, vector<16xi32>
      %mul3A_578 = arith.mulf %sub3A, %select_n3A_534 : vector<16xf32>
      %mul3A_579 = arith.mulf %sub3A_495, %select_n3A_534 : vector<16xf32>
      %mul3A_580 = arith.mulf %get3A_482, %select_n3A_534 : vector<16xf32>
      %mul3A_581 = arith.mulf %get3A_486, %select_n3A_534 : vector<16xf32>
      %mul3A_582 = arith.constant 0.000000e+00 : f32
      %mul3A_583 = vector.broadcast %mul3A_582 : f32 to vector<16xf32>
      %mul3A_584 = arith.mulf %mul3A_583, %mul3A_578 : vector<16xf32>
      %add3A_585 = arith.addf %mul3A_580, %mul3A_584 : vector<16xf32>
      %convert_element_type3A = arith.fptosi %add3A_585 : vector<16xf32> to vector<16xi32>
      %convert_element_type3A_586 = arith.sitofp %convert_element_type3A : vector<16xi32> to vector<16xf32>
      %sub3A_587 = arith.subf %add3A_585, %convert_element_type3A_586 : vector<16xf32>
      %swap3A_588 = arith.constant 0 : i32
      %swap3A_589 = arith.index_cast %swap3A_588 : i32 to index
      %swap3A_590 = arith.constant 0 : index
      %swap3A_591 = tpu.vector_load %arg10[%swap3A_589, %swap3A_590] {strides = array<i32>} : memref<7x16xf32, #tpu.memory_space<vmem>>, vector<16xf32>,
      tpu.vector_store %arg10[%swap3A_589, %swap3A_590], %sub3A_587 {strides = array<i32>} : memref<7x16xf32, #tpu.memory_space<vmem>>, vector<16xf32>,
      %add3A_592 = arith.constant 1 : i32
      %add3A_593 = vector.broadcast %add3A_592 : i32 to vector<16xi32>
      %add3A_594 = arith.addi %convert_element_type3A, %add3A_593 : vector<16xi32>
      %min3A = arith.minsi %add3A_594, %select_n3A_554 : vector<16xi32>
      %mul3A_595 = arith.muli %convert_element_type3A, %add3A_557 : vector<16xi32>
      %add3A_596 = arith.addi %select_n3A_577, %mul3A_595 : vector<16xi32>
      %mul3A_597 = arith.muli %min3A, %add3A_557 : vector<16xi32>
      %add3A_598 = arith.addi %select_n3A_577, %mul3A_597 : vector<16xi32>
      %mul3A_599 = arith.constant 0.000000e+00 : f32
      %mul3A_600 = vector.broadcast %mul3A_599 : f32 to vector<16xf32>
      %mul3A_601 = arith.mulf %mul3A_600, %mul3A_579 : vector<16xf32>
      %add3A_602 = arith.addf %mul3A_581, %mul3A_601 : vector<16xf32>
      %convert_element_type3A_603 = arith.fptosi %add3A_602 : vector<16xf32> to vector<16xi32>
      %convert_element_type3A_604 = arith.sitofp %convert_element_type3A_603 : vector<16xi32> to vector<16xf32>
      %sub3A_605 = arith.subf %add3A_602, %convert_element_type3A_604 : vector<16xf32>
      %swap3A_606 = arith.constant 0 : i32
      %swap3A_607 = arith.index_cast %swap3A_606 : i32 to index
      %swap3A_608 = arith.constant 0 : index
      %swap3A_609 = tpu.vector_load %arg11[%swap3A_607, %swap3A_608] {strides = array<i32>} : memref<7x16xf32, #tpu.memory_space<vmem>>, vector<16xf32>,
      tpu.vector_store %arg11[%swap3A_607, %swap3A_608], %sub3A_605 {strides = array<i32>} : memref<7x16xf32, #tpu.memory_space<vmem>>, vector<16xf32>,
      %mul3A_610 = arith.constant 0.166666672 : f32
      %mul3A_611 = vector.broadcast %mul3A_610 : f32 to vector<16xf32>
      %mul3A_612 = arith.mulf %mul3A_611, %mul3A_578 : vector<16xf32>
      %add3A_613 = arith.addf %mul3A_580, %mul3A_612 : vector<16xf32>
      %convert_element_type3A_614 = arith.fptosi %add3A_613 : vector<16xf32> to vector<16xi32>
      %convert_element_type3A_615 = arith.sitofp %convert_element_type3A_614 : vector<16xi32> to vector<16xf32>
      %sub3A_616 = arith.subf %add3A_613, %convert_element_type3A_615 : vector<16xf32>
      %swap3A_617 = arith.constant 1 : i32
      %swap3A_618 = arith.index_cast %swap3A_617 : i32 to index
      %swap3A_619 = arith.constant 0 : index
      %swap3A_620 = tpu.vector_load %arg10[%swap3A_618, %swap3A_619] {strides = array<i32>} : memref<7x16xf32, #tpu.memory_space<vmem>>, vector<16xf32>,
      tpu.vector_store %arg10[%swap3A_618, %swap3A_619], %sub3A_616 {strides = array<i32>} : memref<7x16xf32, #tpu.memory_space<vmem>>, vector<16xf32>,
      %add3A_621 = arith.constant 1 : i32
      %add3A_622 = vector.broadcast %add3A_621 : i32 to vector<16xi32>
      %add3A_623 = arith.addi %convert_element_type3A_614, %add3A_622 : vector<16xi32>
      %min3A_624 = arith.minsi %add3A_623, %select_n3A_554 : vector<16xi32>
      %mul3A_625 = arith.muli %convert_element_type3A_614, %add3A_557 : vector<16xi32>
      %add3A_626 = arith.addi %select_n3A_577, %mul3A_625 : vector<16xi32>
      %mul3A_627 = arith.muli %min3A_624, %add3A_557 : vector<16xi32>
      %add3A_628 = arith.addi %select_n3A_577, %mul3A_627 : vector<16xi32>
      %mul3A_629 = arith.constant 0.166666672 : f32
      %mul3A_630 = vector.broadcast %mul3A_629 : f32 to vector<16xf32>
      %mul3A_631 = arith.mulf %mul3A_630, %mul3A_579 : vector<16xf32>
      %add3A_632 = arith.addf %mul3A_581, %mul3A_631 : vector<16xf32>
      %convert_element_type3A_633 = arith.fptosi %add3A_632 : vector<16xf32> to vector<16xi32>
      %convert_element_type3A_634 = arith.sitofp %convert_element_type3A_633 : vector<16xi32> to vector<16xf32>
      %sub3A_635 = arith.subf %add3A_632, %convert_element_type3A_634 : vector<16xf32>
      %swap3A_636 = arith.constant 1 : i32
      %swap3A_637 = arith.index_cast %swap3A_636 : i32 to index
      %swap3A_638 = arith.constant 0 : index
      %swap3A_639 = tpu.vector_load %arg11[%swap3A_637, %swap3A_638] {strides = array<i32>} : memref<7x16xf32, #tpu.memory_space<vmem>>, vector<16xf32>,
      tpu.vector_store %arg11[%swap3A_637, %swap3A_638], %sub3A_635 {strides = array<i32>} : memref<7x16xf32, #tpu.memory_space<vmem>>, vector<16xf32>,
      %mul3A_640 = arith.constant 0.333333343 : f32
      %mul3A_641 = vector.broadcast %mul3A_640 : f32 to vector<16xf32>
      %mul3A_642 = arith.mulf %mul3A_641, %mul3A_578 : vector<16xf32>
      %add3A_643 = arith.addf %mul3A_580, %mul3A_642 : vector<16xf32>
      %convert_element_type3A_644 = arith.fptosi %add3A_643 : vector<16xf32> to vector<16xi32>
      %convert_element_type3A_645 = arith.sitofp %convert_element_type3A_644 : vector<16xi32> to vector<16xf32>
      %sub3A_646 = arith.subf %add3A_643, %convert_element_type3A_645 : vector<16xf32>
      %swap3A_647 = arith.constant 2 : i32
      %swap3A_648 = arith.index_cast %swap3A_647 : i32 to index
      %swap3A_649 = arith.constant 0 : index
      %swap3A_650 = tpu.vector_load %arg10[%swap3A_648, %swap3A_649] {strides = array<i32>} : memref<7x16xf32, #tpu.memory_space<vmem>>, vector<16xf32>,
      tpu.vector_store %arg10[%swap3A_648, %swap3A_649], %sub3A_646 {strides = array<i32>} : memref<7x16xf32, #tpu.memory_space<vmem>>, vector<16xf32>,
      %add3A_651 = arith.constant 1 : i32
      %add3A_652 = vector.broadcast %add3A_651 : i32 to vector<16xi32>
      %add3A_653 = arith.addi %convert_element_type3A_644, %add3A_652 : vector<16xi32>
      %min3A_654 = arith.minsi %add3A_653, %select_n3A_554 : vector<16xi32>
      %mul3A_655 = arith.muli %convert_element_type3A_644, %add3A_557 : vector<16xi32>
      %add3A_656 = arith.addi %select_n3A_577, %mul3A_655 : vector<16xi32>
      %mul3A_657 = arith.muli %min3A_654, %add3A_557 : vector<16xi32>
      %add3A_658 = arith.addi %select_n3A_577, %mul3A_657 : vector<16xi32>
      %mul3A_659 = arith.constant 0.333333343 : f32
      %mul3A_660 = vector.broadcast %mul3A_659 : f32 to vector<16xf32>
      %mul3A_661 = arith.mulf %mul3A_660, %mul3A_579 : vector<16xf32>
      %add3A_662 = arith.addf %mul3A_581, %mul3A_661 : vector<16xf32>
      %convert_element_type3A_663 = arith.fptosi %add3A_662 : vector<16xf32> to vector<16xi32>
      %convert_element_type3A_664 = arith.sitofp %convert_element_type3A_663 : vector<16xi32> to vector<16xf32>
      %sub3A_665 = arith.subf %add3A_662, %convert_element_type3A_664 : vector<16xf32>
      %swap3A_666 = arith.constant 2 : i32
      %swap3A_667 = arith.index_cast %swap3A_666 : i32 to index
      %swap3A_668 = arith.constant 0 : index
      %swap3A_669 = tpu.vector_load %arg11[%swap3A_667, %swap3A_668] {strides = array<i32>} : memref<7x16xf32, #tpu.memory_space<vmem>>, vector<16xf32>,
      tpu.vector_store %arg11[%swap3A_667, %swap3A_668], %sub3A_665 {strides = array<i32>} : memref<7x16xf32, #tpu.memory_space<vmem>>, vector<16xf32>,
      %mul3A_670 = arith.constant 5.000000e-01 : f32
      %mul3A_671 = vector.broadcast %mul3A_670 : f32 to vector<16xf32>
      %mul3A_672 = arith.mulf %mul3A_671, %mul3A_578 : vector<16xf32>
      %add3A_673 = arith.addf %mul3A_580, %mul3A_672 : vector<16xf32>
      %convert_element_type3A_674 = arith.fptosi %add3A_673 : vector<16xf32> to vector<16xi32>
      %convert_element_type3A_675 = arith.sitofp %convert_element_type3A_674 : vector<16xi32> to vector<16xf32>
      %sub3A_676 = arith.subf %add3A_673, %convert_element_type3A_675 : vector<16xf32>
      %swap3A_677 = arith.constant 3 : i32
      %swap3A_678 = arith.index_cast %swap3A_677 : i32 to index
      %swap3A_679 = arith.constant 0 : index
      %swap3A_680 = tpu.vector_load %arg10[%swap3A_678, %swap3A_679] {strides = array<i32>} : memref<7x16xf32, #tpu.memory_space<vmem>>, vector<16xf32>,
      tpu.vector_store %arg10[%swap3A_678, %swap3A_679], %sub3A_676 {strides = array<i32>} : memref<7x16xf32, #tpu.memory_space<vmem>>, vector<16xf32>,
      %add3A_681 = arith.constant 1 : i32
      %add3A_682 = vector.broadcast %add3A_681 : i32 to vector<16xi32>
      %add3A_683 = arith.addi %convert_element_type3A_674, %add3A_682 : vector<16xi32>
      %min3A_684 = arith.minsi %add3A_683, %select_n3A_554 : vector<16xi32>
      %mul3A_685 = arith.muli %convert_element_type3A_674, %add3A_557 : vector<16xi32>
      %add3A_686 = arith.addi %select_n3A_577, %mul3A_685 : vector<16xi32>
      %mul3A_687 = arith.muli %min3A_684, %add3A_557 : vector<16xi32>
      %add3A_688 = arith.addi %select_n3A_577, %mul3A_687 : vector<16xi32>
      %mul3A_689 = arith.constant 5.000000e-01 : f32
      %mul3A_690 = vector.broadcast %mul3A_689 : f32 to vector<16xf32>
      %mul3A_691 = arith.mulf %mul3A_690, %mul3A_579 : vector<16xf32>
      %add3A_692 = arith.addf %mul3A_581, %mul3A_691 : vector<16xf32>
      %convert_element_type3A_693 = arith.fptosi %add3A_692 : vector<16xf32> to vector<16xi32>
      %convert_element_type3A_694 = arith.sitofp %convert_element_type3A_693 : vector<16xi32> to vector<16xf32>
      %sub3A_695 = arith.subf %add3A_692, %convert_element_type3A_694 : vector<16xf32>
      %swap3A_696 = arith.constant 3 : i32
      %swap3A_697 = arith.index_cast %swap3A_696 : i32 to index
      %swap3A_698 = arith.constant 0 : index
      %swap3A_699 = tpu.vector_load %arg11[%swap3A_697, %swap3A_698] {strides = array<i32>} : memref<7x16xf32, #tpu.memory_space<vmem>>, vector<16xf32>,
      tpu.vector_store %arg11[%swap3A_697, %swap3A_698], %sub3A_695 {strides = array<i32>} : memref<7x16xf32, #tpu.memory_space<vmem>>, vector<16xf32>,
      %mul3A_700 = arith.constant 0.666666686 : f32
      %mul3A_701 = vector.broadcast %mul3A_700 : f32 to vector<16xf32>
      %mul3A_702 = arith.mulf %mul3A_701, %mul3A_578 : vector<16xf32>
      %add3A_703 = arith.addf %mul3A_580, %mul3A_702 : vector<16xf32>
      %convert_element_type3A_704 = arith.fptosi %add3A_703 : vector<16xf32> to vector<16xi32>
      %convert_element_type3A_705 = arith.sitofp %convert_element_type3A_704 : vector<16xi32> to vector<16xf32>
      %sub3A_706 = arith.subf %add3A_703, %convert_element_type3A_705 : vector<16xf32>
      %swap3A_707 = arith.constant 4 : i32
      %swap3A_708 = arith.index_cast %swap3A_707 : i32 to index
      %swap3A_709 = arith.constant 0 : index
      %swap3A_710 = tpu.vector_load %arg10[%swap3A_708, %swap3A_709] {strides = array<i32>} : memref<7x16xf32, #tpu.memory_space<vmem>>, vector<16xf32>,
      tpu.vector_store %arg10[%swap3A_708, %swap3A_709], %sub3A_706 {strides = array<i32>} : memref<7x16xf32, #tpu.memory_space<vmem>>, vector<16xf32>,
      %add3A_711 = arith.constant 1 : i32
      %add3A_712 = vector.broadcast %add3A_711 : i32 to vector<16xi32>
      %add3A_713 = arith.addi %convert_element_type3A_704, %add3A_712 : vector<16xi32>
      %min3A_714 = arith.minsi %add3A_713, %select_n3A_554 : vector<16xi32>
      %mul3A_715 = arith.muli %convert_element_type3A_704, %add3A_557 : vector<16xi32>
      %add3A_716 = arith.addi %select_n3A_577, %mul3A_715 : vector<16xi32>
      %mul3A_717 = arith.muli %min3A_714, %add3A_557 : vector<16xi32>
      %add3A_718 = arith.addi %select_n3A_577, %mul3A_717 : vector<16xi32>
      %mul3A_719 = arith.constant 0.666666686 : f32
      %mul3A_720 = vector.broadcast %mul3A_719 : f32 to vector<16xf32>
      %mul3A_721 = arith.mulf %mul3A_720, %mul3A_579 : vector<16xf32>
      %add3A_722 = arith.addf %mul3A_581, %mul3A_721 : vector<16xf32>
      %convert_element_type3A_723 = arith.fptosi %add3A_722 : vector<16xf32> to vector<16xi32>
      %convert_element_type3A_724 = arith.sitofp %convert_element_type3A_723 : vector<16xi32> to vector<16xf32>
      %sub3A_725 = arith.subf %add3A_722, %convert_element_type3A_724 : vector<16xf32>
      %swap3A_726 = arith.constant 4 : i32
      %swap3A_727 = arith.index_cast %swap3A_726 : i32 to index
      %swap3A_728 = arith.constant 0 : index
      %swap3A_729 = tpu.vector_load %arg11[%swap3A_727, %swap3A_728] {strides = array<i32>} : memref<7x16xf32, #tpu.memory_space<vmem>>, vector<16xf32>,
      tpu.vector_store %arg11[%swap3A_727, %swap3A_728], %sub3A_725 {strides = array<i32>} : memref<7x16xf32, #tpu.memory_space<vmem>>, vector<16xf32>,
      %mul3A_730 = arith.constant 0.833333313 : f32
      %mul3A_731 = vector.broadcast %mul3A_730 : f32 to vector<16xf32>
      %mul3A_732 = arith.mulf %mul3A_731, %mul3A_578 : vector<16xf32>
      %add3A_733 = arith.addf %mul3A_580, %mul3A_732 : vector<16xf32>
      %convert_element_type3A_734 = arith.fptosi %add3A_733 : vector<16xf32> to vector<16xi32>
      %convert_element_type3A_735 = arith.sitofp %convert_element_type3A_734 : vector<16xi32> to vector<16xf32>
      %sub3A_736 = arith.subf %add3A_733, %convert_element_type3A_735 : vector<16xf32>
      %swap3A_737 = arith.constant 5 : i32
      %swap3A_738 = arith.index_cast %swap3A_737 : i32 to index
      %swap3A_739 = arith.constant 0 : index
      %swap3A_740 = tpu.vector_load %arg10[%swap3A_738, %swap3A_739] {strides = array<i32>} : memref<7x16xf32, #tpu.memory_space<vmem>>, vector<16xf32>,
      tpu.vector_store %arg10[%swap3A_738, %swap3A_739], %sub3A_736 {strides = array<i32>} : memref<7x16xf32, #tpu.memory_space<vmem>>, vector<16xf32>,
      %add3A_741 = arith.constant 1 : i32
      %add3A_742 = vector.broadcast %add3A_741 : i32 to vector<16xi32>
      %add3A_743 = arith.addi %convert_element_type3A_734, %add3A_742 : vector<16xi32>
      %min3A_744 = arith.minsi %add3A_743, %select_n3A_554 : vector<16xi32>
      %mul3A_745 = arith.muli %convert_element_type3A_734, %add3A_557 : vector<16xi32>
      %add3A_746 = arith.addi %select_n3A_577, %mul3A_745 : vector<16xi32>
      %mul3A_747 = arith.muli %min3A_744, %add3A_557 : vector<16xi32>
      %add3A_748 = arith.addi %select_n3A_577, %mul3A_747 : vector<16xi32>
      %mul3A_749 = arith.constant 0.833333313 : f32
      %mul3A_750 = vector.broadcast %mul3A_749 : f32 to vector<16xf32>
      %mul3A_751 = arith.mulf %mul3A_750, %mul3A_579 : vector<16xf32>
      %add3A_752 = arith.addf %mul3A_581, %mul3A_751 : vector<16xf32>
      %convert_element_type3A_753 = arith.fptosi %add3A_752 : vector<16xf32> to vector<16xi32>
      %convert_element_type3A_754 = arith.sitofp %convert_element_type3A_753 : vector<16xi32> to vector<16xf32>
      %sub3A_755 = arith.subf %add3A_752, %convert_element_type3A_754 : vector<16xf32>
      %swap3A_756 = arith.constant 5 : i32
      %swap3A_757 = arith.index_cast %swap3A_756 : i32 to index
      %swap3A_758 = arith.constant 0 : index
      %swap3A_759 = tpu.vector_load %arg11[%swap3A_757, %swap3A_758] {strides = array<i32>} : memref<7x16xf32, #tpu.memory_space<vmem>>, vector<16xf32>,
      tpu.vector_store %arg11[%swap3A_757, %swap3A_758], %sub3A_755 {strides = array<i32>} : memref<7x16xf32, #tpu.memory_space<vmem>>, vector<16xf32>,
      %mul3A_760 = arith.constant 1.000000e+00 : f32
      %mul3A_761 = vector.broadcast %mul3A_760 : f32 to vector<16xf32>
      %mul3A_762 = arith.mulf %mul3A_761, %mul3A_578 : vector<16xf32>
      %add3A_763 = arith.addf %mul3A_580, %mul3A_762 : vector<16xf32>
      %convert_element_type3A_764 = arith.fptosi %add3A_763 : vector<16xf32> to vector<16xi32>
      %convert_element_type3A_765 = arith.sitofp %convert_element_type3A_764 : vector<16xi32> to vector<16xf32>
      %sub3A_766 = arith.subf %add3A_763, %convert_element_type3A_765 : vector<16xf32>
      %swap3A_767 = arith.constant 6 : i32
      %swap3A_768 = arith.index_cast %swap3A_767 : i32 to index
      %swap3A_769 = arith.constant 0 : index
      %swap3A_770 = tpu.vector_load %arg10[%swap3A_768, %swap3A_769] {strides = array<i32>} : memref<7x16xf32, #tpu.memory_space<vmem>>, vector<16xf32>,
      tpu.vector_store %arg10[%swap3A_768, %swap3A_769], %sub3A_766 {strides = array<i32>} : memref<7x16xf32, #tpu.memory_space<vmem>>, vector<16xf32>,
      %add3A_771 = arith.constant 1 : i32
      %add3A_772 = vector.broadcast %add3A_771 : i32 to vector<16xi32>
      %add3A_773 = arith.addi %convert_element_type3A_764, %add3A_772 : vector<16xi32>
      %min3A_774 = arith.minsi %add3A_773, %select_n3A_554 : vector<16xi32>
      %mul3A_775 = arith.muli %convert_element_type3A_764, %add3A_557 : vector<16xi32>
      %add3A_776 = arith.addi %select_n3A_577, %mul3A_775 : vector<16xi32>
      %mul3A_777 = arith.muli %min3A_774, %add3A_557 : vector<16xi32>
      %add3A_778 = arith.addi %select_n3A_577, %mul3A_777 : vector<16xi32>
      %mul3A_779 = arith.constant 1.000000e+00 : f32
      %mul3A_780 = vector.broadcast %mul3A_779 : f32 to vector<16xf32>
      %mul3A_781 = arith.mulf %mul3A_780, %mul3A_579 : vector<16xf32>
      %add3A_782 = arith.addf %mul3A_581, %mul3A_781 : vector<16xf32>
      %convert_element_type3A_783 = arith.fptosi %add3A_782 : vector<16xf32> to vector<16xi32>
      %convert_element_type3A_784 = arith.sitofp %convert_element_type3A_783 : vector<16xi32> to vector<16xf32>
      %sub3A_785 = arith.subf %add3A_782, %convert_element_type3A_784 : vector<16xf32>
      %swap3A_786 = arith.constant 6 : i32
      %swap3A_787 = arith.index_cast %swap3A_786 : i32 to index
      %swap3A_788 = arith.constant 0 : index
      %swap3A_789 = tpu.vector_load %arg11[%swap3A_787, %swap3A_788] {strides = array<i32>} : memref<7x16xf32, #tpu.memory_space<vmem>>, vector<16xf32>,
      tpu.vector_store %arg11[%swap3A_787, %swap3A_788], %sub3A_785 {strides = array<i32>} : memref<7x16xf32, #tpu.memory_space<vmem>>, vector<16xf32>,
      %add3A_790 = arith.addi %add3A_596, %convert_element_type3A_603 : vector<16xi32>
      %add3A_791 = arith.addi %add3A_598, %convert_element_type3A_603 : vector<16xi32>
      %shift_right_arithmetic3A = arith.constant 1 : i32
      %shift_right_arithmetic3A_792 = vector.broadcast %shift_right_arithmetic3A : i32 to vector<16xi32>
      %shift_right_arithmetic3A_793 = arith.shrsi %add3A_790, %shift_right_arithmetic3A_792 : vector<16xi32>
      %and3A = arith.andi %add3A_790, %broadcast_in_dim3A_464 : vector<16xi32>
      %mul3A_794 = arith.constant 43521 : i32
      %mul3A_795 = vector.broadcast %mul3A_794 : i32 to vector<16xi32>
      %mul3A_796 = arith.muli %and3A, %mul3A_795 : vector<16xi32>
      %add3A_797 = arith.addi %shift_right_arithmetic3A_793, %mul3A_796 : vector<16xi32>
      %shift_right_arithmetic3A_798 = arith.constant 1 : i32
      %shift_right_arithmetic3A_799 = vector.broadcast %shift_right_arithmetic3A_798 : i32 to vector<16xi32>
      %shift_right_arithmetic3A_800 = arith.shrsi %add3A_791, %shift_right_arithmetic3A_799 : vector<16xi32>
      %and3A_801 = arith.andi %add3A_791, %broadcast_in_dim3A_464 : vector<16xi32>
      %mul3A_802 = arith.constant 43521 : i32
      %mul3A_803 = vector.broadcast %mul3A_802 : i32 to vector<16xi32>
      %mul3A_804 = arith.muli %and3A_801, %mul3A_803 : vector<16xi32>
      %add3A_805 = arith.addi %shift_right_arithmetic3A_800, %mul3A_804 : vector<16xi32>
      %broadcast_in_dim3A_806 = arith.constant 0 : i32
      %broadcast_in_dim3A_807 = vector.broadcast %broadcast_in_dim3A_806 : i32 to vector<16xi32>
      tpu.vector_store_idx %arg9[%iota3A, %broadcast_in_dim3A_807], %add3A_797 : memref<16x104xi32, #tpu.memory_space<vmem>>[vector<16xi32>, vector<16xi32>], vector<16xi32>,
      %broadcast_in_dim3A_808 = arith.constant 49 : i32
      %broadcast_in_dim3A_809 = vector.broadcast %broadcast_in_dim3A_808 : i32 to vector<16xi32>
      tpu.vector_store_idx %arg9[%iota3A, %broadcast_in_dim3A_809], %add3A_805 : memref<16x104xi32, #tpu.memory_space<vmem>>[vector<16xi32>, vector<16xi32>], vector<16xi32>,
      %add3A_810 = arith.addi %add3A_596, %convert_element_type3A_633 : vector<16xi32>
      %add3A_811 = arith.addi %add3A_598, %convert_element_type3A_633 : vector<16xi32>
      %shift_right_arithmetic3A_812 = arith.constant 1 : i32
      %shift_right_arithmetic3A_813 = vector.broadcast %shift_right_arithmetic3A_812 : i32 to vector<16xi32>
      %shift_right_arithmetic3A_814 = arith.shrsi %add3A_810, %shift_right_arithmetic3A_813 : vector<16xi32>
      %and3A_815 = arith.andi %add3A_810, %broadcast_in_dim3A_464 : vector<16xi32>
      %mul3A_816 = arith.constant 43521 : i32
      %mul3A_817 = vector.broadcast %mul3A_816 : i32 to vector<16xi32>
      %mul3A_818 = arith.muli %and3A_815, %mul3A_817 : vector<16xi32>
      %add3A_819 = arith.addi %shift_right_arithmetic3A_814, %mul3A_818 : vector<16xi32>
      %shift_right_arithmetic3A_820 = arith.constant 1 : i32
      %shift_right_arithmetic3A_821 = vector.broadcast %shift_right_arithmetic3A_820 : i32 to vector<16xi32>
      %shift_right_arithmetic3A_822 = arith.shrsi %add3A_811, %shift_right_arithmetic3A_821 : vector<16xi32>
      %and3A_823 = arith.andi %add3A_811, %broadcast_in_dim3A_464 : vector<16xi32>
      %mul3A_824 = arith.constant 43521 : i32
      %mul3A_825 = vector.broadcast %mul3A_824 : i32 to vector<16xi32>
      %mul3A_826 = arith.muli %and3A_823, %mul3A_825 : vector<16xi32>
      %add3A_827 = arith.addi %shift_right_arithmetic3A_822, %mul3A_826 : vector<16xi32>
      %broadcast_in_dim3A_828 = arith.constant 1 : i32
      %broadcast_in_dim3A_829 = vector.broadcast %broadcast_in_dim3A_828 : i32 to vector<16xi32>
      tpu.vector_store_idx %arg9[%iota3A, %broadcast_in_dim3A_829], %add3A_819 : memref<16x104xi32, #tpu.memory_space<vmem>>[vector<16xi32>, vector<16xi32>], vector<16xi32>,
      %broadcast_in_dim3A_830 = arith.constant 50 : i32
      %broadcast_in_dim3A_831 = vector.broadcast %broadcast_in_dim3A_830 : i32 to vector<16xi32>
      tpu.vector_store_idx %arg9[%iota3A, %broadcast_in_dim3A_831], %add3A_827 : memref<16x104xi32, #tpu.memory_space<vmem>>[vector<16xi32>, vector<16xi32>], vector<16xi32>,
      %add3A_832 = arith.addi %add3A_596, %convert_element_type3A_663 : vector<16xi32>
      %add3A_833 = arith.addi %add3A_598, %convert_element_type3A_663 : vector<16xi32>
      %shift_right_arithmetic3A_834 = arith.constant 1 : i32
      %shift_right_arithmetic3A_835 = vector.broadcast %shift_right_arithmetic3A_834 : i32 to vector<16xi32>
      %shift_right_arithmetic3A_836 = arith.shrsi %add3A_832, %shift_right_arithmetic3A_835 : vector<16xi32>
      %and3A_837 = arith.andi %add3A_832, %broadcast_in_dim3A_464 : vector<16xi32>
      %mul3A_838 = arith.constant 43521 : i32
      %mul3A_839 = vector.broadcast %mul3A_838 : i32 to vector<16xi32>
      %mul3A_840 = arith.muli %and3A_837, %mul3A_839 : vector<16xi32>
      %add3A_841 = arith.addi %shift_right_arithmetic3A_836, %mul3A_840 : vector<16xi32>
      %shift_right_arithmetic3A_842 = arith.constant 1 : i32
      %shift_right_arithmetic3A_843 = vector.broadcast %shift_right_arithmetic3A_842 : i32 to vector<16xi32>
      %shift_right_arithmetic3A_844 = arith.shrsi %add3A_833, %shift_right_arithmetic3A_843 : vector<16xi32>
      %and3A_845 = arith.andi %add3A_833, %broadcast_in_dim3A_464 : vector<16xi32>
      %mul3A_846 = arith.constant 43521 : i32
      %mul3A_847 = vector.broadcast %mul3A_846 : i32 to vector<16xi32>
      %mul3A_848 = arith.muli %and3A_845, %mul3A_847 : vector<16xi32>
      %add3A_849 = arith.addi %shift_right_arithmetic3A_844, %mul3A_848 : vector<16xi32>
      %broadcast_in_dim3A_850 = arith.constant 2 : i32
      %broadcast_in_dim3A_851 = vector.broadcast %broadcast_in_dim3A_850 : i32 to vector<16xi32>
      tpu.vector_store_idx %arg9[%iota3A, %broadcast_in_dim3A_851], %add3A_841 : memref<16x104xi32, #tpu.memory_space<vmem>>[vector<16xi32>, vector<16xi32>], vector<16xi32>,
      %broadcast_in_dim3A_852 = arith.constant 51 : i32
      %broadcast_in_dim3A_853 = vector.broadcast %broadcast_in_dim3A_852 : i32 to vector<16xi32>
      tpu.vector_store_idx %arg9[%iota3A, %broadcast_in_dim3A_853], %add3A_849 : memref<16x104xi32, #tpu.memory_space<vmem>>[vector<16xi32>, vector<16xi32>], vector<16xi32>,
      %add3A_854 = arith.addi %add3A_596, %convert_element_type3A_693 : vector<16xi32>
      %add3A_855 = arith.addi %add3A_598, %convert_element_type3A_693 : vector<16xi32>
      %shift_right_arithmetic3A_856 = arith.constant 1 : i32
      %shift_right_arithmetic3A_857 = vector.broadcast %shift_right_arithmetic3A_856 : i32 to vector<16xi32>
      %shift_right_arithmetic3A_858 = arith.shrsi %add3A_854, %shift_right_arithmetic3A_857 : vector<16xi32>
      %and3A_859 = arith.andi %add3A_854, %broadcast_in_dim3A_464 : vector<16xi32>
      %mul3A_860 = arith.constant 43521 : i32
      %mul3A_861 = vector.broadcast %mul3A_860 : i32 to vector<16xi32>
      %mul3A_862 = arith.muli %and3A_859, %mul3A_861 : vector<16xi32>
      %add3A_863 = arith.addi %shift_right_arithmetic3A_858, %mul3A_862 : vector<16xi32>
      %shift_right_arithmetic3A_864 = arith.constant 1 : i32
      %shift_right_arithmetic3A_865 = vector.broadcast %shift_right_arithmetic3A_864 : i32 to vector<16xi32>
      %shift_right_arithmetic3A_866 = arith.shrsi %add3A_855, %shift_right_arithmetic3A_865 : vector<16xi32>
      %and3A_867 = arith.andi %add3A_855, %broadcast_in_dim3A_464 : vector<16xi32>
      %mul3A_868 = arith.constant 43521 : i32
      %mul3A_869 = vector.broadcast %mul3A_868 : i32 to vector<16xi32>
      %mul3A_870 = arith.muli %and3A_867, %mul3A_869 : vector<16xi32>
      %add3A_871 = arith.addi %shift_right_arithmetic3A_866, %mul3A_870 : vector<16xi32>
      %broadcast_in_dim3A_872 = arith.constant 3 : i32
      %broadcast_in_dim3A_873 = vector.broadcast %broadcast_in_dim3A_872 : i32 to vector<16xi32>
      tpu.vector_store_idx %arg9[%iota3A, %broadcast_in_dim3A_873], %add3A_863 : memref<16x104xi32, #tpu.memory_space<vmem>>[vector<16xi32>, vector<16xi32>], vector<16xi32>,
      %broadcast_in_dim3A_874 = arith.constant 52 : i32
      %broadcast_in_dim3A_875 = vector.broadcast %broadcast_in_dim3A_874 : i32 to vector<16xi32>
      tpu.vector_store_idx %arg9[%iota3A, %broadcast_in_dim3A_875], %add3A_871 : memref<16x104xi32, #tpu.memory_space<vmem>>[vector<16xi32>, vector<16xi32>], vector<16xi32>,
      %add3A_876 = arith.addi %add3A_596, %convert_element_type3A_723 : vector<16xi32>
      %add3A_877 = arith.addi %add3A_598, %convert_element_type3A_723 : vector<16xi32>
      %shift_right_arithmetic3A_878 = arith.constant 1 : i32
      %shift_right_arithmetic3A_879 = vector.broadcast %shift_right_arithmetic3A_878 : i32 to vector<16xi32>
      %shift_right_arithmetic3A_880 = arith.shrsi %add3A_876, %shift_right_arithmetic3A_879 : vector<16xi32>
      %and3A_881 = arith.andi %add3A_876, %broadcast_in_dim3A_464 : vector<16xi32>
      %mul3A_882 = arith.constant 43521 : i32
      %mul3A_883 = vector.broadcast %mul3A_882 : i32 to vector<16xi32>
      %mul3A_884 = arith.muli %and3A_881, %mul3A_883 : vector<16xi32>
      %add3A_885 = arith.addi %shift_right_arithmetic3A_880, %mul3A_884 : vector<16xi32>
      %shift_right_arithmetic3A_886 = arith.constant 1 : i32
      %shift_right_arithmetic3A_887 = vector.broadcast %shift_right_arithmetic3A_886 : i32 to vector<16xi32>
      %shift_right_arithmetic3A_888 = arith.shrsi %add3A_877, %shift_right_arithmetic3A_887 : vector<16xi32>
      %and3A_889 = arith.andi %add3A_877, %broadcast_in_dim3A_464 : vector<16xi32>
      %mul3A_890 = arith.constant 43521 : i32
      %mul3A_891 = vector.broadcast %mul3A_890 : i32 to vector<16xi32>
      %mul3A_892 = arith.muli %and3A_889, %mul3A_891 : vector<16xi32>
      %add3A_893 = arith.addi %shift_right_arithmetic3A_888, %mul3A_892 : vector<16xi32>
      %broadcast_in_dim3A_894 = arith.constant 4 : i32
      %broadcast_in_dim3A_895 = vector.broadcast %broadcast_in_dim3A_894 : i32 to vector<16xi32>
      tpu.vector_store_idx %arg9[%iota3A, %broadcast_in_dim3A_895], %add3A_885 : memref<16x104xi32, #tpu.memory_space<vmem>>[vector<16xi32>, vector<16xi32>], vector<16xi32>,
      %broadcast_in_dim3A_896 = arith.constant 53 : i32
      %broadcast_in_dim3A_897 = vector.broadcast %broadcast_in_dim3A_896 : i32 to vector<16xi32>
      tpu.vector_store_idx %arg9[%iota3A, %broadcast_in_dim3A_897], %add3A_893 : memref<16x104xi32, #tpu.memory_space<vmem>>[vector<16xi32>, vector<16xi32>], vector<16xi32>,
      %add3A_898 = arith.addi %add3A_596, %convert_element_type3A_753 : vector<16xi32>
      %add3A_899 = arith.addi %add3A_598, %convert_element_type3A_753 : vector<16xi32>
      %shift_right_arithmetic3A_900 = arith.constant 1 : i32
      %shift_right_arithmetic3A_901 = vector.broadcast %shift_right_arithmetic3A_900 : i32 to vector<16xi32>
      %shift_right_arithmetic3A_902 = arith.shrsi %add3A_898, %shift_right_arithmetic3A_901 : vector<16xi32>
      %and3A_903 = arith.andi %add3A_898, %broadcast_in_dim3A_464 : vector<16xi32>
      %mul3A_904 = arith.constant 43521 : i32
      %mul3A_905 = vector.broadcast %mul3A_904 : i32 to vector<16xi32>
      %mul3A_906 = arith.muli %and3A_903, %mul3A_905 : vector<16xi32>
      %add3A_907 = arith.addi %shift_right_arithmetic3A_902, %mul3A_906 : vector<16xi32>
      %shift_right_arithmetic3A_908 = arith.constant 1 : i32
      %shift_right_arithmetic3A_909 = vector.broadcast %shift_right_arithmetic3A_908 : i32 to vector<16xi32>
      %shift_right_arithmetic3A_910 = arith.shrsi %add3A_899, %shift_right_arithmetic3A_909 : vector<16xi32>
      %and3A_911 = arith.andi %add3A_899, %broadcast_in_dim3A_464 : vector<16xi32>
      %mul3A_912 = arith.constant 43521 : i32
      %mul3A_913 = vector.broadcast %mul3A_912 : i32 to vector<16xi32>
      %mul3A_914 = arith.muli %and3A_911, %mul3A_913 : vector<16xi32>
      %add3A_915 = arith.addi %shift_right_arithmetic3A_910, %mul3A_914 : vector<16xi32>
      %broadcast_in_dim3A_916 = arith.constant 5 : i32
      %broadcast_in_dim3A_917 = vector.broadcast %broadcast_in_dim3A_916 : i32 to vector<16xi32>
      tpu.vector_store_idx %arg9[%iota3A, %broadcast_in_dim3A_917], %add3A_907 : memref<16x104xi32, #tpu.memory_space<vmem>>[vector<16xi32>, vector<16xi32>], vector<16xi32>,
      %broadcast_in_dim3A_918 = arith.constant 54 : i32
      %broadcast_in_dim3A_919 = vector.broadcast %broadcast_in_dim3A_918 : i32 to vector<16xi32>
      tpu.vector_store_idx %arg9[%iota3A, %broadcast_in_dim3A_919], %add3A_915 : memref<16x104xi32, #tpu.memory_space<vmem>>[vector<16xi32>, vector<16xi32>], vector<16xi32>,
      %add3A_920 = arith.addi %add3A_596, %convert_element_type3A_783 : vector<16xi32>
      %add3A_921 = arith.addi %add3A_598, %convert_element_type3A_783 : vector<16xi32>
      %shift_right_arithmetic3A_922 = arith.constant 1 : i32
      %shift_right_arithmetic3A_923 = vector.broadcast %shift_right_arithmetic3A_922 : i32 to vector<16xi32>
      %shift_right_arithmetic3A_924 = arith.shrsi %add3A_920, %shift_right_arithmetic3A_923 : vector<16xi32>
      %and3A_925 = arith.andi %add3A_920, %broadcast_in_dim3A_464 : vector<16xi32>
      %mul3A_926 = arith.constant 43521 : i32
      %mul3A_927 = vector.broadcast %mul3A_926 : i32 to vector<16xi32>
      %mul3A_928 = arith.muli %and3A_925, %mul3A_927 : vector<16xi32>
      %add3A_929 = arith.addi %shift_right_arithmetic3A_924, %mul3A_928 : vector<16xi32>
      %shift_right_arithmetic3A_930 = arith.constant 1 : i32
      %shift_right_arithmetic3A_931 = vector.broadcast %shift_right_arithmetic3A_930 : i32 to vector<16xi32>
      %shift_right_arithmetic3A_932 = arith.shrsi %add3A_921, %shift_right_arithmetic3A_931 : vector<16xi32>
      %and3A_933 = arith.andi %add3A_921, %broadcast_in_dim3A_464 : vector<16xi32>
      %mul3A_934 = arith.constant 43521 : i32
      %mul3A_935 = vector.broadcast %mul3A_934 : i32 to vector<16xi32>
      %mul3A_936 = arith.muli %and3A_933, %mul3A_935 : vector<16xi32>
      %add3A_937 = arith.addi %shift_right_arithmetic3A_932, %mul3A_936 : vector<16xi32>
      %broadcast_in_dim3A_938 = arith.constant 6 : i32
      %broadcast_in_dim3A_939 = vector.broadcast %broadcast_in_dim3A_938 : i32 to vector<16xi32>
      tpu.vector_store_idx %arg9[%iota3A, %broadcast_in_dim3A_939], %add3A_929 : memref<16x104xi32, #tpu.memory_space<vmem>>[vector<16xi32>, vector<16xi32>], vector<16xi32>,
      %broadcast_in_dim3A_940 = arith.constant 55 : i32
      %broadcast_in_dim3A_941 = vector.broadcast %broadcast_in_dim3A_940 : i32 to vector<16xi32>
      tpu.vector_store_idx %arg9[%iota3A, %broadcast_in_dim3A_941], %add3A_937 : memref<16x104xi32, #tpu.memory_space<vmem>>[vector<16xi32>, vector<16xi32>], vector<16xi32>,
      %add3A_942 = arith.addi %add3A_626, %convert_element_type3A_603 : vector<16xi32>
      %add3A_943 = arith.addi %add3A_628, %convert_element_type3A_603 : vector<16xi32>
      %shift_right_arithmetic3A_944 = arith.constant 1 : i32
      %shift_right_arithmetic3A_945 = vector.broadcast %shift_right_arithmetic3A_944 : i32 to vector<16xi32>
      %shift_right_arithmetic3A_946 = arith.shrsi %add3A_942, %shift_right_arithmetic3A_945 : vector<16xi32>
      %and3A_947 = arith.andi %add3A_942, %broadcast_in_dim3A_464 : vector<16xi32>
      %mul3A_948 = arith.constant 43521 : i32
      %mul3A_949 = vector.broadcast %mul3A_948 : i32 to vector<16xi32>
      %mul3A_950 = arith.muli %and3A_947, %mul3A_949 : vector<16xi32>
      %add3A_951 = arith.addi %shift_right_arithmetic3A_946, %mul3A_950 : vector<16xi32>
      %shift_right_arithmetic3A_952 = arith.constant 1 : i32
      %shift_right_arithmetic3A_953 = vector.broadcast %shift_right_arithmetic3A_952 : i32 to vector<16xi32>
      %shift_right_arithmetic3A_954 = arith.shrsi %add3A_943, %shift_right_arithmetic3A_953 : vector<16xi32>
      %and3A_955 = arith.andi %add3A_943, %broadcast_in_dim3A_464 : vector<16xi32>
      %mul3A_956 = arith.constant 43521 : i32
      %mul3A_957 = vector.broadcast %mul3A_956 : i32 to vector<16xi32>
      %mul3A_958 = arith.muli %and3A_955, %mul3A_957 : vector<16xi32>
      %add3A_959 = arith.addi %shift_right_arithmetic3A_954, %mul3A_958 : vector<16xi32>
      %broadcast_in_dim3A_960 = arith.constant 7 : i32
      %broadcast_in_dim3A_961 = vector.broadcast %broadcast_in_dim3A_960 : i32 to vector<16xi32>
      tpu.vector_store_idx %arg9[%iota3A, %broadcast_in_dim3A_961], %add3A_951 : memref<16x104xi32, #tpu.memory_space<vmem>>[vector<16xi32>, vector<16xi32>], vector<16xi32>,
      %broadcast_in_dim3A_962 = arith.constant 56 : i32
      %broadcast_in_dim3A_963 = vector.broadcast %broadcast_in_dim3A_962 : i32 to vector<16xi32>
      tpu.vector_store_idx %arg9[%iota3A, %broadcast_in_dim3A_963], %add3A_959 : memref<16x104xi32, #tpu.memory_space<vmem>>[vector<16xi32>, vector<16xi32>], vector<16xi32>,
      %add3A_964 = arith.addi %add3A_626, %convert_element_type3A_633 : vector<16xi32>
      %add3A_965 = arith.addi %add3A_628, %convert_element_type3A_633 : vector<16xi32>
      %shift_right_arithmetic3A_966 = arith.constant 1 : i32
      %shift_right_arithmetic3A_967 = vector.broadcast %shift_right_arithmetic3A_966 : i32 to vector<16xi32>
      %shift_right_arithmetic3A_968 = arith.shrsi %add3A_964, %shift_right_arithmetic3A_967 : vector<16xi32>
      %and3A_969 = arith.andi %add3A_964, %broadcast_in_dim3A_464 : vector<16xi32>
      %mul3A_970 = arith.constant 43521 : i32
      %mul3A_971 = vector.broadcast %mul3A_970 : i32 to vector<16xi32>
      %mul3A_972 = arith.muli %and3A_969, %mul3A_971 : vector<16xi32>
      %add3A_973 = arith.addi %shift_right_arithmetic3A_968, %mul3A_972 : vector<16xi32>
      %shift_right_arithmetic3A_974 = arith.constant 1 : i32
      %shift_right_arithmetic3A_975 = vector.broadcast %shift_right_arithmetic3A_974 : i32 to vector<16xi32>
      %shift_right_arithmetic3A_976 = arith.shrsi %add3A_965, %shift_right_arithmetic3A_975 : vector<16xi32>
      %and3A_977 = arith.andi %add3A_965, %broadcast_in_dim3A_464 : vector<16xi32>
      %mul3A_978 = arith.constant 43521 : i32
      %mul3A_979 = vector.broadcast %mul3A_978 : i32 to vector<16xi32>
      %mul3A_980 = arith.muli %and3A_977, %mul3A_979 : vector<16xi32>
      %add3A_981 = arith.addi %shift_right_arithmetic3A_976, %mul3A_980 : vector<16xi32>
      %broadcast_in_dim3A_982 = arith.constant 8 : i32
      %broadcast_in_dim3A_983 = vector.broadcast %broadcast_in_dim3A_982 : i32 to vector<16xi32>
      tpu.vector_store_idx %arg9[%iota3A, %broadcast_in_dim3A_983], %add3A_973 : memref<16x104xi32, #tpu.memory_space<vmem>>[vector<16xi32>, vector<16xi32>], vector<16xi32>,
      %broadcast_in_dim3A_984 = arith.constant 57 : i32
      %broadcast_in_dim3A_985 = vector.broadcast %broadcast_in_dim3A_984 : i32 to vector<16xi32>
      tpu.vector_store_idx %arg9[%iota3A, %broadcast_in_dim3A_985], %add3A_981 : memref<16x104xi32, #tpu.memory_space<vmem>>[vector<16xi32>, vector<16xi32>], vector<16xi32>,
      %add3A_986 = arith.addi %add3A_626, %convert_element_type3A_663 : vector<16xi32>
      %add3A_987 = arith.addi %add3A_628, %convert_element_type3A_663 : vector<16xi32>
      %shift_right_arithmetic3A_988 = arith.constant 1 : i32
      %shift_right_arithmetic3A_989 = vector.broadcast %shift_right_arithmetic3A_988 : i32 to vector<16xi32>
      %shift_right_arithmetic3A_990 = arith.shrsi %add3A_986, %shift_right_arithmetic3A_989 : vector<16xi32>
      %and3A_991 = arith.andi %add3A_986, %broadcast_in_dim3A_464 : vector<16xi32>
      %mul3A_992 = arith.constant 43521 : i32
      %mul3A_993 = vector.broadcast %mul3A_992 : i32 to vector<16xi32>
      %mul3A_994 = arith.muli %and3A_991, %mul3A_993 : vector<16xi32>
      %add3A_995 = arith.addi %shift_right_arithmetic3A_990, %mul3A_994 : vector<16xi32>
      %shift_right_arithmetic3A_996 = arith.constant 1 : i32
      %shift_right_arithmetic3A_997 = vector.broadcast %shift_right_arithmetic3A_996 : i32 to vector<16xi32>
      %shift_right_arithmetic3A_998 = arith.shrsi %add3A_987, %shift_right_arithmetic3A_997 : vector<16xi32>
      %and3A_999 = arith.andi %add3A_987, %broadcast_in_dim3A_464 : vector<16xi32>
      %mul3A_1000 = arith.constant 43521 : i32
      %mul3A_1001 = vector.broadcast %mul3A_1000 : i32 to vector<16xi32>
      %mul3A_1002 = arith.muli %and3A_999, %mul3A_1001 : vector<16xi32>
      %add3A_1003 = arith.addi %shift_right_arithmetic3A_998, %mul3A_1002 : vector<16xi32>
      %broadcast_in_dim3A_1004 = arith.constant 9 : i32
      %broadcast_in_dim3A_1005 = vector.broadcast %broadcast_in_dim3A_1004 : i32 to vector<16xi32>
      tpu.vector_store_idx %arg9[%iota3A, %broadcast_in_dim3A_1005], %add3A_995 : memref<16x104xi32, #tpu.memory_space<vmem>>[vector<16xi32>, vector<16xi32>], vector<16xi32>,
      %broadcast_in_dim3A_1006 = arith.constant 58 : i32
      %broadcast_in_dim3A_1007 = vector.broadcast %broadcast_in_dim3A_1006 : i32 to vector<16xi32>
      tpu.vector_store_idx %arg9[%iota3A, %broadcast_in_dim3A_1007], %add3A_1003 : memref<16x104xi32, #tpu.memory_space<vmem>>[vector<16xi32>, vector<16xi32>], vector<16xi32>,
      %add3A_1008 = arith.addi %add3A_626, %convert_element_type3A_693 : vector<16xi32>
      %add3A_1009 = arith.addi %add3A_628, %convert_element_type3A_693 : vector<16xi32>
      %shift_right_arithmetic3A_1010 = arith.constant 1 : i32
      %shift_right_arithmetic3A_1011 = vector.broadcast %shift_right_arithmetic3A_1010 : i32 to vector<16xi32>
      %shift_right_arithmetic3A_1012 = arith.shrsi %add3A_1008, %shift_right_arithmetic3A_1011 : vector<16xi32>
      %and3A_1013 = arith.andi %add3A_1008, %broadcast_in_dim3A_464 : vector<16xi32>
      %mul3A_1014 = arith.constant 43521 : i32
      %mul3A_1015 = vector.broadcast %mul3A_1014 : i32 to vector<16xi32>
      %mul3A_1016 = arith.muli %and3A_1013, %mul3A_1015 : vector<16xi32>
      %add3A_1017 = arith.addi %shift_right_arithmetic3A_1012, %mul3A_1016 : vector<16xi32>
      %shift_right_arithmetic3A_1018 = arith.constant 1 : i32
      %shift_right_arithmetic3A_1019 = vector.broadcast %shift_right_arithmetic3A_1018 : i32 to vector<16xi32>
      %shift_right_arithmetic3A_1020 = arith.shrsi %add3A_1009, %shift_right_arithmetic3A_1019 : vector<16xi32>
      %and3A_1021 = arith.andi %add3A_1009, %broadcast_in_dim3A_464 : vector<16xi32>
      %mul3A_1022 = arith.constant 43521 : i32
      %mul3A_1023 = vector.broadcast %mul3A_1022 : i32 to vector<16xi32>
      %mul3A_1024 = arith.muli %and3A_1021, %mul3A_1023 : vector<16xi32>
      %add3A_1025 = arith.addi %shift_right_arithmetic3A_1020, %mul3A_1024 : vector<16xi32>
      %broadcast_in_dim3A_1026 = arith.constant 10 : i32
      %broadcast_in_dim3A_1027 = vector.broadcast %broadcast_in_dim3A_1026 : i32 to vector<16xi32>
      tpu.vector_store_idx %arg9[%iota3A, %broadcast_in_dim3A_1027], %add3A_1017 : memref<16x104xi32, #tpu.memory_space<vmem>>[vector<16xi32>, vector<16xi32>], vector<16xi32>,
      %broadcast_in_dim3A_1028 = arith.constant 59 : i32
      %broadcast_in_dim3A_1029 = vector.broadcast %broadcast_in_dim3A_1028 : i32 to vector<16xi32>
      tpu.vector_store_idx %arg9[%iota3A, %broadcast_in_dim3A_1029], %add3A_1025 : memref<16x104xi32, #tpu.memory_space<vmem>>[vector<16xi32>, vector<16xi32>], vector<16xi32>,
      %add3A_1030 = arith.addi %add3A_626, %convert_element_type3A_723 : vector<16xi32>
      %add3A_1031 = arith.addi %add3A_628, %convert_element_type3A_723 : vector<16xi32>
      %shift_right_arithmetic3A_1032 = arith.constant 1 : i32
      %shift_right_arithmetic3A_1033 = vector.broadcast %shift_right_arithmetic3A_1032 : i32 to vector<16xi32>
      %shift_right_arithmetic3A_1034 = arith.shrsi %add3A_1030, %shift_right_arithmetic3A_1033 : vector<16xi32>
      %and3A_1035 = arith.andi %add3A_1030, %broadcast_in_dim3A_464 : vector<16xi32>
      %mul3A_1036 = arith.constant 43521 : i32
      %mul3A_1037 = vector.broadcast %mul3A_1036 : i32 to vector<16xi32>
      %mul3A_1038 = arith.muli %and3A_1035, %mul3A_1037 : vector<16xi32>
      %add3A_1039 = arith.addi %shift_right_arithmetic3A_1034, %mul3A_1038 : vector<16xi32>
      %shift_right_arithmetic3A_1040 = arith.constant 1 : i32
      %shift_right_arithmetic3A_1041 = vector.broadcast %shift_right_arithmetic3A_1040 : i32 to vector<16xi32>
      %shift_right_arithmetic3A_1042 = arith.shrsi %add3A_1031, %shift_right_arithmetic3A_1041 : vector<16xi32>
      %and3A_1043 = arith.andi %add3A_1031, %broadcast_in_dim3A_464 : vector<16xi32>
      %mul3A_1044 = arith.constant 43521 : i32
      %mul3A_1045 = vector.broadcast %mul3A_1044 : i32 to vector<16xi32>
      %mul3A_1046 = arith.muli %and3A_1043, %mul3A_1045 : vector<16xi32>
      %add3A_1047 = arith.addi %shift_right_arithmetic3A_1042, %mul3A_1046 : vector<16xi32>
      %broadcast_in_dim3A_1048 = arith.constant 11 : i32
      %broadcast_in_dim3A_1049 = vector.broadcast %broadcast_in_dim3A_1048 : i32 to vector<16xi32>
      tpu.vector_store_idx %arg9[%iota3A, %broadcast_in_dim3A_1049], %add3A_1039 : memref<16x104xi32, #tpu.memory_space<vmem>>[vector<16xi32>, vector<16xi32>], vector<16xi32>,
      %broadcast_in_dim3A_1050 = arith.constant 60 : i32
      %broadcast_in_dim3A_1051 = vector.broadcast %broadcast_in_dim3A_1050 : i32 to vector<16xi32>
      tpu.vector_store_idx %arg9[%iota3A, %broadcast_in_dim3A_1051], %add3A_1047 : memref<16x104xi32, #tpu.memory_space<vmem>>[vector<16xi32>, vector<16xi32>], vector<16xi32>,
      %add3A_1052 = arith.addi %add3A_626, %convert_element_type3A_753 : vector<16xi32>
      %add3A_1053 = arith.addi %add3A_628, %convert_element_type3A_753 : vector<16xi32>
      %shift_right_arithmetic3A_1054 = arith.constant 1 : i32
      %shift_right_arithmetic3A_1055 = vector.broadcast %shift_right_arithmetic3A_1054 : i32 to vector<16xi32>
      %shift_right_arithmetic3A_1056 = arith.shrsi %add3A_1052, %shift_right_arithmetic3A_1055 : vector<16xi32>
      %and3A_1057 = arith.andi %add3A_1052, %broadcast_in_dim3A_464 : vector<16xi32>
      %mul3A_1058 = arith.constant 43521 : i32
      %mul3A_1059 = vector.broadcast %mul3A_1058 : i32 to vector<16xi32>
      %mul3A_1060 = arith.muli %and3A_1057, %mul3A_1059 : vector<16xi32>
      %add3A_1061 = arith.addi %shift_right_arithmetic3A_1056, %mul3A_1060 : vector<16xi32>
      %shift_right_arithmetic3A_1062 = arith.constant 1 : i32
      %shift_right_arithmetic3A_1063 = vector.broadcast %shift_right_arithmetic3A_1062 : i32 to vector<16xi32>
      %shift_right_arithmetic3A_1064 = arith.shrsi %add3A_1053, %shift_right_arithmetic3A_1063 : vector<16xi32>
      %and3A_1065 = arith.andi %add3A_1053, %broadcast_in_dim3A_464 : vector<16xi32>
      %mul3A_1066 = arith.constant 43521 : i32
      %mul3A_1067 = vector.broadcast %mul3A_1066 : i32 to vector<16xi32>
      %mul3A_1068 = arith.muli %and3A_1065, %mul3A_1067 : vector<16xi32>
      %add3A_1069 = arith.addi %shift_right_arithmetic3A_1064, %mul3A_1068 : vector<16xi32>
      %broadcast_in_dim3A_1070 = arith.constant 12 : i32
      %broadcast_in_dim3A_1071 = vector.broadcast %broadcast_in_dim3A_1070 : i32 to vector<16xi32>
      tpu.vector_store_idx %arg9[%iota3A, %broadcast_in_dim3A_1071], %add3A_1061 : memref<16x104xi32, #tpu.memory_space<vmem>>[vector<16xi32>, vector<16xi32>], vector<16xi32>,
      %broadcast_in_dim3A_1072 = arith.constant 61 : i32
      %broadcast_in_dim3A_1073 = vector.broadcast %broadcast_in_dim3A_1072 : i32 to vector<16xi32>
      tpu.vector_store_idx %arg9[%iota3A, %broadcast_in_dim3A_1073], %add3A_1069 : memref<16x104xi32, #tpu.memory_space<vmem>>[vector<16xi32>, vector<16xi32>], vector<16xi32>,
      %add3A_1074 = arith.addi %add3A_626, %convert_element_type3A_783 : vector<16xi32>
      %add3A_1075 = arith.addi %add3A_628, %convert_element_type3A_783 : vector<16xi32>
      %shift_right_arithmetic3A_1076 = arith.constant 1 : i32
      %shift_right_arithmetic3A_1077 = vector.broadcast %shift_right_arithmetic3A_1076 : i32 to vector<16xi32>
      %shift_right_arithmetic3A_1078 = arith.shrsi %add3A_1074, %shift_right_arithmetic3A_1077 : vector<16xi32>
      %and3A_1079 = arith.andi %add3A_1074, %broadcast_in_dim3A_464 : vector<16xi32>
      %mul3A_1080 = arith.constant 43521 : i32
      %mul3A_1081 = vector.broadcast %mul3A_1080 : i32 to vector<16xi32>
      %mul3A_1082 = arith.muli %and3A_1079, %mul3A_1081 : vector<16xi32>
      %add3A_1083 = arith.addi %shift_right_arithmetic3A_1078, %mul3A_1082 : vector<16xi32>
      %shift_right_arithmetic3A_1084 = arith.constant 1 : i32
      %shift_right_arithmetic3A_1085 = vector.broadcast %shift_right_arithmetic3A_1084 : i32 to vector<16xi32>
      %shift_right_arithmetic3A_1086 = arith.shrsi %add3A_1075, %shift_right_arithmetic3A_1085 : vector<16xi32>
      %and3A_1087 = arith.andi %add3A_1075, %broadcast_in_dim3A_464 : vector<16xi32>
      %mul3A_1088 = arith.constant 43521 : i32
      %mul3A_1089 = vector.broadcast %mul3A_1088 : i32 to vector<16xi32>
      %mul3A_1090 = arith.muli %and3A_1087, %mul3A_1089 : vector<16xi32>
      %add3A_1091 = arith.addi %shift_right_arithmetic3A_1086, %mul3A_1090 : vector<16xi32>
      %broadcast_in_dim3A_1092 = arith.constant 13 : i32
      %broadcast_in_dim3A_1093 = vector.broadcast %broadcast_in_dim3A_1092 : i32 to vector<16xi32>
      tpu.vector_store_idx %arg9[%iota3A, %broadcast_in_dim3A_1093], %add3A_1083 : memref<16x104xi32, #tpu.memory_space<vmem>>[vector<16xi32>, vector<16xi32>], vector<16xi32>,
      %broadcast_in_dim3A_1094 = arith.constant 62 : i32
      %broadcast_in_dim3A_1095 = vector.broadcast %broadcast_in_dim3A_1094 : i32 to vector<16xi32>
      tpu.vector_store_idx %arg9[%iota3A, %broadcast_in_dim3A_1095], %add3A_1091 : memref<16x104xi32, #tpu.memory_space<vmem>>[vector<16xi32>, vector<16xi32>], vector<16xi32>,
      %add3A_1096 = arith.addi %add3A_656, %convert_element_type3A_603 : vector<16xi32>
      %add3A_1097 = arith.addi %add3A_658, %convert_element_type3A_603 : vector<16xi32>
      %shift_right_arithmetic3A_1098 = arith.constant 1 : i32
      %shift_right_arithmetic3A_1099 = vector.broadcast %shift_right_arithmetic3A_1098 : i32 to vector<16xi32>
      %shift_right_arithmetic3A_1100 = arith.shrsi %add3A_1096, %shift_right_arithmetic3A_1099 : vector<16xi32>
      %and3A_1101 = arith.andi %add3A_1096, %broadcast_in_dim3A_464 : vector<16xi32>
      %mul3A_1102 = arith.constant 43521 : i32
      %mul3A_1103 = vector.broadcast %mul3A_1102 : i32 to vector<16xi32>
      %mul3A_1104 = arith.muli %and3A_1101, %mul3A_1103 : vector<16xi32>
      %add3A_1105 = arith.addi %shift_right_arithmetic3A_1100, %mul3A_1104 : vector<16xi32>
      %shift_right_arithmetic3A_1106 = arith.constant 1 : i32
      %shift_right_arithmetic3A_1107 = vector.broadcast %shift_right_arithmetic3A_1106 : i32 to vector<16xi32>
      %shift_right_arithmetic3A_1108 = arith.shrsi %add3A_1097, %shift_right_arithmetic3A_1107 : vector<16xi32>
      %and3A_1109 = arith.andi %add3A_1097, %broadcast_in_dim3A_464 : vector<16xi32>
      %mul3A_1110 = arith.constant 43521 : i32
      %mul3A_1111 = vector.broadcast %mul3A_1110 : i32 to vector<16xi32>
      %mul3A_1112 = arith.muli %and3A_1109, %mul3A_1111 : vector<16xi32>
      %add3A_1113 = arith.addi %shift_right_arithmetic3A_1108, %mul3A_1112 : vector<16xi32>
      %broadcast_in_dim3A_1114 = arith.constant 14 : i32
      %broadcast_in_dim3A_1115 = vector.broadcast %broadcast_in_dim3A_1114 : i32 to vector<16xi32>
      tpu.vector_store_idx %arg9[%iota3A, %broadcast_in_dim3A_1115], %add3A_1105 : memref<16x104xi32, #tpu.memory_space<vmem>>[vector<16xi32>, vector<16xi32>], vector<16xi32>,
      %broadcast_in_dim3A_1116 = arith.constant 63 : i32
      %broadcast_in_dim3A_1117 = vector.broadcast %broadcast_in_dim3A_1116 : i32 to vector<16xi32>
      tpu.vector_store_idx %arg9[%iota3A, %broadcast_in_dim3A_1117], %add3A_1113 : memref<16x104xi32, #tpu.memory_space<vmem>>[vector<16xi32>, vector<16xi32>], vector<16xi32>,
      %add3A_1118 = arith.addi %add3A_656, %convert_element_type3A_633 : vector<16xi32>
      %add3A_1119 = arith.addi %add3A_658, %convert_element_type3A_633 : vector<16xi32>
      %shift_right_arithmetic3A_1120 = arith.constant 1 : i32
      %shift_right_arithmetic3A_1121 = vector.broadcast %shift_right_arithmetic3A_1120 : i32 to vector<16xi32>
      %shift_right_arithmetic3A_1122 = arith.shrsi %add3A_1118, %shift_right_arithmetic3A_1121 : vector<16xi32>
      %and3A_1123 = arith.andi %add3A_1118, %broadcast_in_dim3A_464 : vector<16xi32>
      %mul3A_1124 = arith.constant 43521 : i32
      %mul3A_1125 = vector.broadcast %mul3A_1124 : i32 to vector<16xi32>
      %mul3A_1126 = arith.muli %and3A_1123, %mul3A_1125 : vector<16xi32>
      %add3A_1127 = arith.addi %shift_right_arithmetic3A_1122, %mul3A_1126 : vector<16xi32>
      %shift_right_arithmetic3A_1128 = arith.constant 1 : i32
      %shift_right_arithmetic3A_1129 = vector.broadcast %shift_right_arithmetic3A_1128 : i32 to vector<16xi32>
      %shift_right_arithmetic3A_1130 = arith.shrsi %add3A_1119, %shift_right_arithmetic3A_1129 : vector<16xi32>
      %and3A_1131 = arith.andi %add3A_1119, %broadcast_in_dim3A_464 : vector<16xi32>
      %mul3A_1132 = arith.constant 43521 : i32
      %mul3A_1133 = vector.broadcast %mul3A_1132 : i32 to vector<16xi32>
      %mul3A_1134 = arith.muli %and3A_1131, %mul3A_1133 : vector<16xi32>
      %add3A_1135 = arith.addi %shift_right_arithmetic3A_1130, %mul3A_1134 : vector<16xi32>
      %broadcast_in_dim3A_1136 = arith.constant 15 : i32
      %broadcast_in_dim3A_1137 = vector.broadcast %broadcast_in_dim3A_1136 : i32 to vector<16xi32>
      tpu.vector_store_idx %arg9[%iota3A, %broadcast_in_dim3A_1137], %add3A_1127 : memref<16x104xi32, #tpu.memory_space<vmem>>[vector<16xi32>, vector<16xi32>], vector<16xi32>,
      %broadcast_in_dim3A_1138 = arith.constant 64 : i32
      %broadcast_in_dim3A_1139 = vector.broadcast %broadcast_in_dim3A_1138 : i32 to vector<16xi32>
      tpu.vector_store_idx %arg9[%iota3A, %broadcast_in_dim3A_1139], %add3A_1135 : memref<16x104xi32, #tpu.memory_space<vmem>>[vector<16xi32>, vector<16xi32>], vector<16xi32>,
      %add3A_1140 = arith.addi %add3A_656, %convert_element_type3A_663 : vector<16xi32>
      %add3A_1141 = arith.addi %add3A_658, %convert_element_type3A_663 : vector<16xi32>
      %shift_right_arithmetic3A_1142 = arith.constant 1 : i32
      %shift_right_arithmetic3A_1143 = vector.broadcast %shift_right_arithmetic3A_1142 : i32 to vector<16xi32>
      %shift_right_arithmetic3A_1144 = arith.shrsi %add3A_1140, %shift_right_arithmetic3A_1143 : vector<16xi32>
      %and3A_1145 = arith.andi %add3A_1140, %broadcast_in_dim3A_464 : vector<16xi32>
      %mul3A_1146 = arith.constant 43521 : i32
      %mul3A_1147 = vector.broadcast %mul3A_1146 : i32 to vector<16xi32>
      %mul3A_1148 = arith.muli %and3A_1145, %mul3A_1147 : vector<16xi32>
      %add3A_1149 = arith.addi %shift_right_arithmetic3A_1144, %mul3A_1148 : vector<16xi32>
      %shift_right_arithmetic3A_1150 = arith.constant 1 : i32
      %shift_right_arithmetic3A_1151 = vector.broadcast %shift_right_arithmetic3A_1150 : i32 to vector<16xi32>
      %shift_right_arithmetic3A_1152 = arith.shrsi %add3A_1141, %shift_right_arithmetic3A_1151 : vector<16xi32>
      %and3A_1153 = arith.andi %add3A_1141, %broadcast_in_dim3A_464 : vector<16xi32>
      %mul3A_1154 = arith.constant 43521 : i32
      %mul3A_1155 = vector.broadcast %mul3A_1154 : i32 to vector<16xi32>
      %mul3A_1156 = arith.muli %and3A_1153, %mul3A_1155 : vector<16xi32>
      %add3A_1157 = arith.addi %shift_right_arithmetic3A_1152, %mul3A_1156 : vector<16xi32>
      %broadcast_in_dim3A_1158 = arith.constant 16 : i32
      %broadcast_in_dim3A_1159 = vector.broadcast %broadcast_in_dim3A_1158 : i32 to vector<16xi32>
      tpu.vector_store_idx %arg9[%iota3A, %broadcast_in_dim3A_1159], %add3A_1149 : memref<16x104xi32, #tpu.memory_space<vmem>>[vector<16xi32>, vector<16xi32>], vector<16xi32>,
      %broadcast_in_dim3A_1160 = arith.constant 65 : i32
      %broadcast_in_dim3A_1161 = vector.broadcast %broadcast_in_dim3A_1160 : i32 to vector<16xi32>
      tpu.vector_store_idx %arg9[%iota3A, %broadcast_in_dim3A_1161], %add3A_1157 : memref<16x104xi32, #tpu.memory_space<vmem>>[vector<16xi32>, vector<16xi32>], vector<16xi32>,
      %add3A_1162 = arith.addi %add3A_656, %convert_element_type3A_693 : vector<16xi32>
      %add3A_1163 = arith.addi %add3A_658, %convert_element_type3A_693 : vector<16xi32>
      %shift_right_arithmetic3A_1164 = arith.constant 1 : i32
      %shift_right_arithmetic3A_1165 = vector.broadcast %shift_right_arithmetic3A_1164 : i32 to vector<16xi32>
      %shift_right_arithmetic3A_1166 = arith.shrsi %add3A_1162, %shift_right_arithmetic3A_1165 : vector<16xi32>
      %and3A_1167 = arith.andi %add3A_1162, %broadcast_in_dim3A_464 : vector<16xi32>
      %mul3A_1168 = arith.constant 43521 : i32
      %mul3A_1169 = vector.broadcast %mul3A_1168 : i32 to vector<16xi32>
      %mul3A_1170 = arith.muli %and3A_1167, %mul3A_1169 : vector<16xi32>
      %add3A_1171 = arith.addi %shift_right_arithmetic3A_1166, %mul3A_1170 : vector<16xi32>
      %shift_right_arithmetic3A_1172 = arith.constant 1 : i32
      %shift_right_arithmetic3A_1173 = vector.broadcast %shift_right_arithmetic3A_1172 : i32 to vector<16xi32>
      %shift_right_arithmetic3A_1174 = arith.shrsi %add3A_1163, %shift_right_arithmetic3A_1173 : vector<16xi32>
      %and3A_1175 = arith.andi %add3A_1163, %broadcast_in_dim3A_464 : vector<16xi32>
      %mul3A_1176 = arith.constant 43521 : i32
      %mul3A_1177 = vector.broadcast %mul3A_1176 : i32 to vector<16xi32>
      %mul3A_1178 = arith.muli %and3A_1175, %mul3A_1177 : vector<16xi32>
      %add3A_1179 = arith.addi %shift_right_arithmetic3A_1174, %mul3A_1178 : vector<16xi32>
      %broadcast_in_dim3A_1180 = arith.constant 17 : i32
      %broadcast_in_dim3A_1181 = vector.broadcast %broadcast_in_dim3A_1180 : i32 to vector<16xi32>
      tpu.vector_store_idx %arg9[%iota3A, %broadcast_in_dim3A_1181], %add3A_1171 : memref<16x104xi32, #tpu.memory_space<vmem>>[vector<16xi32>, vector<16xi32>], vector<16xi32>,
      %broadcast_in_dim3A_1182 = arith.constant 66 : i32
      %broadcast_in_dim3A_1183 = vector.broadcast %broadcast_in_dim3A_1182 : i32 to vector<16xi32>
      tpu.vector_store_idx %arg9[%iota3A, %broadcast_in_dim3A_1183], %add3A_1179 : memref<16x104xi32, #tpu.memory_space<vmem>>[vector<16xi32>, vector<16xi32>], vector<16xi32>,
      %add3A_1184 = arith.addi %add3A_656, %convert_element_type3A_723 : vector<16xi32>
      %add3A_1185 = arith.addi %add3A_658, %convert_element_type3A_723 : vector<16xi32>
      %shift_right_arithmetic3A_1186 = arith.constant 1 : i32
      %shift_right_arithmetic3A_1187 = vector.broadcast %shift_right_arithmetic3A_1186 : i32 to vector<16xi32>
      %shift_right_arithmetic3A_1188 = arith.shrsi %add3A_1184, %shift_right_arithmetic3A_1187 : vector<16xi32>
      %and3A_1189 = arith.andi %add3A_1184, %broadcast_in_dim3A_464 : vector<16xi32>
      %mul3A_1190 = arith.constant 43521 : i32
      %mul3A_1191 = vector.broadcast %mul3A_1190 : i32 to vector<16xi32>
      %mul3A_1192 = arith.muli %and3A_1189, %mul3A_1191 : vector<16xi32>
      %add3A_1193 = arith.addi %shift_right_arithmetic3A_1188, %mul3A_1192 : vector<16xi32>
      %shift_right_arithmetic3A_1194 = arith.constant 1 : i32
      %shift_right_arithmetic3A_1195 = vector.broadcast %shift_right_arithmetic3A_1194 : i32 to vector<16xi32>
      %shift_right_arithmetic3A_1196 = arith.shrsi %add3A_1185, %shift_right_arithmetic3A_1195 : vector<16xi32>
      %and3A_1197 = arith.andi %add3A_1185, %broadcast_in_dim3A_464 : vector<16xi32>
      %mul3A_1198 = arith.constant 43521 : i32
      %mul3A_1199 = vector.broadcast %mul3A_1198 : i32 to vector<16xi32>
      %mul3A_1200 = arith.muli %and3A_1197, %mul3A_1199 : vector<16xi32>
      %add3A_1201 = arith.addi %shift_right_arithmetic3A_1196, %mul3A_1200 : vector<16xi32>
      %broadcast_in_dim3A_1202 = arith.constant 18 : i32
      %broadcast_in_dim3A_1203 = vector.broadcast %broadcast_in_dim3A_1202 : i32 to vector<16xi32>
      tpu.vector_store_idx %arg9[%iota3A, %broadcast_in_dim3A_1203], %add3A_1193 : memref<16x104xi32, #tpu.memory_space<vmem>>[vector<16xi32>, vector<16xi32>], vector<16xi32>,
      %broadcast_in_dim3A_1204 = arith.constant 67 : i32
      %broadcast_in_dim3A_1205 = vector.broadcast %broadcast_in_dim3A_1204 : i32 to vector<16xi32>
      tpu.vector_store_idx %arg9[%iota3A, %broadcast_in_dim3A_1205], %add3A_1201 : memref<16x104xi32, #tpu.memory_space<vmem>>[vector<16xi32>, vector<16xi32>], vector<16xi32>,
      %add3A_1206 = arith.addi %add3A_656, %convert_element_type3A_753 : vector<16xi32>
      %add3A_1207 = arith.addi %add3A_658, %convert_element_type3A_753 : vector<16xi32>
      %shift_right_arithmetic3A_1208 = arith.constant 1 : i32
      %shift_right_arithmetic3A_1209 = vector.broadcast %shift_right_arithmetic3A_1208 : i32 to vector<16xi32>
      %shift_right_arithmetic3A_1210 = arith.shrsi %add3A_1206, %shift_right_arithmetic3A_1209 : vector<16xi32>
      %and3A_1211 = arith.andi %add3A_1206, %broadcast_in_dim3A_464 : vector<16xi32>
      %mul3A_1212 = arith.constant 43521 : i32
      %mul3A_1213 = vector.broadcast %mul3A_1212 : i32 to vector<16xi32>
      %mul3A_1214 = arith.muli %and3A_1211, %mul3A_1213 : vector<16xi32>
      %add3A_1215 = arith.addi %shift_right_arithmetic3A_1210, %mul3A_1214 : vector<16xi32>
      %shift_right_arithmetic3A_1216 = arith.constant 1 : i32
      %shift_right_arithmetic3A_1217 = vector.broadcast %shift_right_arithmetic3A_1216 : i32 to vector<16xi32>
      %shift_right_arithmetic3A_1218 = arith.shrsi %add3A_1207, %shift_right_arithmetic3A_1217 : vector<16xi32>
      %and3A_1219 = arith.andi %add3A_1207, %broadcast_in_dim3A_464 : vector<16xi32>
      %mul3A_1220 = arith.constant 43521 : i32
      %mul3A_1221 = vector.broadcast %mul3A_1220 : i32 to vector<16xi32>
      %mul3A_1222 = arith.muli %and3A_1219, %mul3A_1221 : vector<16xi32>
      %add3A_1223 = arith.addi %shift_right_arithmetic3A_1218, %mul3A_1222 : vector<16xi32>
      %broadcast_in_dim3A_1224 = arith.constant 19 : i32
      %broadcast_in_dim3A_1225 = vector.broadcast %broadcast_in_dim3A_1224 : i32 to vector<16xi32>
      tpu.vector_store_idx %arg9[%iota3A, %broadcast_in_dim3A_1225], %add3A_1215 : memref<16x104xi32, #tpu.memory_space<vmem>>[vector<16xi32>, vector<16xi32>], vector<16xi32>,
      %broadcast_in_dim3A_1226 = arith.constant 68 : i32
      %broadcast_in_dim3A_1227 = vector.broadcast %broadcast_in_dim3A_1226 : i32 to vector<16xi32>
      tpu.vector_store_idx %arg9[%iota3A, %broadcast_in_dim3A_1227], %add3A_1223 : memref<16x104xi32, #tpu.memory_space<vmem>>[vector<16xi32>, vector<16xi32>], vector<16xi32>,
      %add3A_1228 = arith.addi %add3A_656, %convert_element_type3A_783 : vector<16xi32>
      %add3A_1229 = arith.addi %add3A_658, %convert_element_type3A_783 : vector<16xi32>
      %shift_right_arithmetic3A_1230 = arith.constant 1 : i32
      %shift_right_arithmetic3A_1231 = vector.broadcast %shift_right_arithmetic3A_1230 : i32 to vector<16xi32>
      %shift_right_arithmetic3A_1232 = arith.shrsi %add3A_1228, %shift_right_arithmetic3A_1231 : vector<16xi32>
      %and3A_1233 = arith.andi %add3A_1228, %broadcast_in_dim3A_464 : vector<16xi32>
      %mul3A_1234 = arith.constant 43521 : i32
      %mul3A_1235 = vector.broadcast %mul3A_1234 : i32 to vector<16xi32>
      %mul3A_1236 = arith.muli %and3A_1233, %mul3A_1235 : vector<16xi32>
      %add3A_1237 = arith.addi %shift_right_arithmetic3A_1232, %mul3A_1236 : vector<16xi32>
      %shift_right_arithmetic3A_1238 = arith.constant 1 : i32
      %shift_right_arithmetic3A_1239 = vector.broadcast %shift_right_arithmetic3A_1238 : i32 to vector<16xi32>
      %shift_right_arithmetic3A_1240 = arith.shrsi %add3A_1229, %shift_right_arithmetic3A_1239 : vector<16xi32>
      %and3A_1241 = arith.andi %add3A_1229, %broadcast_in_dim3A_464 : vector<16xi32>
      %mul3A_1242 = arith.constant 43521 : i32
      %mul3A_1243 = vector.broadcast %mul3A_1242 : i32 to vector<16xi32>
      %mul3A_1244 = arith.muli %and3A_1241, %mul3A_1243 : vector<16xi32>
      %add3A_1245 = arith.addi %shift_right_arithmetic3A_1240, %mul3A_1244 : vector<16xi32>
      %broadcast_in_dim3A_1246 = arith.constant 20 : i32
      %broadcast_in_dim3A_1247 = vector.broadcast %broadcast_in_dim3A_1246 : i32 to vector<16xi32>
      tpu.vector_store_idx %arg9[%iota3A, %broadcast_in_dim3A_1247], %add3A_1237 : memref<16x104xi32, #tpu.memory_space<vmem>>[vector<16xi32>, vector<16xi32>], vector<16xi32>,
      %broadcast_in_dim3A_1248 = arith.constant 69 : i32
      %broadcast_in_dim3A_1249 = vector.broadcast %broadcast_in_dim3A_1248 : i32 to vector<16xi32>
      tpu.vector_store_idx %arg9[%iota3A, %broadcast_in_dim3A_1249], %add3A_1245 : memref<16x104xi32, #tpu.memory_space<vmem>>[vector<16xi32>, vector<16xi32>], vector<16xi32>,
      %add3A_1250 = arith.addi %add3A_686, %convert_element_type3A_603 : vector<16xi32>
      %add3A_1251 = arith.addi %add3A_688, %convert_element_type3A_603 : vector<16xi32>
      %shift_right_arithmetic3A_1252 = arith.constant 1 : i32
      %shift_right_arithmetic3A_1253 = vector.broadcast %shift_right_arithmetic3A_1252 : i32 to vector<16xi32>
      %shift_right_arithmetic3A_1254 = arith.shrsi %add3A_1250, %shift_right_arithmetic3A_1253 : vector<16xi32>
      %and3A_1255 = arith.andi %add3A_1250, %broadcast_in_dim3A_464 : vector<16xi32>
      %mul3A_1256 = arith.constant 43521 : i32
      %mul3A_1257 = vector.broadcast %mul3A_1256 : i32 to vector<16xi32>
      %mul3A_1258 = arith.muli %and3A_1255, %mul3A_1257 : vector<16xi32>
      %add3A_1259 = arith.addi %shift_right_arithmetic3A_1254, %mul3A_1258 : vector<16xi32>
      %shift_right_arithmetic3A_1260 = arith.constant 1 : i32
      %shift_right_arithmetic3A_1261 = vector.broadcast %shift_right_arithmetic3A_1260 : i32 to vector<16xi32>
      %shift_right_arithmetic3A_1262 = arith.shrsi %add3A_1251, %shift_right_arithmetic3A_1261 : vector<16xi32>
      %and3A_1263 = arith.andi %add3A_1251, %broadcast_in_dim3A_464 : vector<16xi32>
      %mul3A_1264 = arith.constant 43521 : i32
      %mul3A_1265 = vector.broadcast %mul3A_1264 : i32 to vector<16xi32>
      %mul3A_1266 = arith.muli %and3A_1263, %mul3A_1265 : vector<16xi32>
      %add3A_1267 = arith.addi %shift_right_arithmetic3A_1262, %mul3A_1266 : vector<16xi32>
      %broadcast_in_dim3A_1268 = arith.constant 21 : i32
      %broadcast_in_dim3A_1269 = vector.broadcast %broadcast_in_dim3A_1268 : i32 to vector<16xi32>
      tpu.vector_store_idx %arg9[%iota3A, %broadcast_in_dim3A_1269], %add3A_1259 : memref<16x104xi32, #tpu.memory_space<vmem>>[vector<16xi32>, vector<16xi32>], vector<16xi32>,
      %broadcast_in_dim3A_1270 = arith.constant 70 : i32
      %broadcast_in_dim3A_1271 = vector.broadcast %broadcast_in_dim3A_1270 : i32 to vector<16xi32>
      tpu.vector_store_idx %arg9[%iota3A, %broadcast_in_dim3A_1271], %add3A_1267 : memref<16x104xi32, #tpu.memory_space<vmem>>[vector<16xi32>, vector<16xi32>], vector<16xi32>,
      %add3A_1272 = arith.addi %add3A_686, %convert_element_type3A_633 : vector<16xi32>
      %add3A_1273 = arith.addi %add3A_688, %convert_element_type3A_633 : vector<16xi32>
      %shift_right_arithmetic3A_1274 = arith.constant 1 : i32
      %shift_right_arithmetic3A_1275 = vector.broadcast %shift_right_arithmetic3A_1274 : i32 to vector<16xi32>
      %shift_right_arithmetic3A_1276 = arith.shrsi %add3A_1272, %shift_right_arithmetic3A_1275 : vector<16xi32>
      %and3A_1277 = arith.andi %add3A_1272, %broadcast_in_dim3A_464 : vector<16xi32>
      %mul3A_1278 = arith.constant 43521 : i32
      %mul3A_1279 = vector.broadcast %mul3A_1278 : i32 to vector<16xi32>
      %mul3A_1280 = arith.muli %and3A_1277, %mul3A_1279 : vector<16xi32>
      %add3A_1281 = arith.addi %shift_right_arithmetic3A_1276, %mul3A_1280 : vector<16xi32>
      %shift_right_arithmetic3A_1282 = arith.constant 1 : i32
      %shift_right_arithmetic3A_1283 = vector.broadcast %shift_right_arithmetic3A_1282 : i32 to vector<16xi32>
      %shift_right_arithmetic3A_1284 = arith.shrsi %add3A_1273, %shift_right_arithmetic3A_1283 : vector<16xi32>
      %and3A_1285 = arith.andi %add3A_1273, %broadcast_in_dim3A_464 : vector<16xi32>
      %mul3A_1286 = arith.constant 43521 : i32
      %mul3A_1287 = vector.broadcast %mul3A_1286 : i32 to vector<16xi32>
      %mul3A_1288 = arith.muli %and3A_1285, %mul3A_1287 : vector<16xi32>
      %add3A_1289 = arith.addi %shift_right_arithmetic3A_1284, %mul3A_1288 : vector<16xi32>
      %broadcast_in_dim3A_1290 = arith.constant 22 : i32
      %broadcast_in_dim3A_1291 = vector.broadcast %broadcast_in_dim3A_1290 : i32 to vector<16xi32>
      tpu.vector_store_idx %arg9[%iota3A, %broadcast_in_dim3A_1291], %add3A_1281 : memref<16x104xi32, #tpu.memory_space<vmem>>[vector<16xi32>, vector<16xi32>], vector<16xi32>,
      %broadcast_in_dim3A_1292 = arith.constant 71 : i32
      %broadcast_in_dim3A_1293 = vector.broadcast %broadcast_in_dim3A_1292 : i32 to vector<16xi32>
      tpu.vector_store_idx %arg9[%iota3A, %broadcast_in_dim3A_1293], %add3A_1289 : memref<16x104xi32, #tpu.memory_space<vmem>>[vector<16xi32>, vector<16xi32>], vector<16xi32>,
      %add3A_1294 = arith.addi %add3A_686, %convert_element_type3A_663 : vector<16xi32>
      %add3A_1295 = arith.addi %add3A_688, %convert_element_type3A_663 : vector<16xi32>
      %shift_right_arithmetic3A_1296 = arith.constant 1 : i32
      %shift_right_arithmetic3A_1297 = vector.broadcast %shift_right_arithmetic3A_1296 : i32 to vector<16xi32>
      %shift_right_arithmetic3A_1298 = arith.shrsi %add3A_1294, %shift_right_arithmetic3A_1297 : vector<16xi32>
      %and3A_1299 = arith.andi %add3A_1294, %broadcast_in_dim3A_464 : vector<16xi32>
      %mul3A_1300 = arith.constant 43521 : i32
      %mul3A_1301 = vector.broadcast %mul3A_1300 : i32 to vector<16xi32>
      %mul3A_1302 = arith.muli %and3A_1299, %mul3A_1301 : vector<16xi32>
      %add3A_1303 = arith.addi %shift_right_arithmetic3A_1298, %mul3A_1302 : vector<16xi32>
      %shift_right_arithmetic3A_1304 = arith.constant 1 : i32
      %shift_right_arithmetic3A_1305 = vector.broadcast %shift_right_arithmetic3A_1304 : i32 to vector<16xi32>
      %shift_right_arithmetic3A_1306 = arith.shrsi %add3A_1295, %shift_right_arithmetic3A_1305 : vector<16xi32>
      %and3A_1307 = arith.andi %add3A_1295, %broadcast_in_dim3A_464 : vector<16xi32>
      %mul3A_1308 = arith.constant 43521 : i32
      %mul3A_1309 = vector.broadcast %mul3A_1308 : i32 to vector<16xi32>
      %mul3A_1310 = arith.muli %and3A_1307, %mul3A_1309 : vector<16xi32>
      %add3A_1311 = arith.addi %shift_right_arithmetic3A_1306, %mul3A_1310 : vector<16xi32>
      %broadcast_in_dim3A_1312 = arith.constant 23 : i32
      %broadcast_in_dim3A_1313 = vector.broadcast %broadcast_in_dim3A_1312 : i32 to vector<16xi32>
      tpu.vector_store_idx %arg9[%iota3A, %broadcast_in_dim3A_1313], %add3A_1303 : memref<16x104xi32, #tpu.memory_space<vmem>>[vector<16xi32>, vector<16xi32>], vector<16xi32>,
      %broadcast_in_dim3A_1314 = arith.constant 72 : i32
      %broadcast_in_dim3A_1315 = vector.broadcast %broadcast_in_dim3A_1314 : i32 to vector<16xi32>
      tpu.vector_store_idx %arg9[%iota3A, %broadcast_in_dim3A_1315], %add3A_1311 : memref<16x104xi32, #tpu.memory_space<vmem>>[vector<16xi32>, vector<16xi32>], vector<16xi32>,
      %add3A_1316 = arith.addi %add3A_686, %convert_element_type3A_693 : vector<16xi32>
      %add3A_1317 = arith.addi %add3A_688, %convert_element_type3A_693 : vector<16xi32>
      %shift_right_arithmetic3A_1318 = arith.constant 1 : i32
      %shift_right_arithmetic3A_1319 = vector.broadcast %shift_right_arithmetic3A_1318 : i32 to vector<16xi32>
      %shift_right_arithmetic3A_1320 = arith.shrsi %add3A_1316, %shift_right_arithmetic3A_1319 : vector<16xi32>
      %and3A_1321 = arith.andi %add3A_1316, %broadcast_in_dim3A_464 : vector<16xi32>
      %mul3A_1322 = arith.constant 43521 : i32
      %mul3A_1323 = vector.broadcast %mul3A_1322 : i32 to vector<16xi32>
      %mul3A_1324 = arith.muli %and3A_1321, %mul3A_1323 : vector<16xi32>
      %add3A_1325 = arith.addi %shift_right_arithmetic3A_1320, %mul3A_1324 : vector<16xi32>
      %shift_right_arithmetic3A_1326 = arith.constant 1 : i32
      %shift_right_arithmetic3A_1327 = vector.broadcast %shift_right_arithmetic3A_1326 : i32 to vector<16xi32>
      %shift_right_arithmetic3A_1328 = arith.shrsi %add3A_1317, %shift_right_arithmetic3A_1327 : vector<16xi32>
      %and3A_1329 = arith.andi %add3A_1317, %broadcast_in_dim3A_464 : vector<16xi32>
      %mul3A_1330 = arith.constant 43521 : i32
      %mul3A_1331 = vector.broadcast %mul3A_1330 : i32 to vector<16xi32>
      %mul3A_1332 = arith.muli %and3A_1329, %mul3A_1331 : vector<16xi32>
      %add3A_1333 = arith.addi %shift_right_arithmetic3A_1328, %mul3A_1332 : vector<16xi32>
      %broadcast_in_dim3A_1334 = arith.constant 24 : i32
      %broadcast_in_dim3A_1335 = vector.broadcast %broadcast_in_dim3A_1334 : i32 to vector<16xi32>
      tpu.vector_store_idx %arg9[%iota3A, %broadcast_in_dim3A_1335], %add3A_1325 : memref<16x104xi32, #tpu.memory_space<vmem>>[vector<16xi32>, vector<16xi32>], vector<16xi32>,
      %broadcast_in_dim3A_1336 = arith.constant 73 : i32
      %broadcast_in_dim3A_1337 = vector.broadcast %broadcast_in_dim3A_1336 : i32 to vector<16xi32>
      tpu.vector_store_idx %arg9[%iota3A, %broadcast_in_dim3A_1337], %add3A_1333 : memref<16x104xi32, #tpu.memory_space<vmem>>[vector<16xi32>, vector<16xi32>], vector<16xi32>,
      %add3A_1338 = arith.addi %add3A_686, %convert_element_type3A_723 : vector<16xi32>
      %add3A_1339 = arith.addi %add3A_688, %convert_element_type3A_723 : vector<16xi32>
      %shift_right_arithmetic3A_1340 = arith.constant 1 : i32
      %shift_right_arithmetic3A_1341 = vector.broadcast %shift_right_arithmetic3A_1340 : i32 to vector<16xi32>
      %shift_right_arithmetic3A_1342 = arith.shrsi %add3A_1338, %shift_right_arithmetic3A_1341 : vector<16xi32>
      %and3A_1343 = arith.andi %add3A_1338, %broadcast_in_dim3A_464 : vector<16xi32>
      %mul3A_1344 = arith.constant 43521 : i32
      %mul3A_1345 = vector.broadcast %mul3A_1344 : i32 to vector<16xi32>
      %mul3A_1346 = arith.muli %and3A_1343, %mul3A_1345 : vector<16xi32>
      %add3A_1347 = arith.addi %shift_right_arithmetic3A_1342, %mul3A_1346 : vector<16xi32>
      %shift_right_arithmetic3A_1348 = arith.constant 1 : i32
      %shift_right_arithmetic3A_1349 = vector.broadcast %shift_right_arithmetic3A_1348 : i32 to vector<16xi32>
      %shift_right_arithmetic3A_1350 = arith.shrsi %add3A_1339, %shift_right_arithmetic3A_1349 : vector<16xi32>
      %and3A_1351 = arith.andi %add3A_1339, %broadcast_in_dim3A_464 : vector<16xi32>
      %mul3A_1352 = arith.constant 43521 : i32
      %mul3A_1353 = vector.broadcast %mul3A_1352 : i32 to vector<16xi32>
      %mul3A_1354 = arith.muli %and3A_1351, %mul3A_1353 : vector<16xi32>
      %add3A_1355 = arith.addi %shift_right_arithmetic3A_1350, %mul3A_1354 : vector<16xi32>
      %broadcast_in_dim3A_1356 = arith.constant 25 : i32
      %broadcast_in_dim3A_1357 = vector.broadcast %broadcast_in_dim3A_1356 : i32 to vector<16xi32>
      tpu.vector_store_idx %arg9[%iota3A, %broadcast_in_dim3A_1357], %add3A_1347 : memref<16x104xi32, #tpu.memory_space<vmem>>[vector<16xi32>, vector<16xi32>], vector<16xi32>,
      %broadcast_in_dim3A_1358 = arith.constant 74 : i32
      %broadcast_in_dim3A_1359 = vector.broadcast %broadcast_in_dim3A_1358 : i32 to vector<16xi32>
      tpu.vector_store_idx %arg9[%iota3A, %broadcast_in_dim3A_1359], %add3A_1355 : memref<16x104xi32, #tpu.memory_space<vmem>>[vector<16xi32>, vector<16xi32>], vector<16xi32>,
      %add3A_1360 = arith.addi %add3A_686, %convert_element_type3A_753 : vector<16xi32>
      %add3A_1361 = arith.addi %add3A_688, %convert_element_type3A_753 : vector<16xi32>
      %shift_right_arithmetic3A_1362 = arith.constant 1 : i32
      %shift_right_arithmetic3A_1363 = vector.broadcast %shift_right_arithmetic3A_1362 : i32 to vector<16xi32>
      %shift_right_arithmetic3A_1364 = arith.shrsi %add3A_1360, %shift_right_arithmetic3A_1363 : vector<16xi32>
      %and3A_1365 = arith.andi %add3A_1360, %broadcast_in_dim3A_464 : vector<16xi32>
      %mul3A_1366 = arith.constant 43521 : i32
      %mul3A_1367 = vector.broadcast %mul3A_1366 : i32 to vector<16xi32>
      %mul3A_1368 = arith.muli %and3A_1365, %mul3A_1367 : vector<16xi32>
      %add3A_1369 = arith.addi %shift_right_arithmetic3A_1364, %mul3A_1368 : vector<16xi32>
      %shift_right_arithmetic3A_1370 = arith.constant 1 : i32
      %shift_right_arithmetic3A_1371 = vector.broadcast %shift_right_arithmetic3A_1370 : i32 to vector<16xi32>
      %shift_right_arithmetic3A_1372 = arith.shrsi %add3A_1361, %shift_right_arithmetic3A_1371 : vector<16xi32>
      %and3A_1373 = arith.andi %add3A_1361, %broadcast_in_dim3A_464 : vector<16xi32>
      %mul3A_1374 = arith.constant 43521 : i32
      %mul3A_1375 = vector.broadcast %mul3A_1374 : i32 to vector<16xi32>
      %mul3A_1376 = arith.muli %and3A_1373, %mul3A_1375 : vector<16xi32>
      %add3A_1377 = arith.addi %shift_right_arithmetic3A_1372, %mul3A_1376 : vector<16xi32>
      %broadcast_in_dim3A_1378 = arith.constant 26 : i32
      %broadcast_in_dim3A_1379 = vector.broadcast %broadcast_in_dim3A_1378 : i32 to vector<16xi32>
      tpu.vector_store_idx %arg9[%iota3A, %broadcast_in_dim3A_1379], %add3A_1369 : memref<16x104xi32, #tpu.memory_space<vmem>>[vector<16xi32>, vector<16xi32>], vector<16xi32>,
      %broadcast_in_dim3A_1380 = arith.constant 75 : i32
      %broadcast_in_dim3A_1381 = vector.broadcast %broadcast_in_dim3A_1380 : i32 to vector<16xi32>
      tpu.vector_store_idx %arg9[%iota3A, %broadcast_in_dim3A_1381], %add3A_1377 : memref<16x104xi32, #tpu.memory_space<vmem>>[vector<16xi32>, vector<16xi32>], vector<16xi32>,
      %add3A_1382 = arith.addi %add3A_686, %convert_element_type3A_783 : vector<16xi32>
      %add3A_1383 = arith.addi %add3A_688, %convert_element_type3A_783 : vector<16xi32>
      %shift_right_arithmetic3A_1384 = arith.constant 1 : i32
      %shift_right_arithmetic3A_1385 = vector.broadcast %shift_right_arithmetic3A_1384 : i32 to vector<16xi32>
      %shift_right_arithmetic3A_1386 = arith.shrsi %add3A_1382, %shift_right_arithmetic3A_1385 : vector<16xi32>
      %and3A_1387 = arith.andi %add3A_1382, %broadcast_in_dim3A_464 : vector<16xi32>
      %mul3A_1388 = arith.constant 43521 : i32
      %mul3A_1389 = vector.broadcast %mul3A_1388 : i32 to vector<16xi32>
      %mul3A_1390 = arith.muli %and3A_1387, %mul3A_1389 : vector<16xi32>
      %add3A_1391 = arith.addi %shift_right_arithmetic3A_1386, %mul3A_1390 : vector<16xi32>
      %shift_right_arithmetic3A_1392 = arith.constant 1 : i32
      %shift_right_arithmetic3A_1393 = vector.broadcast %shift_right_arithmetic3A_1392 : i32 to vector<16xi32>
      %shift_right_arithmetic3A_1394 = arith.shrsi %add3A_1383, %shift_right_arithmetic3A_1393 : vector<16xi32>
      %and3A_1395 = arith.andi %add3A_1383, %broadcast_in_dim3A_464 : vector<16xi32>
      %mul3A_1396 = arith.constant 43521 : i32
      %mul3A_1397 = vector.broadcast %mul3A_1396 : i32 to vector<16xi32>
      %mul3A_1398 = arith.muli %and3A_1395, %mul3A_1397 : vector<16xi32>
      %add3A_1399 = arith.addi %shift_right_arithmetic3A_1394, %mul3A_1398 : vector<16xi32>
      %broadcast_in_dim3A_1400 = arith.constant 27 : i32
      %broadcast_in_dim3A_1401 = vector.broadcast %broadcast_in_dim3A_1400 : i32 to vector<16xi32>
      tpu.vector_store_idx %arg9[%iota3A, %broadcast_in_dim3A_1401], %add3A_1391 : memref<16x104xi32, #tpu.memory_space<vmem>>[vector<16xi32>, vector<16xi32>], vector<16xi32>,
      %broadcast_in_dim3A_1402 = arith.constant 76 : i32
      %broadcast_in_dim3A_1403 = vector.broadcast %broadcast_in_dim3A_1402 : i32 to vector<16xi32>
      tpu.vector_store_idx %arg9[%iota3A, %broadcast_in_dim3A_1403], %add3A_1399 : memref<16x104xi32, #tpu.memory_space<vmem>>[vector<16xi32>, vector<16xi32>], vector<16xi32>,
      %add3A_1404 = arith.addi %add3A_716, %convert_element_type3A_603 : vector<16xi32>
      %add3A_1405 = arith.addi %add3A_718, %convert_element_type3A_603 : vector<16xi32>
      %shift_right_arithmetic3A_1406 = arith.constant 1 : i32
      %shift_right_arithmetic3A_1407 = vector.broadcast %shift_right_arithmetic3A_1406 : i32 to vector<16xi32>
      %shift_right_arithmetic3A_1408 = arith.shrsi %add3A_1404, %shift_right_arithmetic3A_1407 : vector<16xi32>
      %and3A_1409 = arith.andi %add3A_1404, %broadcast_in_dim3A_464 : vector<16xi32>
      %mul3A_1410 = arith.constant 43521 : i32
      %mul3A_1411 = vector.broadcast %mul3A_1410 : i32 to vector<16xi32>
      %mul3A_1412 = arith.muli %and3A_1409, %mul3A_1411 : vector<16xi32>
      %add3A_1413 = arith.addi %shift_right_arithmetic3A_1408, %mul3A_1412 : vector<16xi32>
      %shift_right_arithmetic3A_1414 = arith.constant 1 : i32
      %shift_right_arithmetic3A_1415 = vector.broadcast %shift_right_arithmetic3A_1414 : i32 to vector<16xi32>
      %shift_right_arithmetic3A_1416 = arith.shrsi %add3A_1405, %shift_right_arithmetic3A_1415 : vector<16xi32>
      %and3A_1417 = arith.andi %add3A_1405, %broadcast_in_dim3A_464 : vector<16xi32>
      %mul3A_1418 = arith.constant 43521 : i32
      %mul3A_1419 = vector.broadcast %mul3A_1418 : i32 to vector<16xi32>
      %mul3A_1420 = arith.muli %and3A_1417, %mul3A_1419 : vector<16xi32>
      %add3A_1421 = arith.addi %shift_right_arithmetic3A_1416, %mul3A_1420 : vector<16xi32>
      %broadcast_in_dim3A_1422 = arith.constant 28 : i32
      %broadcast_in_dim3A_1423 = vector.broadcast %broadcast_in_dim3A_1422 : i32 to vector<16xi32>
      tpu.vector_store_idx %arg9[%iota3A, %broadcast_in_dim3A_1423], %add3A_1413 : memref<16x104xi32, #tpu.memory_space<vmem>>[vector<16xi32>, vector<16xi32>], vector<16xi32>,
      %broadcast_in_dim3A_1424 = arith.constant 77 : i32
      %broadcast_in_dim3A_1425 = vector.broadcast %broadcast_in_dim3A_1424 : i32 to vector<16xi32>
      tpu.vector_store_idx %arg9[%iota3A, %broadcast_in_dim3A_1425], %add3A_1421 : memref<16x104xi32, #tpu.memory_space<vmem>>[vector<16xi32>, vector<16xi32>], vector<16xi32>,
      %add3A_1426 = arith.addi %add3A_716, %convert_element_type3A_633 : vector<16xi32>
      %add3A_1427 = arith.addi %add3A_718, %convert_element_type3A_633 : vector<16xi32>
      %shift_right_arithmetic3A_1428 = arith.constant 1 : i32
      %shift_right_arithmetic3A_1429 = vector.broadcast %shift_right_arithmetic3A_1428 : i32 to vector<16xi32>
      %shift_right_arithmetic3A_1430 = arith.shrsi %add3A_1426, %shift_right_arithmetic3A_1429 : vector<16xi32>
      %and3A_1431 = arith.andi %add3A_1426, %broadcast_in_dim3A_464 : vector<16xi32>
      %mul3A_1432 = arith.constant 43521 : i32
      %mul3A_1433 = vector.broadcast %mul3A_1432 : i32 to vector<16xi32>
      %mul3A_1434 = arith.muli %and3A_1431, %mul3A_1433 : vector<16xi32>
      %add3A_1435 = arith.addi %shift_right_arithmetic3A_1430, %mul3A_1434 : vector<16xi32>
      %shift_right_arithmetic3A_1436 = arith.constant 1 : i32
      %shift_right_arithmetic3A_1437 = vector.broadcast %shift_right_arithmetic3A_1436 : i32 to vector<16xi32>
      %shift_right_arithmetic3A_1438 = arith.shrsi %add3A_1427, %shift_right_arithmetic3A_1437 : vector<16xi32>
      %and3A_1439 = arith.andi %add3A_1427, %broadcast_in_dim3A_464 : vector<16xi32>
      %mul3A_1440 = arith.constant 43521 : i32
      %mul3A_1441 = vector.broadcast %mul3A_1440 : i32 to vector<16xi32>
      %mul3A_1442 = arith.muli %and3A_1439, %mul3A_1441 : vector<16xi32>
      %add3A_1443 = arith.addi %shift_right_arithmetic3A_1438, %mul3A_1442 : vector<16xi32>
      %broadcast_in_dim3A_1444 = arith.constant 29 : i32
      %broadcast_in_dim3A_1445 = vector.broadcast %broadcast_in_dim3A_1444 : i32 to vector<16xi32>
      tpu.vector_store_idx %arg9[%iota3A, %broadcast_in_dim3A_1445], %add3A_1435 : memref<16x104xi32, #tpu.memory_space<vmem>>[vector<16xi32>, vector<16xi32>], vector<16xi32>,
      %broadcast_in_dim3A_1446 = arith.constant 78 : i32
      %broadcast_in_dim3A_1447 = vector.broadcast %broadcast_in_dim3A_1446 : i32 to vector<16xi32>
      tpu.vector_store_idx %arg9[%iota3A, %broadcast_in_dim3A_1447], %add3A_1443 : memref<16x104xi32, #tpu.memory_space<vmem>>[vector<16xi32>, vector<16xi32>], vector<16xi32>,
      %add3A_1448 = arith.addi %add3A_716, %convert_element_type3A_663 : vector<16xi32>
      %add3A_1449 = arith.addi %add3A_718, %convert_element_type3A_663 : vector<16xi32>
      %shift_right_arithmetic3A_1450 = arith.constant 1 : i32
      %shift_right_arithmetic3A_1451 = vector.broadcast %shift_right_arithmetic3A_1450 : i32 to vector<16xi32>
      %shift_right_arithmetic3A_1452 = arith.shrsi %add3A_1448, %shift_right_arithmetic3A_1451 : vector<16xi32>
      %and3A_1453 = arith.andi %add3A_1448, %broadcast_in_dim3A_464 : vector<16xi32>
      %mul3A_1454 = arith.constant 43521 : i32
      %mul3A_1455 = vector.broadcast %mul3A_1454 : i32 to vector<16xi32>
      %mul3A_1456 = arith.muli %and3A_1453, %mul3A_1455 : vector<16xi32>
      %add3A_1457 = arith.addi %shift_right_arithmetic3A_1452, %mul3A_1456 : vector<16xi32>
      %shift_right_arithmetic3A_1458 = arith.constant 1 : i32
      %shift_right_arithmetic3A_1459 = vector.broadcast %shift_right_arithmetic3A_1458 : i32 to vector<16xi32>
      %shift_right_arithmetic3A_1460 = arith.shrsi %add3A_1449, %shift_right_arithmetic3A_1459 : vector<16xi32>
      %and3A_1461 = arith.andi %add3A_1449, %broadcast_in_dim3A_464 : vector<16xi32>
      %mul3A_1462 = arith.constant 43521 : i32
      %mul3A_1463 = vector.broadcast %mul3A_1462 : i32 to vector<16xi32>
      %mul3A_1464 = arith.muli %and3A_1461, %mul3A_1463 : vector<16xi32>
      %add3A_1465 = arith.addi %shift_right_arithmetic3A_1460, %mul3A_1464 : vector<16xi32>
      %broadcast_in_dim3A_1466 = arith.constant 30 : i32
      %broadcast_in_dim3A_1467 = vector.broadcast %broadcast_in_dim3A_1466 : i32 to vector<16xi32>
      tpu.vector_store_idx %arg9[%iota3A, %broadcast_in_dim3A_1467], %add3A_1457 : memref<16x104xi32, #tpu.memory_space<vmem>>[vector<16xi32>, vector<16xi32>], vector<16xi32>,
      %broadcast_in_dim3A_1468 = arith.constant 79 : i32
      %broadcast_in_dim3A_1469 = vector.broadcast %broadcast_in_dim3A_1468 : i32 to vector<16xi32>
      tpu.vector_store_idx %arg9[%iota3A, %broadcast_in_dim3A_1469], %add3A_1465 : memref<16x104xi32, #tpu.memory_space<vmem>>[vector<16xi32>, vector<16xi32>], vector<16xi32>,
      %add3A_1470 = arith.addi %add3A_716, %convert_element_type3A_693 : vector<16xi32>
      %add3A_1471 = arith.addi %add3A_718, %convert_element_type3A_693 : vector<16xi32>
      %shift_right_arithmetic3A_1472 = arith.constant 1 : i32
      %shift_right_arithmetic3A_1473 = vector.broadcast %shift_right_arithmetic3A_1472 : i32 to vector<16xi32>
      %shift_right_arithmetic3A_1474 = arith.shrsi %add3A_1470, %shift_right_arithmetic3A_1473 : vector<16xi32>
      %and3A_1475 = arith.andi %add3A_1470, %broadcast_in_dim3A_464 : vector<16xi32>
      %mul3A_1476 = arith.constant 43521 : i32
      %mul3A_1477 = vector.broadcast %mul3A_1476 : i32 to vector<16xi32>
      %mul3A_1478 = arith.muli %and3A_1475, %mul3A_1477 : vector<16xi32>
      %add3A_1479 = arith.addi %shift_right_arithmetic3A_1474, %mul3A_1478 : vector<16xi32>
      %shift_right_arithmetic3A_1480 = arith.constant 1 : i32
      %shift_right_arithmetic3A_1481 = vector.broadcast %shift_right_arithmetic3A_1480 : i32 to vector<16xi32>
      %shift_right_arithmetic3A_1482 = arith.shrsi %add3A_1471, %shift_right_arithmetic3A_1481 : vector<16xi32>
      %and3A_1483 = arith.andi %add3A_1471, %broadcast_in_dim3A_464 : vector<16xi32>
      %mul3A_1484 = arith.constant 43521 : i32
      %mul3A_1485 = vector.broadcast %mul3A_1484 : i32 to vector<16xi32>
      %mul3A_1486 = arith.muli %and3A_1483, %mul3A_1485 : vector<16xi32>
      %add3A_1487 = arith.addi %shift_right_arithmetic3A_1482, %mul3A_1486 : vector<16xi32>
      %broadcast_in_dim3A_1488 = arith.constant 31 : i32
      %broadcast_in_dim3A_1489 = vector.broadcast %broadcast_in_dim3A_1488 : i32 to vector<16xi32>
      tpu.vector_store_idx %arg9[%iota3A, %broadcast_in_dim3A_1489], %add3A_1479 : memref<16x104xi32, #tpu.memory_space<vmem>>[vector<16xi32>, vector<16xi32>], vector<16xi32>,
      %broadcast_in_dim3A_1490 = arith.constant 80 : i32
      %broadcast_in_dim3A_1491 = vector.broadcast %broadcast_in_dim3A_1490 : i32 to vector<16xi32>
      tpu.vector_store_idx %arg9[%iota3A, %broadcast_in_dim3A_1491], %add3A_1487 : memref<16x104xi32, #tpu.memory_space<vmem>>[vector<16xi32>, vector<16xi32>], vector<16xi32>,
      %add3A_1492 = arith.addi %add3A_716, %convert_element_type3A_723 : vector<16xi32>
      %add3A_1493 = arith.addi %add3A_718, %convert_element_type3A_723 : vector<16xi32>
      %shift_right_arithmetic3A_1494 = arith.constant 1 : i32
      %shift_right_arithmetic3A_1495 = vector.broadcast %shift_right_arithmetic3A_1494 : i32 to vector<16xi32>
      %shift_right_arithmetic3A_1496 = arith.shrsi %add3A_1492, %shift_right_arithmetic3A_1495 : vector<16xi32>
      %and3A_1497 = arith.andi %add3A_1492, %broadcast_in_dim3A_464 : vector<16xi32>
      %mul3A_1498 = arith.constant 43521 : i32
      %mul3A_1499 = vector.broadcast %mul3A_1498 : i32 to vector<16xi32>
      %mul3A_1500 = arith.muli %and3A_1497, %mul3A_1499 : vector<16xi32>
      %add3A_1501 = arith.addi %shift_right_arithmetic3A_1496, %mul3A_1500 : vector<16xi32>
      %shift_right_arithmetic3A_1502 = arith.constant 1 : i32
      %shift_right_arithmetic3A_1503 = vector.broadcast %shift_right_arithmetic3A_1502 : i32 to vector<16xi32>
      %shift_right_arithmetic3A_1504 = arith.shrsi %add3A_1493, %shift_right_arithmetic3A_1503 : vector<16xi32>
      %and3A_1505 = arith.andi %add3A_1493, %broadcast_in_dim3A_464 : vector<16xi32>
      %mul3A_1506 = arith.constant 43521 : i32
      %mul3A_1507 = vector.broadcast %mul3A_1506 : i32 to vector<16xi32>
      %mul3A_1508 = arith.muli %and3A_1505, %mul3A_1507 : vector<16xi32>
      %add3A_1509 = arith.addi %shift_right_arithmetic3A_1504, %mul3A_1508 : vector<16xi32>
      %broadcast_in_dim3A_1510 = arith.constant 32 : i32
      %broadcast_in_dim3A_1511 = vector.broadcast %broadcast_in_dim3A_1510 : i32 to vector<16xi32>
      tpu.vector_store_idx %arg9[%iota3A, %broadcast_in_dim3A_1511], %add3A_1501 : memref<16x104xi32, #tpu.memory_space<vmem>>[vector<16xi32>, vector<16xi32>], vector<16xi32>,
      %broadcast_in_dim3A_1512 = arith.constant 81 : i32
      %broadcast_in_dim3A_1513 = vector.broadcast %broadcast_in_dim3A_1512 : i32 to vector<16xi32>
      tpu.vector_store_idx %arg9[%iota3A, %broadcast_in_dim3A_1513], %add3A_1509 : memref<16x104xi32, #tpu.memory_space<vmem>>[vector<16xi32>, vector<16xi32>], vector<16xi32>,
      %add3A_1514 = arith.addi %add3A_716, %convert_element_type3A_753 : vector<16xi32>
      %add3A_1515 = arith.addi %add3A_718, %convert_element_type3A_753 : vector<16xi32>
      %shift_right_arithmetic3A_1516 = arith.constant 1 : i32
      %shift_right_arithmetic3A_1517 = vector.broadcast %shift_right_arithmetic3A_1516 : i32 to vector<16xi32>
      %shift_right_arithmetic3A_1518 = arith.shrsi %add3A_1514, %shift_right_arithmetic3A_1517 : vector<16xi32>
      %and3A_1519 = arith.andi %add3A_1514, %broadcast_in_dim3A_464 : vector<16xi32>
      %mul3A_1520 = arith.constant 43521 : i32
      %mul3A_1521 = vector.broadcast %mul3A_1520 : i32 to vector<16xi32>
      %mul3A_1522 = arith.muli %and3A_1519, %mul3A_1521 : vector<16xi32>
      %add3A_1523 = arith.addi %shift_right_arithmetic3A_1518, %mul3A_1522 : vector<16xi32>
      %shift_right_arithmetic3A_1524 = arith.constant 1 : i32
      %shift_right_arithmetic3A_1525 = vector.broadcast %shift_right_arithmetic3A_1524 : i32 to vector<16xi32>
      %shift_right_arithmetic3A_1526 = arith.shrsi %add3A_1515, %shift_right_arithmetic3A_1525 : vector<16xi32>
      %and3A_1527 = arith.andi %add3A_1515, %broadcast_in_dim3A_464 : vector<16xi32>
      %mul3A_1528 = arith.constant 43521 : i32
      %mul3A_1529 = vector.broadcast %mul3A_1528 : i32 to vector<16xi32>
      %mul3A_1530 = arith.muli %and3A_1527, %mul3A_1529 : vector<16xi32>
      %add3A_1531 = arith.addi %shift_right_arithmetic3A_1526, %mul3A_1530 : vector<16xi32>
      %broadcast_in_dim3A_1532 = arith.constant 33 : i32
      %broadcast_in_dim3A_1533 = vector.broadcast %broadcast_in_dim3A_1532 : i32 to vector<16xi32>
      tpu.vector_store_idx %arg9[%iota3A, %broadcast_in_dim3A_1533], %add3A_1523 : memref<16x104xi32, #tpu.memory_space<vmem>>[vector<16xi32>, vector<16xi32>], vector<16xi32>,
      %broadcast_in_dim3A_1534 = arith.constant 82 : i32
      %broadcast_in_dim3A_1535 = vector.broadcast %broadcast_in_dim3A_1534 : i32 to vector<16xi32>
      tpu.vector_store_idx %arg9[%iota3A, %broadcast_in_dim3A_1535], %add3A_1531 : memref<16x104xi32, #tpu.memory_space<vmem>>[vector<16xi32>, vector<16xi32>], vector<16xi32>,
      %add3A_1536 = arith.addi %add3A_716, %convert_element_type3A_783 : vector<16xi32>
      %add3A_1537 = arith.addi %add3A_718, %convert_element_type3A_783 : vector<16xi32>
      %shift_right_arithmetic3A_1538 = arith.constant 1 : i32
      %shift_right_arithmetic3A_1539 = vector.broadcast %shift_right_arithmetic3A_1538 : i32 to vector<16xi32>
      %shift_right_arithmetic3A_1540 = arith.shrsi %add3A_1536, %shift_right_arithmetic3A_1539 : vector<16xi32>
      %and3A_1541 = arith.andi %add3A_1536, %broadcast_in_dim3A_464 : vector<16xi32>
      %mul3A_1542 = arith.constant 43521 : i32
      %mul3A_1543 = vector.broadcast %mul3A_1542 : i32 to vector<16xi32>
      %mul3A_1544 = arith.muli %and3A_1541, %mul3A_1543 : vector<16xi32>
      %add3A_1545 = arith.addi %shift_right_arithmetic3A_1540, %mul3A_1544 : vector<16xi32>
      %shift_right_arithmetic3A_1546 = arith.constant 1 : i32
      %shift_right_arithmetic3A_1547 = vector.broadcast %shift_right_arithmetic3A_1546 : i32 to vector<16xi32>
      %shift_right_arithmetic3A_1548 = arith.shrsi %add3A_1537, %shift_right_arithmetic3A_1547 : vector<16xi32>
      %and3A_1549 = arith.andi %add3A_1537, %broadcast_in_dim3A_464 : vector<16xi32>
      %mul3A_1550 = arith.constant 43521 : i32
      %mul3A_1551 = vector.broadcast %mul3A_1550 : i32 to vector<16xi32>
      %mul3A_1552 = arith.muli %and3A_1549, %mul3A_1551 : vector<16xi32>
      %add3A_1553 = arith.addi %shift_right_arithmetic3A_1548, %mul3A_1552 : vector<16xi32>
      %broadcast_in_dim3A_1554 = arith.constant 34 : i32
      %broadcast_in_dim3A_1555 = vector.broadcast %broadcast_in_dim3A_1554 : i32 to vector<16xi32>
      tpu.vector_store_idx %arg9[%iota3A, %broadcast_in_dim3A_1555], %add3A_1545 : memref<16x104xi32, #tpu.memory_space<vmem>>[vector<16xi32>, vector<16xi32>], vector<16xi32>,
      %broadcast_in_dim3A_1556 = arith.constant 83 : i32
      %broadcast_in_dim3A_1557 = vector.broadcast %broadcast_in_dim3A_1556 : i32 to vector<16xi32>
      tpu.vector_store_idx %arg9[%iota3A, %broadcast_in_dim3A_1557], %add3A_1553 : memref<16x104xi32, #tpu.memory_space<vmem>>[vector<16xi32>, vector<16xi32>], vector<16xi32>,
      %add3A_1558 = arith.addi %add3A_746, %convert_element_type3A_603 : vector<16xi32>
      %add3A_1559 = arith.addi %add3A_748, %convert_element_type3A_603 : vector<16xi32>
      %shift_right_arithmetic3A_1560 = arith.constant 1 : i32
      %shift_right_arithmetic3A_1561 = vector.broadcast %shift_right_arithmetic3A_1560 : i32 to vector<16xi32>
      %shift_right_arithmetic3A_1562 = arith.shrsi %add3A_1558, %shift_right_arithmetic3A_1561 : vector<16xi32>
      %and3A_1563 = arith.andi %add3A_1558, %broadcast_in_dim3A_464 : vector<16xi32>
      %mul3A_1564 = arith.constant 43521 : i32
      %mul3A_1565 = vector.broadcast %mul3A_1564 : i32 to vector<16xi32>
      %mul3A_1566 = arith.muli %and3A_1563, %mul3A_1565 : vector<16xi32>
      %add3A_1567 = arith.addi %shift_right_arithmetic3A_1562, %mul3A_1566 : vector<16xi32>
      %shift_right_arithmetic3A_1568 = arith.constant 1 : i32
      %shift_right_arithmetic3A_1569 = vector.broadcast %shift_right_arithmetic3A_1568 : i32 to vector<16xi32>
      %shift_right_arithmetic3A_1570 = arith.shrsi %add3A_1559, %shift_right_arithmetic3A_1569 : vector<16xi32>
      %and3A_1571 = arith.andi %add3A_1559, %broadcast_in_dim3A_464 : vector<16xi32>
      %mul3A_1572 = arith.constant 43521 : i32
      %mul3A_1573 = vector.broadcast %mul3A_1572 : i32 to vector<16xi32>
      %mul3A_1574 = arith.muli %and3A_1571, %mul3A_1573 : vector<16xi32>
      %add3A_1575 = arith.addi %shift_right_arithmetic3A_1570, %mul3A_1574 : vector<16xi32>
      %broadcast_in_dim3A_1576 = arith.constant 35 : i32
      %broadcast_in_dim3A_1577 = vector.broadcast %broadcast_in_dim3A_1576 : i32 to vector<16xi32>
      tpu.vector_store_idx %arg9[%iota3A, %broadcast_in_dim3A_1577], %add3A_1567 : memref<16x104xi32, #tpu.memory_space<vmem>>[vector<16xi32>, vector<16xi32>], vector<16xi32>,
      %broadcast_in_dim3A_1578 = arith.constant 84 : i32
      %broadcast_in_dim3A_1579 = vector.broadcast %broadcast_in_dim3A_1578 : i32 to vector<16xi32>
      tpu.vector_store_idx %arg9[%iota3A, %broadcast_in_dim3A_1579], %add3A_1575 : memref<16x104xi32, #tpu.memory_space<vmem>>[vector<16xi32>, vector<16xi32>], vector<16xi32>,
      %add3A_1580 = arith.addi %add3A_746, %convert_element_type3A_633 : vector<16xi32>
      %add3A_1581 = arith.addi %add3A_748, %convert_element_type3A_633 : vector<16xi32>
      %shift_right_arithmetic3A_1582 = arith.constant 1 : i32
      %shift_right_arithmetic3A_1583 = vector.broadcast %shift_right_arithmetic3A_1582 : i32 to vector<16xi32>
      %shift_right_arithmetic3A_1584 = arith.shrsi %add3A_1580, %shift_right_arithmetic3A_1583 : vector<16xi32>
      %and3A_1585 = arith.andi %add3A_1580, %broadcast_in_dim3A_464 : vector<16xi32>
      %mul3A_1586 = arith.constant 43521 : i32
      %mul3A_1587 = vector.broadcast %mul3A_1586 : i32 to vector<16xi32>
      %mul3A_1588 = arith.muli %and3A_1585, %mul3A_1587 : vector<16xi32>
      %add3A_1589 = arith.addi %shift_right_arithmetic3A_1584, %mul3A_1588 : vector<16xi32>
      %shift_right_arithmetic3A_1590 = arith.constant 1 : i32
      %shift_right_arithmetic3A_1591 = vector.broadcast %shift_right_arithmetic3A_1590 : i32 to vector<16xi32>
      %shift_right_arithmetic3A_1592 = arith.shrsi %add3A_1581, %shift_right_arithmetic3A_1591 : vector<16xi32>
      %and3A_1593 = arith.andi %add3A_1581, %broadcast_in_dim3A_464 : vector<16xi32>
      %mul3A_1594 = arith.constant 43521 : i32
      %mul3A_1595 = vector.broadcast %mul3A_1594 : i32 to vector<16xi32>
      %mul3A_1596 = arith.muli %and3A_1593, %mul3A_1595 : vector<16xi32>
      %add3A_1597 = arith.addi %shift_right_arithmetic3A_1592, %mul3A_1596 : vector<16xi32>
      %broadcast_in_dim3A_1598 = arith.constant 36 : i32
      %broadcast_in_dim3A_1599 = vector.broadcast %broadcast_in_dim3A_1598 : i32 to vector<16xi32>
      tpu.vector_store_idx %arg9[%iota3A, %broadcast_in_dim3A_1599], %add3A_1589 : memref<16x104xi32, #tpu.memory_space<vmem>>[vector<16xi32>, vector<16xi32>], vector<16xi32>,
      %broadcast_in_dim3A_1600 = arith.constant 85 : i32
      %broadcast_in_dim3A_1601 = vector.broadcast %broadcast_in_dim3A_1600 : i32 to vector<16xi32>
      tpu.vector_store_idx %arg9[%iota3A, %broadcast_in_dim3A_1601], %add3A_1597 : memref<16x104xi32, #tpu.memory_space<vmem>>[vector<16xi32>, vector<16xi32>], vector<16xi32>,
      %add3A_1602 = arith.addi %add3A_746, %convert_element_type3A_663 : vector<16xi32>
      %add3A_1603 = arith.addi %add3A_748, %convert_element_type3A_663 : vector<16xi32>
      %shift_right_arithmetic3A_1604 = arith.constant 1 : i32
      %shift_right_arithmetic3A_1605 = vector.broadcast %shift_right_arithmetic3A_1604 : i32 to vector<16xi32>
      %shift_right_arithmetic3A_1606 = arith.shrsi %add3A_1602, %shift_right_arithmetic3A_1605 : vector<16xi32>
      %and3A_1607 = arith.andi %add3A_1602, %broadcast_in_dim3A_464 : vector<16xi32>
      %mul3A_1608 = arith.constant 43521 : i32
      %mul3A_1609 = vector.broadcast %mul3A_1608 : i32 to vector<16xi32>
      %mul3A_1610 = arith.muli %and3A_1607, %mul3A_1609 : vector<16xi32>
      %add3A_1611 = arith.addi %shift_right_arithmetic3A_1606, %mul3A_1610 : vector<16xi32>
      %shift_right_arithmetic3A_1612 = arith.constant 1 : i32
      %shift_right_arithmetic3A_1613 = vector.broadcast %shift_right_arithmetic3A_1612 : i32 to vector<16xi32>
      %shift_right_arithmetic3A_1614 = arith.shrsi %add3A_1603, %shift_right_arithmetic3A_1613 : vector<16xi32>
      %and3A_1615 = arith.andi %add3A_1603, %broadcast_in_dim3A_464 : vector<16xi32>
      %mul3A_1616 = arith.constant 43521 : i32
      %mul3A_1617 = vector.broadcast %mul3A_1616 : i32 to vector<16xi32>
      %mul3A_1618 = arith.muli %and3A_1615, %mul3A_1617 : vector<16xi32>
      %add3A_1619 = arith.addi %shift_right_arithmetic3A_1614, %mul3A_1618 : vector<16xi32>
      %broadcast_in_dim3A_1620 = arith.constant 37 : i32
      %broadcast_in_dim3A_1621 = vector.broadcast %broadcast_in_dim3A_1620 : i32 to vector<16xi32>
      tpu.vector_store_idx %arg9[%iota3A, %broadcast_in_dim3A_1621], %add3A_1611 : memref<16x104xi32, #tpu.memory_space<vmem>>[vector<16xi32>, vector<16xi32>], vector<16xi32>,
      %broadcast_in_dim3A_1622 = arith.constant 86 : i32
      %broadcast_in_dim3A_1623 = vector.broadcast %broadcast_in_dim3A_1622 : i32 to vector<16xi32>
      tpu.vector_store_idx %arg9[%iota3A, %broadcast_in_dim3A_1623], %add3A_1619 : memref<16x104xi32, #tpu.memory_space<vmem>>[vector<16xi32>, vector<16xi32>], vector<16xi32>,
      %add3A_1624 = arith.addi %add3A_746, %convert_element_type3A_693 : vector<16xi32>
      %add3A_1625 = arith.addi %add3A_748, %convert_element_type3A_693 : vector<16xi32>
      %shift_right_arithmetic3A_1626 = arith.constant 1 : i32
      %shift_right_arithmetic3A_1627 = vector.broadcast %shift_right_arithmetic3A_1626 : i32 to vector<16xi32>
      %shift_right_arithmetic3A_1628 = arith.shrsi %add3A_1624, %shift_right_arithmetic3A_1627 : vector<16xi32>
      %and3A_1629 = arith.andi %add3A_1624, %broadcast_in_dim3A_464 : vector<16xi32>
      %mul3A_1630 = arith.constant 43521 : i32
      %mul3A_1631 = vector.broadcast %mul3A_1630 : i32 to vector<16xi32>
      %mul3A_1632 = arith.muli %and3A_1629, %mul3A_1631 : vector<16xi32>
      %add3A_1633 = arith.addi %shift_right_arithmetic3A_1628, %mul3A_1632 : vector<16xi32>
      %shift_right_arithmetic3A_1634 = arith.constant 1 : i32
      %shift_right_arithmetic3A_1635 = vector.broadcast %shift_right_arithmetic3A_1634 : i32 to vector<16xi32>
      %shift_right_arithmetic3A_1636 = arith.shrsi %add3A_1625, %shift_right_arithmetic3A_1635 : vector<16xi32>
      %and3A_1637 = arith.andi %add3A_1625, %broadcast_in_dim3A_464 : vector<16xi32>
      %mul3A_1638 = arith.constant 43521 : i32
      %mul3A_1639 = vector.broadcast %mul3A_1638 : i32 to vector<16xi32>
      %mul3A_1640 = arith.muli %and3A_1637, %mul3A_1639 : vector<16xi32>
      %add3A_1641 = arith.addi %shift_right_arithmetic3A_1636, %mul3A_1640 : vector<16xi32>
      %broadcast_in_dim3A_1642 = arith.constant 38 : i32
      %broadcast_in_dim3A_1643 = vector.broadcast %broadcast_in_dim3A_1642 : i32 to vector<16xi32>
      tpu.vector_store_idx %arg9[%iota3A, %broadcast_in_dim3A_1643], %add3A_1633 : memref<16x104xi32, #tpu.memory_space<vmem>>[vector<16xi32>, vector<16xi32>], vector<16xi32>,
      %broadcast_in_dim3A_1644 = arith.constant 87 : i32
      %broadcast_in_dim3A_1645 = vector.broadcast %broadcast_in_dim3A_1644 : i32 to vector<16xi32>
      tpu.vector_store_idx %arg9[%iota3A, %broadcast_in_dim3A_1645], %add3A_1641 : memref<16x104xi32, #tpu.memory_space<vmem>>[vector<16xi32>, vector<16xi32>], vector<16xi32>,
      %add3A_1646 = arith.addi %add3A_746, %convert_element_type3A_723 : vector<16xi32>
      %add3A_1647 = arith.addi %add3A_748, %convert_element_type3A_723 : vector<16xi32>
      %shift_right_arithmetic3A_1648 = arith.constant 1 : i32
      %shift_right_arithmetic3A_1649 = vector.broadcast %shift_right_arithmetic3A_1648 : i32 to vector<16xi32>
      %shift_right_arithmetic3A_1650 = arith.shrsi %add3A_1646, %shift_right_arithmetic3A_1649 : vector<16xi32>
      %and3A_1651 = arith.andi %add3A_1646, %broadcast_in_dim3A_464 : vector<16xi32>
      %mul3A_1652 = arith.constant 43521 : i32
      %mul3A_1653 = vector.broadcast %mul3A_1652 : i32 to vector<16xi32>
      %mul3A_1654 = arith.muli %and3A_1651, %mul3A_1653 : vector<16xi32>
      %add3A_1655 = arith.addi %shift_right_arithmetic3A_1650, %mul3A_1654 : vector<16xi32>
      %shift_right_arithmetic3A_1656 = arith.constant 1 : i32
      %shift_right_arithmetic3A_1657 = vector.broadcast %shift_right_arithmetic3A_1656 : i32 to vector<16xi32>
      %shift_right_arithmetic3A_1658 = arith.shrsi %add3A_1647, %shift_right_arithmetic3A_1657 : vector<16xi32>
      %and3A_1659 = arith.andi %add3A_1647, %broadcast_in_dim3A_464 : vector<16xi32>
      %mul3A_1660 = arith.constant 43521 : i32
      %mul3A_1661 = vector.broadcast %mul3A_1660 : i32 to vector<16xi32>
      %mul3A_1662 = arith.muli %and3A_1659, %mul3A_1661 : vector<16xi32>
      %add3A_1663 = arith.addi %shift_right_arithmetic3A_1658, %mul3A_1662 : vector<16xi32>
      %broadcast_in_dim3A_1664 = arith.constant 39 : i32
      %broadcast_in_dim3A_1665 = vector.broadcast %broadcast_in_dim3A_1664 : i32 to vector<16xi32>
      tpu.vector_store_idx %arg9[%iota3A, %broadcast_in_dim3A_1665], %add3A_1655 : memref<16x104xi32, #tpu.memory_space<vmem>>[vector<16xi32>, vector<16xi32>], vector<16xi32>,
      %broadcast_in_dim3A_1666 = arith.constant 88 : i32
      %broadcast_in_dim3A_1667 = vector.broadcast %broadcast_in_dim3A_1666 : i32 to vector<16xi32>
      tpu.vector_store_idx %arg9[%iota3A, %broadcast_in_dim3A_1667], %add3A_1663 : memref<16x104xi32, #tpu.memory_space<vmem>>[vector<16xi32>, vector<16xi32>], vector<16xi32>,
      %add3A_1668 = arith.addi %add3A_746, %convert_element_type3A_753 : vector<16xi32>
      %add3A_1669 = arith.addi %add3A_748, %convert_element_type3A_753 : vector<16xi32>
      %shift_right_arithmetic3A_1670 = arith.constant 1 : i32
      %shift_right_arithmetic3A_1671 = vector.broadcast %shift_right_arithmetic3A_1670 : i32 to vector<16xi32>
      %shift_right_arithmetic3A_1672 = arith.shrsi %add3A_1668, %shift_right_arithmetic3A_1671 : vector<16xi32>
      %and3A_1673 = arith.andi %add3A_1668, %broadcast_in_dim3A_464 : vector<16xi32>
      %mul3A_1674 = arith.constant 43521 : i32
      %mul3A_1675 = vector.broadcast %mul3A_1674 : i32 to vector<16xi32>
      %mul3A_1676 = arith.muli %and3A_1673, %mul3A_1675 : vector<16xi32>
      %add3A_1677 = arith.addi %shift_right_arithmetic3A_1672, %mul3A_1676 : vector<16xi32>
      %shift_right_arithmetic3A_1678 = arith.constant 1 : i32
      %shift_right_arithmetic3A_1679 = vector.broadcast %shift_right_arithmetic3A_1678 : i32 to vector<16xi32>
      %shift_right_arithmetic3A_1680 = arith.shrsi %add3A_1669, %shift_right_arithmetic3A_1679 : vector<16xi32>
      %and3A_1681 = arith.andi %add3A_1669, %broadcast_in_dim3A_464 : vector<16xi32>
      %mul3A_1682 = arith.constant 43521 : i32
      %mul3A_1683 = vector.broadcast %mul3A_1682 : i32 to vector<16xi32>
      %mul3A_1684 = arith.muli %and3A_1681, %mul3A_1683 : vector<16xi32>
      %add3A_1685 = arith.addi %shift_right_arithmetic3A_1680, %mul3A_1684 : vector<16xi32>
      %broadcast_in_dim3A_1686 = arith.constant 40 : i32
      %broadcast_in_dim3A_1687 = vector.broadcast %broadcast_in_dim3A_1686 : i32 to vector<16xi32>
      tpu.vector_store_idx %arg9[%iota3A, %broadcast_in_dim3A_1687], %add3A_1677 : memref<16x104xi32, #tpu.memory_space<vmem>>[vector<16xi32>, vector<16xi32>], vector<16xi32>,
      %broadcast_in_dim3A_1688 = arith.constant 89 : i32
      %broadcast_in_dim3A_1689 = vector.broadcast %broadcast_in_dim3A_1688 : i32 to vector<16xi32>
      tpu.vector_store_idx %arg9[%iota3A, %broadcast_in_dim3A_1689], %add3A_1685 : memref<16x104xi32, #tpu.memory_space<vmem>>[vector<16xi32>, vector<16xi32>], vector<16xi32>,
      %add3A_1690 = arith.addi %add3A_746, %convert_element_type3A_783 : vector<16xi32>
      %add3A_1691 = arith.addi %add3A_748, %convert_element_type3A_783 : vector<16xi32>
      %shift_right_arithmetic3A_1692 = arith.constant 1 : i32
      %shift_right_arithmetic3A_1693 = vector.broadcast %shift_right_arithmetic3A_1692 : i32 to vector<16xi32>
      %shift_right_arithmetic3A_1694 = arith.shrsi %add3A_1690, %shift_right_arithmetic3A_1693 : vector<16xi32>
      %and3A_1695 = arith.andi %add3A_1690, %broadcast_in_dim3A_464 : vector<16xi32>
      %mul3A_1696 = arith.constant 43521 : i32
      %mul3A_1697 = vector.broadcast %mul3A_1696 : i32 to vector<16xi32>
      %mul3A_1698 = arith.muli %and3A_1695, %mul3A_1697 : vector<16xi32>
      %add3A_1699 = arith.addi %shift_right_arithmetic3A_1694, %mul3A_1698 : vector<16xi32>
      %shift_right_arithmetic3A_1700 = arith.constant 1 : i32
      %shift_right_arithmetic3A_1701 = vector.broadcast %shift_right_arithmetic3A_1700 : i32 to vector<16xi32>
      %shift_right_arithmetic3A_1702 = arith.shrsi %add3A_1691, %shift_right_arithmetic3A_1701 : vector<16xi32>
      %and3A_1703 = arith.andi %add3A_1691, %broadcast_in_dim3A_464 : vector<16xi32>
      %mul3A_1704 = arith.constant 43521 : i32
      %mul3A_1705 = vector.broadcast %mul3A_1704 : i32 to vector<16xi32>
      %mul3A_1706 = arith.muli %and3A_1703, %mul3A_1705 : vector<16xi32>
      %add3A_1707 = arith.addi %shift_right_arithmetic3A_1702, %mul3A_1706 : vector<16xi32>
      %broadcast_in_dim3A_1708 = arith.constant 41 : i32
      %broadcast_in_dim3A_1709 = vector.broadcast %broadcast_in_dim3A_1708 : i32 to vector<16xi32>
      tpu.vector_store_idx %arg9[%iota3A, %broadcast_in_dim3A_1709], %add3A_1699 : memref<16x104xi32, #tpu.memory_space<vmem>>[vector<16xi32>, vector<16xi32>], vector<16xi32>,
      %broadcast_in_dim3A_1710 = arith.constant 90 : i32
      %broadcast_in_dim3A_1711 = vector.broadcast %broadcast_in_dim3A_1710 : i32 to vector<16xi32>
      tpu.vector_store_idx %arg9[%iota3A, %broadcast_in_dim3A_1711], %add3A_1707 : memref<16x104xi32, #tpu.memory_space<vmem>>[vector<16xi32>, vector<16xi32>], vector<16xi32>,
      %add3A_1712 = arith.addi %add3A_776, %convert_element_type3A_603 : vector<16xi32>
      %add3A_1713 = arith.addi %add3A_778, %convert_element_type3A_603 : vector<16xi32>
      %shift_right_arithmetic3A_1714 = arith.constant 1 : i32
      %shift_right_arithmetic3A_1715 = vector.broadcast %shift_right_arithmetic3A_1714 : i32 to vector<16xi32>
      %shift_right_arithmetic3A_1716 = arith.shrsi %add3A_1712, %shift_right_arithmetic3A_1715 : vector<16xi32>
      %and3A_1717 = arith.andi %add3A_1712, %broadcast_in_dim3A_464 : vector<16xi32>
      %mul3A_1718 = arith.constant 43521 : i32
      %mul3A_1719 = vector.broadcast %mul3A_1718 : i32 to vector<16xi32>
      %mul3A_1720 = arith.muli %and3A_1717, %mul3A_1719 : vector<16xi32>
      %add3A_1721 = arith.addi %shift_right_arithmetic3A_1716, %mul3A_1720 : vector<16xi32>
      %shift_right_arithmetic3A_1722 = arith.constant 1 : i32
      %shift_right_arithmetic3A_1723 = vector.broadcast %shift_right_arithmetic3A_1722 : i32 to vector<16xi32>
      %shift_right_arithmetic3A_1724 = arith.shrsi %add3A_1713, %shift_right_arithmetic3A_1723 : vector<16xi32>
      %and3A_1725 = arith.andi %add3A_1713, %broadcast_in_dim3A_464 : vector<16xi32>
      %mul3A_1726 = arith.constant 43521 : i32
      %mul3A_1727 = vector.broadcast %mul3A_1726 : i32 to vector<16xi32>
      %mul3A_1728 = arith.muli %and3A_1725, %mul3A_1727 : vector<16xi32>
      %add3A_1729 = arith.addi %shift_right_arithmetic3A_1724, %mul3A_1728 : vector<16xi32>
      %broadcast_in_dim3A_1730 = arith.constant 42 : i32
      %broadcast_in_dim3A_1731 = vector.broadcast %broadcast_in_dim3A_1730 : i32 to vector<16xi32>
      tpu.vector_store_idx %arg9[%iota3A, %broadcast_in_dim3A_1731], %add3A_1721 : memref<16x104xi32, #tpu.memory_space<vmem>>[vector<16xi32>, vector<16xi32>], vector<16xi32>,
      %broadcast_in_dim3A_1732 = arith.constant 91 : i32
      %broadcast_in_dim3A_1733 = vector.broadcast %broadcast_in_dim3A_1732 : i32 to vector<16xi32>
      tpu.vector_store_idx %arg9[%iota3A, %broadcast_in_dim3A_1733], %add3A_1729 : memref<16x104xi32, #tpu.memory_space<vmem>>[vector<16xi32>, vector<16xi32>], vector<16xi32>,
      %add3A_1734 = arith.addi %add3A_776, %convert_element_type3A_633 : vector<16xi32>
      %add3A_1735 = arith.addi %add3A_778, %convert_element_type3A_633 : vector<16xi32>
      %shift_right_arithmetic3A_1736 = arith.constant 1 : i32
      %shift_right_arithmetic3A_1737 = vector.broadcast %shift_right_arithmetic3A_1736 : i32 to vector<16xi32>
      %shift_right_arithmetic3A_1738 = arith.shrsi %add3A_1734, %shift_right_arithmetic3A_1737 : vector<16xi32>
      %and3A_1739 = arith.andi %add3A_1734, %broadcast_in_dim3A_464 : vector<16xi32>
      %mul3A_1740 = arith.constant 43521 : i32
      %mul3A_1741 = vector.broadcast %mul3A_1740 : i32 to vector<16xi32>
      %mul3A_1742 = arith.muli %and3A_1739, %mul3A_1741 : vector<16xi32>
      %add3A_1743 = arith.addi %shift_right_arithmetic3A_1738, %mul3A_1742 : vector<16xi32>
      %shift_right_arithmetic3A_1744 = arith.constant 1 : i32
      %shift_right_arithmetic3A_1745 = vector.broadcast %shift_right_arithmetic3A_1744 : i32 to vector<16xi32>
      %shift_right_arithmetic3A_1746 = arith.shrsi %add3A_1735, %shift_right_arithmetic3A_1745 : vector<16xi32>
      %and3A_1747 = arith.andi %add3A_1735, %broadcast_in_dim3A_464 : vector<16xi32>
      %mul3A_1748 = arith.constant 43521 : i32
      %mul3A_1749 = vector.broadcast %mul3A_1748 : i32 to vector<16xi32>
      %mul3A_1750 = arith.muli %and3A_1747, %mul3A_1749 : vector<16xi32>
      %add3A_1751 = arith.addi %shift_right_arithmetic3A_1746, %mul3A_1750 : vector<16xi32>
      %broadcast_in_dim3A_1752 = arith.constant 43 : i32
      %broadcast_in_dim3A_1753 = vector.broadcast %broadcast_in_dim3A_1752 : i32 to vector<16xi32>
      tpu.vector_store_idx %arg9[%iota3A, %broadcast_in_dim3A_1753], %add3A_1743 : memref<16x104xi32, #tpu.memory_space<vmem>>[vector<16xi32>, vector<16xi32>], vector<16xi32>,
      %broadcast_in_dim3A_1754 = arith.constant 92 : i32
      %broadcast_in_dim3A_1755 = vector.broadcast %broadcast_in_dim3A_1754 : i32 to vector<16xi32>
      tpu.vector_store_idx %arg9[%iota3A, %broadcast_in_dim3A_1755], %add3A_1751 : memref<16x104xi32, #tpu.memory_space<vmem>>[vector<16xi32>, vector<16xi32>], vector<16xi32>,
      %add3A_1756 = arith.addi %add3A_776, %convert_element_type3A_663 : vector<16xi32>
      %add3A_1757 = arith.addi %add3A_778, %convert_element_type3A_663 : vector<16xi32>
      %shift_right_arithmetic3A_1758 = arith.constant 1 : i32
      %shift_right_arithmetic3A_1759 = vector.broadcast %shift_right_arithmetic3A_1758 : i32 to vector<16xi32>
      %shift_right_arithmetic3A_1760 = arith.shrsi %add3A_1756, %shift_right_arithmetic3A_1759 : vector<16xi32>
      %and3A_1761 = arith.andi %add3A_1756, %broadcast_in_dim3A_464 : vector<16xi32>
      %mul3A_1762 = arith.constant 43521 : i32
      %mul3A_1763 = vector.broadcast %mul3A_1762 : i32 to vector<16xi32>
      %mul3A_1764 = arith.muli %and3A_1761, %mul3A_1763 : vector<16xi32>
      %add3A_1765 = arith.addi %shift_right_arithmetic3A_1760, %mul3A_1764 : vector<16xi32>
      %shift_right_arithmetic3A_1766 = arith.constant 1 : i32
      %shift_right_arithmetic3A_1767 = vector.broadcast %shift_right_arithmetic3A_1766 : i32 to vector<16xi32>
      %shift_right_arithmetic3A_1768 = arith.shrsi %add3A_1757, %shift_right_arithmetic3A_1767 : vector<16xi32>
      %and3A_1769 = arith.andi %add3A_1757, %broadcast_in_dim3A_464 : vector<16xi32>
      %mul3A_1770 = arith.constant 43521 : i32
      %mul3A_1771 = vector.broadcast %mul3A_1770 : i32 to vector<16xi32>
      %mul3A_1772 = arith.muli %and3A_1769, %mul3A_1771 : vector<16xi32>
      %add3A_1773 = arith.addi %shift_right_arithmetic3A_1768, %mul3A_1772 : vector<16xi32>
      %broadcast_in_dim3A_1774 = arith.constant 44 : i32
      %broadcast_in_dim3A_1775 = vector.broadcast %broadcast_in_dim3A_1774 : i32 to vector<16xi32>
      tpu.vector_store_idx %arg9[%iota3A, %broadcast_in_dim3A_1775], %add3A_1765 : memref<16x104xi32, #tpu.memory_space<vmem>>[vector<16xi32>, vector<16xi32>], vector<16xi32>,
      %broadcast_in_dim3A_1776 = arith.constant 93 : i32
      %broadcast_in_dim3A_1777 = vector.broadcast %broadcast_in_dim3A_1776 : i32 to vector<16xi32>
      tpu.vector_store_idx %arg9[%iota3A, %broadcast_in_dim3A_1777], %add3A_1773 : memref<16x104xi32, #tpu.memory_space<vmem>>[vector<16xi32>, vector<16xi32>], vector<16xi32>,
      %add3A_1778 = arith.addi %add3A_776, %convert_element_type3A_693 : vector<16xi32>
      %add3A_1779 = arith.addi %add3A_778, %convert_element_type3A_693 : vector<16xi32>
      %shift_right_arithmetic3A_1780 = arith.constant 1 : i32
      %shift_right_arithmetic3A_1781 = vector.broadcast %shift_right_arithmetic3A_1780 : i32 to vector<16xi32>
      %shift_right_arithmetic3A_1782 = arith.shrsi %add3A_1778, %shift_right_arithmetic3A_1781 : vector<16xi32>
      %and3A_1783 = arith.andi %add3A_1778, %broadcast_in_dim3A_464 : vector<16xi32>
      %mul3A_1784 = arith.constant 43521 : i32
      %mul3A_1785 = vector.broadcast %mul3A_1784 : i32 to vector<16xi32>
      %mul3A_1786 = arith.muli %and3A_1783, %mul3A_1785 : vector<16xi32>
      %add3A_1787 = arith.addi %shift_right_arithmetic3A_1782, %mul3A_1786 : vector<16xi32>
      %shift_right_arithmetic3A_1788 = arith.constant 1 : i32
      %shift_right_arithmetic3A_1789 = vector.broadcast %shift_right_arithmetic3A_1788 : i32 to vector<16xi32>
      %shift_right_arithmetic3A_1790 = arith.shrsi %add3A_1779, %shift_right_arithmetic3A_1789 : vector<16xi32>
      %and3A_1791 = arith.andi %add3A_1779, %broadcast_in_dim3A_464 : vector<16xi32>
      %mul3A_1792 = arith.constant 43521 : i32
      %mul3A_1793 = vector.broadcast %mul3A_1792 : i32 to vector<16xi32>
      %mul3A_1794 = arith.muli %and3A_1791, %mul3A_1793 : vector<16xi32>
      %add3A_1795 = arith.addi %shift_right_arithmetic3A_1790, %mul3A_1794 : vector<16xi32>
      %broadcast_in_dim3A_1796 = arith.constant 45 : i32
      %broadcast_in_dim3A_1797 = vector.broadcast %broadcast_in_dim3A_1796 : i32 to vector<16xi32>
      tpu.vector_store_idx %arg9[%iota3A, %broadcast_in_dim3A_1797], %add3A_1787 : memref<16x104xi32, #tpu.memory_space<vmem>>[vector<16xi32>, vector<16xi32>], vector<16xi32>,
      %broadcast_in_dim3A_1798 = arith.constant 94 : i32
      %broadcast_in_dim3A_1799 = vector.broadcast %broadcast_in_dim3A_1798 : i32 to vector<16xi32>
      tpu.vector_store_idx %arg9[%iota3A, %broadcast_in_dim3A_1799], %add3A_1795 : memref<16x104xi32, #tpu.memory_space<vmem>>[vector<16xi32>, vector<16xi32>], vector<16xi32>,
      %add3A_1800 = arith.addi %add3A_776, %convert_element_type3A_723 : vector<16xi32>
      %add3A_1801 = arith.addi %add3A_778, %convert_element_type3A_723 : vector<16xi32>
      %shift_right_arithmetic3A_1802 = arith.constant 1 : i32
      %shift_right_arithmetic3A_1803 = vector.broadcast %shift_right_arithmetic3A_1802 : i32 to vector<16xi32>
      %shift_right_arithmetic3A_1804 = arith.shrsi %add3A_1800, %shift_right_arithmetic3A_1803 : vector<16xi32>
      %and3A_1805 = arith.andi %add3A_1800, %broadcast_in_dim3A_464 : vector<16xi32>
      %mul3A_1806 = arith.constant 43521 : i32
      %mul3A_1807 = vector.broadcast %mul3A_1806 : i32 to vector<16xi32>
      %mul3A_1808 = arith.muli %and3A_1805, %mul3A_1807 : vector<16xi32>
      %add3A_1809 = arith.addi %shift_right_arithmetic3A_1804, %mul3A_1808 : vector<16xi32>
      %shift_right_arithmetic3A_1810 = arith.constant 1 : i32
      %shift_right_arithmetic3A_1811 = vector.broadcast %shift_right_arithmetic3A_1810 : i32 to vector<16xi32>
      %shift_right_arithmetic3A_1812 = arith.shrsi %add3A_1801, %shift_right_arithmetic3A_1811 : vector<16xi32>
      %and3A_1813 = arith.andi %add3A_1801, %broadcast_in_dim3A_464 : vector<16xi32>
      %mul3A_1814 = arith.constant 43521 : i32
      %mul3A_1815 = vector.broadcast %mul3A_1814 : i32 to vector<16xi32>
      %mul3A_1816 = arith.muli %and3A_1813, %mul3A_1815 : vector<16xi32>
      %add3A_1817 = arith.addi %shift_right_arithmetic3A_1812, %mul3A_1816 : vector<16xi32>
      %broadcast_in_dim3A_1818 = arith.constant 46 : i32
      %broadcast_in_dim3A_1819 = vector.broadcast %broadcast_in_dim3A_1818 : i32 to vector<16xi32>
      tpu.vector_store_idx %arg9[%iota3A, %broadcast_in_dim3A_1819], %add3A_1809 : memref<16x104xi32, #tpu.memory_space<vmem>>[vector<16xi32>, vector<16xi32>], vector<16xi32>,
      %broadcast_in_dim3A_1820 = arith.constant 95 : i32
      %broadcast_in_dim3A_1821 = vector.broadcast %broadcast_in_dim3A_1820 : i32 to vector<16xi32>
      tpu.vector_store_idx %arg9[%iota3A, %broadcast_in_dim3A_1821], %add3A_1817 : memref<16x104xi32, #tpu.memory_space<vmem>>[vector<16xi32>, vector<16xi32>], vector<16xi32>,
      %add3A_1822 = arith.addi %add3A_776, %convert_element_type3A_753 : vector<16xi32>
      %add3A_1823 = arith.addi %add3A_778, %convert_element_type3A_753 : vector<16xi32>
      %shift_right_arithmetic3A_1824 = arith.constant 1 : i32
      %shift_right_arithmetic3A_1825 = vector.broadcast %shift_right_arithmetic3A_1824 : i32 to vector<16xi32>
      %shift_right_arithmetic3A_1826 = arith.shrsi %add3A_1822, %shift_right_arithmetic3A_1825 : vector<16xi32>
      %and3A_1827 = arith.andi %add3A_1822, %broadcast_in_dim3A_464 : vector<16xi32>
      %mul3A_1828 = arith.constant 43521 : i32
      %mul3A_1829 = vector.broadcast %mul3A_1828 : i32 to vector<16xi32>
      %mul3A_1830 = arith.muli %and3A_1827, %mul3A_1829 : vector<16xi32>
      %add3A_1831 = arith.addi %shift_right_arithmetic3A_1826, %mul3A_1830 : vector<16xi32>
      %shift_right_arithmetic3A_1832 = arith.constant 1 : i32
      %shift_right_arithmetic3A_1833 = vector.broadcast %shift_right_arithmetic3A_1832 : i32 to vector<16xi32>
      %shift_right_arithmetic3A_1834 = arith.shrsi %add3A_1823, %shift_right_arithmetic3A_1833 : vector<16xi32>
      %and3A_1835 = arith.andi %add3A_1823, %broadcast_in_dim3A_464 : vector<16xi32>
      %mul3A_1836 = arith.constant 43521 : i32
      %mul3A_1837 = vector.broadcast %mul3A_1836 : i32 to vector<16xi32>
      %mul3A_1838 = arith.muli %and3A_1835, %mul3A_1837 : vector<16xi32>
      %add3A_1839 = arith.addi %shift_right_arithmetic3A_1834, %mul3A_1838 : vector<16xi32>
      %broadcast_in_dim3A_1840 = arith.constant 47 : i32
      %broadcast_in_dim3A_1841 = vector.broadcast %broadcast_in_dim3A_1840 : i32 to vector<16xi32>
      tpu.vector_store_idx %arg9[%iota3A, %broadcast_in_dim3A_1841], %add3A_1831 : memref<16x104xi32, #tpu.memory_space<vmem>>[vector<16xi32>, vector<16xi32>], vector<16xi32>,
      %broadcast_in_dim3A_1842 = arith.constant 96 : i32
      %broadcast_in_dim3A_1843 = vector.broadcast %broadcast_in_dim3A_1842 : i32 to vector<16xi32>
      tpu.vector_store_idx %arg9[%iota3A, %broadcast_in_dim3A_1843], %add3A_1839 : memref<16x104xi32, #tpu.memory_space<vmem>>[vector<16xi32>, vector<16xi32>], vector<16xi32>,
      %add3A_1844 = arith.addi %add3A_776, %convert_element_type3A_783 : vector<16xi32>
      %add3A_1845 = arith.addi %add3A_778, %convert_element_type3A_783 : vector<16xi32>
      %shift_right_arithmetic3A_1846 = arith.constant 1 : i32
      %shift_right_arithmetic3A_1847 = vector.broadcast %shift_right_arithmetic3A_1846 : i32 to vector<16xi32>
      %shift_right_arithmetic3A_1848 = arith.shrsi %add3A_1844, %shift_right_arithmetic3A_1847 : vector<16xi32>
      %and3A_1849 = arith.andi %add3A_1844, %broadcast_in_dim3A_464 : vector<16xi32>
      %mul3A_1850 = arith.constant 43521 : i32
      %mul3A_1851 = vector.broadcast %mul3A_1850 : i32 to vector<16xi32>
      %mul3A_1852 = arith.muli %and3A_1849, %mul3A_1851 : vector<16xi32>
      %add3A_1853 = arith.addi %shift_right_arithmetic3A_1848, %mul3A_1852 : vector<16xi32>
      %shift_right_arithmetic3A_1854 = arith.constant 1 : i32
      %shift_right_arithmetic3A_1855 = vector.broadcast %shift_right_arithmetic3A_1854 : i32 to vector<16xi32>
      %shift_right_arithmetic3A_1856 = arith.shrsi %add3A_1845, %shift_right_arithmetic3A_1855 : vector<16xi32>
      %and3A_1857 = arith.andi %add3A_1845, %broadcast_in_dim3A_464 : vector<16xi32>
      %mul3A_1858 = arith.constant 43521 : i32
      %mul3A_1859 = vector.broadcast %mul3A_1858 : i32 to vector<16xi32>
      %mul3A_1860 = arith.muli %and3A_1857, %mul3A_1859 : vector<16xi32>
      %add3A_1861 = arith.addi %shift_right_arithmetic3A_1856, %mul3A_1860 : vector<16xi32>
      %broadcast_in_dim3A_1862 = arith.constant 48 : i32
      %broadcast_in_dim3A_1863 = vector.broadcast %broadcast_in_dim3A_1862 : i32 to vector<16xi32>
      tpu.vector_store_idx %arg9[%iota3A, %broadcast_in_dim3A_1863], %add3A_1853 : memref<16x104xi32, #tpu.memory_space<vmem>>[vector<16xi32>, vector<16xi32>], vector<16xi32>,
      %broadcast_in_dim3A_1864 = arith.constant 97 : i32
      %broadcast_in_dim3A_1865 = vector.broadcast %broadcast_in_dim3A_1864 : i32 to vector<16xi32>
      tpu.vector_store_idx %arg9[%iota3A, %broadcast_in_dim3A_1865], %add3A_1861 : memref<16x104xi32, #tpu.memory_space<vmem>>[vector<16xi32>, vector<16xi32>], vector<16xi32>,
      %dma_start3A = arith.constant 0 : i32
      %dma_start3A_1866 = arith.constant 0 : i32
      %dma_start3A_1867 = tpu.memref_slice %arg9[%dma_start3A, %dma_start3A_1866] : memref<16x104xi32, #tpu.memory_space<vmem>> -> memref<1x104xi32, #tpu.memory_space<vmem>>
      %dma_start3A_1868 = tpu.memref_squeeze %dma_start3A_1867 : memref<1x104xi32, #tpu.memory_space<vmem>> -> memref<104xi32, #tpu.memory_space<vmem>>
      %dma_start3A_1869 = arith.constant 0 : i32
      %dma_start3A_1870 = arith.constant 0 : i32
      %dma_start3A_1871 = tpu.memref_slice %arg2[%dma_start3A_1869, %dma_start3A_1870] : memref<87041x512xf32, #tpu.memory_space<hbm>> -> memref<87041x512xf32, #tpu.memory_space<hbm>>
      tpu.enqueue_indirect_dma source(%dma_start3A_1871 : memref<87041x512xf32, #tpu.memory_space<hbm>>) target(%arg12 : memref<104x512xf32, #tpu.memory_space<vmem>>) offsets(%dma_start3A_1868 : memref<104xi32, #tpu.memory_space<vmem>>) semaphore(%arg15 : memref<!tpu.dma_semaphore, #tpu.memory_space<semaphore_mem>>)
      %scan3A_1872 = arith.constant 0 : i32
      %scan3A_1873 = arith.constant 0 : i32
      %scan3A_1874 = arith.constant 8 : i32
      %scan3A_1875 = arith.addi %scan3A_1873, %scan3A_1874 : i32
      %scan3A_1876 = arith.constant 1 : i32
      scf.for %scan3A_1878 = %scan3A_1873 to %scan3A_1875 step %scan3A_1876  : i32 {
        %mul3A_1879 = arith.constant 2 : i32
        %mul3A_1880 = arith.muli %scan3A_1878, %mul3A_1879 : i32
        %dma_wait3A_1881 = arith.constant 0 : i32
        %dma_wait3A_1882 = arith.constant 0 : i32
        %dma_wait3A_1883 = tpu.memref_slice %arg9[%dma_wait3A_1881, %dma_wait3A_1882] : memref<16x104xi32, #tpu.memory_space<vmem>> -> memref<1x104xi32, #tpu.memory_space<vmem>>
        %dma_wait3A_1884 = tpu.memref_squeeze %dma_wait3A_1883 : memref<1x104xi32, #tpu.memory_space<vmem>> -> memref<104xi32, #tpu.memory_space<vmem>>
        %dma_wait3A_1885 = arith.constant 0 : i32
        %dma_wait3A_1886 = arith.constant 0 : i32
        %dma_wait3A_1887 = tpu.memref_slice %arg2[%dma_wait3A_1885, %dma_wait3A_1886] : memref<87041x512xf32, #tpu.memory_space<hbm>> -> memref<87041x512xf32, #tpu.memory_space<hbm>>
        tpu.wait_indirect_dma semaphore(%arg15 : memref<!tpu.dma_semaphore, #tpu.memory_space<semaphore_mem>>) src(%dma_wait3A_1887 : memref<87041x512xf32, #tpu.memory_space<hbm>>) dst(%arg12 : memref<104x512xf32, #tpu.memory_space<vmem>>)
        %add3A_1888 = arith.constant 1 : i32
        %add3A_1889 = arith.addi %mul3A_1880, %add3A_1888 : i32
        %dma_start3A_1890 = arith.constant 0 : i32
        %dma_start3A_1891 = tpu.memref_slice %arg9[%add3A_1889, %dma_start3A_1890] : memref<16x104xi32, #tpu.memory_space<vmem>> -> memref<1x104xi32, #tpu.memory_space<vmem>>
        %dma_start3A_1892 = tpu.memref_squeeze %dma_start3A_1891 : memref<1x104xi32, #tpu.memory_space<vmem>> -> memref<104xi32, #tpu.memory_space<vmem>>
        %dma_start3A_1893 = arith.constant 0 : i32
        %dma_start3A_1894 = arith.constant 0 : i32
        %dma_start3A_1895 = tpu.memref_slice %arg2[%dma_start3A_1893, %dma_start3A_1894] : memref<87041x512xf32, #tpu.memory_space<hbm>> -> memref<87041x512xf32, #tpu.memory_space<hbm>>
        tpu.enqueue_indirect_dma source(%dma_start3A_1895 : memref<87041x512xf32, #tpu.memory_space<hbm>>) target(%arg13 : memref<104x512xf32, #tpu.memory_space<vmem>>) offsets(%dma_start3A_1892 : memref<104xi32, #tpu.memory_space<vmem>>) semaphore(%arg16 : memref<!tpu.dma_semaphore, #tpu.memory_space<semaphore_mem>>)
        %broadcast_in_dim3A_1896 = vector.broadcast %mul3A_1880 : i32 to vector<16xi32>
        %add3A_1897 = arith.addi %mul3A_2, %mul3A_480 : i32
        %add3A_1898 = arith.addi %add3A_1897, %mul3A_1880 : i32
        %add3A_1899 = arith.addi %mul3A_480, %mul3A_1880 : i32
        %gt3A = arith.constant 0 : i32
        %gt3A_1900 = arith.cmpi sgt, %add3A_1899, %gt3A : i32
        %convert_element_type3A_1901 = arith.extui %gt3A_1900 : i1 to i32
        %cond3A = arith.constant 0 : i32
        %cond3A_1902 = arith.cmpi ne, %convert_element_type3A_1901, %cond3A : i32
        scf.if %cond3A_1902 {
          %dma_wait3A_1957 = arith.constant 0 : i32
          %dma_wait3A_1958 = arith.constant 0 : i32
          %dma_wait3A_1959 = arith.constant 0 : i32
          %dma_wait3A_1960 = tpu.memref_slice %arg5[%dma_wait3A_1957, %dma_wait3A_1958, %dma_wait3A_1959] : memref<5000x49x256xf32, #tpu.memory_space<hbm>> -> memref<1x49x256xf32, #tpu.memory_space<hbm>>
          %dma_wait3A_1961 = tpu.memref_squeeze %dma_wait3A_1960 : memref<1x49x256xf32, #tpu.memory_space<hbm>> -> memref<49x256xf32, #tpu.memory_space<hbm>>
          %dma_wait3A_1962 = arith.constant 0 : i32
          %dma_wait3A_1963 = arith.constant 0 : i32
          %dma_wait3A_1964 = tpu.memref_slice %arg5[%dma_wait3A_1957, %dma_wait3A_1962, %dma_wait3A_1963] : memref<5000x49x256xf32, #tpu.memory_space<hbm>> -> memref<1x49x256xf32, #tpu.memory_space<hbm>>
          %dma_wait3A_1965 = tpu.memref_squeeze %dma_wait3A_1964 : memref<1x49x256xf32, #tpu.memory_space<hbm>> -> memref<49x256xf32, #tpu.memory_space<hbm>>
          tpu.wait_dma2 semaphore(%arg17 : memref<!tpu.dma_semaphore, #tpu.memory_space<semaphore_mem>>) src(%arg14 : memref<49x256xf32, #tpu.memory_space<vmem>>) dst(%dma_wait3A_1965 : memref<49x256xf32, #tpu.memory_space<hbm>>)
        } else {
        }
        %scan3A_1903 = arith.constant 0 : i32
        %scan3A_1904 = arith.constant 0 : i32
        %scan3A_1905 = arith.constant 49 : i32
        %scan3A_1906 = arith.addi %scan3A_1904, %scan3A_1905 : i32
        %scan3A_1907 = arith.constant 1 : i32
        scf.for %scan3A_1957 = %scan3A_1904 to %scan3A_1906 step %scan3A_1907  : i32 {
          %jit3A_1958 = arith.constant 7 : i32
          %div3A = arith.divsi %scan3A_1957, %jit3A_1958 : i32
          %sign3A = arith.constant 0 : i32
          %sign3A_1959 = arith.cmpi sgt, %scan3A_1957, %sign3A : i32
          %sign3A_1960 = arith.extui %sign3A_1959 : i1 to i32
          %sign3A_1961 = arith.constant 0 : i32
          %sign3A_1962 = arith.cmpi slt, %scan3A_1957, %sign3A_1961 : i32
          %sign3A_1963 = arith.extui %sign3A_1962 : i1 to i32
          %sign3A_1964 = arith.subi %sign3A_1960, %sign3A_1963 : i32
          %sign3A_1965 = arith.constant 0 : i32
          %sign3A_1966 = arith.cmpi sgt, %jit3A_1958, %sign3A_1965 : i32
          %sign3A_1967 = arith.extui %sign3A_1966 : i1 to i32
          %sign3A_1968 = arith.constant 0 : i32
          %sign3A_1969 = arith.cmpi slt, %jit3A_1958, %sign3A_1968 : i32
          %sign3A_1970 = arith.extui %sign3A_1969 : i1 to i32
          %sign3A_1971 = arith.subi %sign3A_1967, %sign3A_1970 : i32
          %ne3A = arith.cmpi ne, %sign3A_1964, %sign3A_1971 : i32
          %rem3A = arith.remsi %scan3A_1957, %jit3A_1958 : i32
          %ne3A_1972 = arith.constant 0 : i32
          %ne3A_1973 = arith.cmpi ne, %rem3A, %ne3A_1972 : i32
          %and3A_1974 = arith.andi %ne3A, %ne3A_1973 : i1
          %sub3A_1975 = arith.constant 1 : i32
          %sub3A_1976 = arith.subi %div3A, %sub3A_1975 : i32
          %select_n3A_1977 = arith.select %and3A_1974, %sub3A_1976, %div3A : i32
          %mul3A_1978 = arith.constant 7 : i32
          %mul3A_1979 = arith.muli %select_n3A_1977, %mul3A_1978 : i32
          %sub3A_1980 = arith.subi %scan3A_1957, %mul3A_1979 : i32
          %broadcast_in_dim3A_1981 = vector.broadcast %select_n3A_1977 : i32 to vector<16xi32>
          %gather3A = tpu.vector_load_idx %arg10[%broadcast_in_dim3A_1981, %broadcast_in_dim3A_1896] : memref<7x16xf32, #tpu.memory_space<vmem>>[vector<16xi32>, vector<16xi32>], vector<16xf32>,
          %broadcast_in_dim3A_1982 = vector.broadcast %sub3A_1980 : i32 to vector<16xi32>
          %gather3A_1983 = tpu.vector_load_idx %arg11[%broadcast_in_dim3A_1982, %broadcast_in_dim3A_1896] : memref<7x16xf32, #tpu.memory_space<vmem>>[vector<16xi32>, vector<16xi32>], vector<16xf32>,
          %mul3A_1984 = arith.mulf %gather3A, %gather3A_1983 : vector<16xf32>
          %sub3A_1985 = arith.subf %gather3A, %mul3A_1984 : vector<16xf32>
          %sub3A_1986 = arith.subf %gather3A_1983, %mul3A_1984 : vector<16xf32>
          %sub3A_1987 = arith.constant 1.000000e+00 : f32
          %sub3A_1988 = vector.broadcast %sub3A_1987 : f32 to vector<16xf32>
          %sub3A_1989 = arith.subf %sub3A_1988, %gather3A_1983 : vector<16xf32>
          %sub3A_1990 = arith.subf %sub3A_1989, %sub3A_1985 : vector<16xf32>
          %get3A_1991 = arith.index_cast %scan3A_1957 : i32 to index
          %get3A_1992 = arith.constant 0 : index
          %get3A_1993 = tpu.vector_load %arg12[%get3A_1991, %get3A_1992] {strides = array<i32>} : memref<104x512xf32, #tpu.memory_space<vmem>>, vector<16xf32>,
          %get3A_1994 = arith.index_cast %scan3A_1957 : i32 to index
          %get3A_1995 = arith.constant 256 : index
          %get3A_1996 = tpu.vector_load %arg12[%get3A_1994, %get3A_1995] {strides = array<i32>} : memref<104x512xf32, #tpu.memory_space<vmem>>, vector<16xf32>,
          %add3A_1997 = arith.constant 49 : i32
          %add3A_1998 = arith.addi %add3A_1997, %scan3A_1957 : i32
          %get3A_1999 = arith.index_cast %add3A_1998 : i32 to index
          %get3A_2000 = arith.constant 0 : index
          %get3A_2001 = tpu.vector_load %arg12[%get3A_1999, %get3A_2000] {strides = array<i32>} : memref<104x512xf32, #tpu.memory_space<vmem>>, vector<16xf32>,
          %add3A_2002 = arith.constant 49 : i32
          %add3A_2003 = arith.addi %add3A_2002, %scan3A_1957 : i32
          %get3A_2004 = arith.index_cast %add3A_2003 : i32 to index
          %get3A_2005 = arith.constant 256 : index
          %get3A_2006 = tpu.vector_load %arg12[%get3A_2004, %get3A_2005] {strides = array<i32>} : memref<104x512xf32, #tpu.memory_space<vmem>>, vector<16xf32>,
          %mul3A_2007 = arith.mulf %get3A_1993, %sub3A_1990 : vector<16xf32>
          %mul3A_2008 = arith.mulf %get3A_1996, %sub3A_1986 : vector<16xf32>
          %add3A_2009 = arith.addf %mul3A_2007, %mul3A_2008 : vector<16xf32>
          %mul3A_2010 = arith.mulf %get3A_2001, %sub3A_1985 : vector<16xf32>
          %add3A_2011 = arith.addf %add3A_2009, %mul3A_2010 : vector<16xf32>
          %mul3A_2012 = arith.mulf %get3A_2006, %mul3A_1984 : vector<16xf32>
          %add3A_2013 = arith.addf %add3A_2011, %mul3A_2012 : vector<16xf32>
          %swap3A_2014 = arith.index_cast %scan3A_1957 : i32 to index
          %swap3A_2015 = arith.constant 0 : index
          %swap3A_2016 = tpu.vector_load %arg14[%swap3A_2014, %swap3A_2015] {strides = array<i32>} : memref<49x256xf32, #tpu.memory_space<vmem>>, vector<16xf32>,
          tpu.vector_store %arg14[%swap3A_2014, %swap3A_2015], %add3A_2013 {strides = array<i32>} : memref<49x256xf32, #tpu.memory_space<vmem>>, vector<16xf32>,
          %get3A_2017 = arith.index_cast %scan3A_1957 : i32 to index
          %get3A_2018 = arith.constant 16 : index
          %get3A_2019 = tpu.vector_load %arg12[%get3A_2017, %get3A_2018] {strides = array<i32>} : memref<104x512xf32, #tpu.memory_space<vmem>>, vector<16xf32>,
          %get3A_2020 = arith.index_cast %scan3A_1957 : i32 to index
          %get3A_2021 = arith.constant 272 : index
          %get3A_2022 = tpu.vector_load %arg12[%get3A_2020, %get3A_2021] {strides = array<i32>} : memref<104x512xf32, #tpu.memory_space<vmem>>, vector<16xf32>,
          %add3A_2023 = arith.constant 49 : i32
          %add3A_2024 = arith.addi %add3A_2023, %scan3A_1957 : i32
          %get3A_2025 = arith.index_cast %add3A_2024 : i32 to index
          %get3A_2026 = arith.constant 16 : index
          %get3A_2027 = tpu.vector_load %arg12[%get3A_2025, %get3A_2026] {strides = array<i32>} : memref<104x512xf32, #tpu.memory_space<vmem>>, vector<16xf32>,
          %add3A_2028 = arith.constant 49 : i32
          %add3A_2029 = arith.addi %add3A_2028, %scan3A_1957 : i32
          %get3A_2030 = arith.index_cast %add3A_2029 : i32 to index
          %get3A_2031 = arith.constant 272 : index
          %get3A_2032 = tpu.vector_load %arg12[%get3A_2030, %get3A_2031] {strides = array<i32>} : memref<104x512xf32, #tpu.memory_space<vmem>>, vector<16xf32>,
          %mul3A_2033 = arith.mulf %get3A_2019, %sub3A_1990 : vector<16xf32>
          %mul3A_2034 = arith.mulf %get3A_2022, %sub3A_1986 : vector<16xf32>
          %add3A_2035 = arith.addf %mul3A_2033, %mul3A_2034 : vector<16xf32>
          %mul3A_2036 = arith.mulf %get3A_2027, %sub3A_1985 : vector<16xf32>
          %add3A_2037 = arith.addf %add3A_2035, %mul3A_2036 : vector<16xf32>
          %mul3A_2038 = arith.mulf %get3A_2032, %mul3A_1984 : vector<16xf32>
          %add3A_2039 = arith.addf %add3A_2037, %mul3A_2038 : vector<16xf32>
          %swap3A_2040 = arith.index_cast %scan3A_1957 : i32 to index
          %swap3A_2041 = arith.constant 16 : index
          %swap3A_2042 = tpu.vector_load %arg14[%swap3A_2040, %swap3A_2041] {strides = array<i32>} : memref<49x256xf32, #tpu.memory_space<vmem>>, vector<16xf32>,
          tpu.vector_store %arg14[%swap3A_2040, %swap3A_2041], %add3A_2039 {strides = array<i32>} : memref<49x256xf32, #tpu.memory_space<vmem>>, vector<16xf32>,
          %get3A_2043 = arith.index_cast %scan3A_1957 : i32 to index
          %get3A_2044 = arith.constant 32 : index
          %get3A_2045 = tpu.vector_load %arg12[%get3A_2043, %get3A_2044] {strides = array<i32>} : memref<104x512xf32, #tpu.memory_space<vmem>>, vector<16xf32>,
          %get3A_2046 = arith.index_cast %scan3A_1957 : i32 to index
          %get3A_2047 = arith.constant 288 : index
          %get3A_2048 = tpu.vector_load %arg12[%get3A_2046, %get3A_2047] {strides = array<i32>} : memref<104x512xf32, #tpu.memory_space<vmem>>, vector<16xf32>,
          %add3A_2049 = arith.constant 49 : i32
          %add3A_2050 = arith.addi %add3A_2049, %scan3A_1957 : i32
          %get3A_2051 = arith.index_cast %add3A_2050 : i32 to index
          %get3A_2052 = arith.constant 32 : index
          %get3A_2053 = tpu.vector_load %arg12[%get3A_2051, %get3A_2052] {strides = array<i32>} : memref<104x512xf32, #tpu.memory_space<vmem>>, vector<16xf32>,
          %add3A_2054 = arith.constant 49 : i32
          %add3A_2055 = arith.addi %add3A_2054, %scan3A_1957 : i32
          %get3A_2056 = arith.index_cast %add3A_2055 : i32 to index
          %get3A_2057 = arith.constant 288 : index
          %get3A_2058 = tpu.vector_load %arg12[%get3A_2056, %get3A_2057] {strides = array<i32>} : memref<104x512xf32, #tpu.memory_space<vmem>>, vector<16xf32>,
          %mul3A_2059 = arith.mulf %get3A_2045, %sub3A_1990 : vector<16xf32>
          %mul3A_2060 = arith.mulf %get3A_2048, %sub3A_1986 : vector<16xf32>
          %add3A_2061 = arith.addf %mul3A_2059, %mul3A_2060 : vector<16xf32>
          %mul3A_2062 = arith.mulf %get3A_2053, %sub3A_1985 : vector<16xf32>
          %add3A_2063 = arith.addf %add3A_2061, %mul3A_2062 : vector<16xf32>
          %mul3A_2064 = arith.mulf %get3A_2058, %mul3A_1984 : vector<16xf32>
          %add3A_2065 = arith.addf %add3A_2063, %mul3A_2064 : vector<16xf32>
          %swap3A_2066 = arith.index_cast %scan3A_1957 : i32 to index
          %swap3A_2067 = arith.constant 32 : index
          %swap3A_2068 = tpu.vector_load %arg14[%swap3A_2066, %swap3A_2067] {strides = array<i32>} : memref<49x256xf32, #tpu.memory_space<vmem>>, vector<16xf32>,
          tpu.vector_store %arg14[%swap3A_2066, %swap3A_2067], %add3A_2065 {strides = array<i32>} : memref<49x256xf32, #tpu.memory_space<vmem>>, vector<16xf32>,
          %get3A_2069 = arith.index_cast %scan3A_1957 : i32 to index
          %get3A_2070 = arith.constant 48 : index
          %get3A_2071 = tpu.vector_load %arg12[%get3A_2069, %get3A_2070] {strides = array<i32>} : memref<104x512xf32, #tpu.memory_space<vmem>>, vector<16xf32>,
          %get3A_2072 = arith.index_cast %scan3A_1957 : i32 to index
          %get3A_2073 = arith.constant 304 : index
          %get3A_2074 = tpu.vector_load %arg12[%get3A_2072, %get3A_2073] {strides = array<i32>} : memref<104x512xf32, #tpu.memory_space<vmem>>, vector<16xf32>,
          %add3A_2075 = arith.constant 49 : i32
          %add3A_2076 = arith.addi %add3A_2075, %scan3A_1957 : i32
          %get3A_2077 = arith.index_cast %add3A_2076 : i32 to index
          %get3A_2078 = arith.constant 48 : index
          %get3A_2079 = tpu.vector_load %arg12[%get3A_2077, %get3A_2078] {strides = array<i32>} : memref<104x512xf32, #tpu.memory_space<vmem>>, vector<16xf32>,
          %add3A_2080 = arith.constant 49 : i32
          %add3A_2081 = arith.addi %add3A_2080, %scan3A_1957 : i32
          %get3A_2082 = arith.index_cast %add3A_2081 : i32 to index
          %get3A_2083 = arith.constant 304 : index
          %get3A_2084 = tpu.vector_load %arg12[%get3A_2082, %get3A_2083] {strides = array<i32>} : memref<104x512xf32, #tpu.memory_space<vmem>>, vector<16xf32>,
          %mul3A_2085 = arith.mulf %get3A_2071, %sub3A_1990 : vector<16xf32>
          %mul3A_2086 = arith.mulf %get3A_2074, %sub3A_1986 : vector<16xf32>
          %add3A_2087 = arith.addf %mul3A_2085, %mul3A_2086 : vector<16xf32>
          %mul3A_2088 = arith.mulf %get3A_2079, %sub3A_1985 : vector<16xf32>
          %add3A_2089 = arith.addf %add3A_2087, %mul3A_2088 : vector<16xf32>
          %mul3A_2090 = arith.mulf %get3A_2084, %mul3A_1984 : vector<16xf32>
          %add3A_2091 = arith.addf %add3A_2089, %mul3A_2090 : vector<16xf32>
          %swap3A_2092 = arith.index_cast %scan3A_1957 : i32 to index
          %swap3A_2093 = arith.constant 48 : index
          %swap3A_2094 = tpu.vector_load %arg14[%swap3A_2092, %swap3A_2093] {strides = array<i32>} : memref<49x256xf32, #tpu.memory_space<vmem>>, vector<16xf32>,
          tpu.vector_store %arg14[%swap3A_2092, %swap3A_2093], %add3A_2091 {strides = array<i32>} : memref<49x256xf32, #tpu.memory_space<vmem>>, vector<16xf32>,
          %get3A_2095 = arith.index_cast %scan3A_1957 : i32 to index
          %get3A_2096 = arith.constant 64 : index
          %get3A_2097 = tpu.vector_load %arg12[%get3A_2095, %get3A_2096] {strides = array<i32>} : memref<104x512xf32, #tpu.memory_space<vmem>>, vector<16xf32>,
          %get3A_2098 = arith.index_cast %scan3A_1957 : i32 to index
          %get3A_2099 = arith.constant 320 : index
          %get3A_2100 = tpu.vector_load %arg12[%get3A_2098, %get3A_2099] {strides = array<i32>} : memref<104x512xf32, #tpu.memory_space<vmem>>, vector<16xf32>,
          %add3A_2101 = arith.constant 49 : i32
          %add3A_2102 = arith.addi %add3A_2101, %scan3A_1957 : i32
          %get3A_2103 = arith.index_cast %add3A_2102 : i32 to index
          %get3A_2104 = arith.constant 64 : index
          %get3A_2105 = tpu.vector_load %arg12[%get3A_2103, %get3A_2104] {strides = array<i32>} : memref<104x512xf32, #tpu.memory_space<vmem>>, vector<16xf32>,
          %add3A_2106 = arith.constant 49 : i32
          %add3A_2107 = arith.addi %add3A_2106, %scan3A_1957 : i32
          %get3A_2108 = arith.index_cast %add3A_2107 : i32 to index
          %get3A_2109 = arith.constant 320 : index
          %get3A_2110 = tpu.vector_load %arg12[%get3A_2108, %get3A_2109] {strides = array<i32>} : memref<104x512xf32, #tpu.memory_space<vmem>>, vector<16xf32>,
          %mul3A_2111 = arith.mulf %get3A_2097, %sub3A_1990 : vector<16xf32>
          %mul3A_2112 = arith.mulf %get3A_2100, %sub3A_1986 : vector<16xf32>
          %add3A_2113 = arith.addf %mul3A_2111, %mul3A_2112 : vector<16xf32>
          %mul3A_2114 = arith.mulf %get3A_2105, %sub3A_1985 : vector<16xf32>
          %add3A_2115 = arith.addf %add3A_2113, %mul3A_2114 : vector<16xf32>
          %mul3A_2116 = arith.mulf %get3A_2110, %mul3A_1984 : vector<16xf32>
          %add3A_2117 = arith.addf %add3A_2115, %mul3A_2116 : vector<16xf32>
          %swap3A_2118 = arith.index_cast %scan3A_1957 : i32 to index
          %swap3A_2119 = arith.constant 64 : index
          %swap3A_2120 = tpu.vector_load %arg14[%swap3A_2118, %swap3A_2119] {strides = array<i32>} : memref<49x256xf32, #tpu.memory_space<vmem>>, vector<16xf32>,
          tpu.vector_store %arg14[%swap3A_2118, %swap3A_2119], %add3A_2117 {strides = array<i32>} : memref<49x256xf32, #tpu.memory_space<vmem>>, vector<16xf32>,
          %get3A_2121 = arith.index_cast %scan3A_1957 : i32 to index
          %get3A_2122 = arith.constant 80 : index
          %get3A_2123 = tpu.vector_load %arg12[%get3A_2121, %get3A_2122] {strides = array<i32>} : memref<104x512xf32, #tpu.memory_space<vmem>>, vector<16xf32>,
          %get3A_2124 = arith.index_cast %scan3A_1957 : i32 to index
          %get3A_2125 = arith.constant 336 : index
          %get3A_2126 = tpu.vector_load %arg12[%get3A_2124, %get3A_2125] {strides = array<i32>} : memref<104x512xf32, #tpu.memory_space<vmem>>, vector<16xf32>,
          %add3A_2127 = arith.constant 49 : i32
          %add3A_2128 = arith.addi %add3A_2127, %scan3A_1957 : i32
          %get3A_2129 = arith.index_cast %add3A_2128 : i32 to index
          %get3A_2130 = arith.constant 80 : index
          %get3A_2131 = tpu.vector_load %arg12[%get3A_2129, %get3A_2130] {strides = array<i32>} : memref<104x512xf32, #tpu.memory_space<vmem>>, vector<16xf32>,
          %add3A_2132 = arith.constant 49 : i32
          %add3A_2133 = arith.addi %add3A_2132, %scan3A_1957 : i32
          %get3A_2134 = arith.index_cast %add3A_2133 : i32 to index
          %get3A_2135 = arith.constant 336 : index
          %get3A_2136 = tpu.vector_load %arg12[%get3A_2134, %get3A_2135] {strides = array<i32>} : memref<104x512xf32, #tpu.memory_space<vmem>>, vector<16xf32>,
          %mul3A_2137 = arith.mulf %get3A_2123, %sub3A_1990 : vector<16xf32>
          %mul3A_2138 = arith.mulf %get3A_2126, %sub3A_1986 : vector<16xf32>
          %add3A_2139 = arith.addf %mul3A_2137, %mul3A_2138 : vector<16xf32>
          %mul3A_2140 = arith.mulf %get3A_2131, %sub3A_1985 : vector<16xf32>
          %add3A_2141 = arith.addf %add3A_2139, %mul3A_2140 : vector<16xf32>
          %mul3A_2142 = arith.mulf %get3A_2136, %mul3A_1984 : vector<16xf32>
          %add3A_2143 = arith.addf %add3A_2141, %mul3A_2142 : vector<16xf32>
          %swap3A_2144 = arith.index_cast %scan3A_1957 : i32 to index
          %swap3A_2145 = arith.constant 80 : index
          %swap3A_2146 = tpu.vector_load %arg14[%swap3A_2144, %swap3A_2145] {strides = array<i32>} : memref<49x256xf32, #tpu.memory_space<vmem>>, vector<16xf32>,
          tpu.vector_store %arg14[%swap3A_2144, %swap3A_2145], %add3A_2143 {strides = array<i32>} : memref<49x256xf32, #tpu.memory_space<vmem>>, vector<16xf32>,
          %get3A_2147 = arith.index_cast %scan3A_1957 : i32 to index
          %get3A_2148 = arith.constant 96 : index
          %get3A_2149 = tpu.vector_load %arg12[%get3A_2147, %get3A_2148] {strides = array<i32>} : memref<104x512xf32, #tpu.memory_space<vmem>>, vector<16xf32>,
          %get3A_2150 = arith.index_cast %scan3A_1957 : i32 to index
          %get3A_2151 = arith.constant 352 : index
          %get3A_2152 = tpu.vector_load %arg12[%get3A_2150, %get3A_2151] {strides = array<i32>} : memref<104x512xf32, #tpu.memory_space<vmem>>, vector<16xf32>,
          %add3A_2153 = arith.constant 49 : i32
          %add3A_2154 = arith.addi %add3A_2153, %scan3A_1957 : i32
          %get3A_2155 = arith.index_cast %add3A_2154 : i32 to index
          %get3A_2156 = arith.constant 96 : index
          %get3A_2157 = tpu.vector_load %arg12[%get3A_2155, %get3A_2156] {strides = array<i32>} : memref<104x512xf32, #tpu.memory_space<vmem>>, vector<16xf32>,
          %add3A_2158 = arith.constant 49 : i32
          %add3A_2159 = arith.addi %add3A_2158, %scan3A_1957 : i32
          %get3A_2160 = arith.index_cast %add3A_2159 : i32 to index
          %get3A_2161 = arith.constant 352 : index
          %get3A_2162 = tpu.vector_load %arg12[%get3A_2160, %get3A_2161] {strides = array<i32>} : memref<104x512xf32, #tpu.memory_space<vmem>>, vector<16xf32>,
          %mul3A_2163 = arith.mulf %get3A_2149, %sub3A_1990 : vector<16xf32>
          %mul3A_2164 = arith.mulf %get3A_2152, %sub3A_1986 : vector<16xf32>
          %add3A_2165 = arith.addf %mul3A_2163, %mul3A_2164 : vector<16xf32>
          %mul3A_2166 = arith.mulf %get3A_2157, %sub3A_1985 : vector<16xf32>
          %add3A_2167 = arith.addf %add3A_2165, %mul3A_2166 : vector<16xf32>
          %mul3A_2168 = arith.mulf %get3A_2162, %mul3A_1984 : vector<16xf32>
          %add3A_2169 = arith.addf %add3A_2167, %mul3A_2168 : vector<16xf32>
          %swap3A_2170 = arith.index_cast %scan3A_1957 : i32 to index
          %swap3A_2171 = arith.constant 96 : index
          %swap3A_2172 = tpu.vector_load %arg14[%swap3A_2170, %swap3A_2171] {strides = array<i32>} : memref<49x256xf32, #tpu.memory_space<vmem>>, vector<16xf32>,
          tpu.vector_store %arg14[%swap3A_2170, %swap3A_2171], %add3A_2169 {strides = array<i32>} : memref<49x256xf32, #tpu.memory_space<vmem>>, vector<16xf32>,
          %get3A_2173 = arith.index_cast %scan3A_1957 : i32 to index
          %get3A_2174 = arith.constant 112 : index
          %get3A_2175 = tpu.vector_load %arg12[%get3A_2173, %get3A_2174] {strides = array<i32>} : memref<104x512xf32, #tpu.memory_space<vmem>>, vector<16xf32>,
          %get3A_2176 = arith.index_cast %scan3A_1957 : i32 to index
          %get3A_2177 = arith.constant 368 : index
          %get3A_2178 = tpu.vector_load %arg12[%get3A_2176, %get3A_2177] {strides = array<i32>} : memref<104x512xf32, #tpu.memory_space<vmem>>, vector<16xf32>,
          %add3A_2179 = arith.constant 49 : i32
          %add3A_2180 = arith.addi %add3A_2179, %scan3A_1957 : i32
          %get3A_2181 = arith.index_cast %add3A_2180 : i32 to index
          %get3A_2182 = arith.constant 112 : index
          %get3A_2183 = tpu.vector_load %arg12[%get3A_2181, %get3A_2182] {strides = array<i32>} : memref<104x512xf32, #tpu.memory_space<vmem>>, vector<16xf32>,
          %add3A_2184 = arith.constant 49 : i32
          %add3A_2185 = arith.addi %add3A_2184, %scan3A_1957 : i32
          %get3A_2186 = arith.index_cast %add3A_2185 : i32 to index
          %get3A_2187 = arith.constant 368 : index
          %get3A_2188 = tpu.vector_load %arg12[%get3A_2186, %get3A_2187] {strides = array<i32>} : memref<104x512xf32, #tpu.memory_space<vmem>>, vector<16xf32>,
          %mul3A_2189 = arith.mulf %get3A_2175, %sub3A_1990 : vector<16xf32>
          %mul3A_2190 = arith.mulf %get3A_2178, %sub3A_1986 : vector<16xf32>
          %add3A_2191 = arith.addf %mul3A_2189, %mul3A_2190 : vector<16xf32>
          %mul3A_2192 = arith.mulf %get3A_2183, %sub3A_1985 : vector<16xf32>
          %add3A_2193 = arith.addf %add3A_2191, %mul3A_2192 : vector<16xf32>
          %mul3A_2194 = arith.mulf %get3A_2188, %mul3A_1984 : vector<16xf32>
          %add3A_2195 = arith.addf %add3A_2193, %mul3A_2194 : vector<16xf32>
          %swap3A_2196 = arith.index_cast %scan3A_1957 : i32 to index
          %swap3A_2197 = arith.constant 112 : index
          %swap3A_2198 = tpu.vector_load %arg14[%swap3A_2196, %swap3A_2197] {strides = array<i32>} : memref<49x256xf32, #tpu.memory_space<vmem>>, vector<16xf32>,
          tpu.vector_store %arg14[%swap3A_2196, %swap3A_2197], %add3A_2195 {strides = array<i32>} : memref<49x256xf32, #tpu.memory_space<vmem>>, vector<16xf32>,
          %get3A_2199 = arith.index_cast %scan3A_1957 : i32 to index
          %get3A_2200 = arith.constant 128 : index
          %get3A_2201 = tpu.vector_load %arg12[%get3A_2199, %get3A_2200] {strides = array<i32>} : memref<104x512xf32, #tpu.memory_space<vmem>>, vector<16xf32>,
          %get3A_2202 = arith.index_cast %scan3A_1957 : i32 to index
          %get3A_2203 = arith.constant 384 : index
          %get3A_2204 = tpu.vector_load %arg12[%get3A_2202, %get3A_2203] {strides = array<i32>} : memref<104x512xf32, #tpu.memory_space<vmem>>, vector<16xf32>,
          %add3A_2205 = arith.constant 49 : i32
          %add3A_2206 = arith.addi %add3A_2205, %scan3A_1957 : i32
          %get3A_2207 = arith.index_cast %add3A_2206 : i32 to index
          %get3A_2208 = arith.constant 128 : index
          %get3A_2209 = tpu.vector_load %arg12[%get3A_2207, %get3A_2208] {strides = array<i32>} : memref<104x512xf32, #tpu.memory_space<vmem>>, vector<16xf32>,
          %add3A_2210 = arith.constant 49 : i32
          %add3A_2211 = arith.addi %add3A_2210, %scan3A_1957 : i32
          %get3A_2212 = arith.index_cast %add3A_2211 : i32 to index
          %get3A_2213 = arith.constant 384 : index
          %get3A_2214 = tpu.vector_load %arg12[%get3A_2212, %get3A_2213] {strides = array<i32>} : memref<104x512xf32, #tpu.memory_space<vmem>>, vector<16xf32>,
          %mul3A_2215 = arith.mulf %get3A_2201, %sub3A_1990 : vector<16xf32>
          %mul3A_2216 = arith.mulf %get3A_2204, %sub3A_1986 : vector<16xf32>
          %add3A_2217 = arith.addf %mul3A_2215, %mul3A_2216 : vector<16xf32>
          %mul3A_2218 = arith.mulf %get3A_2209, %sub3A_1985 : vector<16xf32>
          %add3A_2219 = arith.addf %add3A_2217, %mul3A_2218 : vector<16xf32>
          %mul3A_2220 = arith.mulf %get3A_2214, %mul3A_1984 : vector<16xf32>
          %add3A_2221 = arith.addf %add3A_2219, %mul3A_2220 : vector<16xf32>
          %swap3A_2222 = arith.index_cast %scan3A_1957 : i32 to index
          %swap3A_2223 = arith.constant 128 : index
          %swap3A_2224 = tpu.vector_load %arg14[%swap3A_2222, %swap3A_2223] {strides = array<i32>} : memref<49x256xf32, #tpu.memory_space<vmem>>, vector<16xf32>,
          tpu.vector_store %arg14[%swap3A_2222, %swap3A_2223], %add3A_2221 {strides = array<i32>} : memref<49x256xf32, #tpu.memory_space<vmem>>, vector<16xf32>,
          %get3A_2225 = arith.index_cast %scan3A_1957 : i32 to index
          %get3A_2226 = arith.constant 144 : index
          %get3A_2227 = tpu.vector_load %arg12[%get3A_2225, %get3A_2226] {strides = array<i32>} : memref<104x512xf32, #tpu.memory_space<vmem>>, vector<16xf32>,
          %get3A_2228 = arith.index_cast %scan3A_1957 : i32 to index
          %get3A_2229 = arith.constant 400 : index
          %get3A_2230 = tpu.vector_load %arg12[%get3A_2228, %get3A_2229] {strides = array<i32>} : memref<104x512xf32, #tpu.memory_space<vmem>>, vector<16xf32>,
          %add3A_2231 = arith.constant 49 : i32
          %add3A_2232 = arith.addi %add3A_2231, %scan3A_1957 : i32
          %get3A_2233 = arith.index_cast %add3A_2232 : i32 to index
          %get3A_2234 = arith.constant 144 : index
          %get3A_2235 = tpu.vector_load %arg12[%get3A_2233, %get3A_2234] {strides = array<i32>} : memref<104x512xf32, #tpu.memory_space<vmem>>, vector<16xf32>,
          %add3A_2236 = arith.constant 49 : i32
          %add3A_2237 = arith.addi %add3A_2236, %scan3A_1957 : i32
          %get3A_2238 = arith.index_cast %add3A_2237 : i32 to index
          %get3A_2239 = arith.constant 400 : index
          %get3A_2240 = tpu.vector_load %arg12[%get3A_2238, %get3A_2239] {strides = array<i32>} : memref<104x512xf32, #tpu.memory_space<vmem>>, vector<16xf32>,
          %mul3A_2241 = arith.mulf %get3A_2227, %sub3A_1990 : vector<16xf32>
          %mul3A_2242 = arith.mulf %get3A_2230, %sub3A_1986 : vector<16xf32>
          %add3A_2243 = arith.addf %mul3A_2241, %mul3A_2242 : vector<16xf32>
          %mul3A_2244 = arith.mulf %get3A_2235, %sub3A_1985 : vector<16xf32>
          %add3A_2245 = arith.addf %add3A_2243, %mul3A_2244 : vector<16xf32>
          %mul3A_2246 = arith.mulf %get3A_2240, %mul3A_1984 : vector<16xf32>
          %add3A_2247 = arith.addf %add3A_2245, %mul3A_2246 : vector<16xf32>
          %swap3A_2248 = arith.index_cast %scan3A_1957 : i32 to index
          %swap3A_2249 = arith.constant 144 : index
          %swap3A_2250 = tpu.vector_load %arg14[%swap3A_2248, %swap3A_2249] {strides = array<i32>} : memref<49x256xf32, #tpu.memory_space<vmem>>, vector<16xf32>,
          tpu.vector_store %arg14[%swap3A_2248, %swap3A_2249], %add3A_2247 {strides = array<i32>} : memref<49x256xf32, #tpu.memory_space<vmem>>, vector<16xf32>,
          %get3A_2251 = arith.index_cast %scan3A_1957 : i32 to index
          %get3A_2252 = arith.constant 160 : index
          %get3A_2253 = tpu.vector_load %arg12[%get3A_2251, %get3A_2252] {strides = array<i32>} : memref<104x512xf32, #tpu.memory_space<vmem>>, vector<16xf32>,
          %get3A_2254 = arith.index_cast %scan3A_1957 : i32 to index
          %get3A_2255 = arith.constant 416 : index
          %get3A_2256 = tpu.vector_load %arg12[%get3A_2254, %get3A_2255] {strides = array<i32>} : memref<104x512xf32, #tpu.memory_space<vmem>>, vector<16xf32>,
          %add3A_2257 = arith.constant 49 : i32
          %add3A_2258 = arith.addi %add3A_2257, %scan3A_1957 : i32
          %get3A_2259 = arith.index_cast %add3A_2258 : i32 to index
          %get3A_2260 = arith.constant 160 : index
          %get3A_2261 = tpu.vector_load %arg12[%get3A_2259, %get3A_2260] {strides = array<i32>} : memref<104x512xf32, #tpu.memory_space<vmem>>, vector<16xf32>,
          %add3A_2262 = arith.constant 49 : i32
          %add3A_2263 = arith.addi %add3A_2262, %scan3A_1957 : i32
          %get3A_2264 = arith.index_cast %add3A_2263 : i32 to index
          %get3A_2265 = arith.constant 416 : index
          %get3A_2266 = tpu.vector_load %arg12[%get3A_2264, %get3A_2265] {strides = array<i32>} : memref<104x512xf32, #tpu.memory_space<vmem>>, vector<16xf32>,
          %mul3A_2267 = arith.mulf %get3A_2253, %sub3A_1990 : vector<16xf32>
          %mul3A_2268 = arith.mulf %get3A_2256, %sub3A_1986 : vector<16xf32>
          %add3A_2269 = arith.addf %mul3A_2267, %mul3A_2268 : vector<16xf32>
          %mul3A_2270 = arith.mulf %get3A_2261, %sub3A_1985 : vector<16xf32>
          %add3A_2271 = arith.addf %add3A_2269, %mul3A_2270 : vector<16xf32>
          %mul3A_2272 = arith.mulf %get3A_2266, %mul3A_1984 : vector<16xf32>
          %add3A_2273 = arith.addf %add3A_2271, %mul3A_2272 : vector<16xf32>
          %swap3A_2274 = arith.index_cast %scan3A_1957 : i32 to index
          %swap3A_2275 = arith.constant 160 : index
          %swap3A_2276 = tpu.vector_load %arg14[%swap3A_2274, %swap3A_2275] {strides = array<i32>} : memref<49x256xf32, #tpu.memory_space<vmem>>, vector<16xf32>,
          tpu.vector_store %arg14[%swap3A_2274, %swap3A_2275], %add3A_2273 {strides = array<i32>} : memref<49x256xf32, #tpu.memory_space<vmem>>, vector<16xf32>,
          %get3A_2277 = arith.index_cast %scan3A_1957 : i32 to index
          %get3A_2278 = arith.constant 176 : index
          %get3A_2279 = tpu.vector_load %arg12[%get3A_2277, %get3A_2278] {strides = array<i32>} : memref<104x512xf32, #tpu.memory_space<vmem>>, vector<16xf32>,
          %get3A_2280 = arith.index_cast %scan3A_1957 : i32 to index
          %get3A_2281 = arith.constant 432 : index
          %get3A_2282 = tpu.vector_load %arg12[%get3A_2280, %get3A_2281] {strides = array<i32>} : memref<104x512xf32, #tpu.memory_space<vmem>>, vector<16xf32>,
          %add3A_2283 = arith.constant 49 : i32
          %add3A_2284 = arith.addi %add3A_2283, %scan3A_1957 : i32
          %get3A_2285 = arith.index_cast %add3A_2284 : i32 to index
          %get3A_2286 = arith.constant 176 : index
          %get3A_2287 = tpu.vector_load %arg12[%get3A_2285, %get3A_2286] {strides = array<i32>} : memref<104x512xf32, #tpu.memory_space<vmem>>, vector<16xf32>,
          %add3A_2288 = arith.constant 49 : i32
          %add3A_2289 = arith.addi %add3A_2288, %scan3A_1957 : i32
          %get3A_2290 = arith.index_cast %add3A_2289 : i32 to index
          %get3A_2291 = arith.constant 432 : index
          %get3A_2292 = tpu.vector_load %arg12[%get3A_2290, %get3A_2291] {strides = array<i32>} : memref<104x512xf32, #tpu.memory_space<vmem>>, vector<16xf32>,
          %mul3A_2293 = arith.mulf %get3A_2279, %sub3A_1990 : vector<16xf32>
          %mul3A_2294 = arith.mulf %get3A_2282, %sub3A_1986 : vector<16xf32>
          %add3A_2295 = arith.addf %mul3A_2293, %mul3A_2294 : vector<16xf32>
          %mul3A_2296 = arith.mulf %get3A_2287, %sub3A_1985 : vector<16xf32>
          %add3A_2297 = arith.addf %add3A_2295, %mul3A_2296 : vector<16xf32>
          %mul3A_2298 = arith.mulf %get3A_2292, %mul3A_1984 : vector<16xf32>
          %add3A_2299 = arith.addf %add3A_2297, %mul3A_2298 : vector<16xf32>
          %swap3A_2300 = arith.index_cast %scan3A_1957 : i32 to index
          %swap3A_2301 = arith.constant 176 : index
          %swap3A_2302 = tpu.vector_load %arg14[%swap3A_2300, %swap3A_2301] {strides = array<i32>} : memref<49x256xf32, #tpu.memory_space<vmem>>, vector<16xf32>,
          tpu.vector_store %arg14[%swap3A_2300, %swap3A_2301], %add3A_2299 {strides = array<i32>} : memref<49x256xf32, #tpu.memory_space<vmem>>, vector<16xf32>,
          %get3A_2303 = arith.index_cast %scan3A_1957 : i32 to index
          %get3A_2304 = arith.constant 192 : index
          %get3A_2305 = tpu.vector_load %arg12[%get3A_2303, %get3A_2304] {strides = array<i32>} : memref<104x512xf32, #tpu.memory_space<vmem>>, vector<16xf32>,
          %get3A_2306 = arith.index_cast %scan3A_1957 : i32 to index
          %get3A_2307 = arith.constant 448 : index
          %get3A_2308 = tpu.vector_load %arg12[%get3A_2306, %get3A_2307] {strides = array<i32>} : memref<104x512xf32, #tpu.memory_space<vmem>>, vector<16xf32>,
          %add3A_2309 = arith.constant 49 : i32
          %add3A_2310 = arith.addi %add3A_2309, %scan3A_1957 : i32
          %get3A_2311 = arith.index_cast %add3A_2310 : i32 to index
          %get3A_2312 = arith.constant 192 : index
          %get3A_2313 = tpu.vector_load %arg12[%get3A_2311, %get3A_2312] {strides = array<i32>} : memref<104x512xf32, #tpu.memory_space<vmem>>, vector<16xf32>,
          %add3A_2314 = arith.constant 49 : i32
          %add3A_2315 = arith.addi %add3A_2314, %scan3A_1957 : i32
          %get3A_2316 = arith.index_cast %add3A_2315 : i32 to index
          %get3A_2317 = arith.constant 448 : index
          %get3A_2318 = tpu.vector_load %arg12[%get3A_2316, %get3A_2317] {strides = array<i32>} : memref<104x512xf32, #tpu.memory_space<vmem>>, vector<16xf32>,
          %mul3A_2319 = arith.mulf %get3A_2305, %sub3A_1990 : vector<16xf32>
          %mul3A_2320 = arith.mulf %get3A_2308, %sub3A_1986 : vector<16xf32>
          %add3A_2321 = arith.addf %mul3A_2319, %mul3A_2320 : vector<16xf32>
          %mul3A_2322 = arith.mulf %get3A_2313, %sub3A_1985 : vector<16xf32>
          %add3A_2323 = arith.addf %add3A_2321, %mul3A_2322 : vector<16xf32>
          %mul3A_2324 = arith.mulf %get3A_2318, %mul3A_1984 : vector<16xf32>
          %add3A_2325 = arith.addf %add3A_2323, %mul3A_2324 : vector<16xf32>
          %swap3A_2326 = arith.index_cast %scan3A_1957 : i32 to index
          %swap3A_2327 = arith.constant 192 : index
          %swap3A_2328 = tpu.vector_load %arg14[%swap3A_2326, %swap3A_2327] {strides = array<i32>} : memref<49x256xf32, #tpu.memory_space<vmem>>, vector<16xf32>,
          tpu.vector_store %arg14[%swap3A_2326, %swap3A_2327], %add3A_2325 {strides = array<i32>} : memref<49x256xf32, #tpu.memory_space<vmem>>, vector<16xf32>,
          %get3A_2329 = arith.index_cast %scan3A_1957 : i32 to index
          %get3A_2330 = arith.constant 208 : index
          %get3A_2331 = tpu.vector_load %arg12[%get3A_2329, %get3A_2330] {strides = array<i32>} : memref<104x512xf32, #tpu.memory_space<vmem>>, vector<16xf32>,
          %get3A_2332 = arith.index_cast %scan3A_1957 : i32 to index
          %get3A_2333 = arith.constant 464 : index
          %get3A_2334 = tpu.vector_load %arg12[%get3A_2332, %get3A_2333] {strides = array<i32>} : memref<104x512xf32, #tpu.memory_space<vmem>>, vector<16xf32>,
          %add3A_2335 = arith.constant 49 : i32
          %add3A_2336 = arith.addi %add3A_2335, %scan3A_1957 : i32
          %get3A_2337 = arith.index_cast %add3A_2336 : i32 to index
          %get3A_2338 = arith.constant 208 : index
          %get3A_2339 = tpu.vector_load %arg12[%get3A_2337, %get3A_2338] {strides = array<i32>} : memref<104x512xf32, #tpu.memory_space<vmem>>, vector<16xf32>,
          %add3A_2340 = arith.constant 49 : i32
          %add3A_2341 = arith.addi %add3A_2340, %scan3A_1957 : i32
          %get3A_2342 = arith.index_cast %add3A_2341 : i32 to index
          %get3A_2343 = arith.constant 464 : index
          %get3A_2344 = tpu.vector_load %arg12[%get3A_2342, %get3A_2343] {strides = array<i32>} : memref<104x512xf32, #tpu.memory_space<vmem>>, vector<16xf32>,
          %mul3A_2345 = arith.mulf %get3A_2331, %sub3A_1990 : vector<16xf32>
          %mul3A_2346 = arith.mulf %get3A_2334, %sub3A_1986 : vector<16xf32>
          %add3A_2347 = arith.addf %mul3A_2345, %mul3A_2346 : vector<16xf32>
          %mul3A_2348 = arith.mulf %get3A_2339, %sub3A_1985 : vector<16xf32>
          %add3A_2349 = arith.addf %add3A_2347, %mul3A_2348 : vector<16xf32>
          %mul3A_2350 = arith.mulf %get3A_2344, %mul3A_1984 : vector<16xf32>
          %add3A_2351 = arith.addf %add3A_2349, %mul3A_2350 : vector<16xf32>
          %swap3A_2352 = arith.index_cast %scan3A_1957 : i32 to index
          %swap3A_2353 = arith.constant 208 : index
          %swap3A_2354 = tpu.vector_load %arg14[%swap3A_2352, %swap3A_2353] {strides = array<i32>} : memref<49x256xf32, #tpu.memory_space<vmem>>, vector<16xf32>,
          tpu.vector_store %arg14[%swap3A_2352, %swap3A_2353], %add3A_2351 {strides = array<i32>} : memref<49x256xf32, #tpu.memory_space<vmem>>, vector<16xf32>,
          %get3A_2355 = arith.index_cast %scan3A_1957 : i32 to index
          %get3A_2356 = arith.constant 224 : index
          %get3A_2357 = tpu.vector_load %arg12[%get3A_2355, %get3A_2356] {strides = array<i32>} : memref<104x512xf32, #tpu.memory_space<vmem>>, vector<16xf32>,
          %get3A_2358 = arith.index_cast %scan3A_1957 : i32 to index
          %get3A_2359 = arith.constant 480 : index
          %get3A_2360 = tpu.vector_load %arg12[%get3A_2358, %get3A_2359] {strides = array<i32>} : memref<104x512xf32, #tpu.memory_space<vmem>>, vector<16xf32>,
          %add3A_2361 = arith.constant 49 : i32
          %add3A_2362 = arith.addi %add3A_2361, %scan3A_1957 : i32
          %get3A_2363 = arith.index_cast %add3A_2362 : i32 to index
          %get3A_2364 = arith.constant 224 : index
          %get3A_2365 = tpu.vector_load %arg12[%get3A_2363, %get3A_2364] {strides = array<i32>} : memref<104x512xf32, #tpu.memory_space<vmem>>, vector<16xf32>,
          %add3A_2366 = arith.constant 49 : i32
          %add3A_2367 = arith.addi %add3A_2366, %scan3A_1957 : i32
          %get3A_2368 = arith.index_cast %add3A_2367 : i32 to index
          %get3A_2369 = arith.constant 480 : index
          %get3A_2370 = tpu.vector_load %arg12[%get3A_2368, %get3A_2369] {strides = array<i32>} : memref<104x512xf32, #tpu.memory_space<vmem>>, vector<16xf32>,
          %mul3A_2371 = arith.mulf %get3A_2357, %sub3A_1990 : vector<16xf32>
          %mul3A_2372 = arith.mulf %get3A_2360, %sub3A_1986 : vector<16xf32>
          %add3A_2373 = arith.addf %mul3A_2371, %mul3A_2372 : vector<16xf32>
          %mul3A_2374 = arith.mulf %get3A_2365, %sub3A_1985 : vector<16xf32>
          %add3A_2375 = arith.addf %add3A_2373, %mul3A_2374 : vector<16xf32>
          %mul3A_2376 = arith.mulf %get3A_2370, %mul3A_1984 : vector<16xf32>
          %add3A_2377 = arith.addf %add3A_2375, %mul3A_2376 : vector<16xf32>
          %swap3A_2378 = arith.index_cast %scan3A_1957 : i32 to index
          %swap3A_2379 = arith.constant 224 : index
          %swap3A_2380 = tpu.vector_load %arg14[%swap3A_2378, %swap3A_2379] {strides = array<i32>} : memref<49x256xf32, #tpu.memory_space<vmem>>, vector<16xf32>,
          tpu.vector_store %arg14[%swap3A_2378, %swap3A_2379], %add3A_2377 {strides = array<i32>} : memref<49x256xf32, #tpu.memory_space<vmem>>, vector<16xf32>,
          %get3A_2381 = arith.index_cast %scan3A_1957 : i32 to index
          %get3A_2382 = arith.constant 240 : index
          %get3A_2383 = tpu.vector_load %arg12[%get3A_2381, %get3A_2382] {strides = array<i32>} : memref<104x512xf32, #tpu.memory_space<vmem>>, vector<16xf32>,
          %get3A_2384 = arith.index_cast %scan3A_1957 : i32 to index
          %get3A_2385 = arith.constant 496 : index
          %get3A_2386 = tpu.vector_load %arg12[%get3A_2384, %get3A_2385] {strides = array<i32>} : memref<104x512xf32, #tpu.memory_space<vmem>>, vector<16xf32>,
          %add3A_2387 = arith.constant 49 : i32
          %add3A_2388 = arith.addi %add3A_2387, %scan3A_1957 : i32
          %get3A_2389 = arith.index_cast %add3A_2388 : i32 to index
          %get3A_2390 = arith.constant 240 : index
          %get3A_2391 = tpu.vector_load %arg12[%get3A_2389, %get3A_2390] {strides = array<i32>} : memref<104x512xf32, #tpu.memory_space<vmem>>, vector<16xf32>,
          %add3A_2392 = arith.constant 49 : i32
          %add3A_2393 = arith.addi %add3A_2392, %scan3A_1957 : i32
          %get3A_2394 = arith.index_cast %add3A_2393 : i32 to index
          %get3A_2395 = arith.constant 496 : index
          %get3A_2396 = tpu.vector_load %arg12[%get3A_2394, %get3A_2395] {strides = array<i32>} : memref<104x512xf32, #tpu.memory_space<vmem>>, vector<16xf32>,
          %mul3A_2397 = arith.mulf %get3A_2383, %sub3A_1990 : vector<16xf32>
          %mul3A_2398 = arith.mulf %get3A_2386, %sub3A_1986 : vector<16xf32>
          %add3A_2399 = arith.addf %mul3A_2397, %mul3A_2398 : vector<16xf32>
          %mul3A_2400 = arith.mulf %get3A_2391, %sub3A_1985 : vector<16xf32>
          %add3A_2401 = arith.addf %add3A_2399, %mul3A_2400 : vector<16xf32>
          %mul3A_2402 = arith.mulf %get3A_2396, %mul3A_1984 : vector<16xf32>
          %add3A_2403 = arith.addf %add3A_2401, %mul3A_2402 : vector<16xf32>
          %swap3A_2404 = arith.index_cast %scan3A_1957 : i32 to index
          %swap3A_2405 = arith.constant 240 : index
          %swap3A_2406 = tpu.vector_load %arg14[%swap3A_2404, %swap3A_2405] {strides = array<i32>} : memref<49x256xf32, #tpu.memory_space<vmem>>, vector<16xf32>,
          tpu.vector_store %arg14[%swap3A_2404, %swap3A_2405], %add3A_2403 {strides = array<i32>} : memref<49x256xf32, #tpu.memory_space<vmem>>, vector<16xf32>,
        }
        %scan3A_1908 = arith.constant 49 : i32
        %lt3A = arith.constant 5000 : i32
        %lt3A_1909 = arith.cmpi slt, %add3A_1898, %lt3A : i32
        %convert_element_type3A_1910 = arith.extui %lt3A_1909 : i1 to i32
        %cond3A_1911 = arith.constant 0 : i32
        %cond3A_1912 = arith.cmpi ne, %convert_element_type3A_1910, %cond3A_1911 : i32
        scf.if %cond3A_1912 {
          %dma_start3A_1957 = arith.constant 0 : i32
          %dma_start3A_1958 = arith.constant 0 : i32
          %dma_start3A_1959 = tpu.memref_slice %arg5[%add3A_1898, %dma_start3A_1957, %dma_start3A_1958] : memref<5000x49x256xf32, #tpu.memory_space<hbm>> -> memref<1x49x256xf32, #tpu.memory_space<hbm>>
          %dma_start3A_1960 = tpu.memref_squeeze %dma_start3A_1959 : memref<1x49x256xf32, #tpu.memory_space<hbm>> -> memref<49x256xf32, #tpu.memory_space<hbm>>
          %dma_start3A_1961 = arith.constant 0 : i32
          %dma_start3A_1962 = arith.constant 0 : i32
          %dma_start3A_1963 = tpu.memref_slice %arg5[%add3A_1898, %dma_start3A_1961, %dma_start3A_1962] : memref<5000x49x256xf32, #tpu.memory_space<hbm>> -> memref<1x49x256xf32, #tpu.memory_space<hbm>>
          %dma_start3A_1964 = tpu.memref_squeeze %dma_start3A_1963 : memref<1x49x256xf32, #tpu.memory_space<hbm>> -> memref<49x256xf32, #tpu.memory_space<hbm>>
          tpu.enqueue_dma source(%arg14 : memref<49x256xf32, #tpu.memory_space<vmem>>) target(%dma_start3A_1964 : memref<49x256xf32, #tpu.memory_space<hbm>>) target_semaphore(%arg17 : memref<!tpu.dma_semaphore, #tpu.memory_space<semaphore_mem>>)
        } else {
        }
        %ge3A_1913 = arith.constant 5000 : i32
        %ge3A_1914 = arith.cmpi sge, %add3A_1898, %ge3A_1913 : i32
        %convert_element_type3A_1915 = arith.extui %ge3A_1914 : i1 to i32
        %cond3A_1916 = arith.constant 0 : i32
        %cond3A_1917 = arith.cmpi ne, %convert_element_type3A_1915, %cond3A_1916 : i32
        scf.if %cond3A_1917 {
          tpu.enqueue_dma source(%arg14 : memref<49x256xf32, #tpu.memory_space<vmem>>) target(%arg6 : memref<49x256xf32, #tpu.memory_space<hbm>>) target_semaphore(%arg17 : memref<!tpu.dma_semaphore, #tpu.memory_space<semaphore_mem>>)
        } else {
        }
        %dma_wait3A_1918 = arith.constant 0 : i32
        %dma_wait3A_1919 = arith.constant 0 : i32
        %dma_wait3A_1920 = tpu.memref_slice %arg9[%dma_wait3A_1918, %dma_wait3A_1919] : memref<16x104xi32, #tpu.memory_space<vmem>> -> memref<1x104xi32, #tpu.memory_space<vmem>>
        %dma_wait3A_1921 = tpu.memref_squeeze %dma_wait3A_1920 : memref<1x104xi32, #tpu.memory_space<vmem>> -> memref<104xi32, #tpu.memory_space<vmem>>
        %dma_wait3A_1922 = arith.constant 0 : i32
        %dma_wait3A_1923 = arith.constant 0 : i32
        %dma_wait3A_1924 = tpu.memref_slice %arg2[%dma_wait3A_1922, %dma_wait3A_1923] : memref<87041x512xf32, #tpu.memory_space<hbm>> -> memref<87041x512xf32, #tpu.memory_space<hbm>>
        tpu.wait_indirect_dma semaphore(%arg16 : memref<!tpu.dma_semaphore, #tpu.memory_space<semaphore_mem>>) src(%dma_wait3A_1924 : memref<87041x512xf32, #tpu.memory_space<hbm>>) dst(%arg13 : memref<104x512xf32, #tpu.memory_space<vmem>>)
        %lt3A_1925 = arith.constant 14 : i32
        %lt3A_1926 = arith.cmpi slt, %mul3A_1880, %lt3A_1925 : i32
        %convert_element_type3A_1927 = arith.extui %lt3A_1926 : i1 to i32
        %cond3A_1928 = arith.constant 0 : i32
        %cond3A_1929 = arith.cmpi ne, %convert_element_type3A_1927, %cond3A_1928 : i32
        scf.if %cond3A_1929 {
          %add3A_1957 = arith.constant 2 : i32
          %add3A_1958 = arith.addi %mul3A_1880, %add3A_1957 : i32
          %dma_start3A_1959 = arith.constant 0 : i32
          %dma_start3A_1960 = tpu.memref_slice %arg9[%add3A_1958, %dma_start3A_1959] : memref<16x104xi32, #tpu.memory_space<vmem>> -> memref<1x104xi32, #tpu.memory_space<vmem>>
          %dma_start3A_1961 = tpu.memref_squeeze %dma_start3A_1960 : memref<1x104xi32, #tpu.memory_space<vmem>> -> memref<104xi32, #tpu.memory_space<vmem>>
          %dma_start3A_1962 = arith.constant 0 : i32
          %dma_start3A_1963 = arith.constant 0 : i32
          %dma_start3A_1964 = tpu.memref_slice %arg2[%dma_start3A_1962, %dma_start3A_1963] : memref<87041x512xf32, #tpu.memory_space<hbm>> -> memref<87041x512xf32, #tpu.memory_space<hbm>>
          tpu.enqueue_indirect_dma source(%dma_start3A_1964 : memref<87041x512xf32, #tpu.memory_space<hbm>>) target(%arg12 : memref<104x512xf32, #tpu.memory_space<vmem>>) offsets(%dma_start3A_1961 : memref<104xi32, #tpu.memory_space<vmem>>) semaphore(%arg15 : memref<!tpu.dma_semaphore, #tpu.memory_space<semaphore_mem>>)
        } else {
        }
        %add3A_1930 = arith.constant 1 : i32
        %add3A_1931 = arith.addi %mul3A_1880, %add3A_1930 : i32
        %broadcast_in_dim3A_1932 = vector.broadcast %add3A_1931 : i32 to vector<16xi32>
        %add3A_1933 = arith.addi %mul3A_2, %mul3A_480 : i32
        %add3A_1934 = arith.addi %add3A_1933, %add3A_1931 : i32
        %add3A_1935 = arith.addi %mul3A_480, %add3A_1931 : i32
        %gt3A_1936 = arith.constant 0 : i32
        %gt3A_1937 = arith.cmpi sgt, %add3A_1935, %gt3A_1936 : i32
        %convert_element_type3A_1938 = arith.extui %gt3A_1937 : i1 to i32
        %cond3A_1939 = arith.constant 0 : i32
        %cond3A_1940 = arith.cmpi ne, %convert_element_type3A_1938, %cond3A_1939 : i32
        scf.if %cond3A_1940 {
          %dma_wait3A_1957 = arith.constant 0 : i32
          %dma_wait3A_1958 = arith.constant 0 : i32
          %dma_wait3A_1959 = arith.constant 0 : i32
          %dma_wait3A_1960 = tpu.memref_slice %arg5[%dma_wait3A_1957, %dma_wait3A_1958, %dma_wait3A_1959] : memref<5000x49x256xf32, #tpu.memory_space<hbm>> -> memref<1x49x256xf32, #tpu.memory_space<hbm>>
          %dma_wait3A_1961 = tpu.memref_squeeze %dma_wait3A_1960 : memref<1x49x256xf32, #tpu.memory_space<hbm>> -> memref<49x256xf32, #tpu.memory_space<hbm>>
          %dma_wait3A_1962 = arith.constant 0 : i32
          %dma_wait3A_1963 = arith.constant 0 : i32
          %dma_wait3A_1964 = tpu.memref_slice %arg5[%dma_wait3A_1957, %dma_wait3A_1962, %dma_wait3A_1963] : memref<5000x49x256xf32, #tpu.memory_space<hbm>> -> memref<1x49x256xf32, #tpu.memory_space<hbm>>
          %dma_wait3A_1965 = tpu.memref_squeeze %dma_wait3A_1964 : memref<1x49x256xf32, #tpu.memory_space<hbm>> -> memref<49x256xf32, #tpu.memory_space<hbm>>
          tpu.wait_dma2 semaphore(%arg17 : memref<!tpu.dma_semaphore, #tpu.memory_space<semaphore_mem>>) src(%arg14 : memref<49x256xf32, #tpu.memory_space<vmem>>) dst(%dma_wait3A_1965 : memref<49x256xf32, #tpu.memory_space<hbm>>)
        } else {
        }
        %scan3A_1941 = arith.constant 0 : i32
        %scan3A_1942 = arith.constant 0 : i32
        %scan3A_1943 = arith.constant 49 : i32
        %scan3A_1944 = arith.addi %scan3A_1942, %scan3A_1943 : i32
        %scan3A_1945 = arith.constant 1 : i32
        scf.for %scan3A_1957 = %scan3A_1942 to %scan3A_1944 step %scan3A_1945  : i32 {
          %jit3A_1958 = arith.constant 7 : i32
          %div3A = arith.divsi %scan3A_1957, %jit3A_1958 : i32
          %sign3A = arith.constant 0 : i32
          %sign3A_1959 = arith.cmpi sgt, %scan3A_1957, %sign3A : i32
          %sign3A_1960 = arith.extui %sign3A_1959 : i1 to i32
          %sign3A_1961 = arith.constant 0 : i32
          %sign3A_1962 = arith.cmpi slt, %scan3A_1957, %sign3A_1961 : i32
          %sign3A_1963 = arith.extui %sign3A_1962 : i1 to i32
          %sign3A_1964 = arith.subi %sign3A_1960, %sign3A_1963 : i32
          %sign3A_1965 = arith.constant 0 : i32
          %sign3A_1966 = arith.cmpi sgt, %jit3A_1958, %sign3A_1965 : i32
          %sign3A_1967 = arith.extui %sign3A_1966 : i1 to i32
          %sign3A_1968 = arith.constant 0 : i32
          %sign3A_1969 = arith.cmpi slt, %jit3A_1958, %sign3A_1968 : i32
          %sign3A_1970 = arith.extui %sign3A_1969 : i1 to i32
          %sign3A_1971 = arith.subi %sign3A_1967, %sign3A_1970 : i32
          %ne3A = arith.cmpi ne, %sign3A_1964, %sign3A_1971 : i32
          %rem3A = arith.remsi %scan3A_1957, %jit3A_1958 : i32
          %ne3A_1972 = arith.constant 0 : i32
          %ne3A_1973 = arith.cmpi ne, %rem3A, %ne3A_1972 : i32
          %and3A_1974 = arith.andi %ne3A, %ne3A_1973 : i1
          %sub3A_1975 = arith.constant 1 : i32
          %sub3A_1976 = arith.subi %div3A, %sub3A_1975 : i32
          %select_n3A_1977 = arith.select %and3A_1974, %sub3A_1976, %div3A : i32
          %mul3A_1978 = arith.constant 7 : i32
          %mul3A_1979 = arith.muli %select_n3A_1977, %mul3A_1978 : i32
          %sub3A_1980 = arith.subi %scan3A_1957, %mul3A_1979 : i32
          %broadcast_in_dim3A_1981 = vector.broadcast %select_n3A_1977 : i32 to vector<16xi32>
          %gather3A = tpu.vector_load_idx %arg10[%broadcast_in_dim3A_1981, %broadcast_in_dim3A_1932] : memref<7x16xf32, #tpu.memory_space<vmem>>[vector<16xi32>, vector<16xi32>], vector<16xf32>,
          %broadcast_in_dim3A_1982 = vector.broadcast %sub3A_1980 : i32 to vector<16xi32>
          %gather3A_1983 = tpu.vector_load_idx %arg11[%broadcast_in_dim3A_1982, %broadcast_in_dim3A_1932] : memref<7x16xf32, #tpu.memory_space<vmem>>[vector<16xi32>, vector<16xi32>], vector<16xf32>,
          %mul3A_1984 = arith.mulf %gather3A, %gather3A_1983 : vector<16xf32>
          %sub3A_1985 = arith.subf %gather3A, %mul3A_1984 : vector<16xf32>
          %sub3A_1986 = arith.subf %gather3A_1983, %mul3A_1984 : vector<16xf32>
          %sub3A_1987 = arith.constant 1.000000e+00 : f32
          %sub3A_1988 = vector.broadcast %sub3A_1987 : f32 to vector<16xf32>
          %sub3A_1989 = arith.subf %sub3A_1988, %gather3A_1983 : vector<16xf32>
          %sub3A_1990 = arith.subf %sub3A_1989, %sub3A_1985 : vector<16xf32>
          %get3A_1991 = arith.index_cast %scan3A_1957 : i32 to index
          %get3A_1992 = arith.constant 0 : index
          %get3A_1993 = tpu.vector_load %arg13[%get3A_1991, %get3A_1992] {strides = array<i32>} : memref<104x512xf32, #tpu.memory_space<vmem>>, vector<16xf32>,
          %get3A_1994 = arith.index_cast %scan3A_1957 : i32 to index
          %get3A_1995 = arith.constant 256 : index
          %get3A_1996 = tpu.vector_load %arg13[%get3A_1994, %get3A_1995] {strides = array<i32>} : memref<104x512xf32, #tpu.memory_space<vmem>>, vector<16xf32>,
          %add3A_1997 = arith.constant 49 : i32
          %add3A_1998 = arith.addi %add3A_1997, %scan3A_1957 : i32
          %get3A_1999 = arith.index_cast %add3A_1998 : i32 to index
          %get3A_2000 = arith.constant 0 : index
          %get3A_2001 = tpu.vector_load %arg13[%get3A_1999, %get3A_2000] {strides = array<i32>} : memref<104x512xf32, #tpu.memory_space<vmem>>, vector<16xf32>,
          %add3A_2002 = arith.constant 49 : i32
          %add3A_2003 = arith.addi %add3A_2002, %scan3A_1957 : i32
          %get3A_2004 = arith.index_cast %add3A_2003 : i32 to index
          %get3A_2005 = arith.constant 256 : index
          %get3A_2006 = tpu.vector_load %arg13[%get3A_2004, %get3A_2005] {strides = array<i32>} : memref<104x512xf32, #tpu.memory_space<vmem>>, vector<16xf32>,
          %mul3A_2007 = arith.mulf %get3A_1993, %sub3A_1990 : vector<16xf32>
          %mul3A_2008 = arith.mulf %get3A_1996, %sub3A_1986 : vector<16xf32>
          %add3A_2009 = arith.addf %mul3A_2007, %mul3A_2008 : vector<16xf32>
          %mul3A_2010 = arith.mulf %get3A_2001, %sub3A_1985 : vector<16xf32>
          %add3A_2011 = arith.addf %add3A_2009, %mul3A_2010 : vector<16xf32>
          %mul3A_2012 = arith.mulf %get3A_2006, %mul3A_1984 : vector<16xf32>
          %add3A_2013 = arith.addf %add3A_2011, %mul3A_2012 : vector<16xf32>
          %swap3A_2014 = arith.index_cast %scan3A_1957 : i32 to index
          %swap3A_2015 = arith.constant 0 : index
          %swap3A_2016 = tpu.vector_load %arg14[%swap3A_2014, %swap3A_2015] {strides = array<i32>} : memref<49x256xf32, #tpu.memory_space<vmem>>, vector<16xf32>,
          tpu.vector_store %arg14[%swap3A_2014, %swap3A_2015], %add3A_2013 {strides = array<i32>} : memref<49x256xf32, #tpu.memory_space<vmem>>, vector<16xf32>,
          %get3A_2017 = arith.index_cast %scan3A_1957 : i32 to index
          %get3A_2018 = arith.constant 16 : index
          %get3A_2019 = tpu.vector_load %arg13[%get3A_2017, %get3A_2018] {strides = array<i32>} : memref<104x512xf32, #tpu.memory_space<vmem>>, vector<16xf32>,
          %get3A_2020 = arith.index_cast %scan3A_1957 : i32 to index
          %get3A_2021 = arith.constant 272 : index
          %get3A_2022 = tpu.vector_load %arg13[%get3A_2020, %get3A_2021] {strides = array<i32>} : memref<104x512xf32, #tpu.memory_space<vmem>>, vector<16xf32>,
          %add3A_2023 = arith.constant 49 : i32
          %add3A_2024 = arith.addi %add3A_2023, %scan3A_1957 : i32
          %get3A_2025 = arith.index_cast %add3A_2024 : i32 to index
          %get3A_2026 = arith.constant 16 : index
          %get3A_2027 = tpu.vector_load %arg13[%get3A_2025, %get3A_2026] {strides = array<i32>} : memref<104x512xf32, #tpu.memory_space<vmem>>, vector<16xf32>,
          %add3A_2028 = arith.constant 49 : i32
          %add3A_2029 = arith.addi %add3A_2028, %scan3A_1957 : i32
          %get3A_2030 = arith.index_cast %add3A_2029 : i32 to index
          %get3A_2031 = arith.constant 272 : index
          %get3A_2032 = tpu.vector_load %arg13[%get3A_2030, %get3A_2031] {strides = array<i32>} : memref<104x512xf32, #tpu.memory_space<vmem>>, vector<16xf32>,
          %mul3A_2033 = arith.mulf %get3A_2019, %sub3A_1990 : vector<16xf32>
          %mul3A_2034 = arith.mulf %get3A_2022, %sub3A_1986 : vector<16xf32>
          %add3A_2035 = arith.addf %mul3A_2033, %mul3A_2034 : vector<16xf32>
          %mul3A_2036 = arith.mulf %get3A_2027, %sub3A_1985 : vector<16xf32>
          %add3A_2037 = arith.addf %add3A_2035, %mul3A_2036 : vector<16xf32>
          %mul3A_2038 = arith.mulf %get3A_2032, %mul3A_1984 : vector<16xf32>
          %add3A_2039 = arith.addf %add3A_2037, %mul3A_2038 : vector<16xf32>
          %swap3A_2040 = arith.index_cast %scan3A_1957 : i32 to index
          %swap3A_2041 = arith.constant 16 : index
          %swap3A_2042 = tpu.vector_load %arg14[%swap3A_2040, %swap3A_2041] {strides = array<i32>} : memref<49x256xf32, #tpu.memory_space<vmem>>, vector<16xf32>,
          tpu.vector_store %arg14[%swap3A_2040, %swap3A_2041], %add3A_2039 {strides = array<i32>} : memref<49x256xf32, #tpu.memory_space<vmem>>, vector<16xf32>,
          %get3A_2043 = arith.index_cast %scan3A_1957 : i32 to index
          %get3A_2044 = arith.constant 32 : index
          %get3A_2045 = tpu.vector_load %arg13[%get3A_2043, %get3A_2044] {strides = array<i32>} : memref<104x512xf32, #tpu.memory_space<vmem>>, vector<16xf32>,
          %get3A_2046 = arith.index_cast %scan3A_1957 : i32 to index
          %get3A_2047 = arith.constant 288 : index
          %get3A_2048 = tpu.vector_load %arg13[%get3A_2046, %get3A_2047] {strides = array<i32>} : memref<104x512xf32, #tpu.memory_space<vmem>>, vector<16xf32>,
          %add3A_2049 = arith.constant 49 : i32
          %add3A_2050 = arith.addi %add3A_2049, %scan3A_1957 : i32
          %get3A_2051 = arith.index_cast %add3A_2050 : i32 to index
          %get3A_2052 = arith.constant 32 : index
          %get3A_2053 = tpu.vector_load %arg13[%get3A_2051, %get3A_2052] {strides = array<i32>} : memref<104x512xf32, #tpu.memory_space<vmem>>, vector<16xf32>,
          %add3A_2054 = arith.constant 49 : i32
          %add3A_2055 = arith.addi %add3A_2054, %scan3A_1957 : i32
          %get3A_2056 = arith.index_cast %add3A_2055 : i32 to index
          %get3A_2057 = arith.constant 288 : index
          %get3A_2058 = tpu.vector_load %arg13[%get3A_2056, %get3A_2057] {strides = array<i32>} : memref<104x512xf32, #tpu.memory_space<vmem>>, vector<16xf32>,
          %mul3A_2059 = arith.mulf %get3A_2045, %sub3A_1990 : vector<16xf32>
          %mul3A_2060 = arith.mulf %get3A_2048, %sub3A_1986 : vector<16xf32>
          %add3A_2061 = arith.addf %mul3A_2059, %mul3A_2060 : vector<16xf32>
          %mul3A_2062 = arith.mulf %get3A_2053, %sub3A_1985 : vector<16xf32>
          %add3A_2063 = arith.addf %add3A_2061, %mul3A_2062 : vector<16xf32>
          %mul3A_2064 = arith.mulf %get3A_2058, %mul3A_1984 : vector<16xf32>
          %add3A_2065 = arith.addf %add3A_2063, %mul3A_2064 : vector<16xf32>
          %swap3A_2066 = arith.index_cast %scan3A_1957 : i32 to index
          %swap3A_2067 = arith.constant 32 : index
          %swap3A_2068 = tpu.vector_load %arg14[%swap3A_2066, %swap3A_2067] {strides = array<i32>} : memref<49x256xf32, #tpu.memory_space<vmem>>, vector<16xf32>,
          tpu.vector_store %arg14[%swap3A_2066, %swap3A_2067], %add3A_2065 {strides = array<i32>} : memref<49x256xf32, #tpu.memory_space<vmem>>, vector<16xf32>,
          %get3A_2069 = arith.index_cast %scan3A_1957 : i32 to index
          %get3A_2070 = arith.constant 48 : index
          %get3A_2071 = tpu.vector_load %arg13[%get3A_2069, %get3A_2070] {strides = array<i32>} : memref<104x512xf32, #tpu.memory_space<vmem>>, vector<16xf32>,
          %get3A_2072 = arith.index_cast %scan3A_1957 : i32 to index
          %get3A_2073 = arith.constant 304 : index
          %get3A_2074 = tpu.vector_load %arg13[%get3A_2072, %get3A_2073] {strides = array<i32>} : memref<104x512xf32, #tpu.memory_space<vmem>>, vector<16xf32>,
          %add3A_2075 = arith.constant 49 : i32
          %add3A_2076 = arith.addi %add3A_2075, %scan3A_1957 : i32
          %get3A_2077 = arith.index_cast %add3A_2076 : i32 to index
          %get3A_2078 = arith.constant 48 : index
          %get3A_2079 = tpu.vector_load %arg13[%get3A_2077, %get3A_2078] {strides = array<i32>} : memref<104x512xf32, #tpu.memory_space<vmem>>, vector<16xf32>,
          %add3A_2080 = arith.constant 49 : i32
          %add3A_2081 = arith.addi %add3A_2080, %scan3A_1957 : i32
          %get3A_2082 = arith.index_cast %add3A_2081 : i32 to index
          %get3A_2083 = arith.constant 304 : index
          %get3A_2084 = tpu.vector_load %arg13[%get3A_2082, %get3A_2083] {strides = array<i32>} : memref<104x512xf32, #tpu.memory_space<vmem>>, vector<16xf32>,
          %mul3A_2085 = arith.mulf %get3A_2071, %sub3A_1990 : vector<16xf32>
          %mul3A_2086 = arith.mulf %get3A_2074, %sub3A_1986 : vector<16xf32>
          %add3A_2087 = arith.addf %mul3A_2085, %mul3A_2086 : vector<16xf32>
          %mul3A_2088 = arith.mulf %get3A_2079, %sub3A_1985 : vector<16xf32>
          %add3A_2089 = arith.addf %add3A_2087, %mul3A_2088 : vector<16xf32>
          %mul3A_2090 = arith.mulf %get3A_2084, %mul3A_1984 : vector<16xf32>
          %add3A_2091 = arith.addf %add3A_2089, %mul3A_2090 : vector<16xf32>
          %swap3A_2092 = arith.index_cast %scan3A_1957 : i32 to index
          %swap3A_2093 = arith.constant 48 : index
          %swap3A_2094 = tpu.vector_load %arg14[%swap3A_2092, %swap3A_2093] {strides = array<i32>} : memref<49x256xf32, #tpu.memory_space<vmem>>, vector<16xf32>,
          tpu.vector_store %arg14[%swap3A_2092, %swap3A_2093], %add3A_2091 {strides = array<i32>} : memref<49x256xf32, #tpu.memory_space<vmem>>, vector<16xf32>,
          %get3A_2095 = arith.index_cast %scan3A_1957 : i32 to index
          %get3A_2096 = arith.constant 64 : index
          %get3A_2097 = tpu.vector_load %arg13[%get3A_2095, %get3A_2096] {strides = array<i32>} : memref<104x512xf32, #tpu.memory_space<vmem>>, vector<16xf32>,
          %get3A_2098 = arith.index_cast %scan3A_1957 : i32 to index
          %get3A_2099 = arith.constant 320 : index
          %get3A_2100 = tpu.vector_load %arg13[%get3A_2098, %get3A_2099] {strides = array<i32>} : memref<104x512xf32, #tpu.memory_space<vmem>>, vector<16xf32>,
          %add3A_2101 = arith.constant 49 : i32
          %add3A_2102 = arith.addi %add3A_2101, %scan3A_1957 : i32
          %get3A_2103 = arith.index_cast %add3A_2102 : i32 to index
          %get3A_2104 = arith.constant 64 : index
          %get3A_2105 = tpu.vector_load %arg13[%get3A_2103, %get3A_2104] {strides = array<i32>} : memref<104x512xf32, #tpu.memory_space<vmem>>, vector<16xf32>,
          %add3A_2106 = arith.constant 49 : i32
          %add3A_2107 = arith.addi %add3A_2106, %scan3A_1957 : i32
          %get3A_2108 = arith.index_cast %add3A_2107 : i32 to index
          %get3A_2109 = arith.constant 320 : index
          %get3A_2110 = tpu.vector_load %arg13[%get3A_2108, %get3A_2109] {strides = array<i32>} : memref<104x512xf32, #tpu.memory_space<vmem>>, vector<16xf32>,
          %mul3A_2111 = arith.mulf %get3A_2097, %sub3A_1990 : vector<16xf32>
          %mul3A_2112 = arith.mulf %get3A_2100, %sub3A_1986 : vector<16xf32>
          %add3A_2113 = arith.addf %mul3A_2111, %mul3A_2112 : vector<16xf32>
          %mul3A_2114 = arith.mulf %get3A_2105, %sub3A_1985 : vector<16xf32>
          %add3A_2115 = arith.addf %add3A_2113, %mul3A_2114 : vector<16xf32>
          %mul3A_2116 = arith.mulf %get3A_2110, %mul3A_1984 : vector<16xf32>
          %add3A_2117 = arith.addf %add3A_2115, %mul3A_2116 : vector<16xf32>
          %swap3A_2118 = arith.index_cast %scan3A_1957 : i32 to index
          %swap3A_2119 = arith.constant 64 : index
          %swap3A_2120 = tpu.vector_load %arg14[%swap3A_2118, %swap3A_2119] {strides = array<i32>} : memref<49x256xf32, #tpu.memory_space<vmem>>, vector<16xf32>,
          tpu.vector_store %arg14[%swap3A_2118, %swap3A_2119], %add3A_2117 {strides = array<i32>} : memref<49x256xf32, #tpu.memory_space<vmem>>, vector<16xf32>,
          %get3A_2121 = arith.index_cast %scan3A_1957 : i32 to index
          %get3A_2122 = arith.constant 80 : index
          %get3A_2123 = tpu.vector_load %arg13[%get3A_2121, %get3A_2122] {strides = array<i32>} : memref<104x512xf32, #tpu.memory_space<vmem>>, vector<16xf32>,
          %get3A_2124 = arith.index_cast %scan3A_1957 : i32 to index
          %get3A_2125 = arith.constant 336 : index
          %get3A_2126 = tpu.vector_load %arg13[%get3A_2124, %get3A_2125] {strides = array<i32>} : memref<104x512xf32, #tpu.memory_space<vmem>>, vector<16xf32>,
          %add3A_2127 = arith.constant 49 : i32
          %add3A_2128 = arith.addi %add3A_2127, %scan3A_1957 : i32
          %get3A_2129 = arith.index_cast %add3A_2128 : i32 to index
          %get3A_2130 = arith.constant 80 : index
          %get3A_2131 = tpu.vector_load %arg13[%get3A_2129, %get3A_2130] {strides = array<i32>} : memref<104x512xf32, #tpu.memory_space<vmem>>, vector<16xf32>,
          %add3A_2132 = arith.constant 49 : i32
          %add3A_2133 = arith.addi %add3A_2132, %scan3A_1957 : i32
          %get3A_2134 = arith.index_cast %add3A_2133 : i32 to index
          %get3A_2135 = arith.constant 336 : index
          %get3A_2136 = tpu.vector_load %arg13[%get3A_2134, %get3A_2135] {strides = array<i32>} : memref<104x512xf32, #tpu.memory_space<vmem>>, vector<16xf32>,
          %mul3A_2137 = arith.mulf %get3A_2123, %sub3A_1990 : vector<16xf32>
          %mul3A_2138 = arith.mulf %get3A_2126, %sub3A_1986 : vector<16xf32>
          %add3A_2139 = arith.addf %mul3A_2137, %mul3A_2138 : vector<16xf32>
          %mul3A_2140 = arith.mulf %get3A_2131, %sub3A_1985 : vector<16xf32>
          %add3A_2141 = arith.addf %add3A_2139, %mul3A_2140 : vector<16xf32>
          %mul3A_2142 = arith.mulf %get3A_2136, %mul3A_1984 : vector<16xf32>
          %add3A_2143 = arith.addf %add3A_2141, %mul3A_2142 : vector<16xf32>
          %swap3A_2144 = arith.index_cast %scan3A_1957 : i32 to index
          %swap3A_2145 = arith.constant 80 : index
          %swap3A_2146 = tpu.vector_load %arg14[%swap3A_2144, %swap3A_2145] {strides = array<i32>} : memref<49x256xf32, #tpu.memory_space<vmem>>, vector<16xf32>,
          tpu.vector_store %arg14[%swap3A_2144, %swap3A_2145], %add3A_2143 {strides = array<i32>} : memref<49x256xf32, #tpu.memory_space<vmem>>, vector<16xf32>,
          %get3A_2147 = arith.index_cast %scan3A_1957 : i32 to index
          %get3A_2148 = arith.constant 96 : index
          %get3A_2149 = tpu.vector_load %arg13[%get3A_2147, %get3A_2148] {strides = array<i32>} : memref<104x512xf32, #tpu.memory_space<vmem>>, vector<16xf32>,
          %get3A_2150 = arith.index_cast %scan3A_1957 : i32 to index
          %get3A_2151 = arith.constant 352 : index
          %get3A_2152 = tpu.vector_load %arg13[%get3A_2150, %get3A_2151] {strides = array<i32>} : memref<104x512xf32, #tpu.memory_space<vmem>>, vector<16xf32>,
          %add3A_2153 = arith.constant 49 : i32
          %add3A_2154 = arith.addi %add3A_2153, %scan3A_1957 : i32
          %get3A_2155 = arith.index_cast %add3A_2154 : i32 to index
          %get3A_2156 = arith.constant 96 : index
          %get3A_2157 = tpu.vector_load %arg13[%get3A_2155, %get3A_2156] {strides = array<i32>} : memref<104x512xf32, #tpu.memory_space<vmem>>, vector<16xf32>,
          %add3A_2158 = arith.constant 49 : i32
          %add3A_2159 = arith.addi %add3A_2158, %scan3A_1957 : i32
          %get3A_2160 = arith.index_cast %add3A_2159 : i32 to index
          %get3A_2161 = arith.constant 352 : index
          %get3A_2162 = tpu.vector_load %arg13[%get3A_2160, %get3A_2161] {strides = array<i32>} : memref<104x512xf32, #tpu.memory_space<vmem>>, vector<16xf32>,
          %mul3A_2163 = arith.mulf %get3A_2149, %sub3A_1990 : vector<16xf32>
          %mul3A_2164 = arith.mulf %get3A_2152, %sub3A_1986 : vector<16xf32>
          %add3A_2165 = arith.addf %mul3A_2163, %mul3A_2164 : vector<16xf32>
          %mul3A_2166 = arith.mulf %get3A_2157, %sub3A_1985 : vector<16xf32>
          %add3A_2167 = arith.addf %add3A_2165, %mul3A_2166 : vector<16xf32>
          %mul3A_2168 = arith.mulf %get3A_2162, %mul3A_1984 : vector<16xf32>
          %add3A_2169 = arith.addf %add3A_2167, %mul3A_2168 : vector<16xf32>
          %swap3A_2170 = arith.index_cast %scan3A_1957 : i32 to index
          %swap3A_2171 = arith.constant 96 : index
          %swap3A_2172 = tpu.vector_load %arg14[%swap3A_2170, %swap3A_2171] {strides = array<i32>} : memref<49x256xf32, #tpu.memory_space<vmem>>, vector<16xf32>,
          tpu.vector_store %arg14[%swap3A_2170, %swap3A_2171], %add3A_2169 {strides = array<i32>} : memref<49x256xf32, #tpu.memory_space<vmem>>, vector<16xf32>,
          %get3A_2173 = arith.index_cast %scan3A_1957 : i32 to index
          %get3A_2174 = arith.constant 112 : index
          %get3A_2175 = tpu.vector_load %arg13[%get3A_2173, %get3A_2174] {strides = array<i32>} : memref<104x512xf32, #tpu.memory_space<vmem>>, vector<16xf32>,
          %get3A_2176 = arith.index_cast %scan3A_1957 : i32 to index
          %get3A_2177 = arith.constant 368 : index
          %get3A_2178 = tpu.vector_load %arg13[%get3A_2176, %get3A_2177] {strides = array<i32>} : memref<104x512xf32, #tpu.memory_space<vmem>>, vector<16xf32>,
          %add3A_2179 = arith.constant 49 : i32
          %add3A_2180 = arith.addi %add3A_2179, %scan3A_1957 : i32
          %get3A_2181 = arith.index_cast %add3A_2180 : i32 to index
          %get3A_2182 = arith.constant 112 : index
          %get3A_2183 = tpu.vector_load %arg13[%get3A_2181, %get3A_2182] {strides = array<i32>} : memref<104x512xf32, #tpu.memory_space<vmem>>, vector<16xf32>,
          %add3A_2184 = arith.constant 49 : i32
          %add3A_2185 = arith.addi %add3A_2184, %scan3A_1957 : i32
          %get3A_2186 = arith.index_cast %add3A_2185 : i32 to index
          %get3A_2187 = arith.constant 368 : index
          %get3A_2188 = tpu.vector_load %arg13[%get3A_2186, %get3A_2187] {strides = array<i32>} : memref<104x512xf32, #tpu.memory_space<vmem>>, vector<16xf32>,
          %mul3A_2189 = arith.mulf %get3A_2175, %sub3A_1990 : vector<16xf32>
          %mul3A_2190 = arith.mulf %get3A_2178, %sub3A_1986 : vector<16xf32>
          %add3A_2191 = arith.addf %mul3A_2189, %mul3A_2190 : vector<16xf32>
          %mul3A_2192 = arith.mulf %get3A_2183, %sub3A_1985 : vector<16xf32>
          %add3A_2193 = arith.addf %add3A_2191, %mul3A_2192 : vector<16xf32>
          %mul3A_2194 = arith.mulf %get3A_2188, %mul3A_1984 : vector<16xf32>
          %add3A_2195 = arith.addf %add3A_2193, %mul3A_2194 : vector<16xf32>
          %swap3A_2196 = arith.index_cast %scan3A_1957 : i32 to index
          %swap3A_2197 = arith.constant 112 : index
          %swap3A_2198 = tpu.vector_load %arg14[%swap3A_2196, %swap3A_2197] {strides = array<i32>} : memref<49x256xf32, #tpu.memory_space<vmem>>, vector<16xf32>,
          tpu.vector_store %arg14[%swap3A_2196, %swap3A_2197], %add3A_2195 {strides = array<i32>} : memref<49x256xf32, #tpu.memory_space<vmem>>, vector<16xf32>,
          %get3A_2199 = arith.index_cast %scan3A_1957 : i32 to index
          %get3A_2200 = arith.constant 128 : index
          %get3A_2201 = tpu.vector_load %arg13[%get3A_2199, %get3A_2200] {strides = array<i32>} : memref<104x512xf32, #tpu.memory_space<vmem>>, vector<16xf32>,
          %get3A_2202 = arith.index_cast %scan3A_1957 : i32 to index
          %get3A_2203 = arith.constant 384 : index
          %get3A_2204 = tpu.vector_load %arg13[%get3A_2202, %get3A_2203] {strides = array<i32>} : memref<104x512xf32, #tpu.memory_space<vmem>>, vector<16xf32>,
          %add3A_2205 = arith.constant 49 : i32
          %add3A_2206 = arith.addi %add3A_2205, %scan3A_1957 : i32
          %get3A_2207 = arith.index_cast %add3A_2206 : i32 to index
          %get3A_2208 = arith.constant 128 : index
          %get3A_2209 = tpu.vector_load %arg13[%get3A_2207, %get3A_2208] {strides = array<i32>} : memref<104x512xf32, #tpu.memory_space<vmem>>, vector<16xf32>,
          %add3A_2210 = arith.constant 49 : i32
          %add3A_2211 = arith.addi %add3A_2210, %scan3A_1957 : i32
          %get3A_2212 = arith.index_cast %add3A_2211 : i32 to index
          %get3A_2213 = arith.constant 384 : index
          %get3A_2214 = tpu.vector_load %arg13[%get3A_2212, %get3A_2213] {strides = array<i32>} : memref<104x512xf32, #tpu.memory_space<vmem>>, vector<16xf32>,
          %mul3A_2215 = arith.mulf %get3A_2201, %sub3A_1990 : vector<16xf32>
          %mul3A_2216 = arith.mulf %get3A_2204, %sub3A_1986 : vector<16xf32>
          %add3A_2217 = arith.addf %mul3A_2215, %mul3A_2216 : vector<16xf32>
          %mul3A_2218 = arith.mulf %get3A_2209, %sub3A_1985 : vector<16xf32>
          %add3A_2219 = arith.addf %add3A_2217, %mul3A_2218 : vector<16xf32>
          %mul3A_2220 = arith.mulf %get3A_2214, %mul3A_1984 : vector<16xf32>
          %add3A_2221 = arith.addf %add3A_2219, %mul3A_2220 : vector<16xf32>
          %swap3A_2222 = arith.index_cast %scan3A_1957 : i32 to index
          %swap3A_2223 = arith.constant 128 : index
          %swap3A_2224 = tpu.vector_load %arg14[%swap3A_2222, %swap3A_2223] {strides = array<i32>} : memref<49x256xf32, #tpu.memory_space<vmem>>, vector<16xf32>,
          tpu.vector_store %arg14[%swap3A_2222, %swap3A_2223], %add3A_2221 {strides = array<i32>} : memref<49x256xf32, #tpu.memory_space<vmem>>, vector<16xf32>,
          %get3A_2225 = arith.index_cast %scan3A_1957 : i32 to index
          %get3A_2226 = arith.constant 144 : index
          %get3A_2227 = tpu.vector_load %arg13[%get3A_2225, %get3A_2226] {strides = array<i32>} : memref<104x512xf32, #tpu.memory_space<vmem>>, vector<16xf32>,
          %get3A_2228 = arith.index_cast %scan3A_1957 : i32 to index
          %get3A_2229 = arith.constant 400 : index
          %get3A_2230 = tpu.vector_load %arg13[%get3A_2228, %get3A_2229] {strides = array<i32>} : memref<104x512xf32, #tpu.memory_space<vmem>>, vector<16xf32>,
          %add3A_2231 = arith.constant 49 : i32
          %add3A_2232 = arith.addi %add3A_2231, %scan3A_1957 : i32
          %get3A_2233 = arith.index_cast %add3A_2232 : i32 to index
          %get3A_2234 = arith.constant 144 : index
          %get3A_2235 = tpu.vector_load %arg13[%get3A_2233, %get3A_2234] {strides = array<i32>} : memref<104x512xf32, #tpu.memory_space<vmem>>, vector<16xf32>,
          %add3A_2236 = arith.constant 49 : i32
          %add3A_2237 = arith.addi %add3A_2236, %scan3A_1957 : i32
          %get3A_2238 = arith.index_cast %add3A_2237 : i32 to index
          %get3A_2239 = arith.constant 400 : index
          %get3A_2240 = tpu.vector_load %arg13[%get3A_2238, %get3A_2239] {strides = array<i32>} : memref<104x512xf32, #tpu.memory_space<vmem>>, vector<16xf32>,
          %mul3A_2241 = arith.mulf %get3A_2227, %sub3A_1990 : vector<16xf32>
          %mul3A_2242 = arith.mulf %get3A_2230, %sub3A_1986 : vector<16xf32>
          %add3A_2243 = arith.addf %mul3A_2241, %mul3A_2242 : vector<16xf32>
          %mul3A_2244 = arith.mulf %get3A_2235, %sub3A_1985 : vector<16xf32>
          %add3A_2245 = arith.addf %add3A_2243, %mul3A_2244 : vector<16xf32>
          %mul3A_2246 = arith.mulf %get3A_2240, %mul3A_1984 : vector<16xf32>
          %add3A_2247 = arith.addf %add3A_2245, %mul3A_2246 : vector<16xf32>
          %swap3A_2248 = arith.index_cast %scan3A_1957 : i32 to index
          %swap3A_2249 = arith.constant 144 : index
          %swap3A_2250 = tpu.vector_load %arg14[%swap3A_2248, %swap3A_2249] {strides = array<i32>} : memref<49x256xf32, #tpu.memory_space<vmem>>, vector<16xf32>,
          tpu.vector_store %arg14[%swap3A_2248, %swap3A_2249], %add3A_2247 {strides = array<i32>} : memref<49x256xf32, #tpu.memory_space<vmem>>, vector<16xf32>,
          %get3A_2251 = arith.index_cast %scan3A_1957 : i32 to index
          %get3A_2252 = arith.constant 160 : index
          %get3A_2253 = tpu.vector_load %arg13[%get3A_2251, %get3A_2252] {strides = array<i32>} : memref<104x512xf32, #tpu.memory_space<vmem>>, vector<16xf32>,
          %get3A_2254 = arith.index_cast %scan3A_1957 : i32 to index
          %get3A_2255 = arith.constant 416 : index
          %get3A_2256 = tpu.vector_load %arg13[%get3A_2254, %get3A_2255] {strides = array<i32>} : memref<104x512xf32, #tpu.memory_space<vmem>>, vector<16xf32>,
          %add3A_2257 = arith.constant 49 : i32
          %add3A_2258 = arith.addi %add3A_2257, %scan3A_1957 : i32
          %get3A_2259 = arith.index_cast %add3A_2258 : i32 to index
          %get3A_2260 = arith.constant 160 : index
          %get3A_2261 = tpu.vector_load %arg13[%get3A_2259, %get3A_2260] {strides = array<i32>} : memref<104x512xf32, #tpu.memory_space<vmem>>, vector<16xf32>,
          %add3A_2262 = arith.constant 49 : i32
          %add3A_2263 = arith.addi %add3A_2262, %scan3A_1957 : i32
          %get3A_2264 = arith.index_cast %add3A_2263 : i32 to index
          %get3A_2265 = arith.constant 416 : index
          %get3A_2266 = tpu.vector_load %arg13[%get3A_2264, %get3A_2265] {strides = array<i32>} : memref<104x512xf32, #tpu.memory_space<vmem>>, vector<16xf32>,
          %mul3A_2267 = arith.mulf %get3A_2253, %sub3A_1990 : vector<16xf32>
          %mul3A_2268 = arith.mulf %get3A_2256, %sub3A_1986 : vector<16xf32>
          %add3A_2269 = arith.addf %mul3A_2267, %mul3A_2268 : vector<16xf32>
          %mul3A_2270 = arith.mulf %get3A_2261, %sub3A_1985 : vector<16xf32>
          %add3A_2271 = arith.addf %add3A_2269, %mul3A_2270 : vector<16xf32>
          %mul3A_2272 = arith.mulf %get3A_2266, %mul3A_1984 : vector<16xf32>
          %add3A_2273 = arith.addf %add3A_2271, %mul3A_2272 : vector<16xf32>
          %swap3A_2274 = arith.index_cast %scan3A_1957 : i32 to index
          %swap3A_2275 = arith.constant 160 : index
          %swap3A_2276 = tpu.vector_load %arg14[%swap3A_2274, %swap3A_2275] {strides = array<i32>} : memref<49x256xf32, #tpu.memory_space<vmem>>, vector<16xf32>,
          tpu.vector_store %arg14[%swap3A_2274, %swap3A_2275], %add3A_2273 {strides = array<i32>} : memref<49x256xf32, #tpu.memory_space<vmem>>, vector<16xf32>,
          %get3A_2277 = arith.index_cast %scan3A_1957 : i32 to index
          %get3A_2278 = arith.constant 176 : index
          %get3A_2279 = tpu.vector_load %arg13[%get3A_2277, %get3A_2278] {strides = array<i32>} : memref<104x512xf32, #tpu.memory_space<vmem>>, vector<16xf32>,
          %get3A_2280 = arith.index_cast %scan3A_1957 : i32 to index
          %get3A_2281 = arith.constant 432 : index
          %get3A_2282 = tpu.vector_load %arg13[%get3A_2280, %get3A_2281] {strides = array<i32>} : memref<104x512xf32, #tpu.memory_space<vmem>>, vector<16xf32>,
          %add3A_2283 = arith.constant 49 : i32
          %add3A_2284 = arith.addi %add3A_2283, %scan3A_1957 : i32
          %get3A_2285 = arith.index_cast %add3A_2284 : i32 to index
          %get3A_2286 = arith.constant 176 : index
          %get3A_2287 = tpu.vector_load %arg13[%get3A_2285, %get3A_2286] {strides = array<i32>} : memref<104x512xf32, #tpu.memory_space<vmem>>, vector<16xf32>,
          %add3A_2288 = arith.constant 49 : i32
          %add3A_2289 = arith.addi %add3A_2288, %scan3A_1957 : i32
          %get3A_2290 = arith.index_cast %add3A_2289 : i32 to index
          %get3A_2291 = arith.constant 432 : index
          %get3A_2292 = tpu.vector_load %arg13[%get3A_2290, %get3A_2291] {strides = array<i32>} : memref<104x512xf32, #tpu.memory_space<vmem>>, vector<16xf32>,
          %mul3A_2293 = arith.mulf %get3A_2279, %sub3A_1990 : vector<16xf32>
          %mul3A_2294 = arith.mulf %get3A_2282, %sub3A_1986 : vector<16xf32>
          %add3A_2295 = arith.addf %mul3A_2293, %mul3A_2294 : vector<16xf32>
          %mul3A_2296 = arith.mulf %get3A_2287, %sub3A_1985 : vector<16xf32>
          %add3A_2297 = arith.addf %add3A_2295, %mul3A_2296 : vector<16xf32>
          %mul3A_2298 = arith.mulf %get3A_2292, %mul3A_1984 : vector<16xf32>
          %add3A_2299 = arith.addf %add3A_2297, %mul3A_2298 : vector<16xf32>
          %swap3A_2300 = arith.index_cast %scan3A_1957 : i32 to index
          %swap3A_2301 = arith.constant 176 : index
          %swap3A_2302 = tpu.vector_load %arg14[%swap3A_2300, %swap3A_2301] {strides = array<i32>} : memref<49x256xf32, #tpu.memory_space<vmem>>, vector<16xf32>,
          tpu.vector_store %arg14[%swap3A_2300, %swap3A_2301], %add3A_2299 {strides = array<i32>} : memref<49x256xf32, #tpu.memory_space<vmem>>, vector<16xf32>,
          %get3A_2303 = arith.index_cast %scan3A_1957 : i32 to index
          %get3A_2304 = arith.constant 192 : index
          %get3A_2305 = tpu.vector_load %arg13[%get3A_2303, %get3A_2304] {strides = array<i32>} : memref<104x512xf32, #tpu.memory_space<vmem>>, vector<16xf32>,
          %get3A_2306 = arith.index_cast %scan3A_1957 : i32 to index
          %get3A_2307 = arith.constant 448 : index
          %get3A_2308 = tpu.vector_load %arg13[%get3A_2306, %get3A_2307] {strides = array<i32>} : memref<104x512xf32, #tpu.memory_space<vmem>>, vector<16xf32>,
          %add3A_2309 = arith.constant 49 : i32
          %add3A_2310 = arith.addi %add3A_2309, %scan3A_1957 : i32
          %get3A_2311 = arith.index_cast %add3A_2310 : i32 to index
          %get3A_2312 = arith.constant 192 : index
          %get3A_2313 = tpu.vector_load %arg13[%get3A_2311, %get3A_2312] {strides = array<i32>} : memref<104x512xf32, #tpu.memory_space<vmem>>, vector<16xf32>,
          %add3A_2314 = arith.constant 49 : i32
          %add3A_2315 = arith.addi %add3A_2314, %scan3A_1957 : i32
          %get3A_2316 = arith.index_cast %add3A_2315 : i32 to index
          %get3A_2317 = arith.constant 448 : index
          %get3A_2318 = tpu.vector_load %arg13[%get3A_2316, %get3A_2317] {strides = array<i32>} : memref<104x512xf32, #tpu.memory_space<vmem>>, vector<16xf32>,
          %mul3A_2319 = arith.mulf %get3A_2305, %sub3A_1990 : vector<16xf32>
          %mul3A_2320 = arith.mulf %get3A_2308, %sub3A_1986 : vector<16xf32>
          %add3A_2321 = arith.addf %mul3A_2319, %mul3A_2320 : vector<16xf32>
          %mul3A_2322 = arith.mulf %get3A_2313, %sub3A_1985 : vector<16xf32>
          %add3A_2323 = arith.addf %add3A_2321, %mul3A_2322 : vector<16xf32>
          %mul3A_2324 = arith.mulf %get3A_2318, %mul3A_1984 : vector<16xf32>
          %add3A_2325 = arith.addf %add3A_2323, %mul3A_2324 : vector<16xf32>
          %swap3A_2326 = arith.index_cast %scan3A_1957 : i32 to index
          %swap3A_2327 = arith.constant 192 : index
          %swap3A_2328 = tpu.vector_load %arg14[%swap3A_2326, %swap3A_2327] {strides = array<i32>} : memref<49x256xf32, #tpu.memory_space<vmem>>, vector<16xf32>,
          tpu.vector_store %arg14[%swap3A_2326, %swap3A_2327], %add3A_2325 {strides = array<i32>} : memref<49x256xf32, #tpu.memory_space<vmem>>, vector<16xf32>,
          %get3A_2329 = arith.index_cast %scan3A_1957 : i32 to index
          %get3A_2330 = arith.constant 208 : index
          %get3A_2331 = tpu.vector_load %arg13[%get3A_2329, %get3A_2330] {strides = array<i32>} : memref<104x512xf32, #tpu.memory_space<vmem>>, vector<16xf32>,
          %get3A_2332 = arith.index_cast %scan3A_1957 : i32 to index
          %get3A_2333 = arith.constant 464 : index
          %get3A_2334 = tpu.vector_load %arg13[%get3A_2332, %get3A_2333] {strides = array<i32>} : memref<104x512xf32, #tpu.memory_space<vmem>>, vector<16xf32>,
          %add3A_2335 = arith.constant 49 : i32
          %add3A_2336 = arith.addi %add3A_2335, %scan3A_1957 : i32
          %get3A_2337 = arith.index_cast %add3A_2336 : i32 to index
          %get3A_2338 = arith.constant 208 : index
          %get3A_2339 = tpu.vector_load %arg13[%get3A_2337, %get3A_2338] {strides = array<i32>} : memref<104x512xf32, #tpu.memory_space<vmem>>, vector<16xf32>,
          %add3A_2340 = arith.constant 49 : i32
          %add3A_2341 = arith.addi %add3A_2340, %scan3A_1957 : i32
          %get3A_2342 = arith.index_cast %add3A_2341 : i32 to index
          %get3A_2343 = arith.constant 464 : index
          %get3A_2344 = tpu.vector_load %arg13[%get3A_2342, %get3A_2343] {strides = array<i32>} : memref<104x512xf32, #tpu.memory_space<vmem>>, vector<16xf32>,
          %mul3A_2345 = arith.mulf %get3A_2331, %sub3A_1990 : vector<16xf32>
          %mul3A_2346 = arith.mulf %get3A_2334, %sub3A_1986 : vector<16xf32>
          %add3A_2347 = arith.addf %mul3A_2345, %mul3A_2346 : vector<16xf32>
          %mul3A_2348 = arith.mulf %get3A_2339, %sub3A_1985 : vector<16xf32>
          %add3A_2349 = arith.addf %add3A_2347, %mul3A_2348 : vector<16xf32>
          %mul3A_2350 = arith.mulf %get3A_2344, %mul3A_1984 : vector<16xf32>
          %add3A_2351 = arith.addf %add3A_2349, %mul3A_2350 : vector<16xf32>
          %swap3A_2352 = arith.index_cast %scan3A_1957 : i32 to index
          %swap3A_2353 = arith.constant 208 : index
          %swap3A_2354 = tpu.vector_load %arg14[%swap3A_2352, %swap3A_2353] {strides = array<i32>} : memref<49x256xf32, #tpu.memory_space<vmem>>, vector<16xf32>,
          tpu.vector_store %arg14[%swap3A_2352, %swap3A_2353], %add3A_2351 {strides = array<i32>} : memref<49x256xf32, #tpu.memory_space<vmem>>, vector<16xf32>,
          %get3A_2355 = arith.index_cast %scan3A_1957 : i32 to index
          %get3A_2356 = arith.constant 224 : index
          %get3A_2357 = tpu.vector_load %arg13[%get3A_2355, %get3A_2356] {strides = array<i32>} : memref<104x512xf32, #tpu.memory_space<vmem>>, vector<16xf32>,
          %get3A_2358 = arith.index_cast %scan3A_1957 : i32 to index
          %get3A_2359 = arith.constant 480 : index
          %get3A_2360 = tpu.vector_load %arg13[%get3A_2358, %get3A_2359] {strides = array<i32>} : memref<104x512xf32, #tpu.memory_space<vmem>>, vector<16xf32>,
          %add3A_2361 = arith.constant 49 : i32
          %add3A_2362 = arith.addi %add3A_2361, %scan3A_1957 : i32
          %get3A_2363 = arith.index_cast %add3A_2362 : i32 to index
          %get3A_2364 = arith.constant 224 : index
          %get3A_2365 = tpu.vector_load %arg13[%get3A_2363, %get3A_2364] {strides = array<i32>} : memref<104x512xf32, #tpu.memory_space<vmem>>, vector<16xf32>,
          %add3A_2366 = arith.constant 49 : i32
          %add3A_2367 = arith.addi %add3A_2366, %scan3A_1957 : i32
          %get3A_2368 = arith.index_cast %add3A_2367 : i32 to index
          %get3A_2369 = arith.constant 480 : index
          %get3A_2370 = tpu.vector_load %arg13[%get3A_2368, %get3A_2369] {strides = array<i32>} : memref<104x512xf32, #tpu.memory_space<vmem>>, vector<16xf32>,
          %mul3A_2371 = arith.mulf %get3A_2357, %sub3A_1990 : vector<16xf32>
          %mul3A_2372 = arith.mulf %get3A_2360, %sub3A_1986 : vector<16xf32>
          %add3A_2373 = arith.addf %mul3A_2371, %mul3A_2372 : vector<16xf32>
          %mul3A_2374 = arith.mulf %get3A_2365, %sub3A_1985 : vector<16xf32>
          %add3A_2375 = arith.addf %add3A_2373, %mul3A_2374 : vector<16xf32>
          %mul3A_2376 = arith.mulf %get3A_2370, %mul3A_1984 : vector<16xf32>
          %add3A_2377 = arith.addf %add3A_2375, %mul3A_2376 : vector<16xf32>
          %swap3A_2378 = arith.index_cast %scan3A_1957 : i32 to index
          %swap3A_2379 = arith.constant 224 : index
          %swap3A_2380 = tpu.vector_load %arg14[%swap3A_2378, %swap3A_2379] {strides = array<i32>} : memref<49x256xf32, #tpu.memory_space<vmem>>, vector<16xf32>,
          tpu.vector_store %arg14[%swap3A_2378, %swap3A_2379], %add3A_2377 {strides = array<i32>} : memref<49x256xf32, #tpu.memory_space<vmem>>, vector<16xf32>,
          %get3A_2381 = arith.index_cast %scan3A_1957 : i32 to index
          %get3A_2382 = arith.constant 240 : index
          %get3A_2383 = tpu.vector_load %arg13[%get3A_2381, %get3A_2382] {strides = array<i32>} : memref<104x512xf32, #tpu.memory_space<vmem>>, vector<16xf32>,
          %get3A_2384 = arith.index_cast %scan3A_1957 : i32 to index
          %get3A_2385 = arith.constant 496 : index
          %get3A_2386 = tpu.vector_load %arg13[%get3A_2384, %get3A_2385] {strides = array<i32>} : memref<104x512xf32, #tpu.memory_space<vmem>>, vector<16xf32>,
          %add3A_2387 = arith.constant 49 : i32
          %add3A_2388 = arith.addi %add3A_2387, %scan3A_1957 : i32
          %get3A_2389 = arith.index_cast %add3A_2388 : i32 to index
          %get3A_2390 = arith.constant 240 : index
          %get3A_2391 = tpu.vector_load %arg13[%get3A_2389, %get3A_2390] {strides = array<i32>} : memref<104x512xf32, #tpu.memory_space<vmem>>, vector<16xf32>,
          %add3A_2392 = arith.constant 49 : i32
          %add3A_2393 = arith.addi %add3A_2392, %scan3A_1957 : i32
          %get3A_2394 = arith.index_cast %add3A_2393 : i32 to index
          %get3A_2395 = arith.constant 496 : index
          %get3A_2396 = tpu.vector_load %arg13[%get3A_2394, %get3A_2395] {strides = array<i32>} : memref<104x512xf32, #tpu.memory_space<vmem>>, vector<16xf32>,
          %mul3A_2397 = arith.mulf %get3A_2383, %sub3A_1990 : vector<16xf32>
          %mul3A_2398 = arith.mulf %get3A_2386, %sub3A_1986 : vector<16xf32>
          %add3A_2399 = arith.addf %mul3A_2397, %mul3A_2398 : vector<16xf32>
          %mul3A_2400 = arith.mulf %get3A_2391, %sub3A_1985 : vector<16xf32>
          %add3A_2401 = arith.addf %add3A_2399, %mul3A_2400 : vector<16xf32>
          %mul3A_2402 = arith.mulf %get3A_2396, %mul3A_1984 : vector<16xf32>
          %add3A_2403 = arith.addf %add3A_2401, %mul3A_2402 : vector<16xf32>
          %swap3A_2404 = arith.index_cast %scan3A_1957 : i32 to index
          %swap3A_2405 = arith.constant 240 : index
          %swap3A_2406 = tpu.vector_load %arg14[%swap3A_2404, %swap3A_2405] {strides = array<i32>} : memref<49x256xf32, #tpu.memory_space<vmem>>, vector<16xf32>,
          tpu.vector_store %arg14[%swap3A_2404, %swap3A_2405], %add3A_2403 {strides = array<i32>} : memref<49x256xf32, #tpu.memory_space<vmem>>, vector<16xf32>,
        }
        %scan3A_1946 = arith.constant 49 : i32
        %lt3A_1947 = arith.constant 5000 : i32
        %lt3A_1948 = arith.cmpi slt, %add3A_1934, %lt3A_1947 : i32
        %convert_element_type3A_1949 = arith.extui %lt3A_1948 : i1 to i32
        %cond3A_1950 = arith.constant 0 : i32
        %cond3A_1951 = arith.cmpi ne, %convert_element_type3A_1949, %cond3A_1950 : i32
        scf.if %cond3A_1951 {
          %dma_start3A_1957 = arith.constant 0 : i32
          %dma_start3A_1958 = arith.constant 0 : i32
          %dma_start3A_1959 = tpu.memref_slice %arg5[%add3A_1934, %dma_start3A_1957, %dma_start3A_1958] : memref<5000x49x256xf32, #tpu.memory_space<hbm>> -> memref<1x49x256xf32, #tpu.memory_space<hbm>>
          %dma_start3A_1960 = tpu.memref_squeeze %dma_start3A_1959 : memref<1x49x256xf32, #tpu.memory_space<hbm>> -> memref<49x256xf32, #tpu.memory_space<hbm>>
          %dma_start3A_1961 = arith.constant 0 : i32
          %dma_start3A_1962 = arith.constant 0 : i32
          %dma_start3A_1963 = tpu.memref_slice %arg5[%add3A_1934, %dma_start3A_1961, %dma_start3A_1962] : memref<5000x49x256xf32, #tpu.memory_space<hbm>> -> memref<1x49x256xf32, #tpu.memory_space<hbm>>
          %dma_start3A_1964 = tpu.memref_squeeze %dma_start3A_1963 : memref<1x49x256xf32, #tpu.memory_space<hbm>> -> memref<49x256xf32, #tpu.memory_space<hbm>>
          tpu.enqueue_dma source(%arg14 : memref<49x256xf32, #tpu.memory_space<vmem>>) target(%dma_start3A_1964 : memref<49x256xf32, #tpu.memory_space<hbm>>) target_semaphore(%arg17 : memref<!tpu.dma_semaphore, #tpu.memory_space<semaphore_mem>>)
        } else {
        }
        %ge3A_1952 = arith.constant 5000 : i32
        %ge3A_1953 = arith.cmpi sge, %add3A_1934, %ge3A_1952 : i32
        %convert_element_type3A_1954 = arith.extui %ge3A_1953 : i1 to i32
        %cond3A_1955 = arith.constant 0 : i32
        %cond3A_1956 = arith.cmpi ne, %convert_element_type3A_1954, %cond3A_1955 : i32
        scf.if %cond3A_1956 {
          tpu.enqueue_dma source(%arg14 : memref<49x256xf32, #tpu.memory_space<vmem>>) target(%arg6 : memref<49x256xf32, #tpu.memory_space<hbm>>) target_semaphore(%arg17 : memref<!tpu.dma_semaphore, #tpu.memory_space<semaphore_mem>>)
        } else {
        }
      }
      %scan3A_1877 = arith.constant 8 : i32
    }
    %scan3A_469 = arith.constant 10 : i32
    %dma_wait3A = arith.constant 0 : i32
    %dma_wait3A_470 = arith.constant 0 : i32
    %dma_wait3A_471 = arith.constant 0 : i32
    %dma_wait3A_472 = tpu.memref_slice %arg5[%dma_wait3A, %dma_wait3A_470, %dma_wait3A_471] : memref<5000x49x256xf32, #tpu.memory_space<hbm>> -> memref<1x49x256xf32, #tpu.memory_space<hbm>>
    %dma_wait3A_473 = tpu.memref_squeeze %dma_wait3A_472 : memref<1x49x256xf32, #tpu.memory_space<hbm>> -> memref<49x256xf32, #tpu.memory_space<hbm>>
    %dma_wait3A_474 = arith.constant 0 : i32
    %dma_wait3A_475 = arith.constant 0 : i32
    %dma_wait3A_476 = tpu.memref_slice %arg5[%dma_wait3A, %dma_wait3A_474, %dma_wait3A_475] : memref<5000x49x256xf32, #tpu.memory_space<hbm>> -> memref<1x49x256xf32, #tpu.memory_space<hbm>>
    %dma_wait3A_477 = tpu.memref_squeeze %dma_wait3A_476 : memref<1x49x256xf32, #tpu.memory_space<hbm>> -> memref<49x256xf32, #tpu.memory_space<hbm>>
    tpu.wait_dma2 semaphore(%arg17 : memref<!tpu.dma_semaphore, #tpu.memory_space<semaphore_mem>>) src(%arg14 : memref<49x256xf32, #tpu.memory_space<vmem>>) dst(%dma_wait3A_477 : memref<49x256xf32, #tpu.memory_space<hbm>>)
    return
  }
}

</mosaic_0001>

<sc_bundles>
// kernel: kernel.3.cloned.1.call-start
scs
__scs_entry_jumppad:
0x0: {  	(pc) =	sbr.rel $0x88, $3  }
0x1: {  	(tag) =	ssettag $0x0;
	lr =	simm.s32 $0x1  }
0x2: {  	[smem:$0x3F9B] =	sst lr;
	_ =	strace $0xD0000000  }
0x3: {  	_ = 	snop  }
0x4: {  	_ = 	snop  }
0x5: {  	_ = 	snop  }
0x6: {  	_ = 	snop  }
0x7: {  	_ = 	snop  }
__scs_overlays_trampoline_lowered:
0x8: {  	[smem:$0x3FAA] =	sst s0  }
0x9: {  	[smem:$0x3FAB] =	sst s1  }
0xa: {  	[smem:$0x3FAC] =	sst s2  }
0xb: {  	[smem:$0x3FAD] =	sst s3  }
0xc: {  	[smem:$0x3FAE] =	sst s4  }
0xd: {  	[smem:$0x3FAF] =	sst s5  }
0xe: {  	[smem:$0x3FB0] =	sst s6  }
0xf: {  	[smem:$0x3FB1] =	sst s7  }
0x10: {  	[smem:$0x3FB2] =	sst s8  }
0x11: {  	[smem:$0x3FB3] =	sst s9;
	s0 =	simm.s32 @!p0 $0x0  }
0x12: {  	s1 =	sld [smem:$0x3F99];
	s0 =	simm.s32 @p0 $0x1  }
0x13: {  	[smem:$0x3FB4] =	sst s0;
	s0 =	simm.s32 @!p1 $0x0  }
0x14: {  	s2 =	sld [smem:$0x3F98];
	s0 =	simm.s32 @p1 $0x1  }
0x15: {  	[smem:$0x3FB5] =	sst s0;
	s0 =	simm.s32 @!p2 $0x0  }
0x16: {  	s3 =	sld [smem:$0x3FDB];
	s0 =	simm.s32 @p2 $0x1  }
0x17: {  	s4 =	simm.s32 $0x1BF5;
	[smem:$0x3FB7] =	sst s0  }
0x18: {  	s0 =	sld [smem:$0x3F9A];
	_ =	swait.ge [sflag:s4], $0x0  }
0x19: {  	s7 =	sld [smem:$0x3F9B]  }
0x1a: {  	s8 =	sadd.s32 $0xFFFFE003, lr  }
0x1b: {  	s9 =	sadd.s32 $0xFFFFFEF7, lr;
	s5 =	simm.s32 $0xFFFFFFFF;
	p2 =	slt.u32 s8, $0xFFFFF086  }
0x1c: {  	p1 =	slt.u32 s9, $0xF7A;
	s5 =	simm.s32 @!p2 $0x0  }
0x1d: {  	s5 =	simm.s32 @p1 $0x1;
	p0 =	seq.s32 s7, s2  }
0x1e: {  	s7 =	smul.u32 @!p0 $0xF7A, s2;
	p2 =	seq.s32 @!p0 s5, $0x0  }
0x1f: {  	s9 =	smul.u32 $0xF7A, s1;
	s8 =	simm.s32 @!p0 $0x1BF5;
	p2 =	por !p2, p0  }
0x20: {  	[sflag:s8] =	ssyncset.s32 @!p0 $0xFFFFF086;
	s6 =	sadd.s32 @!p0 s3, s7;
	s7 =	simm.s32 @!p0 $0x108  }
0x21: {  	s3 =	sadd.s32 s3, s9;
	s6 =	sadd.s32 @!p0 $0x88, s6;
	s7 =	simm.s32 @p2 $0x1082  }
0x22: {  	[simem:s7], [sflag:s8] =	dma.local @!p0 [hbm:s6], $0xF7A  }
0x23: {  	s9 =	sor.u32 $0xD0000000, s2;
	s6 =	simm.s32 $0x108;
	_ =	swait.ge @!p0 [sflag:s8], $0x0  }
0x24: {  	s3 =	sadd.s32 $0x88, s3;
	s6 =	simm.s32 @!p1 $0x1082;
	[sflag:s4] =	ssyncset.s32 $0xFFFFF086  }
0x25: {  	[simem:s6], [sflag:s4] =	dma.local [hbm:s3], $0xF7A  }
0x26: {  	[smem:$0x3F9B] =	sst s1;
	(tag) =	ssettag s2;
	_ =	strace s9  }
0x27: {  	s1 =	sld [smem:$0x3FAB]  }
0x28: {  	s2 =	sld [smem:$0x3FAC]  }
0x29: {  	s4 =	sld [smem:$0x3FAE]  }
0x2a: {  	p0 =	seq.s32 s5, $0x0;
	s5 =	sld [smem:$0x3FAF]  }
0x2b: {  	s6 =	sld [smem:$0x3FB0]  }
0x2c: {  	s7 =	sld [smem:$0x3FB1]  }
0x2d: {  	s3 =	simm.s32 $0x108;
	s8 =	sld [smem:$0x3FB2]  }
0x2e: {  	s3 =	simm.s32 @!p0 $0x1082;
	s9 =	sld [smem:$0x3FB3]  }
0x2f: {  	lr =	sadd.s32 s0, s3;
	s0 =	sld [smem:$0x3FAA]  }
0x30: {  	s3 =	sld [smem:$0x3FAD]  }
0x31: {  	[smem:$0x3FB6] =	sst s10  }
0x32: {  	s10 =	sld [smem:$0x3FB4];
	_ =	sdelay $0x3  }
0x33: {  	p0 =	seq.s32 s10, $0x1;
	s10 =	sld [smem:$0x3FB6];
	_ =	sdelay $0x3  }
0x34: {  	[smem:$0x3FB6] =	sst s10  }
0x35: {  	s10 =	sld [smem:$0x3FB5];
	_ =	sdelay $0x3  }
0x36: {  	p1 =	seq.s32 s10, $0x1;
	s10 =	sld [smem:$0x3FB6];
	_ =	sdelay $0x3  }
0x37: {  	[smem:$0x3FB6] =	sst s10  }
0x38: {  	s10 =	sld [smem:$0x3FB7]  }
0x39: {  	_ = 	snop;
	(pc) =	sbr.ind lr, $3  }
0x3a: {  	_ = 	snop  }
0x3b: {  	_ = 	snop  }
0x3c: {  	p2 =	seq.s32 s10, $0x1;
	s10 =	sld [smem:$0x3FB6]  }
0x3d: {  	_ =	shalt  }
0x3e: {  	_ =	shalt  }
0x3f: {  	_ =	shalt  }
0x40: {  	_ =	shalt  }
0x41: {  	_ =	shalt  }
0x42: {  	_ =	shalt  }
0x43: {  	_ =	shalt  }
0x44: {  	_ =	shalt  }
0x45: {  	_ =	shalt  }
0x46: {  	_ =	shalt  }
0x47: {  	_ =	shalt  }
0x48: {  	_ =	shalt  }
0x49: {  	_ =	shalt  }
0x4a: {  	_ =	shalt  }
0x4b: {  	_ =	shalt  }
0x4c: {  	_ =	shalt  }
0x4d: {  	_ =	shalt  }
0x4e: {  	_ =	shalt  }
0x4f: {  	_ =	shalt  }
0x50: {  	_ =	shalt  }
0x51: {  	_ =	shalt  }
0x52: {  	_ =	shalt  }
0x53: {  	_ =	shalt  }
0x54: {  	_ =	shalt  }
0x55: {  	_ =	shalt  }
0x56: {  	_ =	shalt  }
0x57: {  	_ =	shalt  }
0x58: {  	_ =	shalt  }
0x59: {  	_ =	shalt  }
0x5a: {  	_ =	shalt  }
0x5b: {  	_ =	shalt  }
0x5c: {  	_ =	shalt  }
0x5d: {  	_ =	shalt  }
0x5e: {  	_ =	shalt  }
0x5f: {  	_ =	shalt  }
0x60: {  	_ =	shalt  }
0x61: {  	_ =	shalt  }
0x62: {  	_ =	shalt  }
0x63: {  	_ =	shalt  }
0x64: {  	_ =	shalt  }
0x65: {  	_ =	shalt  }
0x66: {  	_ =	shalt  }
0x67: {  	_ =	shalt  }
0x68: {  	_ =	shalt  }
0x69: {  	_ =	shalt  }
0x6a: {  	_ =	shalt  }
0x6b: {  	_ =	shalt  }
0x6c: {  	_ =	shalt  }
0x6d: {  	_ =	shalt  }
0x6e: {  	_ =	shalt  }
0x6f: {  	_ =	shalt  }
0x70: {  	_ =	shalt  }
0x71: {  	_ =	shalt  }
0x72: {  	_ =	shalt  }
0x73: {  	_ =	shalt  }
0x74: {  	_ =	shalt  }
0x75: {  	_ =	shalt  }
0x76: {  	_ =	shalt  }
0x77: {  	_ =	shalt  }
0x78: {  	_ =	shalt  }
0x79: {  	_ =	shalt  }
0x7a: {  	_ =	shalt  }
0x7b: {  	_ =	shalt  }
0x7c: {  	_ =	shalt  }
0x7d: {  	_ =	shalt  }
0x7e: {  	_ =	shalt  }
0x7f: {  	_ =	shalt  }
0x80: {  	_ =	shalt  }
0x81: {  	_ =	shalt  }
0x82: {  	_ =	shalt  }
0x83: {  	_ =	shalt  }
0x84: {  	_ =	shalt  }
0x85: {  	_ =	shalt  }
0x86: {  	_ =	shalt  }
0x87: {  	_ =	shalt  }
.Lfunc_end0:
.L_simem_size_0:
called_computation_lowered:
.L_overlay_start_0:
0x88: {  	s2 =	sld [smem:$0x3FD9]  }
0x89: {  	s3 =	sld [smem:$0x3FFE];
	_ =	sdelay $0x1  }
0x8a: {  	s1 =	srdreg.scid  }
0x8b: {  	s0 =	sand.u32 $0x1, s1  }
0x8c: {  	s17 =	sshll.u32 s0, $0xA;
	s2 =	sadd.s32 s3, s2  }
0x8d: {  	s2 =	sadd.s32 s2, s17  }
0x8e: {  	[smem:$0x3FC2] =	sst s2  }
0x8f: {  	_ = 	snop  }
0x90: {  	s2 =	sld [smem:$0x3FD0];
	(tm) =	ssettm $0x1  }
0x91: {  	s18 =	sld [smem:$0x3FFB];
	_ =	sdelay $0x3  }
0x92: {  	_ =	strace s18  }
0x93: {  	s3 =	sld [smem:$0x3FFC];
	_ =	sdelay $0x3  }
0x94: {  	_ =	strace s3  }
0x95: {  	s3 =	sld [smem:$0x3FFD];
	_ =	sdelay $0x3  }
0x96: {  	_ =	strace s3  }
0x97: {  	_ =	strace $0x8FFFFFFF  }
0x98: {  	s19 =	sld [smem:$0x3FDB];
	_ =	sdelay $0x1  }
0x99: {  	s4 =	simm.s32 $_scs_section_size  }
0x9a: {  	s5 =	simm.s32 $_size__tile_overlayer_lowered;
	s6 =	simm.s32 $_tile_overlayer_lowered  }
0x9b: {  	s22 =	simm.s32 $0x1BFF;
	s21 =	sshll.u32 s6, $0x1;
	s3 =	sadd.s32 s4, s19  }
0x9c: {  	s7 =	simm.s32 $0x0;
	s20 =	sshll.u32 s5, $0x1;
	s5 =	sadd.s32 s21, s3  }
0x9d: {  	[timem:s7], [sflag:s22] =	dma.local [hbm:s5], s20  }
0x9e: {  	_ =	swait.ge [sflag:s22], s20  }
0x9f: {  	s4 =	ssub.s32 $0x0, s20;
	[sflag:s22] =	ssyncset.done $0x0  }
0xa0: {  	[sflag:s22] =	ssyncadd.s32 s4;
	_ =	sdelay $0x1  }
0xa1: {  	s23 =	simm.s32 $0x1B8B  }
0xa2: {  	_ =	swait.ge [sflag:s23], $0x1  }
0xa3: {  	[sflag:s23] =	ssyncset.done $0x0  }
0xa4: {  	s25 =	simm.s32 $0x1B8E;
	s24 =	sld [smem:$0x3FFE];
	[sflag:s23] =	ssyncadd.s32 $0xFFFFFFFF  }
0xa5: {  	s26 =	simm.s32 $execute0_lowered;
	[smem:$0x3FD2] =	sst s25  }
0xa6: {  	s5 =	sshll.u32 s26, $0x1;
	_ =	strace $0x80000046;
	[dreg:$0x1] =	wrdreg $0xFFFFFFFF  }
0xa7: {  	s28 =	simm.s32 $_size_execute0_lowered;
	s3 =	sadd.s32 s3, s5;
	[dreg:$0x0] =	wrdreg $0x0  }
0xa8: {  	s5 =	sshll.u32 s28, $0x1;
	[dreg:$0x2] =	wrdreg s3  }
0xa9: {  	[dreg:$0x3] =	wrdreg s5  }
0xaa: {  	[dreg:$0x4] =	wrdreg $0xC0  }
0xab: {  	_ =	task [dreg:s7], $0x5FFFF  }
0xac: {  	[dreg:$0x1] =	wrdreg $0xFFFFFFFF  }
0xad: {  	[dreg:$0x0] =	wrdreg $0x60  }
0xae: {  	[dreg:$0x2] =	wrdreg s2  }
0xaf: {  	[dreg:$0x3] =	wrdreg s24  }
0xb0: {  	[dreg:$0x4] =	wrdreg $0x9  }
0xb1: {  	_ =	task.clear_ibuf [dreg:s7], $0x5FFFF;
	_ =	strace $0x90000046  }
0xb2: {  	s29 =	simm.s32 $0x9;
	_ =	strace $0x80000048  }
0xb3: {  	_ =	swait.ge [sflag:s29], $0x1  }
0xb4: {  	[sflag:s29] =	ssyncadd.s32 $0xFFFFFFFF  }
0xb5: {  	_ =	strace $0x90000048  }
0xb6: {  	_ =	sfence  }
0xb7: {  	s30 =	sld [smem:$0x0];
	_ =	sdelay $0x2  }
0xb8: {  	s31 =	sshll.u32 s1, $0xD;
	s1 =	sshrl.u32 s1, $0x2  }
0xb9: {  	s3 =	sand.u32 $0x4000, s31;
	s1 =	sadd.s32 s1, s30  }
0xba: {  	s0 =	sor.u32 s3, s0;
	s1 =	sshll.u32 s1, $0x11  }
0xbb: {  	s0 =	sor.u32 s1, s0  }
0xbc: {  	s0 =	sadd.s32 $0x8F2B, s0  }
0xbd: {  	[sflag:s0] =	ssyncadd.remote.s32 $0x1  }
0xbe: {  	_ =	sfence.sel $0xFFFF  }
0xbf: {  	[dreg:$0x0] =	wrdreg $0xFFFFFFFF;
	(pc) =	sbr.abs _section_cstart, $3  }
0xc0: {  	[dreg:$0x1] =	wrdreg $0xFFFFFFFF  }
0xc1: {  	_ =	task.clear_ibuf [dreg:s7], $0x2FFFF;
	_ =	strace $0x9FFFFFFF  }
0xc2: {  	(tm) =	ssettm $0x7FFFFFFF  }
0xc3: {  	_ =	shalt  }
tec
execute0_lowered:
.L_overlay_start_1:
0x0: {  	(tag) =	ssettag $0x1  }
0x1: {  	v0 =	vlaneseq.u32  }
0x2: {  	v55 =	vmul.u32 $0x80, v0  }
0x3: {  	s2 =	rddreg [dreg:$0x0];
	s3 =	simm.s32 $0x0  }
0x4: {  	[smem:$0x7FF] =	sst s3;
	v0 =	vor.u32 $0x31, v55  }
0x5: {  	s4 =	rddreg [dreg:$0x1];
	_ =	strace $0x80000047;
	[tilespmem:$0x1FC80] =	vst v0;
	v0 =	vor.u32 $0x1, v55  }
0x6: {  	[tilespmem:$0x1FC90] =	vst v0;
	v0 =	vor.u32 $0x32, v55  }
0x7: {  	[tilespmem:$0x1FCA0] =	vst v0;
	v0 =	vor.u32 $0x2, v55  }
0x8: {  	[tilespmem:$0x1FCB0] =	vst v0;
	v0 =	vor.u32 $0x33, v55  }
0x9: {  	[tilespmem:$0x1FCC0] =	vst v0;
	v0 =	vor.u32 $0x3, v55  }
0xa: {  	[tilespmem:$0x1FCD0] =	vst v0;
	v0 =	vor.u32 $0x34, v55  }
0xb: {  	[tilespmem:$0x1FCE0] =	vst v0;
	v0 =	vor.u32 $0x4, v55  }
0xc: {  	[tilespmem:$0x1FCF0] =	vst v0;
	v0 =	vor.u32 $0x35, v55  }
0xd: {  	[tilespmem:$0x1FD00] =	vst v0;
	v0 =	vor.u32 $0x5, v55  }
0xe: {  	[tilespmem:$0x1FD10] =	vst v0;
	v0 =	vor.u32 $0x36, v55  }
0xf: {  	[tilespmem:$0x1FD20] =	vst v0;
	v0 =	vor.u32 $0x6, v55  }
0x10: {  	[tilespmem:$0x1FD30] =	vst v0;
	v0 =	vor.u32 $0x37, v55  }
0x11: {  	[tilespmem:$0x1FD40] =	vst v0;
	v0 =	vor.u32 $0x7, v55  }
0x12: {  	[tilespmem:$0x1FD50] =	vst v0;
	v0 =	vor.u32 $0x38, v55  }
0x13: {  	[tilespmem:$0x1FD60] =	vst v0;
	v0 =	vor.u32 $0x8, v55  }
0x14: {  	[tilespmem:$0x1FD70] =	vst v0;
	v0 =	vor.u32 $0x39, v55  }
0x15: {  	[tilespmem:$0x1FD80] =	vst v0;
	v0 =	vor.u32 $0x9, v55  }
0x16: {  	[tilespmem:$0x1FD90] =	vst v0;
	v0 =	vor.u32 $0x3A, v55  }
0x17: {  	[tilespmem:$0x1FDA0] =	vst v0;
	v0 =	vor.u32 $0xA, v55  }
0x18: {  	[tilespmem:$0x1FDB0] =	vst v0;
	v0 =	vor.u32 $0x3B, v55  }
0x19: {  	[tilespmem:$0x1FDC0] =	vst v0;
	v0 =	vor.u32 $0xB, v55  }
0x1a: {  	[tilespmem:$0x1FDD0] =	vst v0;
	v0 =	vor.u32 $0x3C, v55  }
0x1b: {  	[tilespmem:$0x1FDE0] =	vst v0;
	v0 =	vor.u32 $0xC, v55  }
0x1c: {  	[tilespmem:$0x1FDF0] =	vst v0;
	v0 =	vor.u32 $0x3D, v55  }
0x1d: {  	[tilespmem:$0x1FE00] =	vst v0;
	v0 =	vor.u32 $0xD, v55  }
0x1e: {  	[tilespmem:$0x1FE10] =	vst v0;
	v0 =	vor.u32 $0x3E, v55  }
0x1f: {  	[tilespmem:$0x1FE20] =	vst v0;
	v0 =	vor.u32 $0xE, v55  }
0x20: {  	[tilespmem:$0x1FE30] =	vst v0;
	v0 =	vor.u32 $0x3F, v55  }
0x21: {  	[tilespmem:$0x1FE40] =	vst v0;
	v0 =	vor.u32 $0xF, v55  }
0x22: {  	[tilespmem:$0x1FE50] =	vst v0;
	v0 =	vor.u32 $0x40, v55  }
0x23: {  	[tilespmem:$0x1FE60] =	vst v0;
	v0 =	vor.u32 $0x10, v55  }
0x24: {  	[tilespmem:$0x1FE70] =	vst v0;
	v0 =	vor.u32 $0x41, v55  }
0x25: {  	[tilespmem:$0x1FE80] =	vst v0;
	v0 =	vor.u32 $0x11, v55  }
0x26: {  	[tilespmem:$0x1FE90] =	vst v0;
	v0 =	vor.u32 $0x42, v55  }
0x27: {  	[tilespmem:$0x1FEA0] =	vst v0;
	v0 =	vor.u32 $0x12, v55  }
0x28: {  	[tilespmem:$0x1FEB0] =	vst v0;
	v0 =	vor.u32 $0x43, v55  }
0x29: {  	[tilespmem:$0x1FEC0] =	vst v0;
	v0 =	vor.u32 $0x13, v55  }
0x2a: {  	[tilespmem:$0x1FED0] =	vst v0;
	v0 =	vor.u32 $0x44, v55  }
0x2b: {  	[tilespmem:$0x1FEE0] =	vst v0;
	v0 =	vor.u32 $0x14, v55  }
0x2c: {  	[tilespmem:$0x1FEF0] =	vst v0;
	v0 =	vor.u32 $0x45, v55  }
0x2d: {  	[tilespmem:$0x1FF00] =	vst v0;
	v0 =	vor.u32 $0x15, v55  }
0x2e: {  	[tilespmem:$0x1FF10] =	vst v0;
	v0 =	vor.u32 $0x46, v55  }
0x2f: {  	[tilespmem:$0x1FF20] =	vst v0;
	v0 =	vor.u32 $0x16, v55  }
0x30: {  	s0 =	srdreg.scid;
	s1 =	stileid.u32;
	s19 =	simm.s32 $0x300;
	[tilespmem:$0x1FF30] =	vst v0;
	v0 =	vor.u32 $0x47, v55  }
0x31: {  	s21 =	simm.s32 $0x1;
	s0 =	sand.u32 $0x1, s0;
	s1 =	sshll.u32 s1, $0x1;
	[tilespmem:$0x1FF40] =	vst v0;
	v0 =	vor.u32 $0x17, v55  }
0x32: {  	s20 =	simm.s32 $0x19B00;
	s22 =	simm.s32 $0x1A300;
	s1 =	sor.u32 s0, s1;
	[tilespmem:$0x1FF50] =	vst v0;
	v0 =	vor.u32 $0x48, v55  }
0x33: {  	s23 =	simm.s32 $0x1AB00;
	s0 =	ssub.s32 $0x2, s0;
	s1 =	smul.u32 $0xA0, s1;
	[tilespmem:$0x1FF60] =	vst v0;
	v0 =	vor.u32 $0x18, v55  }
0x34: {  	s28 =	simm.s32 $0x2;
	s5 =	sadd.s32 $0x552400, s4;
	s24 =	sshrl.u32 s0, $0x1;
	[tilespmem:$0x1FF70] =	vst v0;
	v0 =	vor.u32 $0x49, v55  }
0x35: {  	s0 =	ssub.s32 s0, s24;
	[dreg:$0x3] =	wrdreg s1;
	s1 =	sshrl.u32 s1, $0x3;
	[tilespmem:$0x1FF80] =	vst v0;
	v0 =	vor.u32 $0x19, v55  }
0x36: {  	[dreg:$0x4] =	wrdreg s5;
	s0 =	smax.u32 s0, $0x1;
	s1 =	sadd.s32 s1, s4;
	[tilespmem:$0x1FF90] =	vst v0;
	v0 =	vor.u32 $0x4A, v55  }
0x37: {  	s29 =	simm.s32 $0x3;
	[dreg:$0x9] =	wrdreg s0;
	s25 =	sadd.s32 $0x552600, s1;
	[tilespmem:$0x1FFA0] =	vst v0;
	v0 =	vor.u32 $0x1A, v55  }
0x38: {  	s31 =	simm.s32 $0x0;
	s26 =	sadd.s32 $0x552880, s1;
	[dreg:$0x5] =	wrdreg s25;
	[tilespmem:$0x1FFB0] =	vst v0;
	v0 =	vor.u32 $0x4B, v55  }
0x39: {  	s6 =	sadd.s32 $0x553000, s4;
	s30 =	sadd.s32 $0x552B00, s1;
	[dreg:$0x6] =	wrdreg s26;
	[tilespmem:$0x1FFC0] =	vst v0;
	v0 =	vor.u32 $0x1B, v55  }
0x3a: {  	s7 =	sadd.s32 $0x2000, s4;
	s1 =	sadd.s32 $0x552D80, s1;
	[dreg:$0x7] =	wrdreg s30;
	[tilespmem:$0x1FFD0] =	vst v0;
	v0 =	vor.u32 $0x4C, v55  }
0x3b: {  	s12 =	sadd.s32 $0x100, s2;
	s24 =	simm.s32 $0xB00;
	[dreg:$0x8] =	wrdreg s1;
	[tilespmem:$0x1FFE0] =	vst v0;
	v0 =	vor.u32 $0x1C, v55  }
0x3c: {  	v1 =	vimm.s32 $0x0;
	vm0 =	vmmov $0xffff;
	s25 =	simm.s32 $0xF00;
	s26 =	simm.s32 $0x1B300;
	s1 =	simm.s32 $0x0;
	[tilespmem:$0x1FFF0] =	vst v0  }
.LBB2_1:
0x3d: {  	[dreg:$0xa] =	wrdreg s1  }
0x3e: {  	s0 =	rddreg [dreg:$0x5];
	s8 =	simm.s32 $0x4  }
0x3f: {  	[tilespmem:s3], [sflag:$0x4] =	stream.linear.gather [hbm4b:s0+s3], $0xA0, $0x38;
	[tilespmem:$0x1EB00] =	vst v63  }
0x40: {  	_ =	swait.ge [sflag:s8], $0xA0  }
0x41: {  	[sflag:s8] =	ssyncset.done $0x0  }
0x42: {  	s4 =	simm.s32 $0xA0;
	s9 =	rddreg [dreg:$0x6];
	[sflag:s8] =	ssyncadd.s32 $0xFFFFFF60  }
0x43: {  	[tilespmem:s4], [sflag:$0x4] =	stream.linear.gather [hbm4b:s9+s3], $0xA0, $0x38;
	[tilespmem:$0x1EB00] =	vst v63  }
0x44: {  	_ =	swait.ge [sflag:s8], $0xA0  }
0x45: {  	[sflag:s8] =	ssyncset.done $0x0  }
0x46: {  	s11 =	simm.s32 $0x140;
	s10 =	rddreg [dreg:$0x7];
	[sflag:s8] =	ssyncadd.s32 $0xFFFFFF60  }
0x47: {  	[tilespmem:s11], [sflag:$0x4] =	stream.linear.gather [hbm4b:s10+s3], $0xA0, $0x38;
	[tilespmem:$0x1EB00] =	vst v63  }
0x48: {  	_ =	swait.ge [sflag:s8], $0xA0  }
0x49: {  	[sflag:s8] =	ssyncset.done $0x0  }
0x4a: {  	s14 =	simm.s32 $0x1E0;
	s13 =	rddreg [dreg:$0x8];
	[sflag:s8] =	ssyncadd.s32 $0xFFFFFF60  }
0x4b: {  	[tilespmem:s14], [sflag:$0x4] =	stream.linear.gather [hbm4b:s13+s3], $0xA0, $0x38;
	[tilespmem:$0x1EB00] =	vst v63  }
0x4c: {  	_ =	swait.ge [sflag:s8], $0xA0  }
0x4d: {  	[sflag:s8] =	ssyncset.done $0x0  }
0x4e: {  	s16 =	simm.s32 $0x280;
	s15 =	rddreg [dreg:$0x4];
	[sflag:s8] =	ssyncadd.s32 $0xFFFFFF60  }
0x4f: {  	[tilespmem:s16], [sflag:$0x4] =	stream.linear.gather [hbm4b:s15+s3], $0x80, $0x38;
	[tilespmem:$0x1EB00] =	vst v63  }
0x50: {  	_ =	swait.ge [sflag:s8], $0x80  }
0x51: {  	[sflag:s8] =	ssyncset.done $0x0  }
0x52: {  	[sflag:s8] =	ssyncadd.s32 $0xFFFFFF80  }
0x53: {  	[tilespmem:$0x300] =	vst v1  }
0x54: {  	[tilespmem:$0x310] =	vst v1  }
0x55: {  	[tilespmem:$0x320] =	vst v1  }
0x56: {  	[tilespmem:$0x330] =	vst v1  }
0x57: {  	[tilespmem:$0x340] =	vst v1  }
0x58: {  	[tilespmem:$0x350] =	vst v1  }
0x59: {  	[tilespmem:$0x380] =	vst v1  }
0x5a: {  	[tilespmem:$0x390] =	vst v1  }
0x5b: {  	[tilespmem:$0x3A0] =	vst v1  }
0x5c: {  	[tilespmem:$0x3B0] =	vst v1  }
0x5d: {  	[tilespmem:$0x3C0] =	vst v1  }
0x5e: {  	[tilespmem:$0x3D0] =	vst v1  }
0x5f: {  	[tilespmem:$0x400] =	vst v1  }
0x60: {  	[tilespmem:$0x410] =	vst v1  }
0x61: {  	[tilespmem:$0x420] =	vst v1  }
0x62: {  	[tilespmem:$0x430] =	vst v1  }
0x63: {  	[tilespmem:$0x440] =	vst v1  }
0x64: {  	[tilespmem:$0x450] =	vst v1  }
0x65: {  	[tilespmem:$0x480] =	vst v1  }
0x66: {  	[tilespmem:$0x490] =	vst v1  }
0x67: {  	[tilespmem:$0x4A0] =	vst v1  }
0x68: {  	[tilespmem:$0x4B0] =	vst v1  }
0x69: {  	[tilespmem:$0x4C0] =	vst v1  }
0x6a: {  	[tilespmem:$0x4D0] =	vst v1  }
0x6b: {  	[tilespmem:$0x500] =	vst v1  }
0x6c: {  	[tilespmem:$0x510] =	vst v1  }
0x6d: {  	[tilespmem:$0x520] =	vst v1  }
0x6e: {  	[tilespmem:$0x530] =	vst v1  }
0x6f: {  	[tilespmem:$0x540] =	vst v1  }
0x70: {  	[tilespmem:$0x550] =	vst v1  }
0x71: {  	[tilespmem:$0x580] =	vst v1  }
0x72: {  	[tilespmem:$0x590] =	vst v1  }
0x73: {  	[tilespmem:$0x5A0] =	vst v1  }
0x74: {  	[tilespmem:$0x5B0] =	vst v1  }
0x75: {  	[tilespmem:$0x5C0] =	vst v1  }
0x76: {  	[tilespmem:$0x5D0] =	vst v1  }
0x77: {  	[tilespmem:$0x600] =	vst v1  }
0x78: {  	[tilespmem:$0x610] =	vst v1  }
0x79: {  	[tilespmem:$0x620] =	vst v1  }
0x7a: {  	[tilespmem:$0x630] =	vst v1  }
0x7b: {  	[tilespmem:$0x640] =	vst v1  }
0x7c: {  	[tilespmem:$0x650] =	vst v1  }
0x7d: {  	[tilespmem:$0x680] =	vst v1  }
0x7e: {  	[tilespmem:$0x690] =	vst v1  }
0x7f: {  	[tilespmem:$0x6A0] =	vst v1  }
0x80: {  	[tilespmem:$0x6B0] =	vst v1  }
0x81: {  	[tilespmem:$0x6C0] =	vst v1  }
0x82: {  	[tilespmem:$0x6D0] =	vst v1  }
0x83: {  	[tilespmem:$0x700] =	vst v1  }
0x84: {  	[tilespmem:$0x710] =	vst v1  }
0x85: {  	[tilespmem:$0x720] =	vst v1  }
0x86: {  	[tilespmem:$0x730] =	vst v1  }
0x87: {  	[tilespmem:$0x740] =	vst v1  }
0x88: {  	[tilespmem:$0x750] =	vst v1  }
0x89: {  	[tilespmem:$0x780] =	vst v1  }
0x8a: {  	[tilespmem:$0x790] =	vst v1  }
0x8b: {  	[tilespmem:$0x7A0] =	vst v1  }
0x8c: {  	[tilespmem:$0x7B0] =	vst v1  }
0x8d: {  	[tilespmem:$0x7C0] =	vst v1  }
0x8e: {  	[tilespmem:$0x7D0] =	vst v1  }
0x8f: {  	[tilespmem:$0x800] =	vst v1  }
0x90: {  	[tilespmem:$0x810] =	vst v1  }
0x91: {  	[tilespmem:$0x820] =	vst v1  }
0x92: {  	[tilespmem:$0x830] =	vst v1  }
0x93: {  	[tilespmem:$0x840] =	vst v1  }
0x94: {  	[tilespmem:$0x850] =	vst v1  }
0x95: {  	[tilespmem:$0x880] =	vst v1  }
0x96: {  	[tilespmem:$0x890] =	vst v1  }
0x97: {  	[tilespmem:$0x8A0] =	vst v1  }
0x98: {  	[tilespmem:$0x8B0] =	vst v1  }
0x99: {  	[tilespmem:$0x8C0] =	vst v1  }
0x9a: {  	[tilespmem:$0x8D0] =	vst v1  }
0x9b: {  	[tilespmem:$0x900] =	vst v1  }
0x9c: {  	[tilespmem:$0x910] =	vst v1  }
0x9d: {  	[tilespmem:$0x920] =	vst v1  }
0x9e: {  	[tilespmem:$0x930] =	vst v1  }
0x9f: {  	[tilespmem:$0x940] =	vst v1  }
0xa0: {  	[tilespmem:$0x950] =	vst v1  }
0xa1: {  	[tilespmem:$0x980] =	vst v1  }
0xa2: {  	[tilespmem:$0x990] =	vst v1  }
0xa3: {  	[tilespmem:$0x9A0] =	vst v1  }
0xa4: {  	[tilespmem:$0x9B0] =	vst v1  }
0xa5: {  	[tilespmem:$0x9C0] =	vst v1  }
0xa6: {  	[tilespmem:$0x9D0] =	vst v1  }
0xa7: {  	[tilespmem:$0xA00] =	vst v1  }
0xa8: {  	[tilespmem:$0xA10] =	vst v1  }
0xa9: {  	[tilespmem:$0xA20] =	vst v1  }
0xaa: {  	v0 =	vld [tilespmem:$0x280];
	[tilespmem:$0xA30] =	vst v1  }
0xab: {  	[tilespmem:$0xA40] =	vst v1  }
0xac: {  	[tilespmem:$0xA50] =	vst v1  }
0xad: {  	[tilespmem:$0xA80] =	vst v1  }
0xae: {  	[tilespmem:$0xA90] =	vst v1  }
0xaf: {  	[tilespmem:$0xAA0] =	vst v1;
	(v2sf) =	vpush v0, $0x0  }
0xb0: {  	[tilespmem:$0xAB0] =	vst v1;
	(v2sf) =	vpush v0, $0x1  }
0xb1: {  	[tilespmem:$0xAC0] =	vst v1  }
0xb2: {  	[tilespmem:$0xAD0] =	vst v1  }
0xb3: {  	[tilespmem:$0x358] =	vst v1  }
0xb4: {  	[tilespmem:$0x3D8] =	vst v1  }
0xb5: {  	[tilespmem:$0x458] =	vst v1  }
0xb6: {  	[tilespmem:$0x4D8] =	vst v1  }
0xb7: {  	[tilespmem:$0x558] =	vst v1  }
0xb8: {  	[tilespmem:$0x5D8] =	vst v1  }
0xb9: {  	[tilespmem:$0x658] =	vst v1  }
0xba: {  	[tilespmem:$0x6D8] =	vst v1  }
0xbb: {  	[tilespmem:$0x758] =	vst v1  }
0xbc: {  	[tilespmem:$0x7D8] =	vst v1  }
0xbd: {  	[tilespmem:$0x858] =	vst v1  }
0xbe: {  	[tilespmem:$0x8D8] =	vst v1;
	s17 =	spop (v2sf)  }
0xbf: {  	[tilespmem:$0x958] =	vst v1;
	s18 =	spop (v2sf)  }
0xc0: {  	[tilespmem:$0x9D8] =	vst v1;
	s0 =	smul.f32 s18, s17  }
0xc1: {  	[tilespmem:$0xA58] =	vst v1  }
0xc2: {  	[tilespmem:$0xAD8] =	vst v1;
	v0 =	vmov s0  }
0xc3: {  	s30 =	simm.s32 $0x0;
	[tilespmem:$0x1FC70] =	vst v0  }
.LBB2_2:
0xc4: {  	s0 =	sshll.u32 s30, $0x4  }
0xc5: {  	v0 =	vld [tilespmem:s0+$0x0]  }
0xc6: {  	v3 =	vld [tilespmem:s0+$0xA0]  }
0xc7: {  	v4 =	vld [tilespmem:s0+$0x140]  }
0xc8: {  	v5 =	vld [tilespmem:s0+$0x1E0];
	_ =	sdelay $0x3  }
0xc9: {  	v2 =	vld [tilespmem:$0x1FC70]  }
0xca: {  	v4 =	vsub.f32 v4, v0;
	v5 =	vsub.f32 v5, v3;
	_ =	sdelay $0x1  }
0xcb: {  	v6 =	vmul.f32 v5, v4;
	_ =	sdelay $0x1  }
0xcc: {  	v6 =	vmul.f32 v6, v2;
	_ =	sdelay $0x1  }
0xcd: {  	vm1 =	vge.f32 v6, $6.272000000e+03;
	vm2 =	vge.f32 v6, $2.508800000e+04  }
0xce: {  	v7 =	vsel vm1, $0x1, v1;
	v8 =	vsel vm2, $0x1, v1;
	vm1 =	vge.f32 v6, $1.003520000e+05  }
0xcf: {  	v6 =	vadd.s32 v8, v7;
	v7 =	vsel vm1, $0x1, v1  }
0xd0: {  	v6 =	vadd.s32 v7, v6  }
0xd1: {  	v2 =	vimm.f32 $3.100000000e+01;
	vm1 =	veq.s32 v6, $0x2  }
0xd2: {  	vm2 =	veq.s32 v6, $0x1;
	v7 =	vsel vm1, $0x427C0000, v2  }
0xd3: {  	vm3 =	veq.s32 v6, $0x0;
	v2 =	vimm.s32 $0x1F;
	v6 =	vsel vm2, $0x42FE0000, v7  }
0xd4: {  	v7 =	vsel vm1, $0x3F, v2;
	v2 =	vimm.s32 $0x15000;
	v6 =	vsel vm3, $0x437F0000, v6  }
0xd5: {  	v7 =	vsel vm2, $0x7F, v7;
	v4 =	vmul.f32 v6, v4;
	v11 =	vmul.f32 v6, v0  }
0xd6: {  	v12 =	vmul.f32 v6, v5;
	v18 =	vsel vm3, $0xFF, v7;
	v3 =	vmul.f32 v6, v3  }
0xd7: {  	v6 =	vsel vm1, $0x14000, v2;
	v19 =	vadd.s32 $0x1, v18;
	v0 =	vmul.f32 $0.0e+00, v4  }
0xd8: {  	v6 =	vsel vm2, $0x10000, v6;
	v7 =	vmul.f32 $0.0e+00, v12;
	v35 =	vmul.f32 $1.666666720e-01, v4  }
0xd9: {  	v21 =	vsel vm3, $0x0, v6;
	v20 =	vmul.f32 $5.000000000e-01, v4;
	v42 =	vmul.f32 $5.000000000e-01, v12  }
0xda: {  	v43 =	vmul.f32 $6.666666860e-01, v4;
	v56 =	vmul.f32 $6.666666860e-01, v12;
	v63 =	vadd.f32 v4, v11  }
0xdb: {  	v57 =	vmul.f32 $8.333333130e-01, v4;
	v0 =	vadd.f32 v0, v11;
	v7 =	vadd.f32 v7, v3  }
0xdc: {  	v8 =	vadd.f32 v35, v11;
	v40 =	vadd.f32 v20, v11;
	v32 =	vtrunc.f32 v63  }
0xdd: {  	v24 =	vadd.f32 v43, v11;
	v5 =	vtrunc.f32 v0;
	v10 =	vtrunc.f32 v7  }
0xde: {  	v58 =	vadd.f32 v57, v11;
	v13 =	vtrunc.f32 v8;
	v41 =	vtrunc.f32 v40  }
0xdf: {  	v34 =	vadd.f32 v12, v3;
	v54 =	vtrunc.f32 v24;
	v5 =	vcvt.f32.s32 v5  }
0xe0: {  	v25 =	vadd.f32 v56, v3;
	v60 =	vtrunc.f32 v58;
	v13 =	vcvt.f32.s32 v13  }
0xe1: {  	v10 =	vcvt.f32.s32 v10;
	v27 =	vcvt.f32.s32 v60;
	v9 =	vadd.s32 $0x1, v5  }
0xe2: {  	v6 =	vcvt.s32.f32 v5;
	v5 =	vmul.u32 v5, v19;
	v36 =	vadd.s32 $0x1, v13  }
0xe3: {  	v62 =	vadd.s32 $0x1, v27;
	v31 =	vmul.u32 v27, v19;
	vm1 =	vlt.s32 v9, v18  }
0xe4: {  	v9 =	vsel vm1, v9, v18;
	v2 =	vsub.f32 v0, v6;
	v0 =	vmul.f32 $1.666666720e-01, v12  }
0xe5: {  	v6 =	vmul.f32 $3.333333430e-01, v4;
	v17 =	vadd.s32 v21, v5;
	v5 =	vcvt.s32.f32 v10  }
0xe6: {  	vm1 =	vlt.s32 v36, v18;
	v4 =	vcvt.s32.f32 v27;
	v14 =	vadd.f32 v0, v3  }
0xe7: {  	v9 =	vmul.u32 v19, v9;
	v6 =	vadd.f32 v6, v11;
	v44 =	vsub.f32 v7, v5  }
0xe8: {  	v0 =	vcvt.s32.f32 v13;
	v5 =	vsel vm1, v36, v18;
	v13 =	vmul.u32 v13, v19  }
0xe9: {  	v4 =	vsub.f32 v58, v4;
	v7 =	vtrunc.f32 v14;
	v15 =	vtrunc.f32 v6  }
0xea: {  	v45 =	vsub.f32 v8, v0;
	v0 =	vmul.u32 v19, v5;
	v5 =	vmul.f32 $3.333333430e-01, v12  }
0xeb: {  	v16 =	vadd.s32 v21, v9;
	v9 =	vcvt.f32.s32 v7;
	v7 =	vcvt.f32.s32 v15  }
0xec: {  	v36 =	vtrunc.f32 v34;
	v15 =	vadd.s32 v21, v13;
	v5 =	vadd.f32 v5, v3  }
0xed: {  	v37 =	vcvt.s32.f32 v9;
	v38 =	vcvt.s32.f32 v7;
	v58 =	vadd.s32 v9, v16  }
0xee: {  	v0 =	vadd.s32 v21, v0;
	v39 =	vtrunc.f32 v5;
	v60 =	vand.u32 $0x1, v58  }
0xef: {  	v47 =	vsub.f32 v14, v37;
	v46 =	vsub.f32 v6, v38;
	v6 =	vadd.s32 $0x1, v7  }
0xf0: {  	v7 =	vmul.u32 v7, v19;
	v8 =	vcvt.f32.s32 v39;
	v14 =	vcvt.f32.s32 v41  }
0xf1: {  	v39 =	vadd.s32 v10, v17;
	v41 =	vadd.s32 v10, v16;
	vm1 =	vlt.s32 v6, v18  }
0xf2: {  	v6 =	vsel vm1, v6, v18;
	v50 =	vadd.s32 v21, v7;
	v7 =	vcvt.s32.f32 v8  }
0xf3: {  	v51 =	vand.u32 $0x1, v41;
	v52 =	vmul.u32 v14, v19;
	v6 =	vmul.u32 v19, v6  }
0xf4: {  	v49 =	vsub.f32 v5, v7;
	v5 =	vcvt.s32.f32 v14;
	v7 =	vadd.s32 $0x1, v14  }
0xf5: {  	v48 =	vadd.s32 v21, v6;
	v6 =	vadd.f32 v42, v3;
	vm1 =	vlt.s32 v7, v18  }
0xf6: {  	v14 =	vcvt.f32.s32 v54;
	v53 =	vsub.f32 v40, v5;
	v5 =	vsel vm1, v7, v18  }
0xf7: {  	v23 =	vadd.s32 v21, v52;
	v22 =	vtrunc.f32 v6;
	v5 =	vmul.u32 v19, v5  }
0xf8: {  	v52 =	vadd.s32 v9, v17;
	v42 =	vshra.s32 v39, $0x1;
	v7 =	vcvt.f32.s32 v22  }
0xf9: {  	v59 =	vcvt.s32.f32 v14;
	v20 =	vadd.s32 v21, v5;
	v5 =	vadd.s32 $0x1, v14  }
0xfa: {  	v57 =	vand.u32 $0x1, v52;
	v22 =	vcvt.s32.f32 v7;
	vm1 =	vlt.s32 v5, v18  }
0xfb: {  	v40 =	vand.u32 $0x1, v39;
	v13 =	vsub.f32 v24, v59;
	v26 =	vsel vm1, v5, v18  }
0xfc: {  	vm1 =	vlt.s32 v62, v18;
	v54 =	vsub.f32 v6, v22;
	v6 =	vtrunc.f32 v25  }
0xfd: {  	v26 =	vmul.u32 v19, v26;
	v30 =	vsel vm1, v62, v18;
	v5 =	vcvt.f32.s32 v6  }
0xfe: {  	v22 =	vadd.s32 v10, v0;
	v6 =	vmul.u32 v14, v19;
	v11 =	vmul.u32 v19, v30  }
0xff: {  	[tilespmem:$0x1FAA0] =	vst v13;
	v13 =	vadd.s32 v21, v26;
	v26 =	vcvt.f32.s32 v32;
	v61 =	vcvt.s32.f32 v5  }
0x100: {  	v14 =	vadd.s32 v21, v6;
	v6 =	vmul.f32 $8.333333130e-01, v12;
	v12 =	vadd.s32 v21, v31  }
0x101: {  	v11 =	vadd.s32 v21, v11;
	v31 =	vadd.s32 v7, v16;
	v28 =	vcvt.s32.f32 v26  }
0x102: {  	v24 =	vsub.f32 v25, v61;
	v6 =	vadd.f32 v6, v3;
	v3 =	vadd.s32 $0x1, v26  }
0x103: {  	v61 =	vadd.s32 v8, v17;
	v25 =	vadd.s32 v8, v16;
	vm1 =	vlt.s32 v3, v18  }
0x104: {  	v37 =	vsub.f32 v63, v28;
	v27 =	vand.u32 $0x1, v25;
	v28 =	vadd.s32 v7, v17  }
0x105: {  	v33 =	vtrunc.f32 v6;
	v18 =	vsel vm1, v3, v18;
	v3 =	vcvt.f32.s32 v36  }
0x106: {  	[tilespmem:$0x1FAB0] =	vst v24;
	vm1 =	veq.s32 v40, $0x1;
	v24 =	vand.u32 $0x1, v61;
	v30 =	vand.u32 $0x1, v28  }
0x107: {  	[tilespmem:$0x1FAC0] =	vst v4;
	v4 =	vcvt.f32.s32 v33;
	v18 =	vmul.u32 v19, v18;
	v43 =	vsel vm1, $0xAA01, v1  }
0x108: {  	[tilespmem:$0x1FAE0] =	vst v37;
	vm1 =	veq.s32 v51, $0x1;
	v33 =	vand.u32 $0x1, v31;
	v37 =	vadd.s32 v5, v16  }
0x109: {  	v38 =	vcvt.s32.f32 v3;
	v56 =	vsel vm1, $0xAA01, v1;
	vm1 =	veq.s32 v57, $0x1  }
0x10a: {  	v39 =	vand.u32 $0x1, v37;
	v35 =	vcvt.s32.f32 v4;
	v63 =	vadd.s32 v21, v18  }
0x10b: {  	v18 =	vadd.s32 v42, v43;
	v59 =	vsel vm1, $0xAA01, v1;
	vm1 =	veq.s32 v60, $0x1  }
0x10c: {  	v40 =	vadd.s32 v4, v17;
	v43 =	vadd.s32 v4, v16;
	v16 =	vadd.s32 v3, v16  }
0x10d: {  	[tilespmem:$0x1FB00] =	vst v18;
	v18 =	vshra.s32 v52, $0x1;
	v62 =	vsel vm1, $0xAA01, v1;
	vm1 =	veq.s32 v24, $0x1  }
0x10e: {  	v42 =	vand.u32 $0x1, v40;
	v6 =	vsub.f32 v6, v35;
	v18 =	vadd.s32 v18, v59  }
0x10f: {  	v52 =	vand.u32 $0x1, v43;
	v60 =	vand.u32 $0x1, v16;
	v16 =	vshra.s32 v16, $0x1;
	[tilespmem:$0x1FB20] =	vst v18  }
0x110: {  	v18 =	vshra.s32 v61, $0x1;
	v61 =	vadd.s32 v10, v15;
	[tilespmem:$0x1FAD0] =	vst v6;
	v6 =	vmul.u32 v26, v19  }
0x111: {  	v19 =	vsub.f32 v34, v38;
	v26 =	vsel vm1, $0xAA01, v1;
	vm1 =	veq.s32 v27, $0x1  }
0x112: {  	v34 =	vadd.s32 v5, v17;
	v17 =	vadd.s32 v3, v17;
	v18 =	vadd.s32 v18, v26  }
0x113: {  	v29 =	vsel vm1, $0xAA01, v1;
	vm1 =	veq.s32 v30, $0x1;
	v36 =	vand.u32 $0x1, v34  }
0x114: {  	v26 =	vadd.s32 v9, v15;
	v6 =	vadd.s32 v21, v6;
	[tilespmem:$0x1FAF0] =	vst v19;
	v19 =	vshra.s32 v41, $0x1  }
0x115: {  	[tilespmem:$0x1FB40] =	vst v18;
	v18 =	vshra.s32 v28, $0x1;
	v32 =	vsel vm1, $0xAA01, v1;
	vm1 =	veq.s32 v33, $0x1  }
0x116: {  	v21 =	vand.u32 $0x1, v61;
	v28 =	vand.u32 $0x1, v26;
	v19 =	vadd.s32 v19, v56  }
0x117: {  	v18 =	vadd.s32 v18, v32;
	v35 =	vsel vm1, $0xAA01, v1;
	vm1 =	veq.s32 v36, $0x1  }
0x118: {  	v56 =	vshra.s32 v43, $0x1;
	v32 =	vadd.s32 v8, v15;
	[tilespmem:$0x1FB10] =	vst v19;
	v19 =	vshra.s32 v58, $0x1  }
0x119: {  	[tilespmem:$0x1FB60] =	vst v18;
	v18 =	vshra.s32 v34, $0x1;
	v38 =	vsel vm1, $0xAA01, v1;
	vm1 =	veq.s32 v39, $0x1  }
0x11a: {  	v58 =	vand.u32 $0x1, v17;
	v17 =	vshra.s32 v17, $0x1;
	v34 =	vand.u32 $0x1, v32  }
0x11b: {  	v19 =	vadd.s32 v19, v62;
	v18 =	vadd.s32 v18, v38;
	v41 =	vsel vm1, $0xAA01, v1  }
0x11c: {  	vm1 =	veq.s32 v42, $0x1;
	v38 =	vadd.s32 v7, v15;
	[tilespmem:$0x1FB30] =	vst v19;
	v19 =	vshra.s32 v25, $0x1  }
0x11d: {  	[tilespmem:$0x1FB80] =	vst v18;
	v18 =	vshra.s32 v40, $0x1;
	v51 =	vsel vm1, $0xAA01, v1;
	vm1 =	veq.s32 v52, $0x1  }
0x11e: {  	v25 =	vand.u32 $0x1, v22;
	v40 =	vand.u32 $0x1, v38;
	v19 =	vadd.s32 v19, v29  }
0x11f: {  	v18 =	vadd.s32 v18, v51;
	v57 =	vsel vm1, $0xAA01, v1;
	vm1 =	veq.s32 v58, $0x1  }
0x120: {  	v29 =	vadd.s32 v9, v0;
	v51 =	vadd.s32 v5, v15;
	[tilespmem:$0x1FB50] =	vst v19;
	v19 =	vshra.s32 v31, $0x1  }
0x121: {  	[tilespmem:$0x1FBA0] =	vst v18;
	v18 =	vadd.s32 v56, v57;
	v59 =	vsel vm1, $0xAA01, v1;
	vm1 =	veq.s32 v60, $0x1  }
0x122: {  	v31 =	vand.u32 $0x1, v29;
	v56 =	vand.u32 $0x1, v51;
	v57 =	vadd.s32 v5, v0  }
0x123: {  	v60 =	vadd.s32 v4, v15;
	v15 =	vadd.s32 v3, v15;
	v19 =	vadd.s32 v19, v35  }
0x124: {  	v17 =	vadd.s32 v17, v59;
	v62 =	vsel vm1, $0xAA01, v1;
	vm1 =	veq.s32 v21, $0x1  }
0x125: {  	v35 =	vadd.s32 v8, v0;
	v59 =	vand.u32 $0x1, v57;
	v21 =	vadd.s32 v4, v0;
	[tilespmem:$0x1FB70] =	vst v19  }
0x126: {  	v19 =	vshra.s32 v37, $0x1;
	[tilespmem:$0x1FBC0] =	vst v17;
	v16 =	vadd.s32 v16, v62;
	v17 =	vshra.s32 v61, $0x1  }
0x127: {  	v24 =	vsel vm1, $0xAA01, v1;
	vm1 =	veq.s32 v25, $0x1;
	v37 =	vand.u32 $0x1, v35  }
0x128: {  	v62 =	vand.u32 $0x1, v60;
	v19 =	vadd.s32 v19, v41;
	v17 =	vadd.s32 v17, v24  }
0x129: {  	[tilespmem:$0x1FBD0] =	vst v16;
	v16 =	vshra.s32 v22, $0x1;
	v27 =	vsel vm1, $0xAA01, v1;
	vm1 =	veq.s32 v28, $0x1  }
0x12a: {  	v41 =	vadd.s32 v7, v0;
	v24 =	vand.u32 $0x1, v21;
	v0 =	vadd.s32 v3, v0  }
0x12b: {  	[tilespmem:$0x1FBE0] =	vst v17;
	v16 =	vadd.s32 v16, v27;
	v17 =	vshra.s32 v26, $0x1;
	v30 =	vsel vm1, $0xAA01, v1  }
0x12c: {  	vm1 =	veq.s32 v31, $0x1;
	v43 =	vand.u32 $0x1, v41;
	v26 =	vand.u32 $0x1, v15  }
0x12d: {  	v15 =	vshra.s32 v15, $0x1;
	v28 =	vand.u32 $0x1, v0;
	v0 =	vshra.s32 v0, $0x1  }
0x12e: {  	[tilespmem:$0x1FBF0] =	vst v16;
	v17 =	vadd.s32 v17, v30;
	v16 =	vshra.s32 v29, $0x1;
	v33 =	vsel vm1, $0xAA01, v1  }
0x12f: {  	vm1 =	veq.s32 v34, $0x1;
	v29 =	vadd.s32 v10, v50;
	v34 =	vadd.s32 v9, v50  }
0x130: {  	[tilespmem:$0x1FC00] =	vst v17;
	v16 =	vadd.s32 v16, v33;
	v17 =	vshra.s32 v32, $0x1;
	v36 =	vsel vm1, $0xAA01, v1  }
0x131: {  	vm1 =	veq.s32 v37, $0x1;
	v31 =	vand.u32 $0x1, v29;
	v17 =	vadd.s32 v17, v36  }
0x132: {  	[tilespmem:$0x1FC10] =	vst v16;
	v16 =	vshra.s32 v35, $0x1;
	v39 =	vsel vm1, $0xAA01, v1;
	vm1 =	veq.s32 v40, $0x1  }
0x133: {  	v36 =	vand.u32 $0x1, v34;
	[tilespmem:$0x1FC20] =	vst v17;
	v16 =	vadd.s32 v16, v39;
	v17 =	vshra.s32 v38, $0x1  }
0x134: {  	v42 =	vsel vm1, $0xAA01, v1;
	vm1 =	veq.s32 v43, $0x1;
	v39 =	vadd.s32 v8, v50  }
0x135: {  	v17 =	vadd.s32 v17, v42;
	v52 =	vsel vm1, $0xAA01, v1;
	vm1 =	veq.s32 v56, $0x1  }
0x136: {  	[tilespmem:$0x1FC30] =	vst v16;
	v16 =	vshra.s32 v41, $0x1;
	v58 =	vsel vm1, $0xAA01, v1;
	vm1 =	veq.s32 v59, $0x1  }
0x137: {  	v16 =	vadd.s32 v16, v52;
	v61 =	vsel vm1, $0xAA01, v1;
	vm1 =	veq.s32 v62, $0x1  }
0x138: {  	[tilespmem:$0x1FC40] =	vst v17;
	v17 =	vshra.s32 v51, $0x1;
	v22 =	vsel vm1, $0xAA01, v1;
	vm1 =	veq.s32 v24, $0x1  }
0x139: {  	v17 =	vadd.s32 v17, v58;
	v25 =	vsel vm1, $0xAA01, v1;
	vm1 =	veq.s32 v26, $0x1  }
0x13a: {  	[tilespmem:$0x1FC50] =	vst v16;
	v16 =	vshra.s32 v57, $0x1;
	v27 =	vsel vm1, $0xAA01, v1;
	vm1 =	veq.s32 v28, $0x1  }
0x13b: {  	[tilespmem:$0x1FC60] =	vst v17;
	v51 =	vadd.s32 v16, v61;
	v17 =	vshra.s32 v60, $0x1;
	v30 =	vsel vm1, $0xAA01, v1  }
0x13c: {  	v16 =	vshra.s32 v21, $0x1;
	v60 =	vadd.s32 v0, v30;
	v0 =	vadd.s32 v10, v48  }
0x13d: {  	v21 =	vand.u32 $0x1, v39;
	vm1 =	veq.s32 v31, $0x1;
	v33 =	vand.u32 $0x1, v0  }
0x13e: {  	v57 =	vadd.s32 v17, v22;
	v32 =	vsel vm1, $0xAA01, v1;
	vm1 =	veq.s32 v33, $0x1  }
0x13f: {  	v58 =	vadd.s32 v16, v25;
	v0 =	vshra.s32 v0, $0x1;
	v35 =	vsel vm1, $0xAA01, v1  }
0x140: {  	v25 =	vadd.s32 v7, v50;
	v62 =	vadd.s32 v0, v35;
	v0 =	vadd.s32 v9, v48  }
0x141: {  	v59 =	vadd.s32 v15, v27;
	vm1 =	veq.s32 v36, $0x1;
	v38 =	vand.u32 $0x1, v0  }
0x142: {  	v15 =	vshra.s32 v29, $0x1;
	v37 =	vsel vm1, $0xAA01, v1;
	vm1 =	veq.s32 v38, $0x1  }
0x143: {  	v27 =	vand.u32 $0x1, v25;
	v0 =	vshra.s32 v0, $0x1;
	v52 =	vsel vm1, $0xAA01, v1  }
0x144: {  	v30 =	vadd.s32 v5, v50;
	v42 =	vadd.s32 v0, v52;
	v0 =	vadd.s32 v8, v48  }
0x145: {  	v61 =	vadd.s32 v15, v32;
	vm1 =	veq.s32 v21, $0x1;
	v24 =	vand.u32 $0x1, v0  }
0x146: {  	v15 =	vshra.s32 v34, $0x1;
	v22 =	vsel vm1, $0xAA01, v1;
	vm1 =	veq.s32 v24, $0x1  }
0x147: {  	v32 =	vand.u32 $0x1, v30;
	v0 =	vshra.s32 v0, $0x1;
	v26 =	vsel vm1, $0xAA01, v1  }
0x148: {  	v35 =	vadd.s32 v4, v50;
	v40 =	vadd.s32 v0, v26;
	v0 =	vadd.s32 v7, v48  }
0x149: {  	[tilespmem:$0xB00] =	vst v2;
	v2 =	vld [tilespmem:$0x1FAA0];
	v56 =	vadd.s32 v15, v37;
	vm1 =	veq.s32 v27, $0x1;
	v29 =	vand.u32 $0x1, v0  }
0x14a: {  	v15 =	vshra.s32 v39, $0x1;
	v28 =	vsel vm1, $0xAA01, v1;
	vm1 =	veq.s32 v29, $0x1  }
0x14b: {  	v52 =	vand.u32 $0x1, v35;
	v0 =	vshra.s32 v0, $0x1;
	v31 =	vsel vm1, $0xAA01, v1  }
0x14c: {  	v43 =	vadd.s32 v15, v22;
	v38 =	vadd.s32 v0, v31;
	v0 =	vadd.s32 v5, v48  }
0x14d: {  	v15 =	vshra.s32 v25, $0x1;
	vm1 =	veq.s32 v32, $0x1;
	v34 =	vand.u32 $0x1, v0  }
0x14e: {  	[tilespmem:$0xD00] =	vst v2;
	v2 =	vld [tilespmem:$0x1FAB0];
	v24 =	vadd.s32 v3, v50;
	v33 =	vsel vm1, $0xAA01, v1;
	vm1 =	veq.s32 v34, $0x1  }
0x14f: {  	v26 =	vand.u32 $0x1, v24;
	v0 =	vshra.s32 v0, $0x1;
	v37 =	vsel vm1, $0xAA01, v1  }
0x150: {  	v41 =	vadd.s32 v15, v28;
	v36 =	vadd.s32 v0, v37;
	v0 =	vadd.s32 v4, v48  }
0x151: {  	v15 =	vshra.s32 v30, $0x1;
	vm1 =	veq.s32 v52, $0x1;
	v22 =	vand.u32 $0x1, v0  }
0x152: {  	v29 =	vadd.s32 v10, v23;
	v21 =	vsel vm1, $0xAA01, v1;
	vm1 =	veq.s32 v22, $0x1  }
0x153: {  	[tilespmem:$0x1100] =	vst v2;
	v2 =	vld [tilespmem:$0x1FAC0];
	v31 =	vand.u32 $0x1, v29;
	v0 =	vshra.s32 v0, $0x1;
	v25 =	vsel vm1, $0xAA01, v1  }
0x154: {  	v39 =	vadd.s32 v15, v33;
	v50 =	vadd.s32 v0, v25;
	v0 =	vadd.s32 v3, v48  }
0x155: {  	v15 =	vshra.s32 v35, $0x1;
	vm1 =	veq.s32 v26, $0x1;
	v28 =	vand.u32 $0x1, v0  }
0x156: {  	v35 =	vadd.s32 v15, v21;
	v27 =	vsel vm1, $0xAA01, v1;
	vm1 =	veq.s32 v28, $0x1  }
0x157: {  	v15 =	vshra.s32 v24, $0x1;
	v0 =	vshra.s32 v0, $0x1;
	v30 =	vsel vm1, $0xAA01, v1  }
0x158: {  	[tilespmem:$0xD80] =	vst v2;
	v2 =	vld [tilespmem:$0x1FAD0];
	v21 =	vadd.s32 v9, v23;
	v34 =	vadd.s32 v0, v30;
	v0 =	vadd.s32 v10, v20  }
0x159: {  	v24 =	vand.u32 $0x1, v21;
	vm1 =	veq.s32 v31, $0x1;
	v52 =	vand.u32 $0x1, v0  }
0x15a: {  	v48 =	vadd.s32 v15, v27;
	v37 =	vsel vm1, $0xAA01, v1;
	vm1 =	veq.s32 v52, $0x1  }
0x15b: {  	v15 =	vshra.s32 v29, $0x1;
	v0 =	vshra.s32 v0, $0x1;
	v22 =	vsel vm1, $0xAA01, v1  }
0x15c: {  	v27 =	vadd.s32 v8, v23;
	v32 =	vadd.s32 v0, v22;
	v0 =	vadd.s32 v9, v20  }
0x15d: {  	[tilespmem:$0x1180] =	vst v2;
	v2 =	vld [tilespmem:$0x1FAE0];
	v37 =	vadd.s32 v15, v37;
	vm1 =	veq.s32 v24, $0x1;
	v26 =	vand.u32 $0x1, v0  }
0x15e: {  	v15 =	vshra.s32 v21, $0x1;
	v25 =	vsel vm1, $0xAA01, v1;
	vm1 =	veq.s32 v26, $0x1  }
0x15f: {  	v52 =	vand.u32 $0x1, v27;
	v0 =	vshra.s32 v0, $0x1;
	v31 =	vsel vm1, $0xAA01, v1  }
0x160: {  	v24 =	vadd.s32 v7, v23;
	v30 =	vadd.s32 v0, v31;
	v0 =	vadd.s32 v8, v20  }
0x161: {  	v33 =	vadd.s32 v15, v25;
	vm1 =	veq.s32 v52, $0x1;
	v22 =	vand.u32 $0x1, v0  }
0x162: {  	[tilespmem:$0xE00] =	vst v2;
	v2 =	vld [tilespmem:$0x1FAF0];
	v15 =	vshra.s32 v27, $0x1;
	v21 =	vsel vm1, $0xAA01, v1;
	vm1 =	veq.s32 v22, $0x1  }
0x163: {  	v26 =	vand.u32 $0x1, v24;
	v0 =	vshra.s32 v0, $0x1;
	v25 =	vsel vm1, $0xAA01, v1  }
0x164: {  	[tilespmem:$0xF00] =	vst v44;
	v31 =	vadd.s32 v15, v21;
	v29 =	vadd.s32 v0, v25;
	v0 =	vadd.s32 v7, v20  }
0x165: {  	[tilespmem:$0xB80] =	vst v45;
	v15 =	vshra.s32 v24, $0x1;
	vm1 =	veq.s32 v26, $0x1;
	v21 =	vand.u32 $0x1, v0  }
0x166: {  	[tilespmem:$0xF80] =	vst v47;
	v22 =	vadd.s32 v5, v23;
	v52 =	vsel vm1, $0xAA01, v1;
	vm1 =	veq.s32 v21, $0x1  }
0x167: {  	[tilespmem:$0x1200] =	vst v2;
	v2 =	vld [tilespmem:$0x1FB00];
	v28 =	vadd.s32 v15, v52;
	v0 =	vshra.s32 v0, $0x1;
	v27 =	vsel vm1, $0xAA01, v1  }
0x168: {  	[tilespmem:$0xC00] =	vst v46;
	v52 =	vand.u32 $0x1, v22;
	v27 =	vadd.s32 v0, v27;
	v0 =	vadd.s32 v5, v20  }
0x169: {  	[tilespmem:$0x1000] =	vst v49;
	v15 =	vshra.s32 v22, $0x1;
	vm1 =	veq.s32 v52, $0x1;
	v22 =	vand.u32 $0x1, v0  }
0x16a: {  	[tilespmem:$0xC80] =	vst v53;
	v21 =	vsel vm1, $0xAA01, v1;
	vm1 =	veq.s32 v22, $0x1  }
0x16b: {  	[tilespmem:$0x1080] =	vst v54;
	v44 =	vadd.s32 v4, v23;
	v0 =	vshra.s32 v0, $0x1;
	v45 =	vsel vm1, $0xAA01, v1  }
0x16c: {  	v46 =	vand.u32 $0x1, v44;
	[tilespmem:v55+s19+$0x0] =	vst.idx.msk $0xffff, v2;
	v2 =	vld [tilespmem:$0x1FC80];
	v25 =	vadd.s32 v0, v45;
	v0 =	vadd.s32 v4, v20  }
0x16d: {  	v52 =	vadd.s32 v3, v23;
	vm1 =	veq.s32 v46, $0x1;
	v49 =	vand.u32 $0x1, v0  }
0x16e: {  	v54 =	vand.u32 $0x1, v52;
	v47 =	vsel vm1, $0xAA01, v1;
	vm1 =	veq.s32 v49, $0x1  }
0x16f: {  	v53 =	vsel vm1, $0xAA01, v1;
	vm1 =	veq.s32 v54, $0x1;
	v54 =	vld [tilespmem:$0x1FB10];
	_ =	sdelay $0x4  }
0x170: {  	v0 =	vshra.s32 v0, $0x1;
	[tilespmem:v2+s19+$0x0] =	vst.idx.msk $0xffff, v54;
	v2 =	vld [tilespmem:$0x1FC90]  }
0x171: {  	v23 =	vadd.s32 v0, v53;
	v0 =	vadd.s32 v3, v20  }
0x172: {  	v26 =	vadd.s32 v15, v21;
	v45 =	vand.u32 $0x1, v0  }
0x173: {  	v15 =	vshra.s32 v44, $0x1;
	v44 =	vsel vm1, $0xAA01, v1;
	vm1 =	veq.s32 v45, $0x1;
	v45 =	vld [tilespmem:$0x1FB20];
	_ =	sdelay $0x4  }
0x174: {  	[tilespmem:v2+s19+$0x0] =	vst.idx.msk $0xffff, v45;
	v2 =	vld [tilespmem:$0x1FCA0]  }
0x175: {  	v46 =	vadd.s32 v10, v14  }
0x176: {  	v49 =	vand.u32 $0x1, v46  }
0x177: {  	v24 =	vadd.s32 v15, v47;
	v47 =	vsel vm1, $0xAA01, v1;
	vm1 =	veq.s32 v49, $0x1;
	v49 =	vld [tilespmem:$0x1FB30];
	_ =	sdelay $0x3  }
0x178: {  	v15 =	vshra.s32 v52, $0x1  }
0x179: {  	v22 =	vadd.s32 v15, v44;
	v0 =	vshra.s32 v0, $0x1;
	[tilespmem:v2+s19+$0x0] =	vst.idx.msk $0xffff, v49;
	v2 =	vld [tilespmem:$0x1FCB0]  }
0x17a: {  	v15 =	vshra.s32 v46, $0x1;
	v21 =	vadd.s32 v0, v47;
	v0 =	vadd.s32 v10, v13;
	v54 =	vld [tilespmem:$0x1FCC0]  }
0x17b: {  	v44 =	vadd.s32 v9, v14;
	v52 =	vsel vm1, $0xAA01, v1;
	v53 =	vand.u32 $0x1, v0;
	v45 =	vld [tilespmem:$0x1FCD0]  }
0x17c: {  	v47 =	vand.u32 $0x1, v44;
	v20 =	vadd.s32 v15, v52;
	v52 =	vld [tilespmem:$0x1FB40];
	vm1 =	veq.s32 v53, $0x1  }
0x17d: {  	v0 =	vshra.s32 v0, $0x1;
	v15 =	vshra.s32 v44, $0x1;
	v44 =	vld [tilespmem:$0x1FB50];
	v46 =	vsel vm1, $0xAA01, v1  }
0x17e: {  	[tilespmem:$0x1FB90] =	vst v19;
	v19 =	vadd.s32 v0, v46;
	v46 =	vld [tilespmem:$0x1FB60];
	_ =	sdelay $0x1  }
0x17f: {  	v0 =	vadd.s32 v9, v13  }
0x180: {  	vm1 =	veq.s32 v47, $0x1;
	[tilespmem:v2+s19+$0x0] =	vst.idx.msk $0xffff, v52;
	v2 =	vand.u32 $0x1, v0  }
0x181: {  	v53 =	vsel vm1, $0xAA01, v1;
	[tilespmem:v54+s19+$0x0] =	vst.idx.msk $0xffff, v44;
	vm1 =	veq.s32 v2, $0x1;
	v2 =	vadd.s32 v8, v14;
	v44 =	vld [tilespmem:$0x1FCE0]  }
0x182: {  	[tilespmem:v45+s19+$0x0] =	vst.idx.msk $0xffff, v46;
	v49 =	vand.u32 $0x1, v2;
	v46 =	vld [tilespmem:$0x1FCF0]  }
0x183: {  	v47 =	vsel vm1, $0xAA01, v1;
	vm1 =	veq.s32 v49, $0x1;
	v49 =	vld [tilespmem:$0x1FD00]  }
0x184: {  	v0 =	vshra.s32 v0, $0x1;
	v45 =	vld [tilespmem:$0x1FB70]  }
0x185: {  	v17 =	vadd.s32 v0, v47;
	v47 =	vld [tilespmem:$0x1FB80]  }
0x186: {  	v52 =	vld [tilespmem:$0x1FB90];
	v0 =	vadd.s32 v8, v13  }
0x187: {  	[tilespmem:$0x1FBB0] =	vst v18;
	v18 =	vadd.s32 v15, v53;
	v53 =	vand.u32 $0x1, v0  }
0x188: {  	v15 =	vsel vm1, $0xAA01, v1;
	vm1 =	veq.s32 v53, $0x1;
	v53 =	vld [tilespmem:$0x1FD10]  }
0x189: {  	[tilespmem:v44+s19+$0x0] =	vst.idx.msk $0xffff, v45  }
0x18a: {  	v54 =	vld [tilespmem:$0x1FBA0];
	[tilespmem:v46+s19+$0x0] =	vst.idx.msk $0xffff, v47  }
0x18b: {  	[tilespmem:v49+s19+$0x0] =	vst.idx.msk $0xffff, v52;
	v49 =	vld [tilespmem:$0x1FD20];
	_ =	sdelay $0x2  }
0x18c: {  	v52 =	vld [tilespmem:$0x1FBB0];
	_ =	sdelay $0x1  }
0x18d: {  	v2 =	vshra.s32 v2, $0x1;
	v0 =	vshra.s32 v0, $0x1;
	[tilespmem:v53+s19+$0x0] =	vst.idx.msk $0xffff, v54;
	v53 =	vsel vm1, $0xAA01, v1  }
0x18e: {  	v16 =	vadd.s32 v2, v15;
	v15 =	vadd.s32 v0, v53;
	v0 =	vld [tilespmem:$0x1FD30]  }
0x18f: {  	v2 =	vadd.s32 v7, v14  }
0x190: {  	v54 =	vand.u32 $0x1, v2;
	[tilespmem:v49+s19+$0x0] =	vst.idx.msk $0xffff, v52;
	v49 =	vld [tilespmem:$0x1FD40]  }
0x191: {  	vm1 =	veq.s32 v54, $0x1;
	v54 =	vld [tilespmem:$0x1FBC0];
	_ =	sdelay $0x1  }
0x192: {  	v52 =	vld [tilespmem:$0x1FBD0];
	_ =	sdelay $0x2  }
0x193: {  	v2 =	vshra.s32 v2, $0x1;
	[tilespmem:v0+s19+$0x0] =	vst.idx.msk $0xffff, v54;
	v54 =	vsel vm1, $0xAA01, v1  }
0x194: {  	v44 =	vadd.s32 v2, v54;
	v2 =	vld [tilespmem:$0x1FD50]  }
0x195: {  	[tilespmem:v49+s19+$0x0] =	vst.idx.msk $0xffff, v52;
	v49 =	vld [tilespmem:$0x1FD60];
	_ =	sdelay $0x1  }
0x196: {  	v54 =	vld [tilespmem:$0x1FBE0]  }
0x197: {  	v52 =	vld [tilespmem:$0x1FBF0];
	_ =	sdelay $0x3  }
0x198: {  	v53 =	vadd.s32 v7, v13;
	[tilespmem:v2+s19+$0x0] =	vst.idx.msk $0xffff, v54  }
0x199: {  	v0 =	vand.u32 $0x1, v53;
	[tilespmem:v49+s19+$0x0] =	vst.idx.msk $0xffff, v52;
	v49 =	vld [tilespmem:$0x1FD70]  }
0x19a: {  	vm1 =	veq.s32 v0, $0x1;
	v0 =	vadd.s32 v5, v14  }
0x19b: {  	v54 =	vand.u32 $0x1, v0  }
0x19c: {  	v2 =	vshra.s32 v53, $0x1;
	v53 =	vsel vm1, $0xAA01, v1;
	vm1 =	veq.s32 v54, $0x1;
	v54 =	vld [tilespmem:$0x1FC00];
	_ =	sdelay $0x4  }
0x19d: {  	[tilespmem:v49+s19+$0x0] =	vst.idx.msk $0xffff, v54;
	v49 =	vld [tilespmem:$0x1FD80];
	_ =	sdelay $0x2  }
0x19e: {  	v52 =	vld [tilespmem:$0x1FC10]  }
0x19f: {  	v0 =	vshra.s32 v0, $0x1;
	v45 =	vadd.s32 v2, v53;
	v53 =	vsel vm1, $0xAA01, v1  }
0x1a0: {  	v46 =	vadd.s32 v0, v53;
	v53 =	vld [tilespmem:$0x1FD90]  }
0x1a1: {  	v47 =	vld [tilespmem:$0x1FDA0];
	_ =	sdelay $0x1  }
0x1a2: {  	[tilespmem:v49+s19+$0x0] =	vst.idx.msk $0xffff, v52;
	v49 =	vld [tilespmem:$0x1FC20]  }
0x1a3: {  	v52 =	vld [tilespmem:$0x1FC30]  }
0x1a4: {  	v2 =	vadd.s32 v5, v13  }
0x1a5: {  	v54 =	vand.u32 $0x1, v2  }
0x1a6: {  	vm1 =	veq.s32 v54, $0x1  }
0x1a7: {  	v2 =	vshra.s32 v2, $0x1;
	[tilespmem:v53+s19+$0x0] =	vst.idx.msk $0xffff, v49;
	v53 =	vsel vm1, $0xAA01, v1  }
0x1a8: {  	[tilespmem:v47+s19+$0x0] =	vst.idx.msk $0xffff, v52;
	v47 =	vadd.s32 v2, v53;
	v53 =	vld [tilespmem:$0x1FDB0];
	_ =	sdelay $0x2  }
0x1a9: {  	v52 =	vld [tilespmem:$0x1FC40];
	_ =	sdelay $0x1  }
0x1aa: {  	v49 =	vld [tilespmem:$0x1FDC0];
	_ =	sdelay $0x2  }
0x1ab: {  	[tilespmem:v53+s19+$0x0] =	vst.idx.msk $0xffff, v52;
	v52 =	vld [tilespmem:$0x1FC50]  }
0x1ac: {  	v0 =	vadd.s32 v4, v14  }
0x1ad: {  	v54 =	vand.u32 $0x1, v0  }
0x1ae: {  	vm1 =	veq.s32 v54, $0x1  }
0x1af: {  	v0 =	vshra.s32 v0, $0x1;
	v2 =	vadd.s32 v4, v13;
	v53 =	vsel vm1, $0xAA01, v1  }
0x1b0: {  	[tilespmem:v49+s19+$0x0] =	vst.idx.msk $0xffff, v52;
	v49 =	vadd.s32 v0, v53;
	v0 =	vadd.s32 v3, v14;
	v14 =	vld [tilespmem:$0x1FDD0]  }
0x1b1: {  	v54 =	vand.u32 $0x1, v2;
	v53 =	vld [tilespmem:$0x1FDE0]  }
0x1b2: {  	vm1 =	veq.s32 v54, $0x1;
	v54 =	vld [tilespmem:$0x1FDF0]  }
0x1b3: {  	v52 =	vld [tilespmem:$0x1FC60];
	_ =	sdelay $0x4  }
0x1b4: {  	[tilespmem:v14+s19+$0x0] =	vst.idx.msk $0xffff, v52  }
0x1b5: {  	[tilespmem:v53+s19+$0x0] =	vst.idx.msk $0xffff, v51  }
0x1b6: {  	[tilespmem:v54+s19+$0x0] =	vst.idx.msk $0xffff, v57;
	v57 =	vld [tilespmem:$0x1FE00]  }
0x1b7: {  	v54 =	vld [tilespmem:$0x1FE10];
	_ =	sdelay $0x6  }
0x1b8: {  	[tilespmem:v57+s19+$0x0] =	vst.idx.msk $0xffff, v58  }
0x1b9: {  	[tilespmem:v54+s19+$0x0] =	vst.idx.msk $0xffff, v59;
	v59 =	vld [tilespmem:$0x1FE20];
	_ =	sdelay $0x7  }
0x1ba: {  	[tilespmem:v59+s19+$0x0] =	vst.idx.msk $0xffff, v60;
	v60 =	vld [tilespmem:$0x1FE30];
	_ =	sdelay $0x6  }
0x1bb: {  	v59 =	vld [tilespmem:$0x1FE40]  }
0x1bc: {  	[tilespmem:v60+s19+$0x0] =	vst.idx.msk $0xffff, v61;
	v60 =	vld [tilespmem:$0x1FE50];
	_ =	sdelay $0x6  }
0x1bd: {  	v2 =	vshra.s32 v2, $0x1;
	v14 =	vsel vm1, $0xAA01, v1;
	[tilespmem:v59+s19+$0x0] =	vst.idx.msk $0xffff, v62  }
0x1be: {  	v52 =	vand.u32 $0x1, v0;
	v14 =	vadd.s32 v2, v14;
	v2 =	vadd.s32 v3, v13;
	[tilespmem:v60+s19+$0x0] =	vst.idx.msk $0xffff, v56;
	v60 =	vld [tilespmem:$0x1FE60]  }
0x1bf: {  	v0 =	vshra.s32 v0, $0x1;
	vm1 =	veq.s32 v52, $0x1;
	v51 =	vand.u32 $0x1, v2  }
0x1c0: {  	v13 =	vsel vm1, $0xAA01, v1;
	v2 =	vshra.s32 v2, $0x1;
	vm1 =	veq.s32 v51, $0x1  }
0x1c1: {  	v13 =	vadd.s32 v0, v13;
	v0 =	vadd.s32 v10, v12;
	v57 =	vsel vm1, $0xAA01, v1  }
0x1c2: {  	v58 =	vand.u32 $0x1, v0;
	v51 =	vadd.s32 v2, v57;
	v2 =	vadd.s32 v10, v11  }
0x1c3: {  	vm1 =	veq.s32 v58, $0x1;
	v58 =	vand.u32 $0x1, v2  }
0x1c4: {  	v57 =	vsel vm1, $0xAA01, v1;
	vm1 =	veq.s32 v58, $0x1  }
0x1c5: {  	v2 =	vshra.s32 v2, $0x1;
	v61 =	vsel vm1, $0xAA01, v1  }
0x1c6: {  	[tilespmem:v60+s19+$0x0] =	vst.idx.msk $0xffff, v42;
	v42 =	vadd.s32 v2, v61;
	v61 =	vld [tilespmem:$0x1FE70]  }
0x1c7: {  	v58 =	vld [tilespmem:$0x1FE80];
	_ =	sdelay $0x2  }
0x1c8: {  	v0 =	vshra.s32 v0, $0x1  }
0x1c9: {  	v52 =	vadd.s32 v0, v57;
	v0 =	vadd.s32 v9, v12  }
0x1ca: {  	v62 =	vand.u32 $0x1, v0  }
0x1cb: {  	vm1 =	veq.s32 v62, $0x1  }
0x1cc: {  	v0 =	vshra.s32 v0, $0x1;
	v59 =	vld [tilespmem:$0x1FE90];
	v62 =	vsel vm1, $0xAA01, v1;
	[tilespmem:v61+s19+$0x0] =	vst.idx.msk $0xffff, v43  }
0x1cd: {  	[tilespmem:v58+s19+$0x0] =	vst.idx.msk $0xffff, v40;
	v40 =	vadd.s32 v0, v62;
	v62 =	vld [tilespmem:$0x1FEA0];
	_ =	sdelay $0x3  }
0x1ce: {  	v54 =	vld [tilespmem:$0x1FEB0]  }
0x1cf: {  	v58 =	vld [tilespmem:$0x1FEC0];
	_ =	sdelay $0x1  }
0x1d0: {  	[tilespmem:v59+s19+$0x0] =	vst.idx.msk $0xffff, v41;
	v59 =	vld [tilespmem:$0x1FED0]  }
0x1d1: {  	[tilespmem:v62+s19+$0x0] =	vst.idx.msk $0xffff, v38;
	v62 =	vld [tilespmem:$0x1FEE0]  }
0x1d2: {  	v2 =	vadd.s32 v9, v11;
	v43 =	vld [tilespmem:$0x1FEF0]  }
0x1d3: {  	v53 =	vld [tilespmem:$0x1FF00];
	v57 =	vand.u32 $0x1, v2;
	v0 =	vadd.s32 v8, v12  }
0x1d4: {  	v2 =	vshra.s32 v2, $0x1;
	vm1 =	veq.s32 v57, $0x1;
	v61 =	vand.u32 $0x1, v0  }
0x1d5: {  	v60 =	vsel vm1, $0xAA01, v1;
	v0 =	vshra.s32 v0, $0x1;
	vm1 =	veq.s32 v61, $0x1;
	[tilespmem:v54+s19+$0x0] =	vst.idx.msk $0xffff, v39;
	v54 =	vld [tilespmem:$0x1FF10]  }
0x1d6: {  	v56 =	vsel vm1, $0xAA01, v1;
	v38 =	vadd.s32 v2, v60;
	v2 =	vadd.s32 v8, v11;
	[tilespmem:v58+s19+$0x0] =	vst.idx.msk $0xffff, v36;
	v58 =	vld [tilespmem:$0x1FF20]  }
0x1d7: {  	v57 =	vand.u32 $0x1, v2;
	v36 =	vadd.s32 v0, v56;
	v0 =	vadd.s32 v7, v12  }
0x1d8: {  	v2 =	vshra.s32 v2, $0x1;
	vm1 =	veq.s32 v57, $0x1;
	[tilespmem:v59+s19+$0x0] =	vst.idx.msk $0xffff, v35;
	v61 =	vand.u32 $0x1, v0;
	v59 =	vld [tilespmem:$0x1FF30]  }
0x1d9: {  	v60 =	vsel vm1, $0xAA01, v1;
	v0 =	vshra.s32 v0, $0x1;
	vm1 =	veq.s32 v61, $0x1;
	[tilespmem:v62+s19+$0x0] =	vst.idx.msk $0xffff, v50;
	v62 =	vld [tilespmem:$0x1FF40]  }
0x1da: {  	v39 =	vld [tilespmem:$0x1FF50];
	v35 =	vadd.s32 v2, v60;
	v2 =	vadd.s32 v7, v11;
	[tilespmem:v43+s19+$0x0] =	vst.idx.msk $0xffff, v48;
	v48 =	vsel vm1, $0xAA01, v1  }
0x1db: {  	v50 =	vand.u32 $0x1, v2;
	[tilespmem:v53+s19+$0x0] =	vst.idx.msk $0xffff, v34;
	v34 =	vadd.s32 v0, v48;
	v0 =	vadd.s32 v5, v12;
	v48 =	vld [tilespmem:$0x1FF60]  }
0x1dc: {  	vm1 =	veq.s32 v50, $0x1;
	v53 =	vld [tilespmem:$0x1FF70];
	v57 =	vand.u32 $0x1, v0  }
0x1dd: {  	v2 =	vshra.s32 v2, $0x1;
	v56 =	vsel vm1, $0xAA01, v1;
	[tilespmem:v54+s19+$0x0] =	vst.idx.msk $0xffff, v37;
	vm1 =	veq.s32 v57, $0x1;
	v57 =	vld [tilespmem:$0x1FF80]  }
0x1de: {  	[tilespmem:v58+s19+$0x0] =	vst.idx.msk $0xffff, v32;
	v32 =	vadd.s32 v2, v56;
	v2 =	vadd.s32 v5, v11  }
0x1df: {  	v58 =	vld [tilespmem:$0x1FF90];
	v61 =	vand.u32 $0x1, v2  }
0x1e0: {  	[tilespmem:v59+s19+$0x0] =	vst.idx.msk $0xffff, v33;
	v60 =	vsel vm1, $0xAA01, v1;
	vm1 =	veq.s32 v61, $0x1;
	v61 =	vld [tilespmem:$0x1FFA0]  }
0x1e1: {  	v33 =	vld [tilespmem:$0x1FFB0];
	[tilespmem:v62+s19+$0x0] =	vst.idx.msk $0xffff, v30  }
0x1e2: {  	v50 =	vadd.s32 v4, v11;
	v0 =	vshra.s32 v0, $0x1;
	v37 =	vor.u32 $0x4E, v55;
	[tilespmem:v39+s19+$0x0] =	vst.idx.msk $0xffff, v31;
	v39 =	vld [tilespmem:$0x1FFC0]  }
0x1e3: {  	v56 =	vand.u32 $0x1, v50;
	v11 =	vadd.s32 v3, v11;
	v2 =	vshra.s32 v2, $0x1;
	[tilespmem:v48+s19+$0x0] =	vst.idx.msk $0xffff, v29;
	v48 =	vld [tilespmem:$0x1FFD0]  }
0x1e4: {  	v59 =	vshra.s32 v50, $0x1;
	v41 =	vsel vm1, $0xAA01, v1;
	v30 =	vadd.s32 v0, v60;
	[tilespmem:v53+s19+$0x0] =	vst.idx.msk $0xffff, v28;
	v53 =	vld [tilespmem:$0x1FFE0]  }
0x1e5: {  	v50 =	vor.u32 $0x1E, v55;
	v0 =	vadd.s32 v4, v12;
	v2 =	vadd.s32 v2, v41;
	[tilespmem:v57+s19+$0x0] =	vst.idx.msk $0xffff, v27;
	v57 =	vld [tilespmem:$0x1FFF0]  }
0x1e6: {  	v12 =	vadd.s32 v3, v12;
	v43 =	vand.u32 $0x1, v0;
	v0 =	vshra.s32 v0, $0x1  }
0x1e7: {  	v62 =	vand.u32 $0x1, v12;
	v12 =	vshra.s32 v12, $0x1;
	v31 =	vor.u32 $0x21, v55;
	[tilespmem:v58+s19+$0x0] =	vst.idx.msk $0xffff, v26  }
0x1e8: {  	vm1 =	veq.s32 v43, $0x1;
	v43 =	vand.u32 $0x1, v11;
	v11 =	vshra.s32 v11, $0x1;
	[tilespmem:v61+s19+$0x0] =	vst.idx.msk $0xffff, v25  }
0x1e9: {  	v29 =	vor.u32 $0x51, v55;
	v54 =	vsel vm1, $0xAA01, v1;
	v27 =	vor.u32 $0x4D, v55;
	[tilespmem:v33+s19+$0x0] =	vst.idx.msk $0xffff, v24  }
0x1ea: {  	vm1 =	veq.s32 v56, $0x1;
	v56 =	vadd.s32 v10, v6;
	v25 =	vor.u32 $0x1D, v55;
	[tilespmem:v39+s19+$0x0] =	vst.idx.msk $0xffff, v23  }
0x1eb: {  	v10 =	vadd.s32 v10, v63;
	v0 =	vadd.s32 v0, v54;
	v60 =	vsel vm1, $0xAA01, v1;
	[tilespmem:v48+s19+$0x0] =	vst.idx.msk $0xffff, v22  }
0x1ec: {  	vm1 =	veq.s32 v62, $0x1;
	v62 =	vshra.s32 v56, $0x1;
	v28 =	vand.u32 $0x1, v10;
	[tilespmem:v53+s19+$0x0] =	vst.idx.msk $0xffff, v21  }
0x1ed: {  	v10 =	vshra.s32 v10, $0x1;
	v26 =	vadd.s32 v59, v60;
	v58 =	vor.u32 $0x4F, v55;
	[tilespmem:v57+s19+$0x0] =	vst.idx.msk $0xffff, v20  }
0x1ee: {  	v41 =	vsel vm1, $0xAA01, v1;
	vm1 =	veq.s32 v43, $0x1;
	v60 =	vor.u32 $0x1F, v55;
	[tilespmem:v27+s19+$0x0] =	vst.idx.msk $0xffff, v19  }
0x1ef: {  	v59 =	vand.u32 $0x1, v56;
	v43 =	vor.u32 $0x22, v55;
	v61 =	vor.u32 $0x50, v55;
	[tilespmem:v25+s19+$0x0] =	vst.idx.msk $0xffff, v18  }
0x1f0: {  	v56 =	vadd.s32 v8, v6;
	v8 =	vadd.s32 v8, v63;
	v27 =	vor.u32 $0x20, v55;
	[tilespmem:v37+s19+$0x0] =	vst.idx.msk $0xffff, v17  }
0x1f1: {  	v12 =	vadd.s32 v12, v41;
	v54 =	vsel vm1, $0xAA01, v1;
	vm1 =	veq.s32 v59, $0x1;
	[tilespmem:v50+s19+$0x0] =	vst.idx.msk $0xffff, v16  }
0x1f2: {  	v59 =	vor.u32 $0x25, v55;
	v11 =	vadd.s32 v11, v54;
	v24 =	vor.u32 $0x26, v55;
	[tilespmem:v58+s19+$0x0] =	vst.idx.msk $0xffff, v15  }
0x1f3: {  	v39 =	vor.u32 $0x52, v55;
	v53 =	vor.u32 $0x24, v55;
	v57 =	vor.u32 $0x55, v55;
	[tilespmem:v60+s19+$0x0] =	vst.idx.msk $0xffff, v44  }
0x1f4: {  	v25 =	vsel vm1, $0xAA01, v1;
	vm1 =	veq.s32 v28, $0x1;
	v28 =	vor.u32 $0x27, v55;
	[tilespmem:v61+s19+$0x0] =	vst.idx.msk $0xffff, v45  }
0x1f5: {  	v18 =	vadd.s32 v62, v25;
	v33 =	vsel vm1, $0xAA01, v1;
	v44 =	vor.u32 $0x53, v55;
	[tilespmem:v27+s19+$0x0] =	vst.idx.msk $0xffff, v46  }
0x1f6: {  	v37 =	vadd.s32 v9, v6;
	v9 =	vadd.s32 v9, v63;
	[tilespmem:v29+s19+$0x0] =	vst.idx.msk $0xffff, v47;
	v47 =	vor.u32 $0x23, v55  }
0x1f7: {  	v25 =	vand.u32 $0x1, v8;
	v8 =	vshra.s32 v8, $0x1;
	v50 =	vor.u32 $0x54, v55;
	[tilespmem:v31+s19+$0x0] =	vst.idx.msk $0xffff, v49  }
0x1f8: {  	v10 =	vadd.s32 v10, v33;
	v41 =	vand.u32 $0x1, v37;
	v48 =	vand.u32 $0x1, v9;
	[tilespmem:v39+s19+$0x0] =	vst.idx.msk $0xffff, v14  }
0x1f9: {  	v9 =	vshra.s32 v9, $0x1;
	v33 =	vor.u32 $0x58, v55;
	vm1 =	veq.s32 v41, $0x1;
	[tilespmem:v43+s19+$0x0] =	vst.idx.msk $0xffff, v13  }
0x1fa: {  	v58 =	vand.u32 $0x1, v56;
	v41 =	vor.u32 $0x29, v55;
	v60 =	vor.u32 $0x56, v55;
	[tilespmem:v44+s19+$0x0] =	vst.idx.msk $0xffff, v51  }
0x1fb: {  	v45 =	vshra.s32 v37, $0x1;
	v61 =	vshra.s32 v56, $0x1;
	v37 =	vor.u32 $0x28, v55;
	[tilespmem:v47+s19+$0x0] =	vst.idx.msk $0xffff, v52  }
0x1fc: {  	v46 =	vsel vm1, $0xAA01, v1;
	vm1 =	veq.s32 v48, $0x1;
	v27 =	vor.u32 $0x57, v55;
	[tilespmem:v50+s19+$0x0] =	vst.idx.msk $0xffff, v42  }
0x1fd: {  	v17 =	vadd.s32 v45, v46;
	v54 =	vsel vm1, $0xAA01, v1;
	vm1 =	veq.s32 v58, $0x1;
	[tilespmem:v53+s19+$0x0] =	vst.idx.msk $0xffff, v40  }
0x1fe: {  	v45 =	vadd.s32 v5, v6;
	v46 =	vor.u32 $0x2B, v55;
	v5 =	vadd.s32 v5, v63;
	[tilespmem:v57+s19+$0x0] =	vst.idx.msk $0xffff, v38  }
0x1ff: {  	v9 =	vadd.s32 v9, v54;
	v62 =	vsel vm1, $0xAA01, v1;
	vm1 =	veq.s32 v25, $0x1;
	[tilespmem:v59+s19+$0x0] =	vst.idx.msk $0xffff, v36  }
0x200: {  	v31 =	vadd.s32 v7, v6;
	v7 =	vadd.s32 v7, v63;
	v49 =	vor.u32 $0x2C, v55;
	[tilespmem:v60+s19+$0x0] =	vst.idx.msk $0xffff, v35  }
0x201: {  	v54 =	vor.u32 $0x5E, v55;
	v16 =	vadd.s32 v61, v62;
	v38 =	vor.u32 $0x59, v55;
	[tilespmem:v24+s19+$0x0] =	vst.idx.msk $0xffff, v34  }
0x202: {  	v29 =	vsel vm1, $0xAA01, v1;
	v39 =	vshra.s32 v31, $0x1;
	v36 =	vand.u32 $0x1, v31;
	[tilespmem:v27+s19+$0x0] =	vst.idx.msk $0xffff, v32  }
0x203: {  	v43 =	vor.u32 $0x5A, v55;
	v42 =	vand.u32 $0x1, v7;
	vm1 =	veq.s32 v36, $0x1;
	[tilespmem:v28+s19+$0x0] =	vst.idx.msk $0xffff, v30  }
0x204: {  	v44 =	vor.u32 $0x2A, v55;
	v40 =	vsel vm1, $0xAA01, v1;
	vm1 =	veq.s32 v42, $0x1;
	[tilespmem:v33+s19+$0x0] =	vst.idx.msk $0xffff, v2  }
0x205: {  	v2 =	vshra.s32 v7, $0x1;
	v7 =	vsel vm1, $0xAA01, v1;
	[tilespmem:v37+s19+$0x0] =	vst.idx.msk $0xffff, v0;
	v0 =	vor.u32 $0x5B, v55  }
0x206: {  	v61 =	vor.u32 $0x60, v55;
	v2 =	vadd.s32 v2, v7;
	v7 =	vand.u32 $0x1, v45;
	[tilespmem:v38+s19+$0x0] =	vst.idx.msk $0xffff, v26  }
0x207: {  	v62 =	vor.u32 $0x30, v55;
	vm1 =	veq.s32 v7, $0x1;
	v7 =	vor.u32 $0x5C, v55;
	[tilespmem:v41+s19+$0x0] =	vst.idx.msk $0xffff, v12  }
0x208: {  	v8 =	vadd.s32 v8, v29;
	v51 =	vor.u32 $0x5D, v55;
	v47 =	vshra.s32 v45, $0x1;
	[tilespmem:v43+s19+$0x0] =	vst.idx.msk $0xffff, v11  }
0x209: {  	v52 =	vor.u32 $0x2D, v55;
	v50 =	vand.u32 $0x1, v5;
	v53 =	vadd.s32 v4, v6;
	[tilespmem:v44+s19+$0x0] =	vst.idx.msk $0xffff, v18  }
0x20a: {  	v4 =	vadd.s32 v4, v63;
	v48 =	vsel vm1, $0xAA01, v1;
	vm1 =	veq.s32 v50, $0x1;
	[tilespmem:v0+s19+$0x0] =	vst.idx.msk $0xffff, v10  }
0x20b: {  	v6 =	vadd.s32 v3, v6;
	v0 =	vshra.s32 v5, $0x1;
	v5 =	vsel vm1, $0xAA01, v1;
	[tilespmem:v46+s19+$0x0] =	vst.idx.msk $0xffff, v17  }
0x20c: {  	v0 =	vadd.s32 v0, v5;
	v5 =	vand.u32 $0x1, v53;
	[tilespmem:v7+s19+$0x0] =	vst.idx.msk $0xffff, v9;
	v7 =	vor.u32 $0x2E, v55  }
0x20d: {  	v3 =	vadd.s32 v3, v63;
	vm1 =	veq.s32 v5, $0x1;
	v5 =	vor.u32 $0x5F, v55;
	[tilespmem:v49+s19+$0x0] =	vst.idx.msk $0xffff, v16  }
0x20e: {  	v63 =	vor.u32 $0x61, v55;
	v60 =	vor.u32 $0x2F, v55;
	v21 =	vadd.s32 v39, v40;
	[tilespmem:v51+s19+$0x0] =	vst.idx.msk $0xffff, v8  }
0x20f: {  	v56 =	vshra.s32 v53, $0x1;
	v59 =	vand.u32 $0x1, v4;
	v4 =	vshra.s32 v4, $0x1;
	[tilespmem:v52+s19+$0x0] =	vst.idx.msk $0xffff, v21  }
0x210: {  	v12 =	vadd.s32 v47, v48;
	v57 =	vsel vm1, $0xAA01, v1;
	vm1 =	veq.s32 v59, $0x1;
	[tilespmem:v54+s19+$0x0] =	vst.idx.msk $0xffff, v2  }
0x211: {  	v58 =	vadd.s32 v56, v57;
	v2 =	vsel vm1, $0xAA01, v1;
	[tilespmem:v7+s19+$0x0] =	vst.idx.msk $0xffff, v12;
	v7 =	vand.u32 $0x1, v6  }
0x212: {  	[tilespmem:v5+s19+$0x0] =	vst.idx.msk $0xffff, v0;
	v0 =	vadd.s32 v4, v2;
	vm1 =	veq.s32 v7, $0x1;
	v2 =	vand.u32 $0x1, v3  }
0x213: {  	v4 =	vshra.s32 v6, $0x1;
	[tilespmem:v60+s19+$0x0] =	vst.idx.msk $0xffff, v58;
	vm2 =	veq.s32 v2, $0x1;
	v2 =	vsel vm1, $0xAA01, v1  }
0x214: {  	[tilespmem:v61+s19+$0x0] =	vst.idx.msk $0xffff, v0;
	v0 =	vadd.s32 v4, v2;
	v2 =	vshra.s32 v3, $0x1;
	v3 =	vsel vm2, $0xAA01, v1  }
0x215: {  	v2 =	vadd.s32 v2, v3;
	[tilespmem:v62+s19+$0x0] =	vst.idx.msk $0xffff, v0  }
0x216: {  	[tilespmem:v63+s19+$0x0] =	vst.idx.msk $0xffff, v2  }
0x217: {  	v0 =	vld [tilespmem:$0x300];
	_ =	sdelay $0x4  }
0x218: {  	v2 =	vshll.u32 v0, $0x2  }
0x219: {  	v5 =	vlaneseq.u32;
	v0 =	vand.u32 $0x7, v0;
	v2 =	vand.u32 $0xFFFFFFE0, v2  }
0x21a: {  	v63 =	vand.u32 $0x7, v5;
	v0 =	vor.u32 v0, v2;
	v2 =	vshrl.u32 v5, $0x3  }
0x21b: {  	v4 =	vperm.xlane v0, v63;
	v3 =	vmul.u32 $0x8, v2;
	_ =	sdelay $0x1  }
0x21c: {  	v2 =	vadd.s32 v3, v4  }
0x21d: {  	v4 =	vor.u32 $0x8, v5  }
0x21e: {  	v0 =	vperm.xlane v0, v4;
	_ =	sdelay $0x1  }
0x21f: {  	s1 =	simm.s32 $0x1300;
	v0 =	vadd.s32 v3, v0  }
0x220: {  	[tilespmem:s1], [sflag:$0x1] =	stream.indirect_vreg.gather [hbm4b:s2+s31], $0x80, v2, vm0, $0xb8;
	[tilespmem:$0x1EB00] =	vst v63  }
0x221: {  	s17 =	simm.s32 $0x1B00  }
0x222: {  	[tilespmem:s17], [sflag:$0x1] =	stream.indirect_vreg.gather [hbm4b:s12+s31], $0x80, v2, vm0, $0xb8;
	[tilespmem:$0x1EB00] =	vst v63  }
0x223: {  	s18 =	simm.s32 $0x2300  }
0x224: {  	[tilespmem:s18], [sflag:$0x1] =	stream.indirect_vreg.gather [hbm4b:s2+s31], $0x80, v0, vm0, $0xb8;
	[tilespmem:$0x1EB00] =	vst v63  }
0x225: {  	s4 =	simm.s32 $0x2B00  }
0x226: {  	[tilespmem:s4], [sflag:$0x1] =	stream.indirect_vreg.gather [hbm4b:s12+s31], $0x80, v0, vm0, $0xb8;
	[tilespmem:$0x1EB00] =	vst v63  }
0x227: {  	v0 =	vld [tilespmem:$0x310];
	_ =	sdelay $0x4  }
0x228: {  	v2 =	vshll.u32 v0, $0x2  }
0x229: {  	v0 =	vand.u32 $0x7, v0;
	v2 =	vand.u32 $0xFFFFFFE0, v2  }
0x22a: {  	v0 =	vor.u32 v0, v2  }
0x22b: {  	v2 =	vperm.xlane v0, v63;
	_ =	sdelay $0x1  }
0x22c: {  	v2 =	vadd.s32 v3, v2;
	_ =	sdelay $0x1  }
0x22d: {  	v0 =	vperm.xlane v0, v4;
	_ =	sdelay $0x1  }
0x22e: {  	s5 =	simm.s32 $0x3300;
	v0 =	vadd.s32 v3, v0  }
0x22f: {  	[tilespmem:s5], [sflag:$0x1] =	stream.indirect_vreg.gather [hbm4b:s2+s31], $0x80, v2, vm0, $0xb8;
	[tilespmem:$0x1EB00] =	vst v63  }
0x230: {  	s8 =	simm.s32 $0x3B00  }
0x231: {  	[tilespmem:s8], [sflag:$0x1] =	stream.indirect_vreg.gather [hbm4b:s12+s31], $0x80, v2, vm0, $0xb8;
	[tilespmem:$0x1EB00] =	vst v63  }
0x232: {  	s9 =	simm.s32 $0x4300  }
0x233: {  	[tilespmem:s9], [sflag:$0x1] =	stream.indirect_vreg.gather [hbm4b:s2+s31], $0x80, v0, vm0, $0xb8;
	[tilespmem:$0x1EB00] =	vst v63  }
0x234: {  	s10 =	simm.s32 $0x4B00  }
0x235: {  	[tilespmem:s10], [sflag:$0x1] =	stream.indirect_vreg.gather [hbm4b:s12+s31], $0x80, v0, vm0, $0xb8;
	[tilespmem:$0x1EB00] =	vst v63  }
0x236: {  	v0 =	vld [tilespmem:$0x320];
	_ =	sdelay $0x4  }
0x237: {  	v2 =	vshll.u32 v0, $0x2  }
0x238: {  	v0 =	vand.u32 $0x7, v0;
	v2 =	vand.u32 $0xFFFFFFE0, v2  }
0x239: {  	v0 =	vor.u32 v0, v2  }
0x23a: {  	v2 =	vperm.xlane v0, v63;
	_ =	sdelay $0x1  }
0x23b: {  	v2 =	vadd.s32 v3, v2;
	_ =	sdelay $0x1  }
0x23c: {  	v0 =	vperm.xlane v0, v4;
	_ =	sdelay $0x1  }
0x23d: {  	s11 =	simm.s32 $0x5300;
	v0 =	vadd.s32 v3, v0  }
0x23e: {  	[tilespmem:s11], [sflag:$0x1] =	stream.indirect_vreg.gather [hbm4b:s2+s31], $0x80, v2, vm0, $0xb8;
	[tilespmem:$0x1EB00] =	vst v63  }
0x23f: {  	s13 =	simm.s32 $0x5B00  }
0x240: {  	[tilespmem:s13], [sflag:$0x1] =	stream.indirect_vreg.gather [hbm4b:s12+s31], $0x80, v2, vm0, $0xb8;
	[tilespmem:$0x1EB00] =	vst v63  }
0x241: {  	s14 =	simm.s32 $0x6300  }
0x242: {  	[tilespmem:s14], [sflag:$0x1] =	stream.indirect_vreg.gather [hbm4b:s2+s31], $0x80, v0, vm0, $0xb8;
	[tilespmem:$0x1EB00] =	vst v63  }
0x243: {  	s15 =	simm.s32 $0x6B00  }
0x244: {  	[tilespmem:s15], [sflag:$0x1] =	stream.indirect_vreg.gather [hbm4b:s12+s31], $0x80, v0, vm0, $0xb8;
	[tilespmem:$0x1EB00] =	vst v63  }
0x245: {  	v0 =	vld [tilespmem:$0x330];
	_ =	sdelay $0x4  }
0x246: {  	v2 =	vshll.u32 v0, $0x2  }
0x247: {  	v0 =	vand.u32 $0x7, v0;
	v2 =	vand.u32 $0xFFFFFFE0, v2  }
0x248: {  	v0 =	vor.u32 v0, v2  }
0x249: {  	v2 =	vperm.xlane v0, v63;
	_ =	sdelay $0x1  }
0x24a: {  	v2 =	vadd.s32 v3, v2;
	_ =	sdelay $0x1  }
0x24b: {  	v0 =	vperm.xlane v0, v4;
	_ =	sdelay $0x1  }
0x24c: {  	s16 =	simm.s32 $0x7300;
	v0 =	vadd.s32 v3, v0  }
0x24d: {  	[tilespmem:s16], [sflag:$0x1] =	stream.indirect_vreg.gather [hbm4b:s2+s31], $0x80, v2, vm0, $0xb8;
	[tilespmem:$0x1EB00] =	vst v63  }
0x24e: {  	s17 =	simm.s32 $0x7B00  }
0x24f: {  	[tilespmem:s17], [sflag:$0x1] =	stream.indirect_vreg.gather [hbm4b:s12+s31], $0x80, v2, vm0, $0xb8;
	[tilespmem:$0x1EB00] =	vst v63  }
0x250: {  	s18 =	simm.s32 $0x8300  }
0x251: {  	[tilespmem:s18], [sflag:$0x1] =	stream.indirect_vreg.gather [hbm4b:s2+s31], $0x80, v0, vm0, $0xb8;
	[tilespmem:$0x1EB00] =	vst v63  }
0x252: {  	s4 =	simm.s32 $0x8B00  }
0x253: {  	[tilespmem:s4], [sflag:$0x1] =	stream.indirect_vreg.gather [hbm4b:s12+s31], $0x80, v0, vm0, $0xb8;
	[tilespmem:$0x1EB00] =	vst v63  }
0x254: {  	v0 =	vld [tilespmem:$0x340];
	_ =	sdelay $0x4  }
0x255: {  	v2 =	vshll.u32 v0, $0x2  }
0x256: {  	v0 =	vand.u32 $0x7, v0;
	v2 =	vand.u32 $0xFFFFFFE0, v2  }
0x257: {  	v0 =	vor.u32 v0, v2  }
0x258: {  	v2 =	vperm.xlane v0, v63;
	_ =	sdelay $0x1  }
0x259: {  	v2 =	vadd.s32 v3, v2;
	_ =	sdelay $0x1  }
0x25a: {  	v0 =	vperm.xlane v0, v4;
	_ =	sdelay $0x1  }
0x25b: {  	s5 =	simm.s32 $0x9300;
	v0 =	vadd.s32 v3, v0  }
0x25c: {  	[tilespmem:s5], [sflag:$0x1] =	stream.indirect_vreg.gather [hbm4b:s2+s31], $0x80, v2, vm0, $0xb8;
	[tilespmem:$0x1EB00] =	vst v63  }
0x25d: {  	s8 =	simm.s32 $0x9B00  }
0x25e: {  	[tilespmem:s8], [sflag:$0x1] =	stream.indirect_vreg.gather [hbm4b:s12+s31], $0x80, v2, vm0, $0xb8;
	[tilespmem:$0x1EB00] =	vst v63  }
0x25f: {  	s9 =	simm.s32 $0xA300  }
0x260: {  	[tilespmem:s9], [sflag:$0x1] =	stream.indirect_vreg.gather [hbm4b:s2+s31], $0x80, v0, vm0, $0xb8;
	[tilespmem:$0x1EB00] =	vst v63  }
0x261: {  	s10 =	simm.s32 $0xAB00  }
0x262: {  	[tilespmem:s10], [sflag:$0x1] =	stream.indirect_vreg.gather [hbm4b:s12+s31], $0x80, v0, vm0, $0xb8;
	[tilespmem:$0x1EB00] =	vst v63  }
0x263: {  	v0 =	vld [tilespmem:$0x350];
	_ =	sdelay $0x4  }
0x264: {  	v2 =	vshll.u32 v0, $0x2  }
0x265: {  	v0 =	vand.u32 $0x7, v0;
	v2 =	vand.u32 $0xFFFFFFE0, v2  }
0x266: {  	v0 =	vor.u32 v0, v2  }
0x267: {  	v2 =	vperm.xlane v0, v63;
	_ =	sdelay $0x1  }
0x268: {  	v2 =	vadd.s32 v3, v2;
	_ =	sdelay $0x1  }
0x269: {  	v0 =	vperm.xlane v0, v4;
	_ =	sdelay $0x1  }
0x26a: {  	s11 =	simm.s32 $0xB300;
	v0 =	vadd.s32 v3, v0  }
0x26b: {  	[tilespmem:s11], [sflag:$0x1] =	stream.indirect_vreg.gather [hbm4b:s2+s31], $0x80, v2, vm0, $0xb8;
	[tilespmem:$0x1EB00] =	vst v63  }
0x26c: {  	s13 =	simm.s32 $0xBB00  }
0x26d: {  	[tilespmem:s13], [sflag:$0x1] =	stream.indirect_vreg.gather [hbm4b:s12+s31], $0x80, v2, vm0, $0xb8;
	[tilespmem:$0x1EB00] =	vst v63  }
0x26e: {  	s14 =	simm.s32 $0xC300  }
0x26f: {  	[tilespmem:s14], [sflag:$0x1] =	stream.indirect_vreg.gather [hbm4b:s2+s31], $0x80, v0, vm0, $0xb8;
	[tilespmem:$0x1EB00] =	vst v63  }
0x270: {  	s15 =	simm.s32 $0xCB00  }
0x271: {  	[tilespmem:s15], [sflag:$0x1] =	stream.indirect_vreg.gather [hbm4b:s12+s31], $0x80, v0, vm0, $0xb8;
	[tilespmem:$0x1EB00] =	vst v63  }
0x272: {  	v0 =	vld.msk [tilespmem:$0x360], $0xff;
	_ =	sdelay $0x4  }
0x273: {  	v2 =	vshll.u32 v0, $0x2  }
0x274: {  	v0 =	vand.u32 $0x7, v0;
	v2 =	vand.u32 $0xFFFFFFE0, v2  }
0x275: {  	v0 =	vor.u32 v0, v2  }
0x276: {  	v0 =	vperm.xlane v0, v63;
	_ =	sdelay $0x1  }
0x277: {  	v0 =	vadd.s32 v3, v0;
	_ =	sdelay $0x3  }
0x278: {  	s16 =	simm.s32 $0xD300;
	s18 =	rddreg [dreg:$0x3]  }
0x279: {  	[tilespmem:s16], [sflag:$0x1] =	stream.indirect_vreg.gather [hbm4b:s2+s31], $0x80, v0, vm0, $0xb8;
	[tilespmem:$0x1EB00] =	vst v63  }
0x27a: {  	s17 =	simm.s32 $0xDB00;
	s1 =	sadd.s32 s18, s0;
	s0 =	simm.s32 $0x0  }
0x27b: {  	[tilespmem:s17], [sflag:$0x1] =	stream.indirect_vreg.gather [hbm4b:s12+s31], $0x80, v0, vm0, $0xb8;
	[tilespmem:$0x1EB00] =	vst v63  }
.LBB2_3:
0x27c: {  	_ =	swait.ge [sflag:s21], $0xD000;
	s15 =	sshllo.u32 s0, $0x1  }
0x27d: {  	[sflag:s21] =	ssyncset.done $0x0;
	s5 =	sshll.u32 s15, $0x7  }
0x27e: {  	[sflag:s21] =	ssyncadd.s32 $0xFFFF3000;
	s5 =	sand.u32 $0x3FFFFF80, s5  }
0x27f: {  	v0 =	vld [tilespmem:s5+$0x300];
	_ =	sdelay $0x4  }
0x280: {  	v2 =	vshll.u32 v0, $0x2  }
0x281: {  	v0 =	vand.u32 $0x7, v0;
	v2 =	vand.u32 $0xFFFFFFE0, v2  }
0x282: {  	v0 =	vor.u32 v0, v2  }
0x283: {  	v2 =	vperm.xlane v0, v63;
	_ =	sdelay $0x1  }
0x284: {  	v2 =	vadd.s32 v3, v2;
	_ =	sdelay $0x1  }
0x285: {  	v0 =	vperm.xlane v0, v4;
	_ =	sdelay $0x1  }
0x286: {  	s4 =	simm.s32 $0xE300;
	v0 =	vadd.s32 v3, v0  }
0x287: {  	[tilespmem:s4], [sflag:$0x2] =	stream.indirect_vreg.gather [hbm4b:s2+s3], $0x80, v2, vm0, $0xb8;
	[tilespmem:$0x1EB00] =	vst v63  }
0x288: {  	s18 =	simm.s32 $0xEB00  }
0x289: {  	[tilespmem:s18], [sflag:$0x2] =	stream.indirect_vreg.gather [hbm4b:s12+s3], $0x80, v2, vm0, $0xb8;
	[tilespmem:$0x1EB00] =	vst v63  }
0x28a: {  	s8 =	simm.s32 $0xF300  }
0x28b: {  	[tilespmem:s8], [sflag:$0x2] =	stream.indirect_vreg.gather [hbm4b:s2+s3], $0x80, v0, vm0, $0xb8;
	[tilespmem:$0x1EB00] =	vst v63  }
0x28c: {  	s9 =	simm.s32 $0xFB00  }
0x28d: {  	[tilespmem:s9], [sflag:$0x2] =	stream.indirect_vreg.gather [hbm4b:s12+s3], $0x80, v0, vm0, $0xb8;
	[tilespmem:$0x1EB00] =	vst v63  }
0x28e: {  	v0 =	vld [tilespmem:s5+$0x310];
	_ =	sdelay $0x4  }
0x28f: {  	v2 =	vshll.u32 v0, $0x2  }
0x290: {  	v0 =	vand.u32 $0x7, v0;
	v2 =	vand.u32 $0xFFFFFFE0, v2  }
0x291: {  	v0 =	vor.u32 v0, v2  }
0x292: {  	v2 =	vperm.xlane v0, v63;
	_ =	sdelay $0x1  }
0x293: {  	v2 =	vadd.s32 v3, v2;
	_ =	sdelay $0x1  }
0x294: {  	v0 =	vperm.xlane v0, v4;
	_ =	sdelay $0x1  }
0x295: {  	s10 =	simm.s32 $0x10300;
	v0 =	vadd.s32 v3, v0  }
0x296: {  	[tilespmem:s10], [sflag:$0x2] =	stream.indirect_vreg.gather [hbm4b:s2+s3], $0x80, v2, vm0, $0xb8;
	[tilespmem:$0x1EB00] =	vst v63  }
0x297: {  	s11 =	simm.s32 $0x10B00  }
0x298: {  	[tilespmem:s11], [sflag:$0x2] =	stream.indirect_vreg.gather [hbm4b:s12+s3], $0x80, v2, vm0, $0xb8;
	[tilespmem:$0x1EB00] =	vst v63  }
0x299: {  	s13 =	simm.s32 $0x11300  }
0x29a: {  	[tilespmem:s13], [sflag:$0x2] =	stream.indirect_vreg.gather [hbm4b:s2+s3], $0x80, v0, vm0, $0xb8;
	[tilespmem:$0x1EB00] =	vst v63  }
0x29b: {  	s14 =	simm.s32 $0x11B00  }
0x29c: {  	[tilespmem:s14], [sflag:$0x2] =	stream.indirect_vreg.gather [hbm4b:s12+s3], $0x80, v0, vm0, $0xb8;
	[tilespmem:$0x1EB00] =	vst v63  }
0x29d: {  	v0 =	vld [tilespmem:s5+$0x320];
	_ =	sdelay $0x4  }
0x29e: {  	v2 =	vshll.u32 v0, $0x2  }
0x29f: {  	v0 =	vand.u32 $0x7, v0;
	v2 =	vand.u32 $0xFFFFFFE0, v2  }
0x2a0: {  	v0 =	vor.u32 v0, v2  }
0x2a1: {  	v2 =	vperm.xlane v0, v63;
	_ =	sdelay $0x1  }
0x2a2: {  	v2 =	vadd.s32 v3, v2;
	_ =	sdelay $0x1  }
0x2a3: {  	v0 =	vperm.xlane v0, v4;
	_ =	sdelay $0x1  }
0x2a4: {  	s16 =	simm.s32 $0x12300;
	v0 =	vadd.s32 v3, v0  }
0x2a5: {  	[tilespmem:s16], [sflag:$0x2] =	stream.indirect_vreg.gather [hbm4b:s2+s3], $0x80, v2, vm0, $0xb8;
	[tilespmem:$0x1EB00] =	vst v63  }
0x2a6: {  	s17 =	simm.s32 $0x12B00  }
0x2a7: {  	[tilespmem:s17], [sflag:$0x2] =	stream.indirect_vreg.gather [hbm4b:s12+s3], $0x80, v2, vm0, $0xb8;
	[tilespmem:$0x1EB00] =	vst v63  }
0x2a8: {  	s18 =	simm.s32 $0x13300  }
0x2a9: {  	[tilespmem:s18], [sflag:$0x2] =	stream.indirect_vreg.gather [hbm4b:s2+s3], $0x80, v0, vm0, $0xb8;
	[tilespmem:$0x1EB00] =	vst v63  }
0x2aa: {  	s8 =	simm.s32 $0x13B00  }
0x2ab: {  	[tilespmem:s8], [sflag:$0x2] =	stream.indirect_vreg.gather [hbm4b:s12+s3], $0x80, v0, vm0, $0xb8;
	[tilespmem:$0x1EB00] =	vst v63  }
0x2ac: {  	v0 =	vld [tilespmem:s5+$0x330];
	_ =	sdelay $0x4  }
0x2ad: {  	v2 =	vshll.u32 v0, $0x2  }
0x2ae: {  	v0 =	vand.u32 $0x7, v0;
	v2 =	vand.u32 $0xFFFFFFE0, v2  }
0x2af: {  	v0 =	vor.u32 v0, v2  }
0x2b0: {  	v2 =	vperm.xlane v0, v63;
	_ =	sdelay $0x1  }
0x2b1: {  	v2 =	vadd.s32 v3, v2;
	_ =	sdelay $0x1  }
0x2b2: {  	v0 =	vperm.xlane v0, v4;
	_ =	sdelay $0x1  }
0x2b3: {  	s9 =	simm.s32 $0x14300;
	v0 =	vadd.s32 v3, v0  }
0x2b4: {  	[tilespmem:s9], [sflag:$0x2] =	stream.indirect_vreg.gather [hbm4b:s2+s3], $0x80, v2, vm0, $0xb8;
	[tilespmem:$0x1EB00] =	vst v63  }
0x2b5: {  	s10 =	simm.s32 $0x14B00  }
0x2b6: {  	[tilespmem:s10], [sflag:$0x2] =	stream.indirect_vreg.gather [hbm4b:s12+s3], $0x80, v2, vm0, $0xb8;
	[tilespmem:$0x1EB00] =	vst v63  }
0x2b7: {  	s11 =	simm.s32 $0x15300  }
0x2b8: {  	[tilespmem:s11], [sflag:$0x2] =	stream.indirect_vreg.gather [hbm4b:s2+s3], $0x80, v0, vm0, $0xb8;
	[tilespmem:$0x1EB00] =	vst v63  }
0x2b9: {  	s13 =	simm.s32 $0x15B00  }
0x2ba: {  	[tilespmem:s13], [sflag:$0x2] =	stream.indirect_vreg.gather [hbm4b:s12+s3], $0x80, v0, vm0, $0xb8;
	[tilespmem:$0x1EB00] =	vst v63  }
0x2bb: {  	v0 =	vld [tilespmem:s5+$0x340];
	_ =	sdelay $0x4  }
0x2bc: {  	v2 =	vshll.u32 v0, $0x2  }
0x2bd: {  	v0 =	vand.u32 $0x7, v0;
	v2 =	vand.u32 $0xFFFFFFE0, v2  }
0x2be: {  	v0 =	vor.u32 v0, v2  }
0x2bf: {  	v2 =	vperm.xlane v0, v63;
	_ =	sdelay $0x1  }
0x2c0: {  	v2 =	vadd.s32 v3, v2;
	_ =	sdelay $0x1  }
0x2c1: {  	v0 =	vperm.xlane v0, v4;
	_ =	sdelay $0x1  }
0x2c2: {  	s14 =	simm.s32 $0x16300;
	v0 =	vadd.s32 v3, v0  }
0x2c3: {  	[tilespmem:s14], [sflag:$0x2] =	stream.indirect_vreg.gather [hbm4b:s2+s3], $0x80, v2, vm0, $0xb8;
	[tilespmem:$0x1EB00] =	vst v63  }
0x2c4: {  	s16 =	simm.s32 $0x16B00  }
0x2c5: {  	[tilespmem:s16], [sflag:$0x2] =	stream.indirect_vreg.gather [hbm4b:s12+s3], $0x80, v2, vm0, $0xb8;
	[tilespmem:$0x1EB00] =	vst v63  }
0x2c6: {  	s17 =	simm.s32 $0x17300  }
0x2c7: {  	[tilespmem:s17], [sflag:$0x2] =	stream.indirect_vreg.gather [hbm4b:s2+s3], $0x80, v0, vm0, $0xb8;
	[tilespmem:$0x1EB00] =	vst v63  }
0x2c8: {  	s18 =	simm.s32 $0x17B00  }
0x2c9: {  	[tilespmem:s18], [sflag:$0x2] =	stream.indirect_vreg.gather [hbm4b:s12+s3], $0x80, v0, vm0, $0xb8;
	[tilespmem:$0x1EB00] =	vst v63  }
0x2ca: {  	v0 =	vld [tilespmem:s5+$0x350];
	_ =	sdelay $0x4  }
0x2cb: {  	v2 =	vshll.u32 v0, $0x2  }
0x2cc: {  	v0 =	vand.u32 $0x7, v0;
	v2 =	vand.u32 $0xFFFFFFE0, v2  }
0x2cd: {  	v0 =	vor.u32 v0, v2  }
0x2ce: {  	v2 =	vperm.xlane v0, v63;
	_ =	sdelay $0x1  }
0x2cf: {  	v2 =	vadd.s32 v3, v2;
	_ =	sdelay $0x1  }
0x2d0: {  	v0 =	vperm.xlane v0, v4;
	_ =	sdelay $0x1  }
0x2d1: {  	s8 =	simm.s32 $0x18300;
	v0 =	vadd.s32 v3, v0  }
0x2d2: {  	[tilespmem:s8], [sflag:$0x2] =	stream.indirect_vreg.gather [hbm4b:s2+s3], $0x80, v2, vm0, $0xb8;
	[tilespmem:$0x1EB00] =	vst v63  }
0x2d3: {  	s9 =	simm.s32 $0x18B00  }
0x2d4: {  	[tilespmem:s9], [sflag:$0x2] =	stream.indirect_vreg.gather [hbm4b:s12+s3], $0x80, v2, vm0, $0xb8;
	[tilespmem:$0x1EB00] =	vst v63  }
0x2d5: {  	s10 =	simm.s32 $0x19300  }
0x2d6: {  	[tilespmem:s10], [sflag:$0x2] =	stream.indirect_vreg.gather [hbm4b:s2+s3], $0x80, v0, vm0, $0xb8;
	[tilespmem:$0x1EB00] =	vst v63  }
0x2d7: {  	_ = 	snop  }
0x2d8: {  	[tilespmem:s20], [sflag:$0x2] =	stream.indirect_vreg.gather [hbm4b:s12+s3], $0x80, v0, vm0, $0xb8;
	[tilespmem:$0x1EB00] =	vst v63  }
0x2d9: {  	v0 =	vld.msk [tilespmem:s5+$0x360], $0xff;
	_ =	sdelay $0x4  }
0x2da: {  	v2 =	vshll.u32 v0, $0x2  }
0x2db: {  	v0 =	vand.u32 $0x7, v0;
	v2 =	vand.u32 $0xFFFFFFE0, v2  }
0x2dc: {  	v0 =	vor.u32 v0, v2  }
0x2dd: {  	s11 =	smulhi.u32 $0x24924925, s31;
	v0 =	vperm.xlane v0, v63  }
0x2de: {  	s9 =	smul.u32 $0x25, s31  }
0x2df: {  	s8 =	ssub.s32 $0x0, s11;
	v0 =	vadd.s32 v3, v0  }
0x2e0: {  	s8 =	sshrl.u32 s8, $0x1;
	s13 =	sshrl.u32 s9, $0x8  }
0x2e1: {  	s9 =	ssub.s32 $0x0, s13;
	s5 =	sadd.s32 s11, s8  }
0x2e2: {  	s10 =	sand.u32 $0xFE, s9;
	s5 =	sshrl.u32 s5, $0x2  }
0x2e3: {  	s10 =	sshrl.u32 s10, $0x1;
	s5 =	smul.u32 $0xFFFFFFF9, s5  }
0x2e4: {  	[tilespmem:s22], [sflag:$0x2] =	stream.indirect_vreg.gather [hbm4b:s2+s3], $0x80, v0, vm0, $0xb8;
	[tilespmem:$0x1EB00] =	vst v63  }
0x2e5: {  	s9 =	sshll.u32 s0, $0x1;
	s8 =	sadd.s32 s13, s10;
	s5 =	sadd.s32 $0x0, s5  }
0x2e6: {  	[tilespmem:s23], [sflag:$0x2] =	stream.indirect_vreg.gather [hbm4b:s12+s3], $0x80, v0, vm0, $0xb8;
	v0 =	vmov s9;
	[tilespmem:$0x1EB00] =	vst v63  }
0x2e7: {  	s8 =	sand.u32 $0xFC, s8;
	s5 =	sshll.u32 s5, $0x7;
	v5 =	vand.u32 $0x7E, v0  }
0x2e8: {  	s14 =	sshll.u32 s8, $0x5;
	v0 =	vor.u32 s5, v5  }
0x2e9: {  	s16 =	sor.u32 s30, s0;
	v2 =	vor.u32 s14, v5;
	v0 =	vbroadcast v0, $0x0  }
0x2ea: {  	p0 =	seq.s32 s16, $0x0;
	v2 =	vbroadcast v2, $0x0  }
0x2eb: {  	s5 =	simm.s32 @!p0 $0x3  }
0x2ec: {  	_ =	swait.ge @!p0 [sflag:s5], $0x3800  }
0x2ed: {  	[sflag:s5] =	ssyncset.done @!p0 $0x0  }
0x2ee: {  	[sflag:s5] =	ssyncadd.s32 @!p0 $0xFFFFC800  }
0x2ef: {  	v0 =	vld.idx.msk [tilespmem:v0+s25+$0x0], $0xffff  }
0x2f0: {  	v2 =	vld.idx.msk [tilespmem:v2+s24+$0x0], $0xffff;
	_ =	sdelay $0x1  }
0x2f1: {  	s17 =	simm.s32 $0x0;
	s18 =	simm.s32 $0x0  }
0x2f2: {  	s4 =	sand.u32 $0x380, s17;
	s13 =	sand.u32 $0x3FFFF000, s18  }
0x2f3: {  	s5 =	sor.u32 s4, s13  }
0x2f4: {  	s17 =	simm.s32 $0x1880;
	s14 =	simm.s32 $0x6200;
	v10 =	vld [tilespmem:s5+$0x1300];
	v6 =	vmul.f32 v0, v2  }
0x2f5: {  	s11 =	sand.u32 $0x380, s17;
	s8 =	sand.u32 $0xF000, s14;
	v11 =	vld [tilespmem:s5+$0x1B00]  }
0x2f6: {  	s18 =	sor.u32 s11, s8;
	v9 =	vsub.f32 $1.000000000e+00, v0;
	v7 =	vsub.f32 v2, v6  }
0x2f7: {  	v2 =	vld [tilespmem:s18+$0x1300]  }
0x2f8: {  	v8 =	vsub.f32 v0, v6;
	v9 =	vsub.f32 v9, v7  }
0x2f9: {  	v0 =	vld [tilespmem:s18+$0x1B00]  }
0x2fa: {  	v11 =	vmul.f32 v8, v11;
	v10 =	vmul.f32 v9, v10;
	_ =	sdelay $0x1  }
0x2fb: {  	v2 =	vmul.f32 v2, v7;
	v10 =	vadd.f32 v10, v11;
	_ =	sdelay $0x1  }
0x2fc: {  	v0 =	vmul.f32 v0, v6;
	v2 =	vadd.f32 v10, v2  }
0x2fd: {  	s16 =	simm.s32 $0x0  }
0x2fe: {  	s8 =	sand.u32 $0x3FFFF800, s16;
	v0 =	vadd.f32 v2, v0  }
0x2ff: {  	s8 =	sor.u32 s4, s8  }
0x300: {  	[tilespmem:s8+$0x1B300] =	vst v0  }
0x301: {  	v0 =	vld [tilespmem:s5+$0x1310]  }
0x302: {  	v2 =	vld [tilespmem:s5+$0x1B10];
	_ =	sdelay $0x1  }
0x303: {  	v10 =	vld [tilespmem:s18+$0x1310];
	_ =	sdelay $0x1  }
0x304: {  	v11 =	vld [tilespmem:s18+$0x1B10]  }
0x305: {  	v0 =	vmul.f32 v0, v9;
	v2 =	vmul.f32 v2, v8;
	_ =	sdelay $0x1  }
0x306: {  	v0 =	vadd.f32 v2, v0;
	v2 =	vmul.f32 v10, v7;
	_ =	sdelay $0x1  }
0x307: {  	v0 =	vadd.f32 v2, v0;
	v2 =	vmul.f32 v11, v6;
	_ =	sdelay $0x1  }
0x308: {  	v0 =	vadd.f32 v2, v0  }
0x309: {  	s8 =	sadd.s32 $0x1B300, s8  }
0x30a: {  	[tilespmem:s8+$0x10] =	vst v0  }
0x30b: {  	v0 =	vld [tilespmem:s5+$0x1320]  }
0x30c: {  	v2 =	vld [tilespmem:s5+$0x1B20];
	_ =	sdelay $0x1  }
0x30d: {  	v10 =	vld [tilespmem:s18+$0x1320];
	_ =	sdelay $0x1  }
0x30e: {  	v11 =	vld [tilespmem:s18+$0x1B20]  }
0x30f: {  	v0 =	vmul.f32 v0, v9;
	v2 =	vmul.f32 v2, v8;
	_ =	sdelay $0x1  }
0x310: {  	v0 =	vadd.f32 v2, v0;
	v2 =	vmul.f32 v10, v7;
	_ =	sdelay $0x1  }
0x311: {  	v0 =	vadd.f32 v2, v0;
	v2 =	vmul.f32 v11, v6;
	_ =	sdelay $0x1  }
0x312: {  	v0 =	vadd.f32 v2, v0;
	_ =	sdelay $0x1  }
0x313: {  	[tilespmem:s8+$0x20] =	vst v0  }
0x314: {  	v0 =	vld [tilespmem:s5+$0x1330]  }
0x315: {  	v2 =	vld [tilespmem:s5+$0x1B30];
	_ =	sdelay $0x1  }
0x316: {  	v10 =	vld [tilespmem:s18+$0x1330];
	_ =	sdelay $0x1  }
0x317: {  	v11 =	vld [tilespmem:s18+$0x1B30]  }
0x318: {  	v0 =	vmul.f32 v0, v9;
	v2 =	vmul.f32 v2, v8;
	_ =	sdelay $0x1  }
0x319: {  	v10 =	vmul.f32 v10, v7;
	v0 =	vadd.f32 v2, v0;
	_ =	sdelay $0x1  }
0x31a: {  	v2 =	vmul.f32 v11, v6;
	v0 =	vadd.f32 v10, v0;
	_ =	sdelay $0x1  }
0x31b: {  	v0 =	vadd.f32 v2, v0;
	_ =	sdelay $0x1  }
0x31c: {  	[tilespmem:s8+$0x30] =	vst v0  }
0x31d: {  	v0 =	vld [tilespmem:s5+$0x1B40]  }
0x31e: {  	v2 =	vld [tilespmem:s5+$0x1340];
	_ =	sdelay $0x1  }
0x31f: {  	v10 =	vld [tilespmem:s18+$0x1340];
	_ =	sdelay $0x1  }
0x320: {  	v11 =	vld [tilespmem:s18+$0x1B40]  }
0x321: {  	v0 =	vmul.f32 v0, v8;
	v2 =	vmul.f32 v2, v9;
	_ =	sdelay $0x1  }
0x322: {  	v10 =	vmul.f32 v10, v7;
	v0 =	vadd.f32 v0, v2;
	_ =	sdelay $0x1  }
0x323: {  	v2 =	vmul.f32 v11, v6;
	v0 =	vadd.f32 v10, v0;
	_ =	sdelay $0x1  }
0x324: {  	v0 =	vadd.f32 v2, v0;
	_ =	sdelay $0x1  }
0x325: {  	[tilespmem:s8+$0x40] =	vst v0  }
0x326: {  	v0 =	vld [tilespmem:s5+$0x1350]  }
0x327: {  	v2 =	vld [tilespmem:s5+$0x1B50];
	_ =	sdelay $0x1  }
0x328: {  	v10 =	vld [tilespmem:s18+$0x1350];
	_ =	sdelay $0x1  }
0x329: {  	v11 =	vld [tilespmem:s18+$0x1B50]  }
0x32a: {  	v0 =	vmul.f32 v0, v9;
	v2 =	vmul.f32 v2, v8;
	_ =	sdelay $0x1  }
0x32b: {  	v10 =	vmul.f32 v10, v7;
	v0 =	vadd.f32 v2, v0;
	_ =	sdelay $0x1  }
0x32c: {  	v2 =	vmul.f32 v11, v6;
	v0 =	vadd.f32 v10, v0;
	_ =	sdelay $0x1  }
0x32d: {  	v0 =	vadd.f32 v2, v0;
	_ =	sdelay $0x1  }
0x32e: {  	[tilespmem:s8+$0x50] =	vst v0  }
0x32f: {  	v0 =	vld [tilespmem:s5+$0x1360]  }
0x330: {  	v2 =	vld [tilespmem:s5+$0x1B60];
	_ =	sdelay $0x1  }
0x331: {  	v10 =	vld [tilespmem:s18+$0x1360];
	_ =	sdelay $0x1  }
0x332: {  	v11 =	vld [tilespmem:s18+$0x1B60]  }
0x333: {  	v0 =	vmul.f32 v0, v9;
	v2 =	vmul.f32 v2, v8;
	_ =	sdelay $0x1  }
0x334: {  	v10 =	vmul.f32 v10, v7;
	v0 =	vadd.f32 v2, v0;
	_ =	sdelay $0x1  }
0x335: {  	v2 =	vmul.f32 v11, v6;
	v0 =	vadd.f32 v10, v0;
	_ =	sdelay $0x1  }
0x336: {  	v0 =	vadd.f32 v2, v0;
	_ =	sdelay $0x1  }
0x337: {  	[tilespmem:s8+$0x60] =	vst v0  }
0x338: {  	v0 =	vld [tilespmem:s5+$0x1B70]  }
0x339: {  	v2 =	vld [tilespmem:s5+$0x1370];
	_ =	sdelay $0x1  }
0x33a: {  	v10 =	vld [tilespmem:s18+$0x1370];
	_ =	sdelay $0x1  }
0x33b: {  	v11 =	vld [tilespmem:s18+$0x1B70]  }
0x33c: {  	v0 =	vmul.f32 v0, v8;
	v2 =	vmul.f32 v2, v9;
	_ =	sdelay $0x1  }
0x33d: {  	v10 =	vmul.f32 v10, v7;
	v0 =	vadd.f32 v0, v2;
	_ =	sdelay $0x1  }
0x33e: {  	v2 =	vmul.f32 v11, v6;
	v0 =	vadd.f32 v10, v0;
	_ =	sdelay $0x1  }
0x33f: {  	v0 =	vadd.f32 v2, v0;
	_ =	sdelay $0x1  }
0x340: {  	[tilespmem:s8+$0x70] =	vst v0  }
0x341: {  	v0 =	vld [tilespmem:s5+$0x1700]  }
0x342: {  	v2 =	vld [tilespmem:s5+$0x1F00];
	_ =	sdelay $0x1  }
0x343: {  	v10 =	vld [tilespmem:s18+$0x1700];
	_ =	sdelay $0x1  }
0x344: {  	v11 =	vld [tilespmem:s18+$0x1F00]  }
0x345: {  	v0 =	vmul.f32 v0, v9;
	v2 =	vmul.f32 v2, v8;
	_ =	sdelay $0x1  }
0x346: {  	v10 =	vmul.f32 v10, v7;
	v0 =	vadd.f32 v2, v0;
	_ =	sdelay $0x1  }
0x347: {  	v2 =	vmul.f32 v11, v6;
	v0 =	vadd.f32 v10, v0;
	_ =	sdelay $0x1  }
0x348: {  	v0 =	vadd.f32 v2, v0;
	_ =	sdelay $0x1  }
0x349: {  	[tilespmem:s8+$0x400] =	vst v0  }
0x34a: {  	v0 =	vld [tilespmem:s5+$0x1710]  }
0x34b: {  	v2 =	vld [tilespmem:s5+$0x1F10];
	_ =	sdelay $0x1  }
0x34c: {  	v10 =	vld [tilespmem:s18+$0x1710];
	_ =	sdelay $0x1  }
0x34d: {  	v11 =	vld [tilespmem:s18+$0x1F10]  }
0x34e: {  	v0 =	vmul.f32 v0, v9;
	v2 =	vmul.f32 v2, v8;
	_ =	sdelay $0x1  }
0x34f: {  	v0 =	vadd.f32 v2, v0;
	v2 =	vmul.f32 v10, v7;
	_ =	sdelay $0x1  }
0x350: {  	v0 =	vadd.f32 v2, v0;
	v2 =	vmul.f32 v11, v6;
	_ =	sdelay $0x1  }
0x351: {  	v0 =	vadd.f32 v2, v0;
	_ =	sdelay $0x1  }
0x352: {  	[tilespmem:s8+$0x410] =	vst v0  }
0x353: {  	v0 =	vld [tilespmem:s5+$0x1F20]  }
0x354: {  	v2 =	vld [tilespmem:s5+$0x1720];
	_ =	sdelay $0x1  }
0x355: {  	v10 =	vld [tilespmem:s18+$0x1720];
	_ =	sdelay $0x1  }
0x356: {  	v11 =	vld [tilespmem:s18+$0x1F20]  }
0x357: {  	v0 =	vmul.f32 v0, v8;
	v2 =	vmul.f32 v2, v9;
	_ =	sdelay $0x1  }
0x358: {  	v10 =	vmul.f32 v10, v7;
	v0 =	vadd.f32 v0, v2;
	_ =	sdelay $0x1  }
0x359: {  	v2 =	vmul.f32 v11, v6;
	v0 =	vadd.f32 v10, v0;
	_ =	sdelay $0x1  }
0x35a: {  	v0 =	vadd.f32 v2, v0;
	_ =	sdelay $0x1  }
0x35b: {  	[tilespmem:s8+$0x420] =	vst v0  }
0x35c: {  	v0 =	vld [tilespmem:s5+$0x1730]  }
0x35d: {  	v2 =	vld [tilespmem:s5+$0x1F30];
	_ =	sdelay $0x1  }
0x35e: {  	v10 =	vld [tilespmem:s18+$0x1730];
	_ =	sdelay $0x1  }
0x35f: {  	v11 =	vld [tilespmem:s18+$0x1F30]  }
0x360: {  	v0 =	vmul.f32 v0, v9;
	v2 =	vmul.f32 v2, v8;
	_ =	sdelay $0x1  }
0x361: {  	v10 =	vmul.f32 v10, v7;
	v0 =	vadd.f32 v2, v0;
	_ =	sdelay $0x1  }
0x362: {  	v2 =	vmul.f32 v11, v6;
	v0 =	vadd.f32 v10, v0;
	_ =	sdelay $0x1  }
0x363: {  	v0 =	vadd.f32 v2, v0;
	_ =	sdelay $0x1  }
0x364: {  	[tilespmem:s8+$0x430] =	vst v0  }
0x365: {  	v0 =	vld [tilespmem:s5+$0x1740]  }
0x366: {  	v2 =	vld [tilespmem:s5+$0x1F40];
	_ =	sdelay $0x1  }
0x367: {  	v10 =	vld [tilespmem:s18+$0x1740];
	_ =	sdelay $0x1  }
0x368: {  	v11 =	vld [tilespmem:s18+$0x1F40]  }
0x369: {  	v0 =	vmul.f32 v0, v9;
	v2 =	vmul.f32 v2, v8;
	_ =	sdelay $0x1  }
0x36a: {  	v10 =	vmul.f32 v10, v7;
	v0 =	vadd.f32 v2, v0;
	_ =	sdelay $0x1  }
0x36b: {  	v2 =	vmul.f32 v11, v6;
	v0 =	vadd.f32 v10, v0;
	_ =	sdelay $0x1  }
0x36c: {  	v0 =	vadd.f32 v2, v0;
	_ =	sdelay $0x1  }
0x36d: {  	[tilespmem:s8+$0x440] =	vst v0  }
0x36e: {  	v0 =	vld [tilespmem:s5+$0x1750]  }
0x36f: {  	v2 =	vld [tilespmem:s5+$0x1F50];
	_ =	sdelay $0x1  }
0x370: {  	v10 =	vld [tilespmem:s18+$0x1750];
	_ =	sdelay $0x1  }
0x371: {  	v11 =	vld [tilespmem:s18+$0x1F50]  }
0x372: {  	v0 =	vmul.f32 v0, v9;
	v2 =	vmul.f32 v2, v8;
	_ =	sdelay $0x1  }
0x373: {  	v10 =	vmul.f32 v10, v7;
	v0 =	vadd.f32 v2, v0;
	_ =	sdelay $0x1  }
0x374: {  	v2 =	vmul.f32 v11, v6;
	v0 =	vadd.f32 v10, v0;
	_ =	sdelay $0x1  }
0x375: {  	v0 =	vadd.f32 v2, v0;
	_ =	sdelay $0x1  }
0x376: {  	[tilespmem:s8+$0x450] =	vst v0  }
0x377: {  	v2 =	vld [tilespmem:s5+$0x1760]  }
0x378: {  	v12 =	vld [tilespmem:s5+$0x1F60]  }
0x379: {  	v0 =	vld [tilespmem:s18+$0x1760]  }
0x37a: {  	v10 =	vld [tilespmem:s18+$0x1F60];
	_ =	sdelay $0x1  }
0x37b: {  	s10 =	simm.s32 $0x6400  }
0x37c: {  	s16 =	sor.u32 s1, s9;
	s11 =	simm.s32 $0x6600;
	s9 =	simm.s32 $0x1;
	v11 =	vmul.f32 v2, v9;
	v12 =	vmul.f32 v12, v8  }
.LBB2_4:
0x37d: {  	p0 =	sne.s32 s11, $0xC200;
	s14 =	smulhi.u32 $0x24924925, s9;
	s17 =	sadd.s32 $0x80, s17  }
0x37e: {  	v0 =	vmul.f32 v0, v7;
	s13 =	smov.u32 s11;
	s11 =	sadd.s32 $0x200, s11;
	v2 =	vadd.f32 v12, v11;
	v10 =	vmul.f32 v10, v6  }
0x37f: {  	s4 =	ssub.s32 s9, s14  }
0x380: {  	s4 =	sshrl.u32 s4, $0x1;
	v0 =	vadd.f32 v0, v2  }
0x381: {  	s4 =	sadd.s32 s14, s4  }
0x382: {  	s4 =	sshrl.u32 s4, $0x2;
	v0 =	vadd.f32 v10, v0  }
0x383: {  	s4 =	smul.u32 $0xFFFFFFF9, s4  }
0x384: {  	[tilespmem:s8+$0x460] =	vst v0  }
0x385: {  	s14 =	smul.u32 $0x25, s9;
	s4 =	sadd.s32 s4, s9;
	v0 =	vld [tilespmem:s5+$0x1770]  }
0x386: {  	s4 =	sshll.u32 s4, $0x7;
	v2 =	vld [tilespmem:s5+$0x1F70]  }
0x387: {  	s5 =	sshrl.u32 s14, $0x8;
	v10 =	vor.u32 s4, v5;
	v11 =	vld [tilespmem:s18+$0x1770]  }
0x388: {  	s4 =	ssub.s32 s9, s5;
	v10 =	vbroadcast v10, $0x0;
	v12 =	vld [tilespmem:s18+$0x1F70]  }
0x389: {  	s4 =	sand.u32 $0xFE, s4  }
0x38a: {  	s4 =	sshrl.u32 s4, $0x1;
	v0 =	vmul.f32 v0, v9  }
0x38b: {  	s4 =	sadd.s32 s5, s4;
	v2 =	vmul.f32 v2, v8  }
0x38c: {  	s4 =	sand.u32 $0xFC, s4;
	v7 =	vmul.f32 v11, v7  }
0x38d: {  	s4 =	sshll.u32 s4, $0x5;
	v0 =	vadd.f32 v2, v0  }
0x38e: {  	v2 =	vor.u32 s4, v5;
	v6 =	vmul.f32 v12, v6  }
0x38f: {  	v2 =	vbroadcast v2, $0x0;
	v0 =	vadd.f32 v7, v0;
	_ =	sdelay $0x1  }
0x390: {  	v0 =	vadd.f32 v6, v0;
	_ =	sdelay $0x1  }
0x391: {  	s5 =	sshll.u32 s9, $0x9;
	s4 =	sadd.s32 $0xFFFFE780, s17;
	[tilespmem:s8+$0x470] =	vst v0  }
0x392: {  	s5 =	sand.u32 $0x3FFFF000, s5;
	s4 =	sand.u32 $0x380, s4;
	v0 =	vld.idx.msk [tilespmem:v10+s25+$0x0], $0xffff  }
0x393: {  	s5 =	sor.u32 s4, s5;
	v2 =	vld.idx.msk [tilespmem:v2+s24+$0x0], $0xffff  }
0x394: {  	s14 =	sand.u32 $0x380, s17;
	s8 =	sand.u32 $0xF000, s10;
	s10 =	smov.u32 s13;
	v10 =	vld [tilespmem:s5+$0x1300]  }
0x395: {  	s18 =	sor.u32 s14, s8  }
0x396: {  	v11 =	vld [tilespmem:s18+$0x1300];
	_ =	sdelay $0x1  }
0x397: {  	v12 =	vld [tilespmem:s18+$0x1B00]  }
0x398: {  	v6 =	vmul.f32 v0, v2  }
0x399: {  	v9 =	vsub.f32 $1.000000000e+00, v0;
	v13 =	vld [tilespmem:s5+$0x1B00]  }
0x39a: {  	v7 =	vsub.f32 v2, v6;
	v8 =	vsub.f32 v0, v6;
	_ =	sdelay $0x1  }
0x39b: {  	v9 =	vsub.f32 v9, v7;
	v0 =	vmul.f32 v11, v7;
	v2 =	vmul.f32 v12, v6;
	_ =	sdelay $0x1  }
0x39c: {  	v10 =	vmul.f32 v9, v10;
	v11 =	vmul.f32 v8, v13;
	_ =	sdelay $0x1  }
0x39d: {  	v10 =	vadd.f32 v10, v11;
	_ =	sdelay $0x1  }
0x39e: {  	v0 =	vadd.f32 v10, v0  }
0x39f: {  	s8 =	sshll.u32 s9, $0x8  }
0x3a0: {  	s8 =	sand.u32 $0x3FFFF800, s8;
	v0 =	vadd.f32 v0, v2  }
0x3a1: {  	s4 =	sor.u32 s4, s8  }
0x3a2: {  	[tilespmem:s4+$0x1B300] =	vst v0  }
0x3a3: {  	v0 =	vld [tilespmem:s5+$0x1310]  }
0x3a4: {  	v2 =	vld [tilespmem:s5+$0x1B10];
	_ =	sdelay $0x1  }
0x3a5: {  	v10 =	vld [tilespmem:s18+$0x1310];
	_ =	sdelay $0x1  }
0x3a6: {  	v11 =	vld [tilespmem:s18+$0x1B10];
	v0 =	vmul.f32 v0, v9  }
0x3a7: {  	v2 =	vmul.f32 v2, v8;
	_ =	sdelay $0x1  }
0x3a8: {  	v0 =	vadd.f32 v2, v0;
	v2 =	vmul.f32 v10, v7;
	_ =	sdelay $0x1  }
0x3a9: {  	v0 =	vadd.f32 v2, v0;
	v2 =	vmul.f32 v11, v6;
	_ =	sdelay $0x1  }
0x3aa: {  	v0 =	vadd.f32 v2, v0  }
0x3ab: {  	s8 =	sadd.s32 $0x1B300, s4  }
0x3ac: {  	[tilespmem:s8+$0x10] =	vst v0  }
0x3ad: {  	v0 =	vld [tilespmem:s5+$0x1320]  }
0x3ae: {  	v2 =	vld [tilespmem:s5+$0x1B20];
	_ =	sdelay $0x1  }
0x3af: {  	v10 =	vld [tilespmem:s18+$0x1320];
	_ =	sdelay $0x1  }
0x3b0: {  	v11 =	vld [tilespmem:s18+$0x1B20];
	v0 =	vmul.f32 v0, v9  }
0x3b1: {  	v2 =	vmul.f32 v2, v8;
	_ =	sdelay $0x1  }
0x3b2: {  	v0 =	vadd.f32 v2, v0;
	v2 =	vmul.f32 v10, v7;
	_ =	sdelay $0x1  }
0x3b3: {  	v0 =	vadd.f32 v2, v0;
	v2 =	vmul.f32 v11, v6;
	_ =	sdelay $0x1  }
0x3b4: {  	v0 =	vadd.f32 v2, v0;
	_ =	sdelay $0x1  }
0x3b5: {  	[tilespmem:s8+$0x20] =	vst v0  }
0x3b6: {  	v0 =	vld [tilespmem:s5+$0x1330]  }
0x3b7: {  	v2 =	vld [tilespmem:s5+$0x1B30]  }
0x3b8: {  	v10 =	vld [tilespmem:s18+$0x1330]  }
0x3b9: {  	v11 =	vld [tilespmem:s18+$0x1B30];
	_ =	sdelay $0x1  }
0x3ba: {  	v0 =	vmul.f32 v0, v9  }
0x3bb: {  	v2 =	vmul.f32 v2, v8  }
0x3bc: {  	v10 =	vmul.f32 v10, v7  }
0x3bd: {  	v0 =	vadd.f32 v2, v0;
	v2 =	vmul.f32 v11, v6;
	_ =	sdelay $0x1  }
0x3be: {  	v0 =	vadd.f32 v10, v0;
	_ =	sdelay $0x1  }
0x3bf: {  	v0 =	vadd.f32 v2, v0;
	_ =	sdelay $0x1  }
0x3c0: {  	[tilespmem:s8+$0x30] =	vst v0  }
0x3c1: {  	v0 =	vld [tilespmem:s5+$0x1B40]  }
0x3c2: {  	v2 =	vld [tilespmem:s5+$0x1340]  }
0x3c3: {  	v10 =	vld [tilespmem:s18+$0x1340]  }
0x3c4: {  	v11 =	vld [tilespmem:s18+$0x1B40];
	_ =	sdelay $0x1  }
0x3c5: {  	v0 =	vmul.f32 v0, v8  }
0x3c6: {  	v2 =	vmul.f32 v2, v9  }
0x3c7: {  	v10 =	vmul.f32 v10, v7  }
0x3c8: {  	v0 =	vadd.f32 v0, v2;
	v2 =	vmul.f32 v11, v6;
	_ =	sdelay $0x1  }
0x3c9: {  	v0 =	vadd.f32 v10, v0;
	_ =	sdelay $0x1  }
0x3ca: {  	v0 =	vadd.f32 v2, v0;
	_ =	sdelay $0x1  }
0x3cb: {  	[tilespmem:s8+$0x40] =	vst v0  }
0x3cc: {  	v0 =	vld [tilespmem:s5+$0x1350]  }
0x3cd: {  	v2 =	vld [tilespmem:s5+$0x1B50]  }
0x3ce: {  	v10 =	vld [tilespmem:s18+$0x1350]  }
0x3cf: {  	v11 =	vld [tilespmem:s18+$0x1B50];
	_ =	sdelay $0x1  }
0x3d0: {  	v0 =	vmul.f32 v0, v9  }
0x3d1: {  	v2 =	vmul.f32 v2, v8  }
0x3d2: {  	v10 =	vmul.f32 v10, v7  }
0x3d3: {  	v0 =	vadd.f32 v2, v0;
	v2 =	vmul.f32 v11, v6;
	_ =	sdelay $0x1  }
0x3d4: {  	v0 =	vadd.f32 v10, v0;
	_ =	sdelay $0x1  }
0x3d5: {  	v0 =	vadd.f32 v2, v0;
	_ =	sdelay $0x1  }
0x3d6: {  	[tilespmem:s8+$0x50] =	vst v0  }
0x3d7: {  	v0 =	vld [tilespmem:s5+$0x1360]  }
0x3d8: {  	v2 =	vld [tilespmem:s5+$0x1B60]  }
0x3d9: {  	v10 =	vld [tilespmem:s18+$0x1360]  }
0x3da: {  	v11 =	vld [tilespmem:s18+$0x1B60];
	_ =	sdelay $0x1  }
0x3db: {  	v0 =	vmul.f32 v0, v9  }
0x3dc: {  	v2 =	vmul.f32 v2, v8  }
0x3dd: {  	v10 =	vmul.f32 v10, v7  }
0x3de: {  	v0 =	vadd.f32 v2, v0;
	v2 =	vmul.f32 v11, v6;
	_ =	sdelay $0x1  }
0x3df: {  	v0 =	vadd.f32 v10, v0;
	_ =	sdelay $0x1  }
0x3e0: {  	v0 =	vadd.f32 v2, v0;
	_ =	sdelay $0x1  }
0x3e1: {  	[tilespmem:s8+$0x60] =	vst v0  }
0x3e2: {  	v0 =	vld [tilespmem:s5+$0x1B70]  }
0x3e3: {  	v2 =	vld [tilespmem:s5+$0x1370]  }
0x3e4: {  	v10 =	vld [tilespmem:s18+$0x1370]  }
0x3e5: {  	v11 =	vld [tilespmem:s18+$0x1B70];
	_ =	sdelay $0x1  }
0x3e6: {  	v0 =	vmul.f32 v0, v8  }
0x3e7: {  	v2 =	vmul.f32 v2, v9  }
0x3e8: {  	v10 =	vmul.f32 v10, v7  }
0x3e9: {  	v0 =	vadd.f32 v0, v2;
	v2 =	vmul.f32 v11, v6;
	_ =	sdelay $0x1  }
0x3ea: {  	v0 =	vadd.f32 v10, v0;
	_ =	sdelay $0x1  }
0x3eb: {  	v0 =	vadd.f32 v2, v0;
	_ =	sdelay $0x1  }
0x3ec: {  	[tilespmem:s8+$0x70] =	vst v0  }
0x3ed: {  	v0 =	vld [tilespmem:s5+$0x1700]  }
0x3ee: {  	v2 =	vld [tilespmem:s5+$0x1F00]  }
0x3ef: {  	v10 =	vld [tilespmem:s18+$0x1700];
	_ =	sdelay $0x2  }
0x3f0: {  	v11 =	vld [tilespmem:s18+$0x1F00];
	v0 =	vmul.f32 v0, v9  }
0x3f1: {  	v2 =	vmul.f32 v2, v8  }
0x3f2: {  	v10 =	vmul.f32 v10, v7  }
0x3f3: {  	v0 =	vadd.f32 v2, v0;
	_ =	sdelay $0x1  }
0x3f4: {  	v0 =	vadd.f32 v10, v0;
	v2 =	vmul.f32 v11, v6;
	_ =	sdelay $0x1  }
0x3f5: {  	v0 =	vadd.f32 v2, v0;
	_ =	sdelay $0x1  }
0x3f6: {  	[tilespmem:s8+$0x400] =	vst v0  }
0x3f7: {  	v0 =	vld [tilespmem:s5+$0x1710]  }
0x3f8: {  	v2 =	vld [tilespmem:s5+$0x1F10]  }
0x3f9: {  	v10 =	vld [tilespmem:s18+$0x1F10]  }
0x3fa: {  	v11 =	vld [tilespmem:s18+$0x1710];
	_ =	sdelay $0x1  }
0x3fb: {  	v0 =	vmul.f32 v0, v9  }
0x3fc: {  	v2 =	vmul.f32 v2, v8;
	_ =	sdelay $0x1  }
0x3fd: {  	v0 =	vadd.f32 v2, v0;
	v2 =	vmul.f32 v11, v7;
	_ =	sdelay $0x1  }
0x3fe: {  	v0 =	vadd.f32 v2, v0;
	v2 =	vmul.f32 v10, v6;
	_ =	sdelay $0x1  }
0x3ff: {  	v0 =	vadd.f32 v2, v0;
	_ =	sdelay $0x1  }
0x400: {  	[tilespmem:s8+$0x410] =	vst v0  }
0x401: {  	v0 =	vld [tilespmem:s5+$0x1F20]  }
0x402: {  	v2 =	vld [tilespmem:s5+$0x1720]  }
0x403: {  	v10 =	vld [tilespmem:s18+$0x1720]  }
0x404: {  	v11 =	vld [tilespmem:s18+$0x1F20];
	_ =	sdelay $0x1  }
0x405: {  	v0 =	vmul.f32 v0, v8  }
0x406: {  	v2 =	vmul.f32 v2, v9  }
0x407: {  	v10 =	vmul.f32 v10, v7  }
0x408: {  	v0 =	vadd.f32 v0, v2;
	v2 =	vmul.f32 v11, v6;
	_ =	sdelay $0x1  }
0x409: {  	v0 =	vadd.f32 v10, v0;
	_ =	sdelay $0x1  }
0x40a: {  	v0 =	vadd.f32 v2, v0;
	_ =	sdelay $0x1  }
0x40b: {  	[tilespmem:s8+$0x420] =	vst v0  }
0x40c: {  	v0 =	vld [tilespmem:s5+$0x1730]  }
0x40d: {  	v2 =	vld [tilespmem:s5+$0x1F30]  }
0x40e: {  	v10 =	vld [tilespmem:s18+$0x1730]  }
0x40f: {  	v11 =	vld [tilespmem:s18+$0x1F30];
	_ =	sdelay $0x1  }
0x410: {  	v0 =	vmul.f32 v0, v9  }
0x411: {  	v2 =	vmul.f32 v2, v8  }
0x412: {  	v10 =	vmul.f32 v10, v7  }
0x413: {  	v0 =	vadd.f32 v2, v0;
	v2 =	vmul.f32 v11, v6;
	_ =	sdelay $0x1  }
0x414: {  	v0 =	vadd.f32 v10, v0;
	_ =	sdelay $0x1  }
0x415: {  	v0 =	vadd.f32 v2, v0;
	_ =	sdelay $0x1  }
0x416: {  	[tilespmem:s8+$0x430] =	vst v0  }
0x417: {  	v0 =	vld [tilespmem:s5+$0x1740]  }
0x418: {  	v2 =	vld [tilespmem:s5+$0x1F40]  }
0x419: {  	v10 =	vld [tilespmem:s18+$0x1740]  }
0x41a: {  	v11 =	vld [tilespmem:s18+$0x1F40];
	_ =	sdelay $0x1  }
0x41b: {  	v0 =	vmul.f32 v0, v9  }
0x41c: {  	v2 =	vmul.f32 v2, v8  }
0x41d: {  	v10 =	vmul.f32 v10, v7  }
0x41e: {  	v0 =	vadd.f32 v2, v0;
	v2 =	vmul.f32 v11, v6;
	_ =	sdelay $0x1  }
0x41f: {  	v0 =	vadd.f32 v10, v0;
	_ =	sdelay $0x1  }
0x420: {  	v0 =	vadd.f32 v2, v0;
	_ =	sdelay $0x1  }
0x421: {  	[tilespmem:s8+$0x440] =	vst v0  }
0x422: {  	v0 =	vld [tilespmem:s5+$0x1750]  }
0x423: {  	v2 =	vld [tilespmem:s5+$0x1F50]  }
0x424: {  	v10 =	vld [tilespmem:s18+$0x1750]  }
0x425: {  	v11 =	vld [tilespmem:s18+$0x1F50];
	_ =	sdelay $0x1  }
0x426: {  	v0 =	vmul.f32 v0, v9  }
0x427: {  	v2 =	vmul.f32 v2, v8  }
0x428: {  	v10 =	vmul.f32 v10, v7  }
0x429: {  	v0 =	vadd.f32 v2, v0;
	v2 =	vmul.f32 v11, v6;
	_ =	sdelay $0x1  }
0x42a: {  	v0 =	vadd.f32 v10, v0;
	_ =	sdelay $0x1  }
0x42b: {  	v0 =	vadd.f32 v2, v0;
	_ =	sdelay $0x1  }
0x42c: {  	[tilespmem:s8+$0x450] =	vst v0  }
0x42d: {  	v2 =	vld [tilespmem:s5+$0x1760]  }
0x42e: {  	v12 =	vld [tilespmem:s5+$0x1F60]  }
.Ltmp0:
0x42f: {  	v0 =	vld [tilespmem:s18+$0x1760];
	(pc) =	sbr.rel @p0 .LBB2_4-.Ltmp0, $3  }
0x430: {  	v10 =	vld [tilespmem:s18+$0x1F60];
	_ =	sdelay $0x1  }
0x431: {  	v11 =	vmul.f32 v2, v9  }
0x432: {  	s9 =	sadd.s32 $0x1, s9;
	v12 =	vmul.f32 v12, v8  }
0x433: {  	_ = 	snop  }
0x434: {  	v0 =	vmul.f32 v0, v7;
	v2 =	vadd.f32 v12, v11;
	_ =	sdelay $0x1  }
0x435: {  	v10 =	vmul.f32 v10, v6;
	v0 =	vadd.f32 v0, v2;
	_ =	sdelay $0x1  }
0x436: {  	v0 =	vadd.f32 v10, v0  }
0x437: {  	s4 =	smulhi.u32 $0x24924925, s9  }
0x438: {  	[tilespmem:s8+$0x460] =	vst v0  }
0x439: {  	s13 =	smul.u32 $0x25, s9;
	s11 =	ssub.s32 s9, s4;
	v0 =	vld [tilespmem:s5+$0x1770]  }
0x43a: {  	s11 =	sshrl.u32 s11, $0x1;
	v2 =	vld [tilespmem:s5+$0x1F70]  }
0x43b: {  	s13 =	sshrl.u32 s13, $0x8;
	s4 =	sadd.s32 s4, s11  }
0x43c: {  	s14 =	ssub.s32 s9, s13;
	s4 =	sshrl.u32 s4, $0x2;
	v43 =	vld [tilespmem:s18+$0x1770]  }
0x43d: {  	s11 =	sand.u32 $0xFE, s14;
	s4 =	smul.u32 $0xFFFFFFF9, s4  }
0x43e: {  	s11 =	sshrl.u32 s11, $0x1;
	v44 =	vld [tilespmem:s18+$0x1F70]  }
0x43f: {  	s4 =	sadd.s32 s4, s9;
	s5 =	sadd.s32 s13, s11;
	v0 =	vmul.f32 v0, v9;
	v2 =	vmul.f32 v2, v8  }
0x440: {  	s4 =	sshll.u32 s4, $0x7;
	s5 =	sand.u32 $0xFC, s5  }
0x441: {  	v45 =	vor.u32 s4, v5;
	s5 =	sshll.u32 s5, $0x5;
	v7 =	vmul.f32 v43, v7;
	v0 =	vadd.f32 v2, v0  }
0x442: {  	v5 =	vor.u32 s5, v5;
	v2 =	vbroadcast v45, $0x0  }
0x443: {  	v5 =	vbroadcast v5, $0x0;
	v6 =	vmul.f32 v44, v6;
	v0 =	vadd.f32 v7, v0;
	_ =	sdelay $0x1  }
0x444: {  	v0 =	vadd.f32 v6, v0;
	_ =	sdelay $0x1  }
0x445: {  	[tilespmem:s8+$0x470] =	vst v0  }
0x446: {  	v2 =	vld.idx.msk [tilespmem:v2+s25+$0x0], $0xffff  }
0x447: {  	v5 =	vld.idx.msk [tilespmem:v5+s24+$0x0], $0xffff  }
0x448: {  	s11 =	sadd.s32 $0x80, s17  }
0x449: {  	s17 =	sshll.u32 s9, $0x9;
	s14 =	sadd.s32 $0xFFFFE780, s11  }
0x44a: {  	s13 =	sand.u32 $0x3FFFF000, s17;
	s18 =	sand.u32 $0x380, s14  }
0x44b: {  	s5 =	sor.u32 s18, s13  }
0x44c: {  	v46 =	vld [tilespmem:s5+$0x1300];
	v0 =	vmul.f32 v2, v5  }
0x44d: {  	s14 =	sand.u32 $0xF000, s10;
	s4 =	sand.u32 $0x380, s11;
	v47 =	vld [tilespmem:s5+$0x1B00]  }
0x44e: {  	s8 =	sor.u32 s4, s14;
	v7 =	vsub.f32 $1.000000000e+00, v2;
	v5 =	vsub.f32 v5, v0  }
0x44f: {  	v48 =	vld [tilespmem:s8+$0x1300]  }
0x450: {  	v6 =	vsub.f32 v2, v0;
	v7 =	vsub.f32 v7, v5  }
0x451: {  	v2 =	vld [tilespmem:s8+$0x1B00]  }
0x452: {  	v9 =	vmul.f32 v6, v47;
	v8 =	vmul.f32 v7, v46;
	_ =	sdelay $0x1  }
0x453: {  	v10 =	vmul.f32 v48, v5;
	v8 =	vadd.f32 v8, v9;
	_ =	sdelay $0x1  }
0x454: {  	v2 =	vmul.f32 v2, v0;
	v8 =	vadd.f32 v8, v10  }
0x455: {  	s17 =	sshll.u32 s9, $0x8  }
0x456: {  	s4 =	sand.u32 $0x3FFFF800, s17;
	v2 =	vadd.f32 v8, v2  }
0x457: {  	s4 =	sor.u32 s18, s4  }
0x458: {  	[tilespmem:s4+$0x1B300] =	vst v2  }
0x459: {  	v2 =	vld [tilespmem:s5+$0x1310]  }
0x45a: {  	v49 =	vld [tilespmem:s5+$0x1B10];
	_ =	sdelay $0x1  }
0x45b: {  	v50 =	vld [tilespmem:s8+$0x1310];
	_ =	sdelay $0x1  }
0x45c: {  	v51 =	vld [tilespmem:s8+$0x1B10]  }
0x45d: {  	v2 =	vmul.f32 v2, v7;
	v8 =	vmul.f32 v49, v6;
	_ =	sdelay $0x1  }
0x45e: {  	v52 =	vmul.f32 v50, v5;
	v2 =	vadd.f32 v8, v2;
	_ =	sdelay $0x1  }
0x45f: {  	v53 =	vmul.f32 v51, v0;
	v2 =	vadd.f32 v52, v2;
	_ =	sdelay $0x1  }
0x460: {  	v2 =	vadd.f32 v53, v2  }
0x461: {  	s18 =	sadd.s32 $0x1B300, s4  }
0x462: {  	[tilespmem:s18+$0x10] =	vst v2  }
0x463: {  	v2 =	vld [tilespmem:s5+$0x1320]  }
0x464: {  	v54 =	vld [tilespmem:s5+$0x1B20];
	_ =	sdelay $0x1  }
0x465: {  	v56 =	vld [tilespmem:s8+$0x1320];
	_ =	sdelay $0x1  }
0x466: {  	v57 =	vld [tilespmem:s8+$0x1B20]  }
0x467: {  	v2 =	vmul.f32 v2, v7;
	v8 =	vmul.f32 v54, v6;
	_ =	sdelay $0x1  }
0x468: {  	v58 =	vmul.f32 v56, v5;
	v2 =	vadd.f32 v8, v2;
	_ =	sdelay $0x1  }
0x469: {  	v59 =	vmul.f32 v57, v0;
	v2 =	vadd.f32 v58, v2;
	_ =	sdelay $0x1  }
0x46a: {  	v2 =	vadd.f32 v59, v2;
	_ =	sdelay $0x1  }
0x46b: {  	[tilespmem:s18+$0x20] =	vst v2  }
0x46c: {  	v2 =	vld [tilespmem:s5+$0x1330]  }
0x46d: {  	v60 =	vld [tilespmem:s5+$0x1B30];
	_ =	sdelay $0x1  }
0x46e: {  	v61 =	vld [tilespmem:s8+$0x1330];
	_ =	sdelay $0x1  }
0x46f: {  	v62 =	vld [tilespmem:s8+$0x1B30]  }
0x470: {  	v2 =	vmul.f32 v2, v7;
	v8 =	vmul.f32 v60, v6;
	_ =	sdelay $0x1  }
0x471: {  	v9 =	vmul.f32 v61, v5;
	v2 =	vadd.f32 v8, v2;
	_ =	sdelay $0x1  }
0x472: {  	v12 =	vmul.f32 v62, v0;
	v2 =	vadd.f32 v9, v2;
	_ =	sdelay $0x1  }
0x473: {  	v2 =	vadd.f32 v12, v2;
	_ =	sdelay $0x1  }
0x474: {  	[tilespmem:s18+$0x30] =	vst v2  }
0x475: {  	v2 =	vld [tilespmem:s5+$0x1B40]  }
0x476: {  	v13 =	vld [tilespmem:s5+$0x1340];
	_ =	sdelay $0x1  }
0x477: {  	v14 =	vld [tilespmem:s8+$0x1340];
	_ =	sdelay $0x1  }
0x478: {  	v15 =	vld [tilespmem:s8+$0x1B40]  }
0x479: {  	v2 =	vmul.f32 v2, v6;
	v8 =	vmul.f32 v13, v7;
	_ =	sdelay $0x1  }
0x47a: {  	v9 =	vmul.f32 v14, v5;
	v2 =	vadd.f32 v2, v8;
	_ =	sdelay $0x1  }
0x47b: {  	v16 =	vmul.f32 v15, v0;
	v2 =	vadd.f32 v9, v2;
	_ =	sdelay $0x1  }
0x47c: {  	v2 =	vadd.f32 v16, v2;
	_ =	sdelay $0x1  }
0x47d: {  	[tilespmem:s18+$0x40] =	vst v2  }
0x47e: {  	v2 =	vld [tilespmem:s5+$0x1350]  }
0x47f: {  	v17 =	vld [tilespmem:s5+$0x1B50];
	_ =	sdelay $0x1  }
0x480: {  	v18 =	vld [tilespmem:s8+$0x1350];
	_ =	sdelay $0x1  }
0x481: {  	v19 =	vld [tilespmem:s8+$0x1B50]  }
0x482: {  	v2 =	vmul.f32 v2, v7;
	v8 =	vmul.f32 v17, v6;
	_ =	sdelay $0x1  }
0x483: {  	v9 =	vmul.f32 v18, v5;
	v2 =	vadd.f32 v8, v2;
	_ =	sdelay $0x1  }
0x484: {  	v20 =	vmul.f32 v19, v0;
	v2 =	vadd.f32 v9, v2;
	_ =	sdelay $0x1  }
0x485: {  	v2 =	vadd.f32 v20, v2;
	_ =	sdelay $0x1  }
0x486: {  	[tilespmem:s18+$0x50] =	vst v2  }
0x487: {  	v2 =	vld [tilespmem:s5+$0x1360]  }
0x488: {  	v21 =	vld [tilespmem:s5+$0x1B60];
	_ =	sdelay $0x1  }
0x489: {  	v22 =	vld [tilespmem:s8+$0x1360];
	_ =	sdelay $0x1  }
0x48a: {  	v23 =	vld [tilespmem:s8+$0x1B60]  }
0x48b: {  	v2 =	vmul.f32 v2, v7;
	v8 =	vmul.f32 v21, v6;
	_ =	sdelay $0x1  }
0x48c: {  	v9 =	vmul.f32 v22, v5;
	v2 =	vadd.f32 v8, v2;
	_ =	sdelay $0x1  }
0x48d: {  	v24 =	vmul.f32 v23, v0;
	v2 =	vadd.f32 v9, v2;
	_ =	sdelay $0x1  }
0x48e: {  	v2 =	vadd.f32 v24, v2;
	_ =	sdelay $0x1  }
0x48f: {  	[tilespmem:s18+$0x60] =	vst v2  }
0x490: {  	v2 =	vld [tilespmem:s5+$0x1B70]  }
0x491: {  	v25 =	vld [tilespmem:s5+$0x1370];
	_ =	sdelay $0x1  }
0x492: {  	v26 =	vld [tilespmem:s8+$0x1370];
	_ =	sdelay $0x1  }
0x493: {  	v27 =	vld [tilespmem:s8+$0x1B70]  }
0x494: {  	v2 =	vmul.f32 v2, v6;
	v8 =	vmul.f32 v25, v7;
	_ =	sdelay $0x1  }
0x495: {  	v9 =	vmul.f32 v26, v5;
	v2 =	vadd.f32 v2, v8;
	_ =	sdelay $0x1  }
0x496: {  	v28 =	vmul.f32 v27, v0;
	v2 =	vadd.f32 v9, v2;
	_ =	sdelay $0x1  }
0x497: {  	v2 =	vadd.f32 v28, v2;
	_ =	sdelay $0x1  }
0x498: {  	[tilespmem:s18+$0x70] =	vst v2  }
0x499: {  	v2 =	vld [tilespmem:s5+$0x1700]  }
0x49a: {  	v29 =	vld [tilespmem:s5+$0x1F00];
	_ =	sdelay $0x1  }
0x49b: {  	v30 =	vld [tilespmem:s8+$0x1700];
	_ =	sdelay $0x1  }
0x49c: {  	v31 =	vld [tilespmem:s8+$0x1F00]  }
0x49d: {  	v2 =	vmul.f32 v2, v7;
	v8 =	vmul.f32 v29, v6;
	_ =	sdelay $0x1  }
0x49e: {  	v9 =	vmul.f32 v30, v5;
	v2 =	vadd.f32 v8, v2;
	_ =	sdelay $0x1  }
0x49f: {  	v32 =	vmul.f32 v31, v0;
	v2 =	vadd.f32 v9, v2;
	_ =	sdelay $0x1  }
0x4a0: {  	v2 =	vadd.f32 v32, v2;
	_ =	sdelay $0x1  }
0x4a1: {  	[tilespmem:s18+$0x400] =	vst v2  }
0x4a2: {  	v2 =	vld [tilespmem:s5+$0x1710]  }
0x4a3: {  	v33 =	vld [tilespmem:s5+$0x1F10];
	_ =	sdelay $0x1  }
0x4a4: {  	v34 =	vld [tilespmem:s8+$0x1710];
	_ =	sdelay $0x1  }
0x4a5: {  	v35 =	vld [tilespmem:s8+$0x1F10]  }
0x4a6: {  	v2 =	vmul.f32 v2, v7;
	v8 =	vmul.f32 v33, v6;
	_ =	sdelay $0x1  }
0x4a7: {  	v36 =	vmul.f32 v34, v5;
	v2 =	vadd.f32 v8, v2;
	_ =	sdelay $0x1  }
0x4a8: {  	v37 =	vmul.f32 v35, v0;
	v2 =	vadd.f32 v36, v2;
	_ =	sdelay $0x1  }
0x4a9: {  	v2 =	vadd.f32 v37, v2;
	_ =	sdelay $0x1  }
0x4aa: {  	[tilespmem:s18+$0x410] =	vst v2  }
0x4ab: {  	v2 =	vld [tilespmem:s5+$0x1F20]  }
0x4ac: {  	v38 =	vld [tilespmem:s5+$0x1720];
	_ =	sdelay $0x1  }
0x4ad: {  	v39 =	vld [tilespmem:s8+$0x1720];
	_ =	sdelay $0x1  }
0x4ae: {  	v40 =	vld [tilespmem:s8+$0x1F20]  }
0x4af: {  	v2 =	vmul.f32 v2, v6;
	v8 =	vmul.f32 v38, v7;
	_ =	sdelay $0x1  }
0x4b0: {  	v9 =	vmul.f32 v39, v5;
	v2 =	vadd.f32 v2, v8;
	_ =	sdelay $0x1  }
0x4b1: {  	v41 =	vmul.f32 v40, v0;
	v2 =	vadd.f32 v9, v2;
	_ =	sdelay $0x1  }
0x4b2: {  	v2 =	vadd.f32 v41, v2;
	_ =	sdelay $0x1  }
0x4b3: {  	[tilespmem:s18+$0x420] =	vst v2  }
0x4b4: {  	v2 =	vld [tilespmem:s5+$0x1730]  }
0x4b5: {  	v42 =	vld [tilespmem:s5+$0x1F30];
	_ =	sdelay $0x1  }
0x4b6: {  	v43 =	vld [tilespmem:s8+$0x1730];
	_ =	sdelay $0x1  }
0x4b7: {  	v44 =	vld [tilespmem:s8+$0x1F30]  }
0x4b8: {  	v2 =	vmul.f32 v2, v7;
	v8 =	vmul.f32 v42, v6;
	_ =	sdelay $0x1  }
0x4b9: {  	v9 =	vmul.f32 v43, v5;
	v2 =	vadd.f32 v8, v2;
	_ =	sdelay $0x1  }
0x4ba: {  	v45 =	vmul.f32 v44, v0;
	v2 =	vadd.f32 v9, v2;
	_ =	sdelay $0x1  }
0x4bb: {  	v2 =	vadd.f32 v45, v2;
	_ =	sdelay $0x1  }
0x4bc: {  	[tilespmem:s18+$0x430] =	vst v2  }
0x4bd: {  	v2 =	vld [tilespmem:s5+$0x1740]  }
0x4be: {  	v46 =	vld [tilespmem:s5+$0x1F40];
	_ =	sdelay $0x1  }
0x4bf: {  	v47 =	vld [tilespmem:s8+$0x1740];
	_ =	sdelay $0x1  }
0x4c0: {  	v48 =	vld [tilespmem:s8+$0x1F40]  }
0x4c1: {  	v2 =	vmul.f32 v2, v7;
	v8 =	vmul.f32 v46, v6;
	_ =	sdelay $0x1  }
0x4c2: {  	v9 =	vmul.f32 v47, v5;
	v2 =	vadd.f32 v8, v2;
	_ =	sdelay $0x1  }
0x4c3: {  	v49 =	vmul.f32 v48, v0;
	v2 =	vadd.f32 v9, v2;
	_ =	sdelay $0x1  }
0x4c4: {  	v2 =	vadd.f32 v49, v2;
	_ =	sdelay $0x1  }
0x4c5: {  	[tilespmem:s18+$0x440] =	vst v2  }
0x4c6: {  	v2 =	vld [tilespmem:s5+$0x1750]  }
0x4c7: {  	v50 =	vld [tilespmem:s5+$0x1F50];
	_ =	sdelay $0x1  }
0x4c8: {  	v51 =	vld [tilespmem:s8+$0x1750];
	_ =	sdelay $0x1  }
0x4c9: {  	v52 =	vld [tilespmem:s8+$0x1F50]  }
0x4ca: {  	v2 =	vmul.f32 v2, v7;
	v8 =	vmul.f32 v50, v6;
	_ =	sdelay $0x1  }
0x4cb: {  	v9 =	vmul.f32 v51, v5;
	v2 =	vadd.f32 v8, v2;
	_ =	sdelay $0x1  }
0x4cc: {  	v53 =	vmul.f32 v52, v0;
	v2 =	vadd.f32 v9, v2;
	_ =	sdelay $0x1  }
0x4cd: {  	v2 =	vadd.f32 v53, v2;
	_ =	sdelay $0x1  }
0x4ce: {  	[tilespmem:s18+$0x450] =	vst v2  }
0x4cf: {  	v2 =	vld [tilespmem:s5+$0x1760]  }
0x4d0: {  	v54 =	vld [tilespmem:s5+$0x1F60];
	_ =	sdelay $0x1  }
0x4d1: {  	v56 =	vld [tilespmem:s8+$0x1760];
	_ =	sdelay $0x1  }
0x4d2: {  	v57 =	vld [tilespmem:s8+$0x1F60]  }
0x4d3: {  	v2 =	vmul.f32 v2, v7;
	v8 =	vmul.f32 v54, v6;
	_ =	sdelay $0x1  }
0x4d4: {  	v58 =	vmul.f32 v56, v5;
	v2 =	vadd.f32 v8, v2;
	_ =	sdelay $0x1  }
0x4d5: {  	v59 =	vmul.f32 v57, v0;
	v2 =	vadd.f32 v58, v2;
	_ =	sdelay $0x1  }
0x4d6: {  	v2 =	vadd.f32 v59, v2;
	_ =	sdelay $0x1  }
0x4d7: {  	[tilespmem:s18+$0x460] =	vst v2  }
0x4d8: {  	v2 =	vld [tilespmem:s5+$0x1770]  }
0x4d9: {  	v60 =	vld [tilespmem:s5+$0x1F70];
	_ =	sdelay $0x1  }
0x4da: {  	v61 =	vld [tilespmem:s8+$0x1770];
	_ =	sdelay $0x1  }
0x4db: {  	v62 =	vld [tilespmem:s8+$0x1F70]  }
0x4dc: {  	v2 =	vmul.f32 v2, v7;
	v6 =	vmul.f32 v60, v6;
	_ =	sdelay $0x1  }
0x4dd: {  	v5 =	vmul.f32 v61, v5;
	v2 =	vadd.f32 v6, v2  }
0x4de: {  	p0 =	sgt.u32 s16, $0x1387  }
0x4df: {  	s4 =	smul.u32 @!p0 $0x700, s16;
	v0 =	vmul.f32 v62, v0;
	v2 =	vadd.f32 v5, v2;
	_ =	sdelay $0x1  }
0x4e0: {  	s4 =	sadd.s32 @!p0 s6, s4;
	v0 =	vadd.f32 v0, v2  }
0x4e1: {  	s4 =	smov.u32 @p0 s7;
	p0 =	seq.s32 s0, $0x7  }
.Ltmp1:
0x4e2: {  	[tilespmem:s18+$0x470] =	vst v0;
	(pc) =	sbr.rel @p0 .LBB2_7-.Ltmp1, $4  }
0x4e3: {  	[hbm4b:s4+s3] =	stream.linear.scatter [tilespmem:s26], [sflag:$0x3], $0x3800, $0x38;
	[tilespmem:$0x1EB00] =	vst v63  }
0x4e4: {  	_ =	swait.ge [sflag:s28], $0xD000  }
0x4e5: {  	[sflag:s28] =	ssyncset.done $0x0  }
0x4e6: {  	[sflag:s28] =	ssyncadd.s32 $0xFFFF3000  }
0x4e7: {  	s4 =	sshll.u32 s0, $0x8  }
0x4e8: {  	s5 =	sand.u32 $0x3FFFFF00, s4  }
0x4e9: {  	v0 =	vld [tilespmem:s5+$0x400];
	_ =	sdelay $0x4  }
0x4ea: {  	v2 =	vshll.u32 v0, $0x2  }
0x4eb: {  	v0 =	vand.u32 $0x7, v0;
	v2 =	vand.u32 $0xFFFFFFE0, v2  }
0x4ec: {  	v0 =	vor.u32 v0, v2  }
0x4ed: {  	v2 =	vperm.xlane v0, v63;
	_ =	sdelay $0x1  }
0x4ee: {  	v2 =	vadd.s32 v3, v2;
	_ =	sdelay $0x1  }
0x4ef: {  	v0 =	vperm.xlane v0, v4;
	_ =	sdelay $0x1  }
0x4f0: {  	s9 =	simm.s32 $0x1300;
	v0 =	vadd.s32 v3, v0  }
0x4f1: {  	[tilespmem:s9], [sflag:$0x1] =	stream.indirect_vreg.gather [hbm4b:s2+s3], $0x80, v2, vm0, $0xb8;
	[tilespmem:$0x1EB00] =	vst v63  }
0x4f2: {  	s10 =	simm.s32 $0x1B00  }
0x4f3: {  	[tilespmem:s10], [sflag:$0x1] =	stream.indirect_vreg.gather [hbm4b:s12+s3], $0x80, v2, vm0, $0xb8;
	[tilespmem:$0x1EB00] =	vst v63  }
0x4f4: {  	s11 =	simm.s32 $0x2300  }
0x4f5: {  	[tilespmem:s11], [sflag:$0x1] =	stream.indirect_vreg.gather [hbm4b:s2+s3], $0x80, v0, vm0, $0xb8;
	[tilespmem:$0x1EB00] =	vst v63  }
0x4f6: {  	s13 =	simm.s32 $0x2B00  }
0x4f7: {  	[tilespmem:s13], [sflag:$0x1] =	stream.indirect_vreg.gather [hbm4b:s12+s3], $0x80, v0, vm0, $0xb8;
	[tilespmem:$0x1EB00] =	vst v63  }
0x4f8: {  	v0 =	vld [tilespmem:s5+$0x410];
	_ =	sdelay $0x4  }
0x4f9: {  	v2 =	vshll.u32 v0, $0x2  }
0x4fa: {  	v0 =	vand.u32 $0x7, v0;
	v2 =	vand.u32 $0xFFFFFFE0, v2  }
0x4fb: {  	v0 =	vor.u32 v0, v2  }
0x4fc: {  	v2 =	vperm.xlane v0, v63;
	_ =	sdelay $0x1  }
0x4fd: {  	v2 =	vadd.s32 v3, v2;
	_ =	sdelay $0x1  }
0x4fe: {  	v0 =	vperm.xlane v0, v4;
	_ =	sdelay $0x1  }
0x4ff: {  	s14 =	simm.s32 $0x3300;
	v0 =	vadd.s32 v3, v0  }
0x500: {  	[tilespmem:s14], [sflag:$0x1] =	stream.indirect_vreg.gather [hbm4b:s2+s3], $0x80, v2, vm0, $0xb8;
	[tilespmem:$0x1EB00] =	vst v63  }
0x501: {  	s16 =	simm.s32 $0x3B00  }
0x502: {  	[tilespmem:s16], [sflag:$0x1] =	stream.indirect_vreg.gather [hbm4b:s12+s3], $0x80, v2, vm0, $0xb8;
	[tilespmem:$0x1EB00] =	vst v63  }
0x503: {  	s17 =	simm.s32 $0x4300  }
0x504: {  	[tilespmem:s17], [sflag:$0x1] =	stream.indirect_vreg.gather [hbm4b:s2+s3], $0x80, v0, vm0, $0xb8;
	[tilespmem:$0x1EB00] =	vst v63  }
0x505: {  	s18 =	simm.s32 $0x4B00  }
0x506: {  	[tilespmem:s18], [sflag:$0x1] =	stream.indirect_vreg.gather [hbm4b:s12+s3], $0x80, v0, vm0, $0xb8;
	[tilespmem:$0x1EB00] =	vst v63  }
0x507: {  	v0 =	vld [tilespmem:s5+$0x420];
	_ =	sdelay $0x4  }
0x508: {  	v2 =	vshll.u32 v0, $0x2  }
0x509: {  	v0 =	vand.u32 $0x7, v0;
	v2 =	vand.u32 $0xFFFFFFE0, v2  }
0x50a: {  	v0 =	vor.u32 v0, v2  }
0x50b: {  	v2 =	vperm.xlane v0, v63;
	_ =	sdelay $0x1  }
0x50c: {  	v2 =	vadd.s32 v3, v2;
	_ =	sdelay $0x1  }
0x50d: {  	v0 =	vperm.xlane v0, v4;
	_ =	sdelay $0x1  }
0x50e: {  	s8 =	simm.s32 $0x5300;
	v0 =	vadd.s32 v3, v0  }
0x50f: {  	[tilespmem:s8], [sflag:$0x1] =	stream.indirect_vreg.gather [hbm4b:s2+s3], $0x80, v2, vm0, $0xb8;
	[tilespmem:$0x1EB00] =	vst v63  }
0x510: {  	s9 =	simm.s32 $0x5B00  }
0x511: {  	[tilespmem:s9], [sflag:$0x1] =	stream.indirect_vreg.gather [hbm4b:s12+s3], $0x80, v2, vm0, $0xb8;
	[tilespmem:$0x1EB00] =	vst v63  }
0x512: {  	s10 =	simm.s32 $0x6300  }
0x513: {  	[tilespmem:s10], [sflag:$0x1] =	stream.indirect_vreg.gather [hbm4b:s2+s3], $0x80, v0, vm0, $0xb8;
	[tilespmem:$0x1EB00] =	vst v63  }
0x514: {  	s11 =	simm.s32 $0x6B00  }
0x515: {  	[tilespmem:s11], [sflag:$0x1] =	stream.indirect_vreg.gather [hbm4b:s12+s3], $0x80, v0, vm0, $0xb8;
	[tilespmem:$0x1EB00] =	vst v63  }
0x516: {  	v0 =	vld [tilespmem:s5+$0x430];
	_ =	sdelay $0x4  }
0x517: {  	v2 =	vshll.u32 v0, $0x2  }
0x518: {  	v0 =	vand.u32 $0x7, v0;
	v2 =	vand.u32 $0xFFFFFFE0, v2  }
0x519: {  	v0 =	vor.u32 v0, v2  }
0x51a: {  	v2 =	vperm.xlane v0, v63;
	_ =	sdelay $0x1  }
0x51b: {  	v2 =	vadd.s32 v3, v2;
	_ =	sdelay $0x1  }
0x51c: {  	v0 =	vperm.xlane v0, v4;
	_ =	sdelay $0x1  }
0x51d: {  	s13 =	simm.s32 $0x7300;
	v0 =	vadd.s32 v3, v0  }
0x51e: {  	[tilespmem:s13], [sflag:$0x1] =	stream.indirect_vreg.gather [hbm4b:s2+s3], $0x80, v2, vm0, $0xb8;
	[tilespmem:$0x1EB00] =	vst v63  }
0x51f: {  	s14 =	simm.s32 $0x7B00  }
0x520: {  	[tilespmem:s14], [sflag:$0x1] =	stream.indirect_vreg.gather [hbm4b:s12+s3], $0x80, v2, vm0, $0xb8;
	[tilespmem:$0x1EB00] =	vst v63  }
0x521: {  	s16 =	simm.s32 $0x8300  }
0x522: {  	[tilespmem:s16], [sflag:$0x1] =	stream.indirect_vreg.gather [hbm4b:s2+s3], $0x80, v0, vm0, $0xb8;
	[tilespmem:$0x1EB00] =	vst v63  }
0x523: {  	s17 =	simm.s32 $0x8B00  }
0x524: {  	[tilespmem:s17], [sflag:$0x1] =	stream.indirect_vreg.gather [hbm4b:s12+s3], $0x80, v0, vm0, $0xb8;
	[tilespmem:$0x1EB00] =	vst v63  }
0x525: {  	v0 =	vld [tilespmem:s5+$0x440];
	_ =	sdelay $0x4  }
0x526: {  	v2 =	vshll.u32 v0, $0x2  }
0x527: {  	v0 =	vand.u32 $0x7, v0;
	v2 =	vand.u32 $0xFFFFFFE0, v2  }
0x528: {  	v0 =	vor.u32 v0, v2  }
0x529: {  	v2 =	vperm.xlane v0, v63;
	_ =	sdelay $0x1  }
0x52a: {  	v2 =	vadd.s32 v3, v2;
	_ =	sdelay $0x1  }
0x52b: {  	v0 =	vperm.xlane v0, v4;
	_ =	sdelay $0x1  }
0x52c: {  	s18 =	simm.s32 $0x9300;
	v0 =	vadd.s32 v3, v0  }
0x52d: {  	[tilespmem:s18], [sflag:$0x1] =	stream.indirect_vreg.gather [hbm4b:s2+s3], $0x80, v2, vm0, $0xb8;
	[tilespmem:$0x1EB00] =	vst v63  }
0x52e: {  	s8 =	simm.s32 $0x9B00  }
0x52f: {  	[tilespmem:s8], [sflag:$0x1] =	stream.indirect_vreg.gather [hbm4b:s12+s3], $0x80, v2, vm0, $0xb8;
	[tilespmem:$0x1EB00] =	vst v63  }
0x530: {  	s9 =	simm.s32 $0xA300  }
0x531: {  	[tilespmem:s9], [sflag:$0x1] =	stream.indirect_vreg.gather [hbm4b:s2+s3], $0x80, v0, vm0, $0xb8;
	[tilespmem:$0x1EB00] =	vst v63  }
0x532: {  	s10 =	simm.s32 $0xAB00  }
0x533: {  	[tilespmem:s10], [sflag:$0x1] =	stream.indirect_vreg.gather [hbm4b:s12+s3], $0x80, v0, vm0, $0xb8;
	[tilespmem:$0x1EB00] =	vst v63  }
0x534: {  	v0 =	vld [tilespmem:s5+$0x450];
	_ =	sdelay $0x4  }
0x535: {  	v2 =	vshll.u32 v0, $0x2  }
0x536: {  	v0 =	vand.u32 $0x7, v0;
	v2 =	vand.u32 $0xFFFFFFE0, v2  }
0x537: {  	v0 =	vor.u32 v0, v2  }
0x538: {  	v2 =	vperm.xlane v0, v63;
	_ =	sdelay $0x1  }
0x539: {  	v2 =	vadd.s32 v3, v2;
	_ =	sdelay $0x1  }
0x53a: {  	v0 =	vperm.xlane v0, v4;
	_ =	sdelay $0x1  }
0x53b: {  	s11 =	simm.s32 $0xB300;
	v0 =	vadd.s32 v3, v0  }
0x53c: {  	[tilespmem:s11], [sflag:$0x1] =	stream.indirect_vreg.gather [hbm4b:s2+s3], $0x80, v2, vm0, $0xb8;
	[tilespmem:$0x1EB00] =	vst v63  }
0x53d: {  	s13 =	simm.s32 $0xBB00  }
0x53e: {  	[tilespmem:s13], [sflag:$0x1] =	stream.indirect_vreg.gather [hbm4b:s12+s3], $0x80, v2, vm0, $0xb8;
	[tilespmem:$0x1EB00] =	vst v63  }
0x53f: {  	s14 =	simm.s32 $0xC300  }
0x540: {  	[tilespmem:s14], [sflag:$0x1] =	stream.indirect_vreg.gather [hbm4b:s2+s3], $0x80, v0, vm0, $0xb8;
	[tilespmem:$0x1EB00] =	vst v63  }
0x541: {  	s16 =	simm.s32 $0xCB00  }
0x542: {  	[tilespmem:s16], [sflag:$0x1] =	stream.indirect_vreg.gather [hbm4b:s12+s3], $0x80, v0, vm0, $0xb8;
	[tilespmem:$0x1EB00] =	vst v63  }
0x543: {  	v0 =	vld.msk [tilespmem:s5+$0x460], $0xff;
	_ =	sdelay $0x4  }
0x544: {  	v2 =	vshll.u32 v0, $0x2  }
0x545: {  	v0 =	vand.u32 $0x7, v0;
	v2 =	vand.u32 $0xFFFFFFE0, v2  }
0x546: {  	v0 =	vor.u32 v0, v2  }
0x547: {  	v0 =	vperm.xlane v0, v63;
	_ =	sdelay $0x1  }
0x548: {  	v0 =	vadd.s32 v3, v0;
	_ =	sdelay $0x3  }
0x549: {  	s17 =	simm.s32 $0xD300  }
0x54a: {  	[tilespmem:s17], [sflag:$0x1] =	stream.indirect_vreg.gather [hbm4b:s2+s3], $0x80, v0, vm0, $0xb8;
	[tilespmem:$0x1EB00] =	vst v63  }
0x54b: {  	s18 =	simm.s32 $0xDB00  }
0x54c: {  	[tilespmem:s18], [sflag:$0x1] =	stream.indirect_vreg.gather [hbm4b:s12+s3], $0x80, v0, vm0, $0xb8;
	[tilespmem:$0x1EB00] =	vst v63  }
.LBB2_7:
0x54d: {  	s4 =	simm.s32 $0x0  }
0x54e: {  	s5 =	smulhi.u32 $0x24924925, s4  }
0x54f: {  	s4 =	smul.u32 $0x25, s4;
	_ =	sdelay $0x1  }
0x550: {  	s8 =	ssub.s32 $0x0, s5;
	s4 =	sshrl.u32 s4, $0x8  }
0x551: {  	s8 =	sshrl.u32 s8, $0x1;
	s13 =	ssub.s32 $0x0, s4  }
0x552: {  	s5 =	sadd.s32 s5, s8;
	s8 =	sand.u32 $0xFE, s13  }
0x553: {  	s5 =	sshrl.u32 s5, $0x2;
	s8 =	sshrl.u32 s8, $0x1  }
0x554: {  	s5 =	smul.u32 $0xFFFFFFF9, s5;
	s4 =	sadd.s32 s4, s8  }
0x555: {  	v0 =	vmov s15;
	s4 =	sand.u32 $0xFC, s4  }
0x556: {  	v5 =	vand.u32 $0x7F, v0;
	s5 =	sadd.s32 $0x0, s5;
	s4 =	sshll.u32 s4, $0x5  }
0x557: {  	s5 =	sshll.u32 s5, $0x7;
	v2 =	vor.u32 s4, v5  }
0x558: {  	v0 =	vor.u32 s5, v5;
	v2 =	vbroadcast v2, $0x0  }
0x559: {  	v0 =	vbroadcast v0, $0x0;
	_ =	sdelay $0x1  }
0x55a: {  	_ =	swait.ge [sflag:s29], $0x3800  }
0x55b: {  	[sflag:s29] =	ssyncset.done $0x0  }
0x55c: {  	[sflag:s29] =	ssyncadd.s32 $0xFFFFC800  }
0x55d: {  	v2 =	vld.idx.msk [tilespmem:v2+s24+$0x0], $0xffff  }
0x55e: {  	v0 =	vld.idx.msk [tilespmem:v0+s25+$0x0], $0xffff;
	_ =	sdelay $0x1  }
0x55f: {  	s14 =	simm.s32 $0x0;
	s16 =	simm.s32 $0x0  }
0x560: {  	s4 =	sand.u32 $0x380, s14;
	s5 =	sand.u32 $0x3FFFF000, s16  }
0x561: {  	s5 =	sor.u32 s4, s5  }
0x562: {  	s17 =	simm.s32 $0x6200;
	s16 =	simm.s32 $0x1880;
	v10 =	vld [tilespmem:s5+$0xE300];
	v6 =	vmul.f32 v0, v2  }
0x563: {  	s8 =	sand.u32 $0xF000, s17;
	s9 =	sand.u32 $0x380, s16;
	v11 =	vld [tilespmem:s5+$0xEB00]  }
0x564: {  	s17 =	sor.u32 s9, s8;
	v9 =	vsub.f32 $1.000000000e+00, v0;
	v7 =	vsub.f32 v2, v6  }
0x565: {  	v2 =	vld [tilespmem:s17+$0xE300]  }
0x566: {  	v8 =	vsub.f32 v0, v6;
	v9 =	vsub.f32 v9, v7  }
0x567: {  	v0 =	vld [tilespmem:s17+$0xEB00]  }
0x568: {  	v11 =	vmul.f32 v8, v11;
	v10 =	vmul.f32 v9, v10;
	_ =	sdelay $0x1  }
0x569: {  	v2 =	vmul.f32 v2, v7;
	v10 =	vadd.f32 v10, v11;
	_ =	sdelay $0x1  }
0x56a: {  	v0 =	vmul.f32 v0, v6;
	v2 =	vadd.f32 v10, v2  }
0x56b: {  	s18 =	simm.s32 $0x0  }
0x56c: {  	s8 =	sand.u32 $0x3FFFF800, s18;
	v0 =	vadd.f32 v2, v0  }
0x56d: {  	s4 =	sor.u32 s4, s8  }
0x56e: {  	[tilespmem:s4+$0x1B300] =	vst v0  }
0x56f: {  	v0 =	vld [tilespmem:s5+$0xE310]  }
0x570: {  	v2 =	vld [tilespmem:s5+$0xEB10];
	_ =	sdelay $0x1  }
0x571: {  	v10 =	vld [tilespmem:s17+$0xE310];
	_ =	sdelay $0x1  }
0x572: {  	v11 =	vld [tilespmem:s17+$0xEB10]  }
0x573: {  	v0 =	vmul.f32 v0, v9;
	v2 =	vmul.f32 v2, v8;
	_ =	sdelay $0x1  }
0x574: {  	v0 =	vadd.f32 v2, v0;
	v2 =	vmul.f32 v10, v7;
	_ =	sdelay $0x1  }
0x575: {  	v0 =	vadd.f32 v2, v0;
	v2 =	vmul.f32 v11, v6;
	_ =	sdelay $0x1  }
0x576: {  	v0 =	vadd.f32 v2, v0  }
0x577: {  	s8 =	sadd.s32 $0x1B300, s4  }
0x578: {  	[tilespmem:s8+$0x10] =	vst v0  }
0x579: {  	v0 =	vld [tilespmem:s5+$0xE320]  }
0x57a: {  	v2 =	vld [tilespmem:s5+$0xEB20];
	_ =	sdelay $0x1  }
0x57b: {  	v10 =	vld [tilespmem:s17+$0xE320];
	_ =	sdelay $0x1  }
0x57c: {  	v11 =	vld [tilespmem:s17+$0xEB20]  }
0x57d: {  	v0 =	vmul.f32 v0, v9;
	v2 =	vmul.f32 v2, v8;
	_ =	sdelay $0x1  }
0x57e: {  	v0 =	vadd.f32 v2, v0;
	v2 =	vmul.f32 v10, v7;
	_ =	sdelay $0x1  }
0x57f: {  	v0 =	vadd.f32 v2, v0;
	v2 =	vmul.f32 v11, v6;
	_ =	sdelay $0x1  }
0x580: {  	v0 =	vadd.f32 v2, v0;
	_ =	sdelay $0x1  }
0x581: {  	[tilespmem:s8+$0x20] =	vst v0  }
0x582: {  	v0 =	vld [tilespmem:s5+$0xE330]  }
0x583: {  	v2 =	vld [tilespmem:s5+$0xEB30];
	_ =	sdelay $0x1  }
0x584: {  	v10 =	vld [tilespmem:s17+$0xE330];
	_ =	sdelay $0x1  }
0x585: {  	v11 =	vld [tilespmem:s17+$0xEB30]  }
0x586: {  	v0 =	vmul.f32 v0, v9;
	v2 =	vmul.f32 v2, v8;
	_ =	sdelay $0x1  }
0x587: {  	v10 =	vmul.f32 v10, v7;
	v0 =	vadd.f32 v2, v0;
	_ =	sdelay $0x1  }
0x588: {  	v2 =	vmul.f32 v11, v6;
	v0 =	vadd.f32 v10, v0;
	_ =	sdelay $0x1  }
0x589: {  	v0 =	vadd.f32 v2, v0;
	_ =	sdelay $0x1  }
0x58a: {  	[tilespmem:s8+$0x30] =	vst v0  }
0x58b: {  	v0 =	vld [tilespmem:s5+$0xEB40]  }
0x58c: {  	v2 =	vld [tilespmem:s5+$0xE340];
	_ =	sdelay $0x1  }
0x58d: {  	v10 =	vld [tilespmem:s17+$0xE340];
	_ =	sdelay $0x1  }
0x58e: {  	v11 =	vld [tilespmem:s17+$0xEB40]  }
0x58f: {  	v0 =	vmul.f32 v0, v8;
	v2 =	vmul.f32 v2, v9;
	_ =	sdelay $0x1  }
0x590: {  	v10 =	vmul.f32 v10, v7;
	v0 =	vadd.f32 v0, v2;
	_ =	sdelay $0x1  }
0x591: {  	v2 =	vmul.f32 v11, v6;
	v0 =	vadd.f32 v10, v0;
	_ =	sdelay $0x1  }
0x592: {  	v0 =	vadd.f32 v2, v0;
	_ =	sdelay $0x1  }
0x593: {  	[tilespmem:s8+$0x40] =	vst v0  }
0x594: {  	v0 =	vld [tilespmem:s5+$0xE350]  }
0x595: {  	v2 =	vld [tilespmem:s5+$0xEB50];
	_ =	sdelay $0x1  }
0x596: {  	v10 =	vld [tilespmem:s17+$0xE350];
	_ =	sdelay $0x1  }
0x597: {  	v11 =	vld [tilespmem:s17+$0xEB50]  }
0x598: {  	v0 =	vmul.f32 v0, v9;
	v2 =	vmul.f32 v2, v8;
	_ =	sdelay $0x1  }
0x599: {  	v10 =	vmul.f32 v10, v7;
	v0 =	vadd.f32 v2, v0;
	_ =	sdelay $0x1  }
0x59a: {  	v2 =	vmul.f32 v11, v6;
	v0 =	vadd.f32 v10, v0;
	_ =	sdelay $0x1  }
0x59b: {  	v0 =	vadd.f32 v2, v0;
	_ =	sdelay $0x1  }
0x59c: {  	[tilespmem:s8+$0x50] =	vst v0  }
0x59d: {  	v0 =	vld [tilespmem:s5+$0xE360]  }
0x59e: {  	v2 =	vld [tilespmem:s5+$0xEB60];
	_ =	sdelay $0x1  }
0x59f: {  	v10 =	vld [tilespmem:s17+$0xE360];
	_ =	sdelay $0x1  }
0x5a0: {  	v11 =	vld [tilespmem:s17+$0xEB60]  }
0x5a1: {  	v0 =	vmul.f32 v0, v9;
	v2 =	vmul.f32 v2, v8;
	_ =	sdelay $0x1  }
0x5a2: {  	v10 =	vmul.f32 v10, v7;
	v0 =	vadd.f32 v2, v0;
	_ =	sdelay $0x1  }
0x5a3: {  	v2 =	vmul.f32 v11, v6;
	v0 =	vadd.f32 v10, v0;
	_ =	sdelay $0x1  }
0x5a4: {  	v0 =	vadd.f32 v2, v0;
	_ =	sdelay $0x1  }
0x5a5: {  	[tilespmem:s8+$0x60] =	vst v0  }
0x5a6: {  	v0 =	vld [tilespmem:s5+$0xEB70]  }
0x5a7: {  	v2 =	vld [tilespmem:s5+$0xE370];
	_ =	sdelay $0x1  }
0x5a8: {  	v10 =	vld [tilespmem:s17+$0xE370];
	_ =	sdelay $0x1  }
0x5a9: {  	v11 =	vld [tilespmem:s17+$0xEB70]  }
0x5aa: {  	v0 =	vmul.f32 v0, v8;
	v2 =	vmul.f32 v2, v9;
	_ =	sdelay $0x1  }
0x5ab: {  	v10 =	vmul.f32 v10, v7;
	v0 =	vadd.f32 v0, v2;
	_ =	sdelay $0x1  }
0x5ac: {  	v2 =	vmul.f32 v11, v6;
	v0 =	vadd.f32 v10, v0;
	_ =	sdelay $0x1  }
0x5ad: {  	v0 =	vadd.f32 v2, v0;
	_ =	sdelay $0x1  }
0x5ae: {  	[tilespmem:s8+$0x70] =	vst v0  }
0x5af: {  	v0 =	vld [tilespmem:s5+$0xE700]  }
0x5b0: {  	v2 =	vld [tilespmem:s5+$0xEF00];
	_ =	sdelay $0x1  }
0x5b1: {  	v10 =	vld [tilespmem:s17+$0xE700];
	_ =	sdelay $0x1  }
0x5b2: {  	v11 =	vld [tilespmem:s17+$0xEF00]  }
0x5b3: {  	v0 =	vmul.f32 v0, v9;
	v2 =	vmul.f32 v2, v8;
	_ =	sdelay $0x1  }
0x5b4: {  	v10 =	vmul.f32 v10, v7;
	v0 =	vadd.f32 v2, v0;
	_ =	sdelay $0x1  }
0x5b5: {  	v2 =	vmul.f32 v11, v6;
	v0 =	vadd.f32 v10, v0;
	_ =	sdelay $0x1  }
0x5b6: {  	v0 =	vadd.f32 v2, v0;
	_ =	sdelay $0x1  }
0x5b7: {  	[tilespmem:s8+$0x400] =	vst v0  }
0x5b8: {  	v0 =	vld [tilespmem:s5+$0xE710]  }
0x5b9: {  	v2 =	vld [tilespmem:s5+$0xEF10];
	_ =	sdelay $0x1  }
0x5ba: {  	v10 =	vld [tilespmem:s17+$0xE710];
	_ =	sdelay $0x1  }
0x5bb: {  	v11 =	vld [tilespmem:s17+$0xEF10]  }
0x5bc: {  	v0 =	vmul.f32 v0, v9;
	v2 =	vmul.f32 v2, v8;
	_ =	sdelay $0x1  }
0x5bd: {  	v0 =	vadd.f32 v2, v0;
	v2 =	vmul.f32 v10, v7;
	_ =	sdelay $0x1  }
0x5be: {  	v0 =	vadd.f32 v2, v0;
	v2 =	vmul.f32 v11, v6;
	_ =	sdelay $0x1  }
0x5bf: {  	v0 =	vadd.f32 v2, v0;
	_ =	sdelay $0x1  }
0x5c0: {  	[tilespmem:s8+$0x410] =	vst v0  }
0x5c1: {  	v0 =	vld [tilespmem:s5+$0xEF20]  }
0x5c2: {  	v2 =	vld [tilespmem:s5+$0xE720];
	_ =	sdelay $0x1  }
0x5c3: {  	v10 =	vld [tilespmem:s17+$0xE720];
	_ =	sdelay $0x1  }
0x5c4: {  	v11 =	vld [tilespmem:s17+$0xEF20]  }
0x5c5: {  	v0 =	vmul.f32 v0, v8;
	v2 =	vmul.f32 v2, v9;
	_ =	sdelay $0x1  }
0x5c6: {  	v10 =	vmul.f32 v10, v7;
	v0 =	vadd.f32 v0, v2;
	_ =	sdelay $0x1  }
0x5c7: {  	v2 =	vmul.f32 v11, v6;
	v0 =	vadd.f32 v10, v0;
	_ =	sdelay $0x1  }
0x5c8: {  	v0 =	vadd.f32 v2, v0;
	_ =	sdelay $0x1  }
0x5c9: {  	[tilespmem:s8+$0x420] =	vst v0  }
0x5ca: {  	v0 =	vld [tilespmem:s5+$0xE730]  }
0x5cb: {  	v2 =	vld [tilespmem:s5+$0xEF30];
	_ =	sdelay $0x1  }
0x5cc: {  	v10 =	vld [tilespmem:s17+$0xE730];
	_ =	sdelay $0x1  }
0x5cd: {  	v11 =	vld [tilespmem:s17+$0xEF30]  }
0x5ce: {  	v0 =	vmul.f32 v0, v9;
	v2 =	vmul.f32 v2, v8;
	_ =	sdelay $0x1  }
0x5cf: {  	v10 =	vmul.f32 v10, v7;
	v0 =	vadd.f32 v2, v0;
	_ =	sdelay $0x1  }
0x5d0: {  	v2 =	vmul.f32 v11, v6;
	v0 =	vadd.f32 v10, v0;
	_ =	sdelay $0x1  }
0x5d1: {  	v0 =	vadd.f32 v2, v0;
	_ =	sdelay $0x1  }
0x5d2: {  	[tilespmem:s8+$0x430] =	vst v0  }
0x5d3: {  	v0 =	vld [tilespmem:s5+$0xE740]  }
0x5d4: {  	v2 =	vld [tilespmem:s5+$0xEF40];
	_ =	sdelay $0x1  }
0x5d5: {  	v10 =	vld [tilespmem:s17+$0xE740];
	_ =	sdelay $0x1  }
0x5d6: {  	v11 =	vld [tilespmem:s17+$0xEF40]  }
0x5d7: {  	v0 =	vmul.f32 v0, v9;
	v2 =	vmul.f32 v2, v8;
	_ =	sdelay $0x1  }
0x5d8: {  	v10 =	vmul.f32 v10, v7;
	v0 =	vadd.f32 v2, v0;
	_ =	sdelay $0x1  }
0x5d9: {  	v2 =	vmul.f32 v11, v6;
	v0 =	vadd.f32 v10, v0;
	_ =	sdelay $0x1  }
0x5da: {  	v0 =	vadd.f32 v2, v0;
	_ =	sdelay $0x1  }
0x5db: {  	[tilespmem:s8+$0x440] =	vst v0  }
0x5dc: {  	v0 =	vld [tilespmem:s5+$0xE750]  }
0x5dd: {  	v2 =	vld [tilespmem:s5+$0xEF50];
	_ =	sdelay $0x1  }
0x5de: {  	v10 =	vld [tilespmem:s17+$0xE750];
	_ =	sdelay $0x1  }
0x5df: {  	v11 =	vld [tilespmem:s17+$0xEF50]  }
0x5e0: {  	v0 =	vmul.f32 v0, v9;
	v2 =	vmul.f32 v2, v8;
	_ =	sdelay $0x1  }
0x5e1: {  	v10 =	vmul.f32 v10, v7;
	v0 =	vadd.f32 v2, v0;
	_ =	sdelay $0x1  }
0x5e2: {  	v2 =	vmul.f32 v11, v6;
	v0 =	vadd.f32 v10, v0;
	_ =	sdelay $0x1  }
0x5e3: {  	v0 =	vadd.f32 v2, v0;
	_ =	sdelay $0x1  }
0x5e4: {  	[tilespmem:s8+$0x450] =	vst v0  }
0x5e5: {  	v2 =	vld [tilespmem:s5+$0xE760]  }
0x5e6: {  	v12 =	vld [tilespmem:s5+$0xEF60]  }
0x5e7: {  	v0 =	vld [tilespmem:s17+$0xE760]  }
0x5e8: {  	v10 =	vld [tilespmem:s17+$0xEF60];
	_ =	sdelay $0x2  }
0x5e9: {  	s10 =	simm.s32 $0x6400;
	s11 =	simm.s32 $0x6600;
	s9 =	simm.s32 $0x1;
	v11 =	vmul.f32 v2, v9;
	v12 =	vmul.f32 v12, v8  }
.LBB2_8:
0x5ea: {  	p0 =	sne.s32 s11, $0xC200;
	s4 =	smulhi.u32 $0x24924925, s9;
	s16 =	sadd.s32 $0x80, s16  }
0x5eb: {  	v0 =	vmul.f32 v0, v7;
	s13 =	smov.u32 s11;
	s11 =	sadd.s32 $0x200, s11;
	v2 =	vadd.f32 v12, v11;
	v10 =	vmul.f32 v10, v6  }
0x5ec: {  	s14 =	ssub.s32 s9, s4  }
0x5ed: {  	s14 =	sshrl.u32 s14, $0x1;
	v0 =	vadd.f32 v0, v2  }
0x5ee: {  	s4 =	sadd.s32 s4, s14  }
0x5ef: {  	s4 =	sshrl.u32 s4, $0x2;
	v0 =	vadd.f32 v10, v0  }
0x5f0: {  	s4 =	smul.u32 $0xFFFFFFF9, s4  }
0x5f1: {  	[tilespmem:s8+$0x460] =	vst v0  }
0x5f2: {  	s14 =	smul.u32 $0x25, s9;
	s4 =	sadd.s32 s4, s9;
	v0 =	vld [tilespmem:s5+$0xE770]  }
0x5f3: {  	s4 =	sshll.u32 s4, $0x7;
	v2 =	vld [tilespmem:s5+$0xEF70]  }
0x5f4: {  	s5 =	sshrl.u32 s14, $0x8;
	v10 =	vor.u32 s4, v5;
	v11 =	vld [tilespmem:s17+$0xE770]  }
0x5f5: {  	s4 =	ssub.s32 s9, s5;
	v10 =	vbroadcast v10, $0x0;
	v12 =	vld [tilespmem:s17+$0xEF70]  }
0x5f6: {  	s4 =	sand.u32 $0xFE, s4  }
0x5f7: {  	s4 =	sshrl.u32 s4, $0x1;
	v0 =	vmul.f32 v0, v9  }
0x5f8: {  	s4 =	sadd.s32 s5, s4;
	v2 =	vmul.f32 v2, v8  }
0x5f9: {  	s4 =	sand.u32 $0xFC, s4;
	v7 =	vmul.f32 v11, v7  }
0x5fa: {  	s4 =	sshll.u32 s4, $0x5;
	v0 =	vadd.f32 v2, v0  }
0x5fb: {  	v2 =	vor.u32 s4, v5;
	v6 =	vmul.f32 v12, v6  }
0x5fc: {  	v2 =	vbroadcast v2, $0x0;
	v0 =	vadd.f32 v7, v0;
	_ =	sdelay $0x1  }
0x5fd: {  	v0 =	vadd.f32 v6, v0;
	_ =	sdelay $0x1  }
0x5fe: {  	s5 =	sshll.u32 s9, $0x9;
	s4 =	sadd.s32 $0xFFFFE780, s16;
	[tilespmem:s8+$0x470] =	vst v0  }
0x5ff: {  	s5 =	sand.u32 $0x3FFFF000, s5;
	s4 =	sand.u32 $0x380, s4;
	v0 =	vld.idx.msk [tilespmem:v10+s25+$0x0], $0xffff  }
0x600: {  	s5 =	sor.u32 s4, s5;
	v2 =	vld.idx.msk [tilespmem:v2+s24+$0x0], $0xffff  }
0x601: {  	s14 =	sand.u32 $0x380, s16;
	s8 =	sand.u32 $0xF000, s10;
	s10 =	smov.u32 s13;
	v10 =	vld [tilespmem:s5+$0xE300]  }
0x602: {  	s17 =	sor.u32 s14, s8  }
0x603: {  	v11 =	vld [tilespmem:s17+$0xE300];
	_ =	sdelay $0x1  }
0x604: {  	v12 =	vld [tilespmem:s17+$0xEB00]  }
0x605: {  	v6 =	vmul.f32 v0, v2  }
0x606: {  	v9 =	vsub.f32 $1.000000000e+00, v0;
	v13 =	vld [tilespmem:s5+$0xEB00]  }
0x607: {  	v7 =	vsub.f32 v2, v6;
	v8 =	vsub.f32 v0, v6;
	_ =	sdelay $0x1  }
0x608: {  	v9 =	vsub.f32 v9, v7;
	v0 =	vmul.f32 v11, v7;
	v2 =	vmul.f32 v12, v6;
	_ =	sdelay $0x1  }
0x609: {  	v10 =	vmul.f32 v9, v10;
	v11 =	vmul.f32 v8, v13;
	_ =	sdelay $0x1  }
0x60a: {  	v10 =	vadd.f32 v10, v11;
	_ =	sdelay $0x1  }
0x60b: {  	v0 =	vadd.f32 v10, v0  }
0x60c: {  	s8 =	sshll.u32 s9, $0x8  }
0x60d: {  	s8 =	sand.u32 $0x3FFFF800, s8;
	v0 =	vadd.f32 v0, v2  }
0x60e: {  	s4 =	sor.u32 s4, s8  }
0x60f: {  	[tilespmem:s4+$0x1B300] =	vst v0  }
0x610: {  	v0 =	vld [tilespmem:s5+$0xE310]  }
0x611: {  	v2 =	vld [tilespmem:s5+$0xEB10];
	_ =	sdelay $0x1  }
0x612: {  	v10 =	vld [tilespmem:s17+$0xE310];
	_ =	sdelay $0x1  }
0x613: {  	v11 =	vld [tilespmem:s17+$0xEB10];
	v0 =	vmul.f32 v0, v9  }
0x614: {  	v2 =	vmul.f32 v2, v8;
	_ =	sdelay $0x1  }
0x615: {  	v0 =	vadd.f32 v2, v0;
	v2 =	vmul.f32 v10, v7;
	_ =	sdelay $0x1  }
0x616: {  	v0 =	vadd.f32 v2, v0;
	v2 =	vmul.f32 v11, v6;
	_ =	sdelay $0x1  }
0x617: {  	v0 =	vadd.f32 v2, v0  }
0x618: {  	s8 =	sadd.s32 $0x1B300, s4  }
0x619: {  	[tilespmem:s8+$0x10] =	vst v0  }
0x61a: {  	v0 =	vld [tilespmem:s5+$0xE320]  }
0x61b: {  	v2 =	vld [tilespmem:s5+$0xEB20];
	_ =	sdelay $0x1  }
0x61c: {  	v10 =	vld [tilespmem:s17+$0xE320];
	_ =	sdelay $0x1  }
0x61d: {  	v11 =	vld [tilespmem:s17+$0xEB20];
	v0 =	vmul.f32 v0, v9  }
0x61e: {  	v2 =	vmul.f32 v2, v8;
	_ =	sdelay $0x1  }
0x61f: {  	v0 =	vadd.f32 v2, v0;
	v2 =	vmul.f32 v10, v7;
	_ =	sdelay $0x1  }
0x620: {  	v0 =	vadd.f32 v2, v0;
	v2 =	vmul.f32 v11, v6;
	_ =	sdelay $0x1  }
0x621: {  	v0 =	vadd.f32 v2, v0;
	_ =	sdelay $0x1  }
0x622: {  	[tilespmem:s8+$0x20] =	vst v0  }
0x623: {  	v0 =	vld [tilespmem:s5+$0xE330]  }
0x624: {  	v2 =	vld [tilespmem:s5+$0xEB30]  }
0x625: {  	v10 =	vld [tilespmem:s17+$0xE330]  }
0x626: {  	v11 =	vld [tilespmem:s17+$0xEB30];
	_ =	sdelay $0x1  }
0x627: {  	v0 =	vmul.f32 v0, v9  }
0x628: {  	v2 =	vmul.f32 v2, v8  }
0x629: {  	v10 =	vmul.f32 v10, v7  }
0x62a: {  	v0 =	vadd.f32 v2, v0;
	v2 =	vmul.f32 v11, v6;
	_ =	sdelay $0x1  }
0x62b: {  	v0 =	vadd.f32 v10, v0;
	_ =	sdelay $0x1  }
0x62c: {  	v0 =	vadd.f32 v2, v0;
	_ =	sdelay $0x1  }
0x62d: {  	[tilespmem:s8+$0x30] =	vst v0  }
0x62e: {  	v0 =	vld [tilespmem:s5+$0xEB40]  }
0x62f: {  	v2 =	vld [tilespmem:s5+$0xE340]  }
0x630: {  	v10 =	vld [tilespmem:s17+$0xE340]  }
0x631: {  	v11 =	vld [tilespmem:s17+$0xEB40];
	_ =	sdelay $0x1  }
0x632: {  	v0 =	vmul.f32 v0, v8  }
0x633: {  	v2 =	vmul.f32 v2, v9  }
0x634: {  	v10 =	vmul.f32 v10, v7  }
0x635: {  	v0 =	vadd.f32 v0, v2;
	v2 =	vmul.f32 v11, v6;
	_ =	sdelay $0x1  }
0x636: {  	v0 =	vadd.f32 v10, v0;
	_ =	sdelay $0x1  }
0x637: {  	v0 =	vadd.f32 v2, v0;
	_ =	sdelay $0x1  }
0x638: {  	[tilespmem:s8+$0x40] =	vst v0  }
0x639: {  	v0 =	vld [tilespmem:s5+$0xE350]  }
0x63a: {  	v2 =	vld [tilespmem:s5+$0xEB50]  }
0x63b: {  	v10 =	vld [tilespmem:s17+$0xE350]  }
0x63c: {  	v11 =	vld [tilespmem:s17+$0xEB50];
	_ =	sdelay $0x1  }
0x63d: {  	v0 =	vmul.f32 v0, v9  }
0x63e: {  	v2 =	vmul.f32 v2, v8  }
0x63f: {  	v10 =	vmul.f32 v10, v7  }
0x640: {  	v0 =	vadd.f32 v2, v0;
	v2 =	vmul.f32 v11, v6;
	_ =	sdelay $0x1  }
0x641: {  	v0 =	vadd.f32 v10, v0;
	_ =	sdelay $0x1  }
0x642: {  	v0 =	vadd.f32 v2, v0;
	_ =	sdelay $0x1  }
0x643: {  	[tilespmem:s8+$0x50] =	vst v0  }
0x644: {  	v0 =	vld [tilespmem:s5+$0xE360]  }
0x645: {  	v2 =	vld [tilespmem:s5+$0xEB60]  }
0x646: {  	v10 =	vld [tilespmem:s17+$0xE360]  }
0x647: {  	v11 =	vld [tilespmem:s17+$0xEB60];
	_ =	sdelay $0x1  }
0x648: {  	v0 =	vmul.f32 v0, v9  }
0x649: {  	v2 =	vmul.f32 v2, v8  }
0x64a: {  	v10 =	vmul.f32 v10, v7  }
0x64b: {  	v0 =	vadd.f32 v2, v0;
	v2 =	vmul.f32 v11, v6;
	_ =	sdelay $0x1  }
0x64c: {  	v0 =	vadd.f32 v10, v0;
	_ =	sdelay $0x1  }
0x64d: {  	v0 =	vadd.f32 v2, v0;
	_ =	sdelay $0x1  }
0x64e: {  	[tilespmem:s8+$0x60] =	vst v0  }
0x64f: {  	v0 =	vld [tilespmem:s5+$0xEB70]  }
0x650: {  	v2 =	vld [tilespmem:s5+$0xE370]  }
0x651: {  	v10 =	vld [tilespmem:s17+$0xE370]  }
0x652: {  	v11 =	vld [tilespmem:s17+$0xEB70];
	_ =	sdelay $0x1  }
0x653: {  	v0 =	vmul.f32 v0, v8  }
0x654: {  	v2 =	vmul.f32 v2, v9  }
0x655: {  	v10 =	vmul.f32 v10, v7  }
0x656: {  	v0 =	vadd.f32 v0, v2;
	v2 =	vmul.f32 v11, v6;
	_ =	sdelay $0x1  }
0x657: {  	v0 =	vadd.f32 v10, v0;
	_ =	sdelay $0x1  }
0x658: {  	v0 =	vadd.f32 v2, v0;
	_ =	sdelay $0x1  }
0x659: {  	[tilespmem:s8+$0x70] =	vst v0  }
0x65a: {  	v0 =	vld [tilespmem:s5+$0xE700]  }
0x65b: {  	v2 =	vld [tilespmem:s5+$0xEF00]  }
0x65c: {  	v10 =	vld [tilespmem:s17+$0xE700];
	_ =	sdelay $0x2  }
0x65d: {  	v11 =	vld [tilespmem:s17+$0xEF00];
	v0 =	vmul.f32 v0, v9  }
0x65e: {  	v2 =	vmul.f32 v2, v8  }
0x65f: {  	v10 =	vmul.f32 v10, v7  }
0x660: {  	v0 =	vadd.f32 v2, v0;
	_ =	sdelay $0x1  }
0x661: {  	v0 =	vadd.f32 v10, v0;
	v2 =	vmul.f32 v11, v6;
	_ =	sdelay $0x1  }
0x662: {  	v0 =	vadd.f32 v2, v0;
	_ =	sdelay $0x1  }
0x663: {  	[tilespmem:s8+$0x400] =	vst v0  }
0x664: {  	v0 =	vld [tilespmem:s5+$0xE710]  }
0x665: {  	v2 =	vld [tilespmem:s5+$0xEF10]  }
0x666: {  	v10 =	vld [tilespmem:s17+$0xEF10]  }
0x667: {  	v11 =	vld [tilespmem:s17+$0xE710];
	_ =	sdelay $0x1  }
0x668: {  	v0 =	vmul.f32 v0, v9  }
0x669: {  	v2 =	vmul.f32 v2, v8;
	_ =	sdelay $0x1  }
0x66a: {  	v0 =	vadd.f32 v2, v0;
	v2 =	vmul.f32 v11, v7;
	_ =	sdelay $0x1  }
0x66b: {  	v0 =	vadd.f32 v2, v0;
	v2 =	vmul.f32 v10, v6;
	_ =	sdelay $0x1  }
0x66c: {  	v0 =	vadd.f32 v2, v0;
	_ =	sdelay $0x1  }
0x66d: {  	[tilespmem:s8+$0x410] =	vst v0  }
0x66e: {  	v0 =	vld [tilespmem:s5+$0xEF20]  }
0x66f: {  	v2 =	vld [tilespmem:s5+$0xE720]  }
0x670: {  	v10 =	vld [tilespmem:s17+$0xE720]  }
0x671: {  	v11 =	vld [tilespmem:s17+$0xEF20];
	_ =	sdelay $0x1  }
0x672: {  	v0 =	vmul.f32 v0, v8  }
0x673: {  	v2 =	vmul.f32 v2, v9  }
0x674: {  	v10 =	vmul.f32 v10, v7  }
0x675: {  	v0 =	vadd.f32 v0, v2;
	v2 =	vmul.f32 v11, v6;
	_ =	sdelay $0x1  }
0x676: {  	v0 =	vadd.f32 v10, v0;
	_ =	sdelay $0x1  }
0x677: {  	v0 =	vadd.f32 v2, v0;
	_ =	sdelay $0x1  }
0x678: {  	[tilespmem:s8+$0x420] =	vst v0  }
0x679: {  	v0 =	vld [tilespmem:s5+$0xE730]  }
0x67a: {  	v2 =	vld [tilespmem:s5+$0xEF30]  }
0x67b: {  	v10 =	vld [tilespmem:s17+$0xE730]  }
0x67c: {  	v11 =	vld [tilespmem:s17+$0xEF30];
	_ =	sdelay $0x1  }
0x67d: {  	v0 =	vmul.f32 v0, v9  }
0x67e: {  	v2 =	vmul.f32 v2, v8  }
0x67f: {  	v10 =	vmul.f32 v10, v7  }
0x680: {  	v0 =	vadd.f32 v2, v0;
	v2 =	vmul.f32 v11, v6;
	_ =	sdelay $0x1  }
0x681: {  	v0 =	vadd.f32 v10, v0;
	_ =	sdelay $0x1  }
0x682: {  	v0 =	vadd.f32 v2, v0;
	_ =	sdelay $0x1  }
0x683: {  	[tilespmem:s8+$0x430] =	vst v0  }
0x684: {  	v0 =	vld [tilespmem:s5+$0xE740]  }
0x685: {  	v2 =	vld [tilespmem:s5+$0xEF40]  }
0x686: {  	v10 =	vld [tilespmem:s17+$0xE740]  }
0x687: {  	v11 =	vld [tilespmem:s17+$0xEF40];
	_ =	sdelay $0x1  }
0x688: {  	v0 =	vmul.f32 v0, v9  }
0x689: {  	v2 =	vmul.f32 v2, v8  }
0x68a: {  	v10 =	vmul.f32 v10, v7  }
0x68b: {  	v0 =	vadd.f32 v2, v0;
	v2 =	vmul.f32 v11, v6;
	_ =	sdelay $0x1  }
0x68c: {  	v0 =	vadd.f32 v10, v0;
	_ =	sdelay $0x1  }
0x68d: {  	v0 =	vadd.f32 v2, v0;
	_ =	sdelay $0x1  }
0x68e: {  	[tilespmem:s8+$0x440] =	vst v0  }
0x68f: {  	v0 =	vld [tilespmem:s5+$0xE750]  }
0x690: {  	v2 =	vld [tilespmem:s5+$0xEF50]  }
0x691: {  	v10 =	vld [tilespmem:s17+$0xE750]  }
0x692: {  	v11 =	vld [tilespmem:s17+$0xEF50];
	_ =	sdelay $0x1  }
0x693: {  	v0 =	vmul.f32 v0, v9  }
0x694: {  	v2 =	vmul.f32 v2, v8  }
0x695: {  	v10 =	vmul.f32 v10, v7  }
0x696: {  	v0 =	vadd.f32 v2, v0;
	v2 =	vmul.f32 v11, v6;
	_ =	sdelay $0x1  }
0x697: {  	v0 =	vadd.f32 v10, v0;
	_ =	sdelay $0x1  }
0x698: {  	v0 =	vadd.f32 v2, v0;
	_ =	sdelay $0x1  }
0x699: {  	[tilespmem:s8+$0x450] =	vst v0  }
0x69a: {  	v2 =	vld [tilespmem:s5+$0xE760]  }
0x69b: {  	v12 =	vld [tilespmem:s5+$0xEF60]  }
.Ltmp2:
0x69c: {  	v0 =	vld [tilespmem:s17+$0xE760];
	(pc) =	sbr.rel @p0 .LBB2_8-.Ltmp2, $3  }
0x69d: {  	v10 =	vld [tilespmem:s17+$0xEF60];
	_ =	sdelay $0x1  }
0x69e: {  	v11 =	vmul.f32 v2, v9  }
0x69f: {  	s9 =	sadd.s32 $0x1, s9;
	v12 =	vmul.f32 v12, v8  }
0x6a0: {  	_ = 	snop  }
0x6a1: {  	v0 =	vmul.f32 v0, v7;
	v2 =	vadd.f32 v12, v11;
	_ =	sdelay $0x1  }
0x6a2: {  	v10 =	vmul.f32 v10, v6;
	v0 =	vadd.f32 v0, v2;
	_ =	sdelay $0x1  }
0x6a3: {  	v0 =	vadd.f32 v10, v0  }
0x6a4: {  	s4 =	smulhi.u32 $0x24924925, s9  }
0x6a5: {  	[tilespmem:s8+$0x460] =	vst v0  }
0x6a6: {  	s13 =	smul.u32 $0x25, s9;
	s11 =	ssub.s32 s9, s4;
	v0 =	vld [tilespmem:s5+$0xE770]  }
0x6a7: {  	s11 =	sshrl.u32 s11, $0x1;
	v2 =	vld [tilespmem:s5+$0xEF70]  }
0x6a8: {  	s13 =	sshrl.u32 s13, $0x8;
	s4 =	sadd.s32 s4, s11  }
0x6a9: {  	s14 =	ssub.s32 s9, s13;
	s4 =	sshrl.u32 s4, $0x2;
	v43 =	vld [tilespmem:s17+$0xE770]  }
0x6aa: {  	s11 =	sand.u32 $0xFE, s14;
	s4 =	smul.u32 $0xFFFFFFF9, s4  }
0x6ab: {  	s11 =	sshrl.u32 s11, $0x1;
	v44 =	vld [tilespmem:s17+$0xEF70]  }
0x6ac: {  	s4 =	sadd.s32 s4, s9;
	s5 =	sadd.s32 s13, s11;
	v0 =	vmul.f32 v0, v9;
	v2 =	vmul.f32 v2, v8  }
0x6ad: {  	s4 =	sshll.u32 s4, $0x7;
	s5 =	sand.u32 $0xFC, s5  }
0x6ae: {  	v45 =	vor.u32 s4, v5;
	s17 =	sshll.u32 s5, $0x5;
	v7 =	vmul.f32 v43, v7;
	v0 =	vadd.f32 v2, v0  }
0x6af: {  	v5 =	vor.u32 s17, v5;
	v2 =	vbroadcast v45, $0x0  }
0x6b0: {  	v5 =	vbroadcast v5, $0x0;
	v6 =	vmul.f32 v44, v6;
	v0 =	vadd.f32 v7, v0;
	_ =	sdelay $0x1  }
0x6b1: {  	v0 =	vadd.f32 v6, v0;
	_ =	sdelay $0x1  }
0x6b2: {  	[tilespmem:s8+$0x470] =	vst v0  }
0x6b3: {  	v2 =	vld.idx.msk [tilespmem:v2+s25+$0x0], $0xffff  }
0x6b4: {  	v5 =	vld.idx.msk [tilespmem:v5+s24+$0x0], $0xffff  }
0x6b5: {  	s18 =	sadd.s32 $0x80, s16  }
0x6b6: {  	s11 =	sshll.u32 s9, $0x9;
	s8 =	sadd.s32 $0xFFFFE780, s18  }
0x6b7: {  	s14 =	sand.u32 $0x3FFFF000, s11;
	s13 =	sand.u32 $0x380, s8  }
0x6b8: {  	s5 =	sor.u32 s13, s14  }
0x6b9: {  	v46 =	vld [tilespmem:s5+$0xE300];
	v0 =	vmul.f32 v2, v5  }
0x6ba: {  	s16 =	sand.u32 $0xF000, s10;
	s4 =	sand.u32 $0x380, s18;
	v47 =	vld [tilespmem:s5+$0xEB00]  }
0x6bb: {  	s8 =	sor.u32 s4, s16;
	v7 =	vsub.f32 $1.000000000e+00, v2;
	v5 =	vsub.f32 v5, v0  }
0x6bc: {  	v48 =	vld [tilespmem:s8+$0xE300]  }
0x6bd: {  	v6 =	vsub.f32 v2, v0;
	v7 =	vsub.f32 v7, v5  }
0x6be: {  	v2 =	vld [tilespmem:s8+$0xEB00]  }
0x6bf: {  	v9 =	vmul.f32 v6, v47;
	v8 =	vmul.f32 v7, v46;
	_ =	sdelay $0x1  }
0x6c0: {  	v10 =	vmul.f32 v48, v5;
	v8 =	vadd.f32 v8, v9;
	_ =	sdelay $0x1  }
0x6c1: {  	v2 =	vmul.f32 v2, v0;
	v8 =	vadd.f32 v8, v10  }
0x6c2: {  	s17 =	sshll.u32 s9, $0x8  }
0x6c3: {  	s4 =	sand.u32 $0x3FFFF800, s17;
	v2 =	vadd.f32 v8, v2  }
0x6c4: {  	s4 =	sor.u32 s13, s4  }
0x6c5: {  	[tilespmem:s4+$0x1B300] =	vst v2  }
0x6c6: {  	v2 =	vld [tilespmem:s5+$0xE310]  }
0x6c7: {  	v49 =	vld [tilespmem:s5+$0xEB10];
	_ =	sdelay $0x1  }
0x6c8: {  	v50 =	vld [tilespmem:s8+$0xE310];
	_ =	sdelay $0x1  }
0x6c9: {  	v51 =	vld [tilespmem:s8+$0xEB10]  }
0x6ca: {  	v2 =	vmul.f32 v2, v7;
	v8 =	vmul.f32 v49, v6;
	_ =	sdelay $0x1  }
0x6cb: {  	v52 =	vmul.f32 v50, v5;
	v2 =	vadd.f32 v8, v2;
	_ =	sdelay $0x1  }
0x6cc: {  	v53 =	vmul.f32 v51, v0;
	v2 =	vadd.f32 v52, v2;
	_ =	sdelay $0x1  }
0x6cd: {  	v2 =	vadd.f32 v53, v2  }
0x6ce: {  	s18 =	sadd.s32 $0x1B300, s4  }
0x6cf: {  	[tilespmem:s18+$0x10] =	vst v2  }
0x6d0: {  	v2 =	vld [tilespmem:s5+$0xE320]  }
0x6d1: {  	v54 =	vld [tilespmem:s5+$0xEB20];
	_ =	sdelay $0x1  }
0x6d2: {  	v56 =	vld [tilespmem:s8+$0xE320];
	_ =	sdelay $0x1  }
0x6d3: {  	v57 =	vld [tilespmem:s8+$0xEB20]  }
0x6d4: {  	v2 =	vmul.f32 v2, v7;
	v8 =	vmul.f32 v54, v6;
	_ =	sdelay $0x1  }
0x6d5: {  	v58 =	vmul.f32 v56, v5;
	v2 =	vadd.f32 v8, v2;
	_ =	sdelay $0x1  }
0x6d6: {  	v59 =	vmul.f32 v57, v0;
	v2 =	vadd.f32 v58, v2;
	_ =	sdelay $0x1  }
0x6d7: {  	v2 =	vadd.f32 v59, v2;
	_ =	sdelay $0x1  }
0x6d8: {  	[tilespmem:s18+$0x20] =	vst v2  }
0x6d9: {  	v2 =	vld [tilespmem:s5+$0xE330]  }
0x6da: {  	v60 =	vld [tilespmem:s5+$0xEB30];
	_ =	sdelay $0x1  }
0x6db: {  	v61 =	vld [tilespmem:s8+$0xE330];
	_ =	sdelay $0x1  }
0x6dc: {  	v62 =	vld [tilespmem:s8+$0xEB30]  }
0x6dd: {  	v2 =	vmul.f32 v2, v7;
	v8 =	vmul.f32 v60, v6;
	_ =	sdelay $0x1  }
0x6de: {  	v9 =	vmul.f32 v61, v5;
	v2 =	vadd.f32 v8, v2;
	_ =	sdelay $0x1  }
0x6df: {  	v12 =	vmul.f32 v62, v0;
	v2 =	vadd.f32 v9, v2;
	_ =	sdelay $0x1  }
0x6e0: {  	v2 =	vadd.f32 v12, v2;
	_ =	sdelay $0x1  }
0x6e1: {  	[tilespmem:s18+$0x30] =	vst v2  }
0x6e2: {  	v2 =	vld [tilespmem:s5+$0xEB40]  }
0x6e3: {  	v13 =	vld [tilespmem:s5+$0xE340];
	_ =	sdelay $0x1  }
0x6e4: {  	v14 =	vld [tilespmem:s8+$0xE340];
	_ =	sdelay $0x1  }
0x6e5: {  	v15 =	vld [tilespmem:s8+$0xEB40]  }
0x6e6: {  	v2 =	vmul.f32 v2, v6;
	v8 =	vmul.f32 v13, v7;
	_ =	sdelay $0x1  }
0x6e7: {  	v9 =	vmul.f32 v14, v5;
	v2 =	vadd.f32 v2, v8;
	_ =	sdelay $0x1  }
0x6e8: {  	v16 =	vmul.f32 v15, v0;
	v2 =	vadd.f32 v9, v2;
	_ =	sdelay $0x1  }
0x6e9: {  	v2 =	vadd.f32 v16, v2;
	_ =	sdelay $0x1  }
0x6ea: {  	[tilespmem:s18+$0x40] =	vst v2  }
0x6eb: {  	v2 =	vld [tilespmem:s5+$0xE350]  }
0x6ec: {  	v17 =	vld [tilespmem:s5+$0xEB50];
	_ =	sdelay $0x1  }
0x6ed: {  	v18 =	vld [tilespmem:s8+$0xE350];
	_ =	sdelay $0x1  }
0x6ee: {  	v19 =	vld [tilespmem:s8+$0xEB50]  }
0x6ef: {  	v2 =	vmul.f32 v2, v7;
	v8 =	vmul.f32 v17, v6;
	_ =	sdelay $0x1  }
0x6f0: {  	v9 =	vmul.f32 v18, v5;
	v2 =	vadd.f32 v8, v2;
	_ =	sdelay $0x1  }
0x6f1: {  	v20 =	vmul.f32 v19, v0;
	v2 =	vadd.f32 v9, v2;
	_ =	sdelay $0x1  }
0x6f2: {  	v2 =	vadd.f32 v20, v2;
	_ =	sdelay $0x1  }
0x6f3: {  	[tilespmem:s18+$0x50] =	vst v2  }
0x6f4: {  	v2 =	vld [tilespmem:s5+$0xE360]  }
0x6f5: {  	v21 =	vld [tilespmem:s5+$0xEB60];
	_ =	sdelay $0x1  }
0x6f6: {  	v22 =	vld [tilespmem:s8+$0xE360];
	_ =	sdelay $0x1  }
0x6f7: {  	v23 =	vld [tilespmem:s8+$0xEB60]  }
0x6f8: {  	v2 =	vmul.f32 v2, v7;
	v8 =	vmul.f32 v21, v6;
	_ =	sdelay $0x1  }
0x6f9: {  	v9 =	vmul.f32 v22, v5;
	v2 =	vadd.f32 v8, v2;
	_ =	sdelay $0x1  }
0x6fa: {  	v24 =	vmul.f32 v23, v0;
	v2 =	vadd.f32 v9, v2;
	_ =	sdelay $0x1  }
0x6fb: {  	v2 =	vadd.f32 v24, v2;
	_ =	sdelay $0x1  }
0x6fc: {  	[tilespmem:s18+$0x60] =	vst v2  }
0x6fd: {  	v2 =	vld [tilespmem:s5+$0xEB70]  }
0x6fe: {  	v25 =	vld [tilespmem:s5+$0xE370];
	_ =	sdelay $0x1  }
0x6ff: {  	v26 =	vld [tilespmem:s8+$0xE370];
	_ =	sdelay $0x1  }
0x700: {  	v27 =	vld [tilespmem:s8+$0xEB70]  }
0x701: {  	v2 =	vmul.f32 v2, v6;
	v8 =	vmul.f32 v25, v7;
	_ =	sdelay $0x1  }
0x702: {  	v9 =	vmul.f32 v26, v5;
	v2 =	vadd.f32 v2, v8;
	_ =	sdelay $0x1  }
0x703: {  	v28 =	vmul.f32 v27, v0;
	v2 =	vadd.f32 v9, v2;
	_ =	sdelay $0x1  }
0x704: {  	v2 =	vadd.f32 v28, v2;
	_ =	sdelay $0x1  }
0x705: {  	[tilespmem:s18+$0x70] =	vst v2  }
0x706: {  	v2 =	vld [tilespmem:s5+$0xE700]  }
0x707: {  	v29 =	vld [tilespmem:s5+$0xEF00];
	_ =	sdelay $0x1  }
0x708: {  	v30 =	vld [tilespmem:s8+$0xE700];
	_ =	sdelay $0x1  }
0x709: {  	v31 =	vld [tilespmem:s8+$0xEF00]  }
0x70a: {  	v2 =	vmul.f32 v2, v7;
	v8 =	vmul.f32 v29, v6;
	_ =	sdelay $0x1  }
0x70b: {  	v9 =	vmul.f32 v30, v5;
	v2 =	vadd.f32 v8, v2;
	_ =	sdelay $0x1  }
0x70c: {  	v32 =	vmul.f32 v31, v0;
	v2 =	vadd.f32 v9, v2;
	_ =	sdelay $0x1  }
0x70d: {  	v2 =	vadd.f32 v32, v2;
	_ =	sdelay $0x1  }
0x70e: {  	[tilespmem:s18+$0x400] =	vst v2  }
0x70f: {  	v2 =	vld [tilespmem:s5+$0xE710]  }
0x710: {  	v33 =	vld [tilespmem:s5+$0xEF10];
	_ =	sdelay $0x1  }
0x711: {  	v34 =	vld [tilespmem:s8+$0xE710];
	_ =	sdelay $0x1  }
0x712: {  	v35 =	vld [tilespmem:s8+$0xEF10]  }
0x713: {  	v2 =	vmul.f32 v2, v7;
	v8 =	vmul.f32 v33, v6;
	_ =	sdelay $0x1  }
0x714: {  	v36 =	vmul.f32 v34, v5;
	v2 =	vadd.f32 v8, v2;
	_ =	sdelay $0x1  }
0x715: {  	v37 =	vmul.f32 v35, v0;
	v2 =	vadd.f32 v36, v2;
	_ =	sdelay $0x1  }
0x716: {  	v2 =	vadd.f32 v37, v2;
	_ =	sdelay $0x1  }
0x717: {  	[tilespmem:s18+$0x410] =	vst v2  }
0x718: {  	v2 =	vld [tilespmem:s5+$0xEF20]  }
0x719: {  	v38 =	vld [tilespmem:s5+$0xE720];
	_ =	sdelay $0x1  }
0x71a: {  	v39 =	vld [tilespmem:s8+$0xE720];
	_ =	sdelay $0x1  }
0x71b: {  	v40 =	vld [tilespmem:s8+$0xEF20]  }
0x71c: {  	v2 =	vmul.f32 v2, v6;
	v8 =	vmul.f32 v38, v7;
	_ =	sdelay $0x1  }
0x71d: {  	v9 =	vmul.f32 v39, v5;
	v2 =	vadd.f32 v2, v8;
	_ =	sdelay $0x1  }
0x71e: {  	v41 =	vmul.f32 v40, v0;
	v2 =	vadd.f32 v9, v2;
	_ =	sdelay $0x1  }
0x71f: {  	v2 =	vadd.f32 v41, v2;
	_ =	sdelay $0x1  }
0x720: {  	[tilespmem:s18+$0x420] =	vst v2  }
0x721: {  	v2 =	vld [tilespmem:s5+$0xE730]  }
0x722: {  	v42 =	vld [tilespmem:s5+$0xEF30];
	_ =	sdelay $0x1  }
0x723: {  	v43 =	vld [tilespmem:s8+$0xE730];
	_ =	sdelay $0x1  }
0x724: {  	v44 =	vld [tilespmem:s8+$0xEF30]  }
0x725: {  	v2 =	vmul.f32 v2, v7;
	v8 =	vmul.f32 v42, v6;
	_ =	sdelay $0x1  }
0x726: {  	v9 =	vmul.f32 v43, v5;
	v2 =	vadd.f32 v8, v2;
	_ =	sdelay $0x1  }
0x727: {  	v45 =	vmul.f32 v44, v0;
	v2 =	vadd.f32 v9, v2;
	_ =	sdelay $0x1  }
0x728: {  	v2 =	vadd.f32 v45, v2;
	_ =	sdelay $0x1  }
0x729: {  	[tilespmem:s18+$0x430] =	vst v2  }
0x72a: {  	v2 =	vld [tilespmem:s5+$0xE740]  }
0x72b: {  	v46 =	vld [tilespmem:s5+$0xEF40];
	_ =	sdelay $0x1  }
0x72c: {  	v47 =	vld [tilespmem:s8+$0xE740];
	_ =	sdelay $0x1  }
0x72d: {  	v48 =	vld [tilespmem:s8+$0xEF40]  }
0x72e: {  	v2 =	vmul.f32 v2, v7;
	v8 =	vmul.f32 v46, v6;
	_ =	sdelay $0x1  }
0x72f: {  	v9 =	vmul.f32 v47, v5;
	v2 =	vadd.f32 v8, v2;
	_ =	sdelay $0x1  }
0x730: {  	v49 =	vmul.f32 v48, v0;
	v2 =	vadd.f32 v9, v2;
	_ =	sdelay $0x1  }
0x731: {  	v2 =	vadd.f32 v49, v2;
	_ =	sdelay $0x1  }
0x732: {  	[tilespmem:s18+$0x440] =	vst v2  }
0x733: {  	v2 =	vld [tilespmem:s5+$0xE750]  }
0x734: {  	v50 =	vld [tilespmem:s5+$0xEF50];
	_ =	sdelay $0x1  }
0x735: {  	v51 =	vld [tilespmem:s8+$0xE750];
	_ =	sdelay $0x1  }
0x736: {  	v52 =	vld [tilespmem:s8+$0xEF50]  }
0x737: {  	v2 =	vmul.f32 v2, v7;
	v8 =	vmul.f32 v50, v6;
	_ =	sdelay $0x1  }
0x738: {  	v9 =	vmul.f32 v51, v5;
	v2 =	vadd.f32 v8, v2;
	_ =	sdelay $0x1  }
0x739: {  	v53 =	vmul.f32 v52, v0;
	v2 =	vadd.f32 v9, v2;
	_ =	sdelay $0x1  }
0x73a: {  	v2 =	vadd.f32 v53, v2;
	_ =	sdelay $0x1  }
0x73b: {  	[tilespmem:s18+$0x450] =	vst v2  }
0x73c: {  	v2 =	vld [tilespmem:s5+$0xE760]  }
0x73d: {  	v54 =	vld [tilespmem:s5+$0xEF60];
	_ =	sdelay $0x1  }
0x73e: {  	v56 =	vld [tilespmem:s8+$0xE760];
	_ =	sdelay $0x1  }
0x73f: {  	v57 =	vld [tilespmem:s8+$0xEF60]  }
0x740: {  	v2 =	vmul.f32 v2, v7;
	v8 =	vmul.f32 v54, v6;
	_ =	sdelay $0x1  }
0x741: {  	v58 =	vmul.f32 v56, v5;
	v2 =	vadd.f32 v8, v2;
	_ =	sdelay $0x1  }
0x742: {  	v59 =	vmul.f32 v57, v0;
	v2 =	vadd.f32 v58, v2;
	_ =	sdelay $0x1  }
0x743: {  	v2 =	vadd.f32 v59, v2;
	_ =	sdelay $0x1  }
0x744: {  	[tilespmem:s18+$0x460] =	vst v2  }
0x745: {  	v2 =	vld [tilespmem:s5+$0xE770]  }
0x746: {  	v60 =	vld [tilespmem:s5+$0xEF70];
	_ =	sdelay $0x1  }
0x747: {  	v61 =	vld [tilespmem:s8+$0xE770];
	_ =	sdelay $0x1  }
0x748: {  	s4 =	sor.u32 s1, s15;
	v62 =	vld [tilespmem:s8+$0xEF70]  }
0x749: {  	p0 =	sgt.u32 s4, $0x1387;
	v2 =	vmul.f32 v2, v7;
	v6 =	vmul.f32 v60, v6  }
0x74a: {  	s4 =	smul.u32 @!p0 $0x700, s4  }
0x74b: {  	v5 =	vmul.f32 v61, v5;
	v2 =	vadd.f32 v6, v2  }
0x74c: {  	s0 =	sadd.s32 $0x1, s0;
	s4 =	sadd.s32 @!p0 s6, s4  }
0x74d: {  	s4 =	smov.u32 @p0 s7;
	p0 =	sne.s32 s0, $0x8;
	v0 =	vmul.f32 v62, v0;
	v2 =	vadd.f32 v5, v2  }
.Ltmp3:
0x74e: {  	_ = 	snop;
	(pc) =	sbr.rel @p0 .LBB2_3-.Ltmp3, $3  }
0x74f: {  	v0 =	vadd.f32 v0, v2;
	_ =	sdelay $0x1  }
0x750: {  	[tilespmem:s18+$0x470] =	vst v0  }
0x751: {  	[hbm4b:s4+s3] =	stream.linear.scatter [tilespmem:s26], [sflag:$0x3], $0x3800, $0x38;
	[tilespmem:$0x1EB00] =	vst v63  }
0x752: {  	s30 =	sadd.s32 $0x1, s30  }
0x753: {  	p0 =	sne.s32 s30, $0xA  }
.Ltmp4:
0x754: {  	_ = 	snop;
	(pc) =	sbr.rel @p0 .LBB2_2-.Ltmp4, $1  }
0x755: {  	_ =	sdelay $0x3  }
0x756: {  	_ =	swait.ge [sflag:s29], $0x3800  }
0x757: {  	s1 =	rddreg [dreg:$0xa]  }
0x758: {  	s0 =	rddreg [dreg:$0x9];
	s1 =	sadd.s32 $0x1, s1  }
0x759: {  	p0 =	sne.s32 s1, s0  }
.Ltmp5:
0x75a: {  	_ = 	snop;
	(pc) =	sbr.rel @p0 .LBB2_1-.Ltmp5, $3  }
0x75b: {  	_ =	sdelay $0x1  }
0x75c: {  	[sflag:s29] =	ssyncset.done $0x0  }
0x75d: {  	[sflag:s29] =	ssyncadd.s32 $0xFFFFC800  }
0x75e: {  	_ =	sfence.sel $0x180000  }
0x75f: {  	[bflag:$0x0] =	sbarrier.arrive $0xFFFF  }
0x760: {  	_ =	strace $0x90000047  }
0x761: {  	s0 =	stileid.u32;
	[bflag:$0x2] =	sbarrier.arrive $0xFFFF  }
0x762: {  	p0 =	sne.s32 s0, $0x0;
	s0 =	rddreg [dreg:$0x2]  }
0x763: {  	s0 =	sadd.s32 @!p0 $0x100000, s0  }
0x764: {  	[sflag:s0] =	ssyncadd.tile.s32 @!p0 $0x1;
	_ =	shalt  }
.Lfunc_end2:
_tile_overlayer_lowered:
.L_overlay_start_2:
0x765: {  	(tag) =	ssettag $0x2  }
0x766: {  	s0 =	rddreg [dreg:$0x0];
	s2 =	stileid.u32  }
0x767: {  	s1 =	rddreg [dreg:$0x1];
	p0 =	sne.s32 s2, $0x0  }
0x768: {  	s3 =	rddreg [dreg:$0x2];
	[bflag:$0x3] =	sbarrier.arrive $0xFFFF;
	s2 =	simm.s32 @!p0 $0x1C04  }
0x769: {  	[timem:s3], [sflag:s2] =	dma.local @!p0 [hbm:s0], s1  }
0x76a: {  	s0 =	simm.s32 @!p0 $0x4  }
0x76b: {  	_ =	swait.ge @!p0 [sflag:s0], s1  }
0x76c: {  	s1 =	ssub.s32 @!p0 $0x0, s1;
	[sflag:s0] =	ssyncset.done @!p0 $0x0  }
0x76d: {  	[sflag:s0] =	ssyncadd.s32 @!p0 s1  }
0x76e: {  	[bflag:$0x3] =	sbarrier.arrive $0xFFFF  }
0x76f: {  	_ =	shalt  }

</sc_bundles>
